<compile_context>
chip_gen: v7x
topology: tpu7x:2x2x1
jax: 0.10.2.dev20260603
libtpu: 0.0.44.dev20260713+nightly
codegen_flags: <defaults>
</compile_context>

<pallas_src>
import functools

import jax
import jax.numpy as jnp
from jax import lax
from jax.experimental import pallas as pl
from jax.experimental.pallas import tpu as pltpu
from jax.experimental.pallas import tpu_sc as plsc

BATCH, SEQ, DIM = 4, 8192, 768
NC, NS = 2, 16
NW = NC * NS
S_PER_W = SEQ // NW
CHUNK = 16
PCHUNKS = S_PER_W // CHUNK
NITER = PCHUNKS * BATCH
CHUNK_EL = CHUNK * DIM
UNROLL = 8
XDEPTH = 4

_mesh = plsc.VectorSubcoreMesh(core_axis_name="c", subcore_axis_name="s")


@functools.partial(
    pl.kernel,
    mesh=_mesh,
    out_type=jax.ShapeDtypeStruct((BATCH, SEQ, DIM), jnp.float32),
    scratch_types=[
        pltpu.VMEM((XDEPTH, CHUNK_EL), jnp.float32),
        pltpu.VMEM((2, CHUNK_EL), jnp.float32),
        pltpu.VMEM((4, CHUNK_EL), jnp.float32),
        pltpu.SemaphoreType.DMA,
        pltpu.SemaphoreType.DMA,
        pltpu.SemaphoreType.DMA,
        pltpu.SemaphoreType.DMA,
        pltpu.SemaphoreType.DMA,
        pltpu.SemaphoreType.DMA,
        pltpu.SemaphoreType.DMA,
        pltpu.SemaphoreType.DMA,
        pltpu.SemaphoreType.DMA,
        pltpu.SemaphoreType.DMA,
    ],
)
def _pos_add(x_hbm, pos_hbm, dummy_hbm, out_hbm, xbuf, pbuf, obuf,
             xsem0, xsem1, xsem2, xsem3, psem0, psem1,
             osem0, osem1, osem2, osem3):
    wid = lax.axis_index("s") * NC + lax.axis_index("c")
    s0 = wid * S_PER_W

    xsems = (xsem0, xsem1, xsem2, xsem3)
    psems = (psem0, psem1)
    osems = (osem0, osem1, osem2, osem3)

    def rows_loop(fn):
        def body(r, _):
            fn(r)
            return 0
        lax.fori_loop(0, CHUNK, body, 0, unroll=2)

    def split(i):
        return i // BATCH, lax.rem(i, BATCH)

    def issue_x(i, xi):
        pc, b = split(i)
        r0 = s0 + pc * CHUNK
        rows_loop(lambda r: pltpu.async_copy(
            x_hbm.at[b, r0 + r, :],
            xbuf.at[xi, pl.ds(r * DIM, DIM)], xsems[xi]))

    def wait_x(xi):
        pltpu.make_async_copy(dummy_hbm, xbuf.at[xi], xsems[xi]).wait()

    def issue_p(pc, pp):
        r0 = s0 + pc * CHUNK
        rows_loop(lambda r: pltpu.async_copy(
            pos_hbm.at[r0 + r, :], pbuf.at[pp, pl.ds(r * DIM, DIM)], psems[pp]))

    def wait_p(pp):
        pltpu.make_async_copy(dummy_hbm, pbuf.at[pp], psems[pp]).wait()

    def issue_o(i, oi):
        pc, b = split(i)
        r0 = s0 + pc * CHUNK
        rows_loop(lambda r: pltpu.async_copy(
            obuf.at[oi, pl.ds(r * DIM, DIM)],
            out_hbm.at[b, r0 + r, :], osems[oi]))

    def wait_o(oi):
        pltpu.make_async_copy(obuf.at[oi], dummy_hbm, osems[oi]).wait()

    issue_p(0, 0)
    for j in range(XDEPTH - 1):
        issue_x(j, j)

    def chunk_group(k, _):
        for j in range(8):
            i = 8 * k + j
            xi = j % XDEPTH
            oi = j % 4
            pp = (j // 4) % 2
            pc, b = split(i)

            @pl.when(i + XDEPTH - 1 < NITER)
            def _():
                issue_x(i + XDEPTH - 1, (j + XDEPTH - 1) % XDEPTH)

            if j % 4 == 0:
                wait_p(pp)

                @pl.when(pc + 1 < PCHUNKS)
                def _():
                    issue_p(pc + 1, 1 - pp)

            wait_x(xi)

            @pl.when(i >= 4)
            def _():
                wait_o(oi)

            xb = xbuf.at[xi]
            ob = obuf.at[oi]
            pb = pbuf.at[pp]

            @plsc.parallel_loop(0, CHUNK_EL, 16, unroll=UNROLL)
            def _(o, xb=xb, ob=ob, pb=pb):
                ob[pl.ds(o, 16)] = xb[pl.ds(o, 16)] + pb[pl.ds(o, 16)]

            issue_o(i, oi)
        return 0

    lax.fori_loop(0, NITER // 8, chunk_group, 0)

    for oi in range(4):
        wait_o(oi)


def kernel(x, pos_emb):
    dummy = jnp.zeros((CHUNK_EL,), jnp.float32)
    return _pos_add(x, pos_emb, dummy)

# --- scband reference (transcript-rebuilt; emitter-appended) ---
"""Pipeline reference for scband-simple-positional-embedding-16028817949135 (READ-ONLY COPY).

The authoritative reference and input builder live on the scoring server;
editing this copy changes nothing except your own understanding.
"""

import jax, jax.numpy as jnp
import numpy as np

BATCH, SEQ_LEN, EMB_DIM = 4, 8192, 768
MAX_SEQ_LEN = 8192
VOCAB_SIZE = 32000

def setup_inputs(seed: int = 0) -> dict:
    key = jax.random.key(seed)
    k1, k2 = jax.random.split(key)
    x = jax.random.normal(k1, (BATCH, SEQ_LEN, EMB_DIM), dtype=jnp.float32)
    # learned positional embedding table (nn.Embedding(max_seq_len, embedding_dim))
    pos_emb = jax.random.normal(k2, (MAX_SEQ_LEN, EMB_DIM), dtype=jnp.float32) * 0.02
    # note: token_embedding exists in __init__ but is unused in forward, so omitted
    return {"x": x, "pos_emb": pos_emb}

def reference(x, pos_emb):
    batch_size, seq_len, _ = x.shape
    positions = jnp.arange(0, seq_len, dtype=jnp.int64 if jax.config.jax_enable_x64 else jnp.int32)
    positions = jnp.broadcast_to(positions[None, :], (batch_size, seq_len))
    pos_embeds = jnp.take(pos_emb, positions, axis=0)  # [B, S, D] embedding gather
    return x + pos_embeds

if __name__ == "__main__":
    import jax
    _d = setup_inputs()
    print(jax.jit(kernel)(*tuple(_d.values())))

</pallas_src>

<mosaic_0001>
#map = affine_map<(d0, d1) -> (0, 0, 0)>
#map1 = affine_map<(d0, d1) -> (0, 0)>
#map2 = affine_map<(d0, d1) -> (0)>
module attributes {stable_mosaic.version = 14 : i64} {
  func.func @_pos_add(%arg0: i32, %arg1: i32, %arg2: memref<4x8192x768xf32, #tpu.memory_space<hbm>>, %arg3: memref<8192x768xf32, #tpu.memory_space<hbm>>, %arg4: memref<12288xf32, #tpu.memory_space<hbm>>, %arg5: memref<4x8192x768xf32, #tpu.memory_space<hbm>>, %arg6: memref<4x12288xf32, #tpu.memory_space<vmem>>, %arg7: memref<2x12288xf32, #tpu.memory_space<vmem>>, %arg8: memref<4x12288xf32, #tpu.memory_space<vmem>>, %arg9: memref<!tpu.dma_semaphore, #tpu.memory_space<semaphore_mem>>, %arg10: memref<!tpu.dma_semaphore, #tpu.memory_space<semaphore_mem>>, %arg11: memref<!tpu.dma_semaphore, #tpu.memory_space<semaphore_mem>>, %arg12: memref<!tpu.dma_semaphore, #tpu.memory_space<semaphore_mem>>, %arg13: memref<!tpu.dma_semaphore, #tpu.memory_space<semaphore_mem>>, %arg14: memref<!tpu.dma_semaphore, #tpu.memory_space<semaphore_mem>>, %arg15: memref<!tpu.dma_semaphore, #tpu.memory_space<semaphore_mem>>, %arg16: memref<!tpu.dma_semaphore, #tpu.memory_space<semaphore_mem>>, %arg17: memref<!tpu.dma_semaphore, #tpu.memory_space<semaphore_mem>>, %arg18: memref<!tpu.dma_semaphore, #tpu.memory_space<semaphore_mem>>) attributes {dimension_semantics = [#tpu.dimension_semantics<core_parallel>, #tpu.dimension_semantics<subcore_parallel>], iteration_bounds = array<i64: 2, 16>, scalar_prefetch = 0 : i64, scratch_operands = 13 : i64, tpu.core_type = #tpu.core_type<sc_vector_subcore>, window_params = [{transform_indices = #map}, {transform_indices = #map1}, {transform_indices = #map2}, {transform_indices = #map}]} {
    %mul3A = arith.constant 2 : i32
    %mul3A_0 = arith.muli %arg1, %mul3A : i32
    %add3A = arith.addi %mul3A_0, %arg0 : i32
    %mul3A_1 = arith.constant 256 : i32
    %mul3A_2 = arith.muli %add3A, %mul3A_1 : i32
    %add3A_3 = arith.constant 0 : i32
    %add3A_4 = arith.addi %mul3A_2, %add3A_3 : i32
    %scan3A = arith.constant 0 : i32
    %scan3A_5 = arith.constant 0 : i32
    %scan3A_6 = arith.constant 16 : i32
    %scan3A_7 = arith.addi %scan3A_5, %scan3A_6 : i32
    %scan3A_8 = arith.constant 2 : i32
    %scan3A_9 = scf.for %scan3A_80 = %scan3A_5 to %scan3A_7 step %scan3A_8 iter_args(%scan3A_81 = %scan3A) -> (i32)  : i32 {
      %add3A_82 = arith.addi %add3A_4, %scan3A_80 : i32
      %mul3A_83 = arith.constant 768 : i32
      %mul3A_84 = arith.muli %scan3A_80, %mul3A_83 : i32
      %dma_start3A = arith.constant 0 : i32
      %dma_start3A_85 = tpu.memref_slice %arg7[%dma_start3A, %mul3A_84] : memref<2x12288xf32, #tpu.memory_space<vmem>> -> memref<1x768xf32, #tpu.memory_space<vmem>>
      %dma_start3A_86 = tpu.memref_squeeze %dma_start3A_85 : memref<1x768xf32, #tpu.memory_space<vmem>> -> memref<768xf32, #tpu.memory_space<vmem>>
      %dma_start3A_87 = arith.constant 0 : i32
      %dma_start3A_88 = tpu.memref_slice %arg3[%add3A_82, %dma_start3A_87] : memref<8192x768xf32, #tpu.memory_space<hbm>> -> memref<1x768xf32, #tpu.memory_space<hbm>>
      %dma_start3A_89 = tpu.memref_squeeze %dma_start3A_88 : memref<1x768xf32, #tpu.memory_space<hbm>> -> memref<768xf32, #tpu.memory_space<hbm>>
      %dma_start3A_90 = tpu.memref_slice %arg7[%dma_start3A, %mul3A_84] : memref<2x12288xf32, #tpu.memory_space<vmem>> -> memref<1x768xf32, #tpu.memory_space<vmem>>
      %dma_start3A_91 = tpu.memref_squeeze %dma_start3A_90 : memref<1x768xf32, #tpu.memory_space<vmem>> -> memref<768xf32, #tpu.memory_space<vmem>>
      %dma_start3A_92 = arith.constant 0 : i32
      %dma_start3A_93 = tpu.memref_slice %arg3[%add3A_82, %dma_start3A_92] : memref<8192x768xf32, #tpu.memory_space<hbm>> -> memref<1x768xf32, #tpu.memory_space<hbm>>
      %dma_start3A_94 = tpu.memref_squeeze %dma_start3A_93 : memref<1x768xf32, #tpu.memory_space<hbm>> -> memref<768xf32, #tpu.memory_space<hbm>>
      tpu.enqueue_dma source(%dma_start3A_94 : memref<768xf32, #tpu.memory_space<hbm>>) target(%dma_start3A_91 : memref<768xf32, #tpu.memory_space<vmem>>) target_semaphore(%arg13 : memref<!tpu.dma_semaphore, #tpu.memory_space<semaphore_mem>>)
      %scan3A_95 = arith.constant 0 : i32
      %scan3A_96 = arith.constant 1 : i32
      %scan3A_97 = arith.addi %scan3A_80, %scan3A_96 : i32
      %add3A_98 = arith.addi %add3A_4, %scan3A_97 : i32
      %mul3A_99 = arith.constant 768 : i32
      %mul3A_100 = arith.muli %scan3A_97, %mul3A_99 : i32
      %dma_start3A_101 = arith.constant 0 : i32
      %dma_start3A_102 = tpu.memref_slice %arg7[%dma_start3A_101, %mul3A_100] : memref<2x12288xf32, #tpu.memory_space<vmem>> -> memref<1x768xf32, #tpu.memory_space<vmem>>
      %dma_start3A_103 = tpu.memref_squeeze %dma_start3A_102 : memref<1x768xf32, #tpu.memory_space<vmem>> -> memref<768xf32, #tpu.memory_space<vmem>>
      %dma_start3A_104 = arith.constant 0 : i32
      %dma_start3A_105 = tpu.memref_slice %arg3[%add3A_98, %dma_start3A_104] : memref<8192x768xf32, #tpu.memory_space<hbm>> -> memref<1x768xf32, #tpu.memory_space<hbm>>
      %dma_start3A_106 = tpu.memref_squeeze %dma_start3A_105 : memref<1x768xf32, #tpu.memory_space<hbm>> -> memref<768xf32, #tpu.memory_space<hbm>>
      %dma_start3A_107 = tpu.memref_slice %arg7[%dma_start3A_101, %mul3A_100] : memref<2x12288xf32, #tpu.memory_space<vmem>> -> memref<1x768xf32, #tpu.memory_space<vmem>>
      %dma_start3A_108 = tpu.memref_squeeze %dma_start3A_107 : memref<1x768xf32, #tpu.memory_space<vmem>> -> memref<768xf32, #tpu.memory_space<vmem>>
      %dma_start3A_109 = arith.constant 0 : i32
      %dma_start3A_110 = tpu.memref_slice %arg3[%add3A_98, %dma_start3A_109] : memref<8192x768xf32, #tpu.memory_space<hbm>> -> memref<1x768xf32, #tpu.memory_space<hbm>>
      %dma_start3A_111 = tpu.memref_squeeze %dma_start3A_110 : memref<1x768xf32, #tpu.memory_space<hbm>> -> memref<768xf32, #tpu.memory_space<hbm>>
      tpu.enqueue_dma source(%dma_start3A_111 : memref<768xf32, #tpu.memory_space<hbm>>) target(%dma_start3A_108 : memref<768xf32, #tpu.memory_space<vmem>>) target_semaphore(%arg13 : memref<!tpu.dma_semaphore, #tpu.memory_space<semaphore_mem>>)
      %scan3A_112 = arith.constant 0 : i32
      scf.yield %scan3A_112 : i32
    }
    %scan3A_10 = arith.constant 16 : i32
    %rem3A = arith.constant 0 : i32
    %rem3A_11 = arith.constant 4 : i32
    %rem3A_12 = arith.remsi %rem3A, %rem3A_11 : i32
    %add3A_13 = arith.constant 0 : i32
    %add3A_14 = arith.addi %mul3A_2, %add3A_13 : i32
    %scan3A_15 = arith.constant 0 : i32
    %scan3A_16 = arith.constant 0 : i32
    %scan3A_17 = arith.constant 16 : i32
    %scan3A_18 = arith.addi %scan3A_16, %scan3A_17 : i32
    %scan3A_19 = arith.constant 2 : i32
    %scan3A_20 = scf.for %scan3A_80 = %scan3A_16 to %scan3A_18 step %scan3A_19 iter_args(%scan3A_81 = %scan3A_15) -> (i32)  : i32 {
      %add3A_82 = arith.addi %add3A_14, %scan3A_80 : i32
      %mul3A_83 = arith.constant 768 : i32
      %mul3A_84 = arith.muli %scan3A_80, %mul3A_83 : i32
      %dma_start3A = arith.constant 0 : i32
      %dma_start3A_85 = tpu.memref_slice %arg6[%dma_start3A, %mul3A_84] : memref<4x12288xf32, #tpu.memory_space<vmem>> -> memref<1x768xf32, #tpu.memory_space<vmem>>
      %dma_start3A_86 = tpu.memref_squeeze %dma_start3A_85 : memref<1x768xf32, #tpu.memory_space<vmem>> -> memref<768xf32, #tpu.memory_space<vmem>>
      %dma_start3A_87 = arith.constant 0 : i32
      %dma_start3A_88 = tpu.memref_slice %arg2[%rem3A_12, %add3A_82, %dma_start3A_87] : memref<4x8192x768xf32, #tpu.memory_space<hbm>> -> memref<1x1x768xf32, #tpu.memory_space<hbm>>
      %dma_start3A_89 = tpu.memref_squeeze %dma_start3A_88 : memref<1x1x768xf32, #tpu.memory_space<hbm>> -> memref<768xf32, #tpu.memory_space<hbm>>
      %dma_start3A_90 = tpu.memref_slice %arg6[%dma_start3A, %mul3A_84] : memref<4x12288xf32, #tpu.memory_space<vmem>> -> memref<1x768xf32, #tpu.memory_space<vmem>>
      %dma_start3A_91 = tpu.memref_squeeze %dma_start3A_90 : memref<1x768xf32, #tpu.memory_space<vmem>> -> memref<768xf32, #tpu.memory_space<vmem>>
      %dma_start3A_92 = arith.constant 0 : i32
      %dma_start3A_93 = tpu.memref_slice %arg2[%rem3A_12, %add3A_82, %dma_start3A_92] : memref<4x8192x768xf32, #tpu.memory_space<hbm>> -> memref<1x1x768xf32, #tpu.memory_space<hbm>>
      %dma_start3A_94 = tpu.memref_squeeze %dma_start3A_93 : memref<1x1x768xf32, #tpu.memory_space<hbm>> -> memref<768xf32, #tpu.memory_space<hbm>>
      tpu.enqueue_dma source(%dma_start3A_94 : memref<768xf32, #tpu.memory_space<hbm>>) target(%dma_start3A_91 : memref<768xf32, #tpu.memory_space<vmem>>) target_semaphore(%arg9 : memref<!tpu.dma_semaphore, #tpu.memory_space<semaphore_mem>>)
      %scan3A_95 = arith.constant 0 : i32
      %scan3A_96 = arith.constant 1 : i32
      %scan3A_97 = arith.addi %scan3A_80, %scan3A_96 : i32
      %add3A_98 = arith.addi %add3A_14, %scan3A_97 : i32
      %mul3A_99 = arith.constant 768 : i32
      %mul3A_100 = arith.muli %scan3A_97, %mul3A_99 : i32
      %dma_start3A_101 = arith.constant 0 : i32
      %dma_start3A_102 = tpu.memref_slice %arg6[%dma_start3A_101, %mul3A_100] : memref<4x12288xf32, #tpu.memory_space<vmem>> -> memref<1x768xf32, #tpu.memory_space<vmem>>
      %dma_start3A_103 = tpu.memref_squeeze %dma_start3A_102 : memref<1x768xf32, #tpu.memory_space<vmem>> -> memref<768xf32, #tpu.memory_space<vmem>>
      %dma_start3A_104 = arith.constant 0 : i32
      %dma_start3A_105 = tpu.memref_slice %arg2[%rem3A_12, %add3A_98, %dma_start3A_104] : memref<4x8192x768xf32, #tpu.memory_space<hbm>> -> memref<1x1x768xf32, #tpu.memory_space<hbm>>
      %dma_start3A_106 = tpu.memref_squeeze %dma_start3A_105 : memref<1x1x768xf32, #tpu.memory_space<hbm>> -> memref<768xf32, #tpu.memory_space<hbm>>
      %dma_start3A_107 = tpu.memref_slice %arg6[%dma_start3A_101, %mul3A_100] : memref<4x12288xf32, #tpu.memory_space<vmem>> -> memref<1x768xf32, #tpu.memory_space<vmem>>
      %dma_start3A_108 = tpu.memref_squeeze %dma_start3A_107 : memref<1x768xf32, #tpu.memory_space<vmem>> -> memref<768xf32, #tpu.memory_space<vmem>>
      %dma_start3A_109 = arith.constant 0 : i32
      %dma_start3A_110 = tpu.memref_slice %arg2[%rem3A_12, %add3A_98, %dma_start3A_109] : memref<4x8192x768xf32, #tpu.memory_space<hbm>> -> memref<1x1x768xf32, #tpu.memory_space<hbm>>
      %dma_start3A_111 = tpu.memref_squeeze %dma_start3A_110 : memref<1x1x768xf32, #tpu.memory_space<hbm>> -> memref<768xf32, #tpu.memory_space<hbm>>
      tpu.enqueue_dma source(%dma_start3A_111 : memref<768xf32, #tpu.memory_space<hbm>>) target(%dma_start3A_108 : memref<768xf32, #tpu.memory_space<vmem>>) target_semaphore(%arg9 : memref<!tpu.dma_semaphore, #tpu.memory_space<semaphore_mem>>)
      %scan3A_112 = arith.constant 0 : i32
      scf.yield %scan3A_112 : i32
    }
    %scan3A_21 = arith.constant 16 : i32
    %rem3A_22 = arith.constant 1 : i32
    %rem3A_23 = arith.constant 4 : i32
    %rem3A_24 = arith.remsi %rem3A_22, %rem3A_23 : i32
    %add3A_25 = arith.constant 0 : i32
    %add3A_26 = arith.addi %mul3A_2, %add3A_25 : i32
    %scan3A_27 = arith.constant 0 : i32
    %scan3A_28 = arith.constant 0 : i32
    %scan3A_29 = arith.constant 16 : i32
    %scan3A_30 = arith.addi %scan3A_28, %scan3A_29 : i32
    %scan3A_31 = arith.constant 2 : i32
    %scan3A_32 = scf.for %scan3A_80 = %scan3A_28 to %scan3A_30 step %scan3A_31 iter_args(%scan3A_81 = %scan3A_27) -> (i32)  : i32 {
      %add3A_82 = arith.addi %add3A_26, %scan3A_80 : i32
      %mul3A_83 = arith.constant 768 : i32
      %mul3A_84 = arith.muli %scan3A_80, %mul3A_83 : i32
      %dma_start3A = arith.constant 1 : i32
      %dma_start3A_85 = tpu.memref_slice %arg6[%dma_start3A, %mul3A_84] : memref<4x12288xf32, #tpu.memory_space<vmem>> -> memref<1x768xf32, #tpu.memory_space<vmem>>
      %dma_start3A_86 = tpu.memref_squeeze %dma_start3A_85 : memref<1x768xf32, #tpu.memory_space<vmem>> -> memref<768xf32, #tpu.memory_space<vmem>>
      %dma_start3A_87 = arith.constant 0 : i32
      %dma_start3A_88 = tpu.memref_slice %arg2[%rem3A_24, %add3A_82, %dma_start3A_87] : memref<4x8192x768xf32, #tpu.memory_space<hbm>> -> memref<1x1x768xf32, #tpu.memory_space<hbm>>
      %dma_start3A_89 = tpu.memref_squeeze %dma_start3A_88 : memref<1x1x768xf32, #tpu.memory_space<hbm>> -> memref<768xf32, #tpu.memory_space<hbm>>
      %dma_start3A_90 = tpu.memref_slice %arg6[%dma_start3A, %mul3A_84] : memref<4x12288xf32, #tpu.memory_space<vmem>> -> memref<1x768xf32, #tpu.memory_space<vmem>>
      %dma_start3A_91 = tpu.memref_squeeze %dma_start3A_90 : memref<1x768xf32, #tpu.memory_space<vmem>> -> memref<768xf32, #tpu.memory_space<vmem>>
      %dma_start3A_92 = arith.constant 0 : i32
      %dma_start3A_93 = tpu.memref_slice %arg2[%rem3A_24, %add3A_82, %dma_start3A_92] : memref<4x8192x768xf32, #tpu.memory_space<hbm>> -> memref<1x1x768xf32, #tpu.memory_space<hbm>>
      %dma_start3A_94 = tpu.memref_squeeze %dma_start3A_93 : memref<1x1x768xf32, #tpu.memory_space<hbm>> -> memref<768xf32, #tpu.memory_space<hbm>>
      tpu.enqueue_dma source(%dma_start3A_94 : memref<768xf32, #tpu.memory_space<hbm>>) target(%dma_start3A_91 : memref<768xf32, #tpu.memory_space<vmem>>) target_semaphore(%arg10 : memref<!tpu.dma_semaphore, #tpu.memory_space<semaphore_mem>>)
      %scan3A_95 = arith.constant 0 : i32
      %scan3A_96 = arith.constant 1 : i32
      %scan3A_97 = arith.addi %scan3A_80, %scan3A_96 : i32
      %add3A_98 = arith.addi %add3A_26, %scan3A_97 : i32
      %mul3A_99 = arith.constant 768 : i32
      %mul3A_100 = arith.muli %scan3A_97, %mul3A_99 : i32
      %dma_start3A_101 = arith.constant 1 : i32
      %dma_start3A_102 = tpu.memref_slice %arg6[%dma_start3A_101, %mul3A_100] : memref<4x12288xf32, #tpu.memory_space<vmem>> -> memref<1x768xf32, #tpu.memory_space<vmem>>
      %dma_start3A_103 = tpu.memref_squeeze %dma_start3A_102 : memref<1x768xf32, #tpu.memory_space<vmem>> -> memref<768xf32, #tpu.memory_space<vmem>>
      %dma_start3A_104 = arith.constant 0 : i32
      %dma_start3A_105 = tpu.memref_slice %arg2[%rem3A_24, %add3A_98, %dma_start3A_104] : memref<4x8192x768xf32, #tpu.memory_space<hbm>> -> memref<1x1x768xf32, #tpu.memory_space<hbm>>
      %dma_start3A_106 = tpu.memref_squeeze %dma_start3A_105 : memref<1x1x768xf32, #tpu.memory_space<hbm>> -> memref<768xf32, #tpu.memory_space<hbm>>
      %dma_start3A_107 = tpu.memref_slice %arg6[%dma_start3A_101, %mul3A_100] : memref<4x12288xf32, #tpu.memory_space<vmem>> -> memref<1x768xf32, #tpu.memory_space<vmem>>
      %dma_start3A_108 = tpu.memref_squeeze %dma_start3A_107 : memref<1x768xf32, #tpu.memory_space<vmem>> -> memref<768xf32, #tpu.memory_space<vmem>>
      %dma_start3A_109 = arith.constant 0 : i32
      %dma_start3A_110 = tpu.memref_slice %arg2[%rem3A_24, %add3A_98, %dma_start3A_109] : memref<4x8192x768xf32, #tpu.memory_space<hbm>> -> memref<1x1x768xf32, #tpu.memory_space<hbm>>
      %dma_start3A_111 = tpu.memref_squeeze %dma_start3A_110 : memref<1x1x768xf32, #tpu.memory_space<hbm>> -> memref<768xf32, #tpu.memory_space<hbm>>
      tpu.enqueue_dma source(%dma_start3A_111 : memref<768xf32, #tpu.memory_space<hbm>>) target(%dma_start3A_108 : memref<768xf32, #tpu.memory_space<vmem>>) target_semaphore(%arg10 : memref<!tpu.dma_semaphore, #tpu.memory_space<semaphore_mem>>)
      %scan3A_112 = arith.constant 0 : i32
      scf.yield %scan3A_112 : i32
    }
    %scan3A_33 = arith.constant 16 : i32
    %rem3A_34 = arith.constant 2 : i32
    %rem3A_35 = arith.constant 4 : i32
    %rem3A_36 = arith.remsi %rem3A_34, %rem3A_35 : i32
    %add3A_37 = arith.constant 0 : i32
    %add3A_38 = arith.addi %mul3A_2, %add3A_37 : i32
    %scan3A_39 = arith.constant 0 : i32
    %scan3A_40 = arith.constant 0 : i32
    %scan3A_41 = arith.constant 16 : i32
    %scan3A_42 = arith.addi %scan3A_40, %scan3A_41 : i32
    %scan3A_43 = arith.constant 2 : i32
    %scan3A_44 = scf.for %scan3A_80 = %scan3A_40 to %scan3A_42 step %scan3A_43 iter_args(%scan3A_81 = %scan3A_39) -> (i32)  : i32 {
      %add3A_82 = arith.addi %add3A_38, %scan3A_80 : i32
      %mul3A_83 = arith.constant 768 : i32
      %mul3A_84 = arith.muli %scan3A_80, %mul3A_83 : i32
      %dma_start3A = arith.constant 2 : i32
      %dma_start3A_85 = tpu.memref_slice %arg6[%dma_start3A, %mul3A_84] : memref<4x12288xf32, #tpu.memory_space<vmem>> -> memref<1x768xf32, #tpu.memory_space<vmem>>
      %dma_start3A_86 = tpu.memref_squeeze %dma_start3A_85 : memref<1x768xf32, #tpu.memory_space<vmem>> -> memref<768xf32, #tpu.memory_space<vmem>>
      %dma_start3A_87 = arith.constant 0 : i32
      %dma_start3A_88 = tpu.memref_slice %arg2[%rem3A_36, %add3A_82, %dma_start3A_87] : memref<4x8192x768xf32, #tpu.memory_space<hbm>> -> memref<1x1x768xf32, #tpu.memory_space<hbm>>
      %dma_start3A_89 = tpu.memref_squeeze %dma_start3A_88 : memref<1x1x768xf32, #tpu.memory_space<hbm>> -> memref<768xf32, #tpu.memory_space<hbm>>
      %dma_start3A_90 = tpu.memref_slice %arg6[%dma_start3A, %mul3A_84] : memref<4x12288xf32, #tpu.memory_space<vmem>> -> memref<1x768xf32, #tpu.memory_space<vmem>>
      %dma_start3A_91 = tpu.memref_squeeze %dma_start3A_90 : memref<1x768xf32, #tpu.memory_space<vmem>> -> memref<768xf32, #tpu.memory_space<vmem>>
      %dma_start3A_92 = arith.constant 0 : i32
      %dma_start3A_93 = tpu.memref_slice %arg2[%rem3A_36, %add3A_82, %dma_start3A_92] : memref<4x8192x768xf32, #tpu.memory_space<hbm>> -> memref<1x1x768xf32, #tpu.memory_space<hbm>>
      %dma_start3A_94 = tpu.memref_squeeze %dma_start3A_93 : memref<1x1x768xf32, #tpu.memory_space<hbm>> -> memref<768xf32, #tpu.memory_space<hbm>>
      tpu.enqueue_dma source(%dma_start3A_94 : memref<768xf32, #tpu.memory_space<hbm>>) target(%dma_start3A_91 : memref<768xf32, #tpu.memory_space<vmem>>) target_semaphore(%arg11 : memref<!tpu.dma_semaphore, #tpu.memory_space<semaphore_mem>>)
      %scan3A_95 = arith.constant 0 : i32
      %scan3A_96 = arith.constant 1 : i32
      %scan3A_97 = arith.addi %scan3A_80, %scan3A_96 : i32
      %add3A_98 = arith.addi %add3A_38, %scan3A_97 : i32
      %mul3A_99 = arith.constant 768 : i32
      %mul3A_100 = arith.muli %scan3A_97, %mul3A_99 : i32
      %dma_start3A_101 = arith.constant 2 : i32
      %dma_start3A_102 = tpu.memref_slice %arg6[%dma_start3A_101, %mul3A_100] : memref<4x12288xf32, #tpu.memory_space<vmem>> -> memref<1x768xf32, #tpu.memory_space<vmem>>
      %dma_start3A_103 = tpu.memref_squeeze %dma_start3A_102 : memref<1x768xf32, #tpu.memory_space<vmem>> -> memref<768xf32, #tpu.memory_space<vmem>>
      %dma_start3A_104 = arith.constant 0 : i32
      %dma_start3A_105 = tpu.memref_slice %arg2[%rem3A_36, %add3A_98, %dma_start3A_104] : memref<4x8192x768xf32, #tpu.memory_space<hbm>> -> memref<1x1x768xf32, #tpu.memory_space<hbm>>
      %dma_start3A_106 = tpu.memref_squeeze %dma_start3A_105 : memref<1x1x768xf32, #tpu.memory_space<hbm>> -> memref<768xf32, #tpu.memory_space<hbm>>
      %dma_start3A_107 = tpu.memref_slice %arg6[%dma_start3A_101, %mul3A_100] : memref<4x12288xf32, #tpu.memory_space<vmem>> -> memref<1x768xf32, #tpu.memory_space<vmem>>
      %dma_start3A_108 = tpu.memref_squeeze %dma_start3A_107 : memref<1x768xf32, #tpu.memory_space<vmem>> -> memref<768xf32, #tpu.memory_space<vmem>>
      %dma_start3A_109 = arith.constant 0 : i32
      %dma_start3A_110 = tpu.memref_slice %arg2[%rem3A_36, %add3A_98, %dma_start3A_109] : memref<4x8192x768xf32, #tpu.memory_space<hbm>> -> memref<1x1x768xf32, #tpu.memory_space<hbm>>
      %dma_start3A_111 = tpu.memref_squeeze %dma_start3A_110 : memref<1x1x768xf32, #tpu.memory_space<hbm>> -> memref<768xf32, #tpu.memory_space<hbm>>
      tpu.enqueue_dma source(%dma_start3A_111 : memref<768xf32, #tpu.memory_space<hbm>>) target(%dma_start3A_108 : memref<768xf32, #tpu.memory_space<vmem>>) target_semaphore(%arg11 : memref<!tpu.dma_semaphore, #tpu.memory_space<semaphore_mem>>)
      %scan3A_112 = arith.constant 0 : i32
      scf.yield %scan3A_112 : i32
    }
    %scan3A_45 = arith.constant 16 : i32
    %scan3A_46 = arith.constant 0 : i32
    %scan3A_47 = arith.constant 0 : i32
    %scan3A_48 = arith.constant 8 : i32
    %scan3A_49 = arith.addi %scan3A_47, %scan3A_48 : i32
    %scan3A_50 = arith.constant 1 : i32
    %scan3A_51 = scf.for %scan3A_80 = %scan3A_47 to %scan3A_49 step %scan3A_50 iter_args(%scan3A_81 = %scan3A_46) -> (i32)  : i32 {
      %mul3A_82 = arith.constant 8 : i32
      %mul3A_83 = arith.muli %mul3A_82, %scan3A_80 : i32
      %add3A_84 = arith.constant 0 : i32
      %add3A_85 = arith.addi %mul3A_83, %add3A_84 : i32
      %jit3A = arith.constant 4 : i32
      %div3A = arith.divsi %add3A_85, %jit3A : i32
      %sign3A = arith.constant 0 : i32
      %sign3A_86 = arith.cmpi sgt, %add3A_85, %sign3A : i32
      %sign3A_87 = arith.extui %sign3A_86 : i1 to i32
      %sign3A_88 = arith.constant 0 : i32
      %sign3A_89 = arith.cmpi slt, %add3A_85, %sign3A_88 : i32
      %sign3A_90 = arith.extui %sign3A_89 : i1 to i32
      %sign3A_91 = arith.subi %sign3A_87, %sign3A_90 : i32
      %sign3A_92 = arith.constant 0 : i32
      %sign3A_93 = arith.cmpi sgt, %jit3A, %sign3A_92 : i32
      %sign3A_94 = arith.extui %sign3A_93 : i1 to i32
      %sign3A_95 = arith.constant 0 : i32
      %sign3A_96 = arith.cmpi slt, %jit3A, %sign3A_95 : i32
      %sign3A_97 = arith.extui %sign3A_96 : i1 to i32
      %sign3A_98 = arith.subi %sign3A_94, %sign3A_97 : i32
      %ne3A = arith.cmpi ne, %sign3A_91, %sign3A_98 : i32
      %rem3A_99 = arith.remsi %add3A_85, %jit3A : i32
      %ne3A_100 = arith.constant 0 : i32
      %ne3A_101 = arith.cmpi ne, %rem3A_99, %ne3A_100 : i32
      %and3A = arith.andi %ne3A, %ne3A_101 : i1
      %sub3A = arith.constant 1 : i32
      %sub3A_102 = arith.subi %div3A, %sub3A : i32
      %select_n3A = arith.select %and3A, %sub3A_102, %div3A : i32
      %rem3A_103 = arith.constant 4 : i32
      %rem3A_104 = arith.remsi %add3A_85, %rem3A_103 : i32
      %add3A_105 = arith.constant 4 : i32
      %add3A_106 = arith.addi %add3A_85, %add3A_105 : i32
      %sub3A_107 = arith.constant 1 : i32
      %sub3A_108 = arith.subi %add3A_106, %sub3A_107 : i32
      %lt3A = arith.constant 64 : i32
      %lt3A_109 = arith.cmpi slt, %sub3A_108, %lt3A : i32
      %convert_element_type3A = arith.extui %lt3A_109 : i1 to i32
      %cond3A = arith.constant 0 : i32
      %cond3A_110 = arith.cmpi ne, %convert_element_type3A, %cond3A : i32
      scf.if %cond3A_110 {
        %add3A_843 = arith.constant 4 : i32
        %add3A_844 = arith.addi %add3A_85, %add3A_843 : i32
        %sub3A_845 = arith.constant 1 : i32
        %sub3A_846 = arith.subi %add3A_844, %sub3A_845 : i32
        %jit3A_847 = arith.constant 4 : i32
        %div3A_848 = arith.divsi %sub3A_846, %jit3A_847 : i32
        %sign3A_849 = arith.constant 0 : i32
        %sign3A_850 = arith.cmpi sgt, %sub3A_846, %sign3A_849 : i32
        %sign3A_851 = arith.extui %sign3A_850 : i1 to i32
        %sign3A_852 = arith.constant 0 : i32
        %sign3A_853 = arith.cmpi slt, %sub3A_846, %sign3A_852 : i32
        %sign3A_854 = arith.extui %sign3A_853 : i1 to i32
        %sign3A_855 = arith.subi %sign3A_851, %sign3A_854 : i32
        %sign3A_856 = arith.constant 0 : i32
        %sign3A_857 = arith.cmpi sgt, %jit3A_847, %sign3A_856 : i32
        %sign3A_858 = arith.extui %sign3A_857 : i1 to i32
        %sign3A_859 = arith.constant 0 : i32
        %sign3A_860 = arith.cmpi slt, %jit3A_847, %sign3A_859 : i32
        %sign3A_861 = arith.extui %sign3A_860 : i1 to i32
        %sign3A_862 = arith.subi %sign3A_858, %sign3A_861 : i32
        %ne3A_863 = arith.cmpi ne, %sign3A_855, %sign3A_862 : i32
        %rem3A_864 = arith.remsi %sub3A_846, %jit3A_847 : i32
        %ne3A_865 = arith.constant 0 : i32
        %ne3A_866 = arith.cmpi ne, %rem3A_864, %ne3A_865 : i32
        %and3A_867 = arith.andi %ne3A_863, %ne3A_866 : i1
        %sub3A_868 = arith.constant 1 : i32
        %sub3A_869 = arith.subi %div3A_848, %sub3A_868 : i32
        %select_n3A_870 = arith.select %and3A_867, %sub3A_869, %div3A_848 : i32
        %rem3A_871 = arith.constant 4 : i32
        %rem3A_872 = arith.remsi %sub3A_846, %rem3A_871 : i32
        %mul3A_873 = arith.constant 16 : i32
        %mul3A_874 = arith.muli %select_n3A_870, %mul3A_873 : i32
        %add3A_875 = arith.addi %mul3A_2, %mul3A_874 : i32
        %scan3A_876 = arith.constant 0 : i32
        %scan3A_877 = arith.constant 0 : i32
        %scan3A_878 = arith.constant 16 : i32
        %scan3A_879 = arith.addi %scan3A_877, %scan3A_878 : i32
        %scan3A_880 = arith.constant 2 : i32
        %scan3A_881 = scf.for %scan3A_883 = %scan3A_877 to %scan3A_879 step %scan3A_880 iter_args(%scan3A_884 = %scan3A_876) -> (i32)  : i32 {
          %add3A_885 = arith.addi %add3A_875, %scan3A_883 : i32
          %mul3A_886 = arith.constant 768 : i32
          %mul3A_887 = arith.muli %scan3A_883, %mul3A_886 : i32
          %dma_start3A = arith.constant 3 : i32
          %dma_start3A_888 = tpu.memref_slice %arg6[%dma_start3A, %mul3A_887] : memref<4x12288xf32, #tpu.memory_space<vmem>> -> memref<1x768xf32, #tpu.memory_space<vmem>>
          %dma_start3A_889 = tpu.memref_squeeze %dma_start3A_888 : memref<1x768xf32, #tpu.memory_space<vmem>> -> memref<768xf32, #tpu.memory_space<vmem>>
          %dma_start3A_890 = arith.constant 0 : i32
          %dma_start3A_891 = tpu.memref_slice %arg2[%rem3A_872, %add3A_885, %dma_start3A_890] : memref<4x8192x768xf32, #tpu.memory_space<hbm>> -> memref<1x1x768xf32, #tpu.memory_space<hbm>>
          %dma_start3A_892 = tpu.memref_squeeze %dma_start3A_891 : memref<1x1x768xf32, #tpu.memory_space<hbm>> -> memref<768xf32, #tpu.memory_space<hbm>>
          %dma_start3A_893 = tpu.memref_slice %arg6[%dma_start3A, %mul3A_887] : memref<4x12288xf32, #tpu.memory_space<vmem>> -> memref<1x768xf32, #tpu.memory_space<vmem>>
          %dma_start3A_894 = tpu.memref_squeeze %dma_start3A_893 : memref<1x768xf32, #tpu.memory_space<vmem>> -> memref<768xf32, #tpu.memory_space<vmem>>
          %dma_start3A_895 = arith.constant 0 : i32
          %dma_start3A_896 = tpu.memref_slice %arg2[%rem3A_872, %add3A_885, %dma_start3A_895] : memref<4x8192x768xf32, #tpu.memory_space<hbm>> -> memref<1x1x768xf32, #tpu.memory_space<hbm>>
          %dma_start3A_897 = tpu.memref_squeeze %dma_start3A_896 : memref<1x1x768xf32, #tpu.memory_space<hbm>> -> memref<768xf32, #tpu.memory_space<hbm>>
          tpu.enqueue_dma source(%dma_start3A_897 : memref<768xf32, #tpu.memory_space<hbm>>) target(%dma_start3A_894 : memref<768xf32, #tpu.memory_space<vmem>>) target_semaphore(%arg12 : memref<!tpu.dma_semaphore, #tpu.memory_space<semaphore_mem>>)
          %scan3A_898 = arith.constant 0 : i32
          %scan3A_899 = arith.constant 1 : i32
          %scan3A_900 = arith.addi %scan3A_883, %scan3A_899 : i32
          %add3A_901 = arith.addi %add3A_875, %scan3A_900 : i32
          %mul3A_902 = arith.constant 768 : i32
          %mul3A_903 = arith.muli %scan3A_900, %mul3A_902 : i32
          %dma_start3A_904 = arith.constant 3 : i32
          %dma_start3A_905 = tpu.memref_slice %arg6[%dma_start3A_904, %mul3A_903] : memref<4x12288xf32, #tpu.memory_space<vmem>> -> memref<1x768xf32, #tpu.memory_space<vmem>>
          %dma_start3A_906 = tpu.memref_squeeze %dma_start3A_905 : memref<1x768xf32, #tpu.memory_space<vmem>> -> memref<768xf32, #tpu.memory_space<vmem>>
          %dma_start3A_907 = arith.constant 0 : i32
          %dma_start3A_908 = tpu.memref_slice %arg2[%rem3A_872, %add3A_901, %dma_start3A_907] : memref<4x8192x768xf32, #tpu.memory_space<hbm>> -> memref<1x1x768xf32, #tpu.memory_space<hbm>>
          %dma_start3A_909 = tpu.memref_squeeze %dma_start3A_908 : memref<1x1x768xf32, #tpu.memory_space<hbm>> -> memref<768xf32, #tpu.memory_space<hbm>>
          %dma_start3A_910 = tpu.memref_slice %arg6[%dma_start3A_904, %mul3A_903] : memref<4x12288xf32, #tpu.memory_space<vmem>> -> memref<1x768xf32, #tpu.memory_space<vmem>>
          %dma_start3A_911 = tpu.memref_squeeze %dma_start3A_910 : memref<1x768xf32, #tpu.memory_space<vmem>> -> memref<768xf32, #tpu.memory_space<vmem>>
          %dma_start3A_912 = arith.constant 0 : i32
          %dma_start3A_913 = tpu.memref_slice %arg2[%rem3A_872, %add3A_901, %dma_start3A_912] : memref<4x8192x768xf32, #tpu.memory_space<hbm>> -> memref<1x1x768xf32, #tpu.memory_space<hbm>>
          %dma_start3A_914 = tpu.memref_squeeze %dma_start3A_913 : memref<1x1x768xf32, #tpu.memory_space<hbm>> -> memref<768xf32, #tpu.memory_space<hbm>>
          tpu.enqueue_dma source(%dma_start3A_914 : memref<768xf32, #tpu.memory_space<hbm>>) target(%dma_start3A_911 : memref<768xf32, #tpu.memory_space<vmem>>) target_semaphore(%arg12 : memref<!tpu.dma_semaphore, #tpu.memory_space<semaphore_mem>>)
          %scan3A_915 = arith.constant 0 : i32
          scf.yield %scan3A_915 : i32
        }
        %scan3A_882 = arith.constant 16 : i32
      } else {
      }
      %dma_wait3A_111 = arith.constant 0 : i32
      %dma_wait3A_112 = arith.constant 0 : i32
      %dma_wait3A_113 = tpu.memref_slice %arg7[%dma_wait3A_111, %dma_wait3A_112] : memref<2x12288xf32, #tpu.memory_space<vmem>> -> memref<1x12288xf32, #tpu.memory_space<vmem>>
      %dma_wait3A_114 = tpu.memref_squeeze %dma_wait3A_113 : memref<1x12288xf32, #tpu.memory_space<vmem>> -> memref<12288xf32, #tpu.memory_space<vmem>>
      %dma_wait3A_115 = arith.constant 0 : i32
      %dma_wait3A_116 = tpu.memref_slice %arg7[%dma_wait3A_111, %dma_wait3A_115] : memref<2x12288xf32, #tpu.memory_space<vmem>> -> memref<1x12288xf32, #tpu.memory_space<vmem>>
      %dma_wait3A_117 = tpu.memref_squeeze %dma_wait3A_116 : memref<1x12288xf32, #tpu.memory_space<vmem>> -> memref<12288xf32, #tpu.memory_space<vmem>>
      tpu.wait_dma2 semaphore(%arg13 : memref<!tpu.dma_semaphore, #tpu.memory_space<semaphore_mem>>) src(%arg4 : memref<12288xf32, #tpu.memory_space<hbm>>) dst(%dma_wait3A_117 : memref<12288xf32, #tpu.memory_space<vmem>>)
      %add3A_118 = arith.constant 1 : i32
      %add3A_119 = arith.addi %select_n3A, %add3A_118 : i32
      %lt3A_120 = arith.constant 16 : i32
      %lt3A_121 = arith.cmpi slt, %add3A_119, %lt3A_120 : i32
      %convert_element_type3A_122 = arith.extui %lt3A_121 : i1 to i32
      %cond3A_123 = arith.constant 0 : i32
      %cond3A_124 = arith.cmpi ne, %convert_element_type3A_122, %cond3A_123 : i32
      scf.if %cond3A_124 {
        %add3A_843 = arith.constant 1 : i32
        %add3A_844 = arith.addi %select_n3A, %add3A_843 : i32
        %mul3A_845 = arith.constant 16 : i32
        %mul3A_846 = arith.muli %add3A_844, %mul3A_845 : i32
        %add3A_847 = arith.addi %mul3A_2, %mul3A_846 : i32
        %scan3A_848 = arith.constant 0 : i32
        %scan3A_849 = arith.constant 0 : i32
        %scan3A_850 = arith.constant 16 : i32
        %scan3A_851 = arith.addi %scan3A_849, %scan3A_850 : i32
        %scan3A_852 = arith.constant 2 : i32
        %scan3A_853 = scf.for %scan3A_855 = %scan3A_849 to %scan3A_851 step %scan3A_852 iter_args(%scan3A_856 = %scan3A_848) -> (i32)  : i32 {
          %add3A_857 = arith.addi %add3A_847, %scan3A_855 : i32
          %mul3A_858 = arith.constant 768 : i32
          %mul3A_859 = arith.muli %scan3A_855, %mul3A_858 : i32
          %dma_start3A = arith.constant 1 : i32
          %dma_start3A_860 = tpu.memref_slice %arg7[%dma_start3A, %mul3A_859] : memref<2x12288xf32, #tpu.memory_space<vmem>> -> memref<1x768xf32, #tpu.memory_space<vmem>>
          %dma_start3A_861 = tpu.memref_squeeze %dma_start3A_860 : memref<1x768xf32, #tpu.memory_space<vmem>> -> memref<768xf32, #tpu.memory_space<vmem>>
          %dma_start3A_862 = arith.constant 0 : i32
          %dma_start3A_863 = tpu.memref_slice %arg3[%add3A_857, %dma_start3A_862] : memref<8192x768xf32, #tpu.memory_space<hbm>> -> memref<1x768xf32, #tpu.memory_space<hbm>>
          %dma_start3A_864 = tpu.memref_squeeze %dma_start3A_863 : memref<1x768xf32, #tpu.memory_space<hbm>> -> memref<768xf32, #tpu.memory_space<hbm>>
          %dma_start3A_865 = tpu.memref_slice %arg7[%dma_start3A, %mul3A_859] : memref<2x12288xf32, #tpu.memory_space<vmem>> -> memref<1x768xf32, #tpu.memory_space<vmem>>
          %dma_start3A_866 = tpu.memref_squeeze %dma_start3A_865 : memref<1x768xf32, #tpu.memory_space<vmem>> -> memref<768xf32, #tpu.memory_space<vmem>>
          %dma_start3A_867 = arith.constant 0 : i32
          %dma_start3A_868 = tpu.memref_slice %arg3[%add3A_857, %dma_start3A_867] : memref<8192x768xf32, #tpu.memory_space<hbm>> -> memref<1x768xf32, #tpu.memory_space<hbm>>
          %dma_start3A_869 = tpu.memref_squeeze %dma_start3A_868 : memref<1x768xf32, #tpu.memory_space<hbm>> -> memref<768xf32, #tpu.memory_space<hbm>>
          tpu.enqueue_dma source(%dma_start3A_869 : memref<768xf32, #tpu.memory_space<hbm>>) target(%dma_start3A_866 : memref<768xf32, #tpu.memory_space<vmem>>) target_semaphore(%arg14 : memref<!tpu.dma_semaphore, #tpu.memory_space<semaphore_mem>>)
          %scan3A_870 = arith.constant 0 : i32
          %scan3A_871 = arith.constant 1 : i32
          %scan3A_872 = arith.addi %scan3A_855, %scan3A_871 : i32
          %add3A_873 = arith.addi %add3A_847, %scan3A_872 : i32
          %mul3A_874 = arith.constant 768 : i32
          %mul3A_875 = arith.muli %scan3A_872, %mul3A_874 : i32
          %dma_start3A_876 = arith.constant 1 : i32
          %dma_start3A_877 = tpu.memref_slice %arg7[%dma_start3A_876, %mul3A_875] : memref<2x12288xf32, #tpu.memory_space<vmem>> -> memref<1x768xf32, #tpu.memory_space<vmem>>
          %dma_start3A_878 = tpu.memref_squeeze %dma_start3A_877 : memref<1x768xf32, #tpu.memory_space<vmem>> -> memref<768xf32, #tpu.memory_space<vmem>>
          %dma_start3A_879 = arith.constant 0 : i32
          %dma_start3A_880 = tpu.memref_slice %arg3[%add3A_873, %dma_start3A_879] : memref<8192x768xf32, #tpu.memory_space<hbm>> -> memref<1x768xf32, #tpu.memory_space<hbm>>
          %dma_start3A_881 = tpu.memref_squeeze %dma_start3A_880 : memref<1x768xf32, #tpu.memory_space<hbm>> -> memref<768xf32, #tpu.memory_space<hbm>>
          %dma_start3A_882 = tpu.memref_slice %arg7[%dma_start3A_876, %mul3A_875] : memref<2x12288xf32, #tpu.memory_space<vmem>> -> memref<1x768xf32, #tpu.memory_space<vmem>>
          %dma_start3A_883 = tpu.memref_squeeze %dma_start3A_882 : memref<1x768xf32, #tpu.memory_space<vmem>> -> memref<768xf32, #tpu.memory_space<vmem>>
          %dma_start3A_884 = arith.constant 0 : i32
          %dma_start3A_885 = tpu.memref_slice %arg3[%add3A_873, %dma_start3A_884] : memref<8192x768xf32, #tpu.memory_space<hbm>> -> memref<1x768xf32, #tpu.memory_space<hbm>>
          %dma_start3A_886 = tpu.memref_squeeze %dma_start3A_885 : memref<1x768xf32, #tpu.memory_space<hbm>> -> memref<768xf32, #tpu.memory_space<hbm>>
          tpu.enqueue_dma source(%dma_start3A_886 : memref<768xf32, #tpu.memory_space<hbm>>) target(%dma_start3A_883 : memref<768xf32, #tpu.memory_space<vmem>>) target_semaphore(%arg14 : memref<!tpu.dma_semaphore, #tpu.memory_space<semaphore_mem>>)
          %scan3A_887 = arith.constant 0 : i32
          scf.yield %scan3A_887 : i32
        }
        %scan3A_854 = arith.constant 16 : i32
      } else {
      }
      %dma_wait3A_125 = arith.constant 0 : i32
      %dma_wait3A_126 = arith.constant 0 : i32
      %dma_wait3A_127 = tpu.memref_slice %arg6[%dma_wait3A_125, %dma_wait3A_126] : memref<4x12288xf32, #tpu.memory_space<vmem>> -> memref<1x12288xf32, #tpu.memory_space<vmem>>
      %dma_wait3A_128 = tpu.memref_squeeze %dma_wait3A_127 : memref<1x12288xf32, #tpu.memory_space<vmem>> -> memref<12288xf32, #tpu.memory_space<vmem>>
      %dma_wait3A_129 = arith.constant 0 : i32
      %dma_wait3A_130 = tpu.memref_slice %arg6[%dma_wait3A_125, %dma_wait3A_129] : memref<4x12288xf32, #tpu.memory_space<vmem>> -> memref<1x12288xf32, #tpu.memory_space<vmem>>
      %dma_wait3A_131 = tpu.memref_squeeze %dma_wait3A_130 : memref<1x12288xf32, #tpu.memory_space<vmem>> -> memref<12288xf32, #tpu.memory_space<vmem>>
      tpu.wait_dma2 semaphore(%arg9 : memref<!tpu.dma_semaphore, #tpu.memory_space<semaphore_mem>>) src(%arg4 : memref<12288xf32, #tpu.memory_space<hbm>>) dst(%dma_wait3A_131 : memref<12288xf32, #tpu.memory_space<vmem>>)
      %ge3A = arith.constant 4 : i32
      %ge3A_132 = arith.cmpi sge, %add3A_85, %ge3A : i32
      %convert_element_type3A_133 = arith.extui %ge3A_132 : i1 to i32
      %cond3A_134 = arith.constant 0 : i32
      %cond3A_135 = arith.cmpi ne, %convert_element_type3A_133, %cond3A_134 : i32
      scf.if %cond3A_135 {
        %dma_wait3A_843 = arith.constant 0 : i32
        %dma_wait3A_844 = arith.constant 0 : i32
        %dma_wait3A_845 = tpu.memref_slice %arg8[%dma_wait3A_843, %dma_wait3A_844] : memref<4x12288xf32, #tpu.memory_space<vmem>> -> memref<1x12288xf32, #tpu.memory_space<vmem>>
        %dma_wait3A_846 = tpu.memref_squeeze %dma_wait3A_845 : memref<1x12288xf32, #tpu.memory_space<vmem>> -> memref<12288xf32, #tpu.memory_space<vmem>>
        %dma_wait3A_847 = arith.constant 0 : i32
        %dma_wait3A_848 = tpu.memref_slice %arg8[%dma_wait3A_843, %dma_wait3A_847] : memref<4x12288xf32, #tpu.memory_space<vmem>> -> memref<1x12288xf32, #tpu.memory_space<vmem>>
        %dma_wait3A_849 = tpu.memref_squeeze %dma_wait3A_848 : memref<1x12288xf32, #tpu.memory_space<vmem>> -> memref<12288xf32, #tpu.memory_space<vmem>>
        tpu.wait_dma2 semaphore(%arg15 : memref<!tpu.dma_semaphore, #tpu.memory_space<semaphore_mem>>) src(%dma_wait3A_849 : memref<12288xf32, #tpu.memory_space<vmem>>) dst(%arg4 : memref<12288xf32, #tpu.memory_space<hbm>>)
      } else {
      }
      %parallel_loop3A = arith.constant 0 : i32
      %parallel_loop3A_136 = arith.constant 12288 : i32
      %parallel_loop3A_137 = arith.constant 16 : i32
      %parallel_loop3A_138 = arith.constant 0 : i32
      %parallel_loop3A_139 = arith.constant 0 : i32
      %parallel_loop3A_140 = arith.constant 0 : i32
      scf.for %parallel_loop3A_843 = %parallel_loop3A to %parallel_loop3A_136 step %parallel_loop3A_137  : i32 {
        %parallel_loop3A_844 = arith.constant 0 : i32
        %parallel_loop3A_845 = tpu.memref_slice %arg6[%parallel_loop3A_138, %parallel_loop3A_844] : memref<4x12288xf32, #tpu.memory_space<vmem>> -> memref<1x12288xf32, #tpu.memory_space<vmem>>
        %parallel_loop3A_846 = tpu.memref_squeeze %parallel_loop3A_845 : memref<1x12288xf32, #tpu.memory_space<vmem>> -> memref<12288xf32, #tpu.memory_space<vmem>>
        %parallel_loop3A_847 = arith.index_cast %parallel_loop3A_843 : i32 to index
        %parallel_loop3A_848 = tpu.vector_load %parallel_loop3A_846[%parallel_loop3A_847] {strides = array<i32>} : memref<12288xf32, #tpu.memory_space<vmem>>, vector<16xf32>,
        %parallel_loop3A_849 = vector.shape_cast %parallel_loop3A_848 : vector<16xf32> to vector<16xf32>
        %parallel_loop3A_850 = arith.constant 0 : i32
        %parallel_loop3A_851 = tpu.memref_slice %arg7[%parallel_loop3A_139, %parallel_loop3A_850] : memref<2x12288xf32, #tpu.memory_space<vmem>> -> memref<1x12288xf32, #tpu.memory_space<vmem>>
        %parallel_loop3A_852 = tpu.memref_squeeze %parallel_loop3A_851 : memref<1x12288xf32, #tpu.memory_space<vmem>> -> memref<12288xf32, #tpu.memory_space<vmem>>
        %parallel_loop3A_853 = arith.index_cast %parallel_loop3A_843 : i32 to index
        %parallel_loop3A_854 = tpu.vector_load %parallel_loop3A_852[%parallel_loop3A_853] {strides = array<i32>} : memref<12288xf32, #tpu.memory_space<vmem>>, vector<16xf32>,
        %parallel_loop3A_855 = vector.shape_cast %parallel_loop3A_854 : vector<16xf32> to vector<16xf32>
        %parallel_loop3A_856 = arith.addf %parallel_loop3A_849, %parallel_loop3A_855 : vector<16xf32>
        %parallel_loop3A_857 = arith.constant 0 : i32
        %parallel_loop3A_858 = tpu.memref_slice %arg8[%parallel_loop3A_140, %parallel_loop3A_857] : memref<4x12288xf32, #tpu.memory_space<vmem>> -> memref<1x12288xf32, #tpu.memory_space<vmem>>
        %parallel_loop3A_859 = tpu.memref_squeeze %parallel_loop3A_858 : memref<1x12288xf32, #tpu.memory_space<vmem>> -> memref<12288xf32, #tpu.memory_space<vmem>>
        %parallel_loop3A_860 = arith.index_cast %parallel_loop3A_843 : i32 to index
        %parallel_loop3A_861 = tpu.vector_load %parallel_loop3A_859[%parallel_loop3A_860] {strides = array<i32>} : memref<12288xf32, #tpu.memory_space<vmem>>, vector<16xf32>,
        %parallel_loop3A_862 = vector.shape_cast %parallel_loop3A_861 : vector<16xf32> to vector<16xf32>
        %parallel_loop3A_863 = vector.shape_cast %parallel_loop3A_856 : vector<16xf32> to vector<16xf32>
        tpu.vector_store %parallel_loop3A_859[%parallel_loop3A_860], %parallel_loop3A_863 {strides = array<i32>} : memref<12288xf32, #tpu.memory_space<vmem>>, vector<16xf32>,
      } {sc.loop_unroll_factor = 8 : i64, sc.parallel_access}
      %jit3A_141 = arith.constant 4 : i32
      %div3A_142 = arith.divsi %add3A_85, %jit3A_141 : i32
      %sign3A_143 = arith.constant 0 : i32
      %sign3A_144 = arith.cmpi sgt, %add3A_85, %sign3A_143 : i32
      %sign3A_145 = arith.extui %sign3A_144 : i1 to i32
      %sign3A_146 = arith.constant 0 : i32
      %sign3A_147 = arith.cmpi slt, %add3A_85, %sign3A_146 : i32
      %sign3A_148 = arith.extui %sign3A_147 : i1 to i32
      %sign3A_149 = arith.subi %sign3A_145, %sign3A_148 : i32
      %sign3A_150 = arith.constant 0 : i32
      %sign3A_151 = arith.cmpi sgt, %jit3A_141, %sign3A_150 : i32
      %sign3A_152 = arith.extui %sign3A_151 : i1 to i32
      %sign3A_153 = arith.constant 0 : i32
      %sign3A_154 = arith.cmpi slt, %jit3A_141, %sign3A_153 : i32
      %sign3A_155 = arith.extui %sign3A_154 : i1 to i32
      %sign3A_156 = arith.subi %sign3A_152, %sign3A_155 : i32
      %ne3A_157 = arith.cmpi ne, %sign3A_149, %sign3A_156 : i32
      %rem3A_158 = arith.remsi %add3A_85, %jit3A_141 : i32
      %ne3A_159 = arith.constant 0 : i32
      %ne3A_160 = arith.cmpi ne, %rem3A_158, %ne3A_159 : i32
      %and3A_161 = arith.andi %ne3A_157, %ne3A_160 : i1
      %sub3A_162 = arith.constant 1 : i32
      %sub3A_163 = arith.subi %div3A_142, %sub3A_162 : i32
      %select_n3A_164 = arith.select %and3A_161, %sub3A_163, %div3A_142 : i32
      %rem3A_165 = arith.constant 4 : i32
      %rem3A_166 = arith.remsi %add3A_85, %rem3A_165 : i32
      %mul3A_167 = arith.constant 16 : i32
      %mul3A_168 = arith.muli %select_n3A_164, %mul3A_167 : i32
      %add3A_169 = arith.addi %mul3A_2, %mul3A_168 : i32
      %scan3A_170 = arith.constant 0 : i32
      %scan3A_171 = arith.constant 0 : i32
      %scan3A_172 = arith.constant 16 : i32
      %scan3A_173 = arith.addi %scan3A_171, %scan3A_172 : i32
      %scan3A_174 = arith.constant 2 : i32
      %scan3A_175 = scf.for %scan3A_843 = %scan3A_171 to %scan3A_173 step %scan3A_174 iter_args(%scan3A_844 = %scan3A_170) -> (i32)  : i32 {
        %mul3A_845 = arith.constant 768 : i32
        %mul3A_846 = arith.muli %scan3A_843, %mul3A_845 : i32
        %add3A_847 = arith.addi %add3A_169, %scan3A_843 : i32
        %dma_start3A = arith.constant 0 : i32
        %dma_start3A_848 = tpu.memref_slice %arg8[%dma_start3A, %mul3A_846] : memref<4x12288xf32, #tpu.memory_space<vmem>> -> memref<1x768xf32, #tpu.memory_space<vmem>>
        %dma_start3A_849 = tpu.memref_squeeze %dma_start3A_848 : memref<1x768xf32, #tpu.memory_space<vmem>> -> memref<768xf32, #tpu.memory_space<vmem>>
        %dma_start3A_850 = arith.constant 0 : i32
        %dma_start3A_851 = tpu.memref_slice %arg5[%rem3A_166, %add3A_847, %dma_start3A_850] : memref<4x8192x768xf32, #tpu.memory_space<hbm>> -> memref<1x1x768xf32, #tpu.memory_space<hbm>>
        %dma_start3A_852 = tpu.memref_squeeze %dma_start3A_851 : memref<1x1x768xf32, #tpu.memory_space<hbm>> -> memref<768xf32, #tpu.memory_space<hbm>>
        %dma_start3A_853 = arith.constant 0 : i32
        %dma_start3A_854 = tpu.memref_slice %arg5[%rem3A_166, %add3A_847, %dma_start3A_853] : memref<4x8192x768xf32, #tpu.memory_space<hbm>> -> memref<1x1x768xf32, #tpu.memory_space<hbm>>
        %dma_start3A_855 = tpu.memref_squeeze %dma_start3A_854 : memref<1x1x768xf32, #tpu.memory_space<hbm>> -> memref<768xf32, #tpu.memory_space<hbm>>
        %dma_start3A_856 = tpu.memref_slice %arg8[%dma_start3A, %mul3A_846] : memref<4x12288xf32, #tpu.memory_space<vmem>> -> memref<1x768xf32, #tpu.memory_space<vmem>>
        %dma_start3A_857 = tpu.memref_squeeze %dma_start3A_856 : memref<1x768xf32, #tpu.memory_space<vmem>> -> memref<768xf32, #tpu.memory_space<vmem>>
        tpu.enqueue_dma source(%dma_start3A_857 : memref<768xf32, #tpu.memory_space<vmem>>) target(%dma_start3A_855 : memref<768xf32, #tpu.memory_space<hbm>>) target_semaphore(%arg15 : memref<!tpu.dma_semaphore, #tpu.memory_space<semaphore_mem>>)
        %scan3A_858 = arith.constant 0 : i32
        %scan3A_859 = arith.constant 1 : i32
        %scan3A_860 = arith.addi %scan3A_843, %scan3A_859 : i32
        %mul3A_861 = arith.constant 768 : i32
        %mul3A_862 = arith.muli %scan3A_860, %mul3A_861 : i32
        %add3A_863 = arith.addi %add3A_169, %scan3A_860 : i32
        %dma_start3A_864 = arith.constant 0 : i32
        %dma_start3A_865 = tpu.memref_slice %arg8[%dma_start3A_864, %mul3A_862] : memref<4x12288xf32, #tpu.memory_space<vmem>> -> memref<1x768xf32, #tpu.memory_space<vmem>>
        %dma_start3A_866 = tpu.memref_squeeze %dma_start3A_865 : memref<1x768xf32, #tpu.memory_space<vmem>> -> memref<768xf32, #tpu.memory_space<vmem>>
        %dma_start3A_867 = arith.constant 0 : i32
        %dma_start3A_868 = tpu.memref_slice %arg5[%rem3A_166, %add3A_863, %dma_start3A_867] : memref<4x8192x768xf32, #tpu.memory_space<hbm>> -> memref<1x1x768xf32, #tpu.memory_space<hbm>>
        %dma_start3A_869 = tpu.memref_squeeze %dma_start3A_868 : memref<1x1x768xf32, #tpu.memory_space<hbm>> -> memref<768xf32, #tpu.memory_space<hbm>>
        %dma_start3A_870 = arith.constant 0 : i32
        %dma_start3A_871 = tpu.memref_slice %arg5[%rem3A_166, %add3A_863, %dma_start3A_870] : memref<4x8192x768xf32, #tpu.memory_space<hbm>> -> memref<1x1x768xf32, #tpu.memory_space<hbm>>
        %dma_start3A_872 = tpu.memref_squeeze %dma_start3A_871 : memref<1x1x768xf32, #tpu.memory_space<hbm>> -> memref<768xf32, #tpu.memory_space<hbm>>
        %dma_start3A_873 = tpu.memref_slice %arg8[%dma_start3A_864, %mul3A_862] : memref<4x12288xf32, #tpu.memory_space<vmem>> -> memref<1x768xf32, #tpu.memory_space<vmem>>
        %dma_start3A_874 = tpu.memref_squeeze %dma_start3A_873 : memref<1x768xf32, #tpu.memory_space<vmem>> -> memref<768xf32, #tpu.memory_space<vmem>>
        tpu.enqueue_dma source(%dma_start3A_874 : memref<768xf32, #tpu.memory_space<vmem>>) target(%dma_start3A_872 : memref<768xf32, #tpu.memory_space<hbm>>) target_semaphore(%arg15 : memref<!tpu.dma_semaphore, #tpu.memory_space<semaphore_mem>>)
        %scan3A_875 = arith.constant 0 : i32
        scf.yield %scan3A_875 : i32
      }
      %scan3A_176 = arith.constant 16 : i32
      %mul3A_177 = arith.constant 8 : i32
      %mul3A_178 = arith.muli %mul3A_177, %scan3A_80 : i32
      %add3A_179 = arith.constant 1 : i32
      %add3A_180 = arith.addi %mul3A_178, %add3A_179 : i32
      %jit3A_181 = arith.constant 4 : i32
      %div3A_182 = arith.divsi %add3A_180, %jit3A_181 : i32
      %sign3A_183 = arith.constant 0 : i32
      %sign3A_184 = arith.cmpi sgt, %add3A_180, %sign3A_183 : i32
      %sign3A_185 = arith.extui %sign3A_184 : i1 to i32
      %sign3A_186 = arith.constant 0 : i32
      %sign3A_187 = arith.cmpi slt, %add3A_180, %sign3A_186 : i32
      %sign3A_188 = arith.extui %sign3A_187 : i1 to i32
      %sign3A_189 = arith.subi %sign3A_185, %sign3A_188 : i32
      %sign3A_190 = arith.constant 0 : i32
      %sign3A_191 = arith.cmpi sgt, %jit3A_181, %sign3A_190 : i32
      %sign3A_192 = arith.extui %sign3A_191 : i1 to i32
      %sign3A_193 = arith.constant 0 : i32
      %sign3A_194 = arith.cmpi slt, %jit3A_181, %sign3A_193 : i32
      %sign3A_195 = arith.extui %sign3A_194 : i1 to i32
      %sign3A_196 = arith.subi %sign3A_192, %sign3A_195 : i32
      %ne3A_197 = arith.cmpi ne, %sign3A_189, %sign3A_196 : i32
      %rem3A_198 = arith.remsi %add3A_180, %jit3A_181 : i32
      %ne3A_199 = arith.constant 0 : i32
      %ne3A_200 = arith.cmpi ne, %rem3A_198, %ne3A_199 : i32
      %and3A_201 = arith.andi %ne3A_197, %ne3A_200 : i1
      %sub3A_202 = arith.constant 1 : i32
      %sub3A_203 = arith.subi %div3A_182, %sub3A_202 : i32
      %select_n3A_204 = arith.select %and3A_201, %sub3A_203, %div3A_182 : i32
      %rem3A_205 = arith.constant 4 : i32
      %rem3A_206 = arith.remsi %add3A_180, %rem3A_205 : i32
      %add3A_207 = arith.constant 4 : i32
      %add3A_208 = arith.addi %add3A_180, %add3A_207 : i32
      %sub3A_209 = arith.constant 1 : i32
      %sub3A_210 = arith.subi %add3A_208, %sub3A_209 : i32
      %lt3A_211 = arith.constant 64 : i32
      %lt3A_212 = arith.cmpi slt, %sub3A_210, %lt3A_211 : i32
      %convert_element_type3A_213 = arith.extui %lt3A_212 : i1 to i32
      %cond3A_214 = arith.constant 0 : i32
      %cond3A_215 = arith.cmpi ne, %convert_element_type3A_213, %cond3A_214 : i32
      scf.if %cond3A_215 {
        %add3A_843 = arith.constant 4 : i32
        %add3A_844 = arith.addi %add3A_180, %add3A_843 : i32
        %sub3A_845 = arith.constant 1 : i32
        %sub3A_846 = arith.subi %add3A_844, %sub3A_845 : i32
        %jit3A_847 = arith.constant 4 : i32
        %div3A_848 = arith.divsi %sub3A_846, %jit3A_847 : i32
        %sign3A_849 = arith.constant 0 : i32
        %sign3A_850 = arith.cmpi sgt, %sub3A_846, %sign3A_849 : i32
        %sign3A_851 = arith.extui %sign3A_850 : i1 to i32
        %sign3A_852 = arith.constant 0 : i32
        %sign3A_853 = arith.cmpi slt, %sub3A_846, %sign3A_852 : i32
        %sign3A_854 = arith.extui %sign3A_853 : i1 to i32
        %sign3A_855 = arith.subi %sign3A_851, %sign3A_854 : i32
        %sign3A_856 = arith.constant 0 : i32
        %sign3A_857 = arith.cmpi sgt, %jit3A_847, %sign3A_856 : i32
        %sign3A_858 = arith.extui %sign3A_857 : i1 to i32
        %sign3A_859 = arith.constant 0 : i32
        %sign3A_860 = arith.cmpi slt, %jit3A_847, %sign3A_859 : i32
        %sign3A_861 = arith.extui %sign3A_860 : i1 to i32
        %sign3A_862 = arith.subi %sign3A_858, %sign3A_861 : i32
        %ne3A_863 = arith.cmpi ne, %sign3A_855, %sign3A_862 : i32
        %rem3A_864 = arith.remsi %sub3A_846, %jit3A_847 : i32
        %ne3A_865 = arith.constant 0 : i32
        %ne3A_866 = arith.cmpi ne, %rem3A_864, %ne3A_865 : i32
        %and3A_867 = arith.andi %ne3A_863, %ne3A_866 : i1
        %sub3A_868 = arith.constant 1 : i32
        %sub3A_869 = arith.subi %div3A_848, %sub3A_868 : i32
        %select_n3A_870 = arith.select %and3A_867, %sub3A_869, %div3A_848 : i32
        %rem3A_871 = arith.constant 4 : i32
        %rem3A_872 = arith.remsi %sub3A_846, %rem3A_871 : i32
        %mul3A_873 = arith.constant 16 : i32
        %mul3A_874 = arith.muli %select_n3A_870, %mul3A_873 : i32
        %add3A_875 = arith.addi %mul3A_2, %mul3A_874 : i32
        %scan3A_876 = arith.constant 0 : i32
        %scan3A_877 = arith.constant 0 : i32
        %scan3A_878 = arith.constant 16 : i32
        %scan3A_879 = arith.addi %scan3A_877, %scan3A_878 : i32
        %scan3A_880 = arith.constant 2 : i32
        %scan3A_881 = scf.for %scan3A_883 = %scan3A_877 to %scan3A_879 step %scan3A_880 iter_args(%scan3A_884 = %scan3A_876) -> (i32)  : i32 {
          %add3A_885 = arith.addi %add3A_875, %scan3A_883 : i32
          %mul3A_886 = arith.constant 768 : i32
          %mul3A_887 = arith.muli %scan3A_883, %mul3A_886 : i32
          %dma_start3A = arith.constant 0 : i32
          %dma_start3A_888 = tpu.memref_slice %arg6[%dma_start3A, %mul3A_887] : memref<4x12288xf32, #tpu.memory_space<vmem>> -> memref<1x768xf32, #tpu.memory_space<vmem>>
          %dma_start3A_889 = tpu.memref_squeeze %dma_start3A_888 : memref<1x768xf32, #tpu.memory_space<vmem>> -> memref<768xf32, #tpu.memory_space<vmem>>
          %dma_start3A_890 = arith.constant 0 : i32
          %dma_start3A_891 = tpu.memref_slice %arg2[%rem3A_872, %add3A_885, %dma_start3A_890] : memref<4x8192x768xf32, #tpu.memory_space<hbm>> -> memref<1x1x768xf32, #tpu.memory_space<hbm>>
          %dma_start3A_892 = tpu.memref_squeeze %dma_start3A_891 : memref<1x1x768xf32, #tpu.memory_space<hbm>> -> memref<768xf32, #tpu.memory_space<hbm>>
          %dma_start3A_893 = tpu.memref_slice %arg6[%dma_start3A, %mul3A_887] : memref<4x12288xf32, #tpu.memory_space<vmem>> -> memref<1x768xf32, #tpu.memory_space<vmem>>
          %dma_start3A_894 = tpu.memref_squeeze %dma_start3A_893 : memref<1x768xf32, #tpu.memory_space<vmem>> -> memref<768xf32, #tpu.memory_space<vmem>>
          %dma_start3A_895 = arith.constant 0 : i32
          %dma_start3A_896 = tpu.memref_slice %arg2[%rem3A_872, %add3A_885, %dma_start3A_895] : memref<4x8192x768xf32, #tpu.memory_space<hbm>> -> memref<1x1x768xf32, #tpu.memory_space<hbm>>
          %dma_start3A_897 = tpu.memref_squeeze %dma_start3A_896 : memref<1x1x768xf32, #tpu.memory_space<hbm>> -> memref<768xf32, #tpu.memory_space<hbm>>
          tpu.enqueue_dma source(%dma_start3A_897 : memref<768xf32, #tpu.memory_space<hbm>>) target(%dma_start3A_894 : memref<768xf32, #tpu.memory_space<vmem>>) target_semaphore(%arg9 : memref<!tpu.dma_semaphore, #tpu.memory_space<semaphore_mem>>)
          %scan3A_898 = arith.constant 0 : i32
          %scan3A_899 = arith.constant 1 : i32
          %scan3A_900 = arith.addi %scan3A_883, %scan3A_899 : i32
          %add3A_901 = arith.addi %add3A_875, %scan3A_900 : i32
          %mul3A_902 = arith.constant 768 : i32
          %mul3A_903 = arith.muli %scan3A_900, %mul3A_902 : i32
          %dma_start3A_904 = arith.constant 0 : i32
          %dma_start3A_905 = tpu.memref_slice %arg6[%dma_start3A_904, %mul3A_903] : memref<4x12288xf32, #tpu.memory_space<vmem>> -> memref<1x768xf32, #tpu.memory_space<vmem>>
          %dma_start3A_906 = tpu.memref_squeeze %dma_start3A_905 : memref<1x768xf32, #tpu.memory_space<vmem>> -> memref<768xf32, #tpu.memory_space<vmem>>
          %dma_start3A_907 = arith.constant 0 : i32
          %dma_start3A_908 = tpu.memref_slice %arg2[%rem3A_872, %add3A_901, %dma_start3A_907] : memref<4x8192x768xf32, #tpu.memory_space<hbm>> -> memref<1x1x768xf32, #tpu.memory_space<hbm>>
          %dma_start3A_909 = tpu.memref_squeeze %dma_start3A_908 : memref<1x1x768xf32, #tpu.memory_space<hbm>> -> memref<768xf32, #tpu.memory_space<hbm>>
          %dma_start3A_910 = tpu.memref_slice %arg6[%dma_start3A_904, %mul3A_903] : memref<4x12288xf32, #tpu.memory_space<vmem>> -> memref<1x768xf32, #tpu.memory_space<vmem>>
          %dma_start3A_911 = tpu.memref_squeeze %dma_start3A_910 : memref<1x768xf32, #tpu.memory_space<vmem>> -> memref<768xf32, #tpu.memory_space<vmem>>
          %dma_start3A_912 = arith.constant 0 : i32
          %dma_start3A_913 = tpu.memref_slice %arg2[%rem3A_872, %add3A_901, %dma_start3A_912] : memref<4x8192x768xf32, #tpu.memory_space<hbm>> -> memref<1x1x768xf32, #tpu.memory_space<hbm>>
          %dma_start3A_914 = tpu.memref_squeeze %dma_start3A_913 : memref<1x1x768xf32, #tpu.memory_space<hbm>> -> memref<768xf32, #tpu.memory_space<hbm>>
          tpu.enqueue_dma source(%dma_start3A_914 : memref<768xf32, #tpu.memory_space<hbm>>) target(%dma_start3A_911 : memref<768xf32, #tpu.memory_space<vmem>>) target_semaphore(%arg9 : memref<!tpu.dma_semaphore, #tpu.memory_space<semaphore_mem>>)
          %scan3A_915 = arith.constant 0 : i32
          scf.yield %scan3A_915 : i32
        }
        %scan3A_882 = arith.constant 16 : i32
      } else {
      }
      %dma_wait3A_216 = arith.constant 1 : i32
      %dma_wait3A_217 = arith.constant 0 : i32
      %dma_wait3A_218 = tpu.memref_slice %arg6[%dma_wait3A_216, %dma_wait3A_217] : memref<4x12288xf32, #tpu.memory_space<vmem>> -> memref<1x12288xf32, #tpu.memory_space<vmem>>
      %dma_wait3A_219 = tpu.memref_squeeze %dma_wait3A_218 : memref<1x12288xf32, #tpu.memory_space<vmem>> -> memref<12288xf32, #tpu.memory_space<vmem>>
      %dma_wait3A_220 = arith.constant 0 : i32
      %dma_wait3A_221 = tpu.memref_slice %arg6[%dma_wait3A_216, %dma_wait3A_220] : memref<4x12288xf32, #tpu.memory_space<vmem>> -> memref<1x12288xf32, #tpu.memory_space<vmem>>
      %dma_wait3A_222 = tpu.memref_squeeze %dma_wait3A_221 : memref<1x12288xf32, #tpu.memory_space<vmem>> -> memref<12288xf32, #tpu.memory_space<vmem>>
      tpu.wait_dma2 semaphore(%arg10 : memref<!tpu.dma_semaphore, #tpu.memory_space<semaphore_mem>>) src(%arg4 : memref<12288xf32, #tpu.memory_space<hbm>>) dst(%dma_wait3A_222 : memref<12288xf32, #tpu.memory_space<vmem>>)
      %ge3A_223 = arith.constant 4 : i32
      %ge3A_224 = arith.cmpi sge, %add3A_180, %ge3A_223 : i32
      %convert_element_type3A_225 = arith.extui %ge3A_224 : i1 to i32
      %cond3A_226 = arith.constant 0 : i32
      %cond3A_227 = arith.cmpi ne, %convert_element_type3A_225, %cond3A_226 : i32
      scf.if %cond3A_227 {
        %dma_wait3A_843 = arith.constant 1 : i32
        %dma_wait3A_844 = arith.constant 0 : i32
        %dma_wait3A_845 = tpu.memref_slice %arg8[%dma_wait3A_843, %dma_wait3A_844] : memref<4x12288xf32, #tpu.memory_space<vmem>> -> memref<1x12288xf32, #tpu.memory_space<vmem>>
        %dma_wait3A_846 = tpu.memref_squeeze %dma_wait3A_845 : memref<1x12288xf32, #tpu.memory_space<vmem>> -> memref<12288xf32, #tpu.memory_space<vmem>>
        %dma_wait3A_847 = arith.constant 0 : i32
        %dma_wait3A_848 = tpu.memref_slice %arg8[%dma_wait3A_843, %dma_wait3A_847] : memref<4x12288xf32, #tpu.memory_space<vmem>> -> memref<1x12288xf32, #tpu.memory_space<vmem>>
        %dma_wait3A_849 = tpu.memref_squeeze %dma_wait3A_848 : memref<1x12288xf32, #tpu.memory_space<vmem>> -> memref<12288xf32, #tpu.memory_space<vmem>>
        tpu.wait_dma2 semaphore(%arg16 : memref<!tpu.dma_semaphore, #tpu.memory_space<semaphore_mem>>) src(%dma_wait3A_849 : memref<12288xf32, #tpu.memory_space<vmem>>) dst(%arg4 : memref<12288xf32, #tpu.memory_space<hbm>>)
      } else {
      }
      %parallel_loop3A_228 = arith.constant 0 : i32
      %parallel_loop3A_229 = arith.constant 12288 : i32
      %parallel_loop3A_230 = arith.constant 16 : i32
      %parallel_loop3A_231 = arith.constant 1 : i32
      %parallel_loop3A_232 = arith.constant 0 : i32
      %parallel_loop3A_233 = arith.constant 1 : i32
      scf.for %parallel_loop3A_843 = %parallel_loop3A_228 to %parallel_loop3A_229 step %parallel_loop3A_230  : i32 {
        %parallel_loop3A_844 = arith.constant 0 : i32
        %parallel_loop3A_845 = tpu.memref_slice %arg6[%parallel_loop3A_231, %parallel_loop3A_844] : memref<4x12288xf32, #tpu.memory_space<vmem>> -> memref<1x12288xf32, #tpu.memory_space<vmem>>
        %parallel_loop3A_846 = tpu.memref_squeeze %parallel_loop3A_845 : memref<1x12288xf32, #tpu.memory_space<vmem>> -> memref<12288xf32, #tpu.memory_space<vmem>>
        %parallel_loop3A_847 = arith.index_cast %parallel_loop3A_843 : i32 to index
        %parallel_loop3A_848 = tpu.vector_load %parallel_loop3A_846[%parallel_loop3A_847] {strides = array<i32>} : memref<12288xf32, #tpu.memory_space<vmem>>, vector<16xf32>,
        %parallel_loop3A_849 = vector.shape_cast %parallel_loop3A_848 : vector<16xf32> to vector<16xf32>
        %parallel_loop3A_850 = arith.constant 0 : i32
        %parallel_loop3A_851 = tpu.memref_slice %arg7[%parallel_loop3A_232, %parallel_loop3A_850] : memref<2x12288xf32, #tpu.memory_space<vmem>> -> memref<1x12288xf32, #tpu.memory_space<vmem>>
        %parallel_loop3A_852 = tpu.memref_squeeze %parallel_loop3A_851 : memref<1x12288xf32, #tpu.memory_space<vmem>> -> memref<12288xf32, #tpu.memory_space<vmem>>
        %parallel_loop3A_853 = arith.index_cast %parallel_loop3A_843 : i32 to index
        %parallel_loop3A_854 = tpu.vector_load %parallel_loop3A_852[%parallel_loop3A_853] {strides = array<i32>} : memref<12288xf32, #tpu.memory_space<vmem>>, vector<16xf32>,
        %parallel_loop3A_855 = vector.shape_cast %parallel_loop3A_854 : vector<16xf32> to vector<16xf32>
        %parallel_loop3A_856 = arith.addf %parallel_loop3A_849, %parallel_loop3A_855 : vector<16xf32>
        %parallel_loop3A_857 = arith.constant 0 : i32
        %parallel_loop3A_858 = tpu.memref_slice %arg8[%parallel_loop3A_233, %parallel_loop3A_857] : memref<4x12288xf32, #tpu.memory_space<vmem>> -> memref<1x12288xf32, #tpu.memory_space<vmem>>
        %parallel_loop3A_859 = tpu.memref_squeeze %parallel_loop3A_858 : memref<1x12288xf32, #tpu.memory_space<vmem>> -> memref<12288xf32, #tpu.memory_space<vmem>>
        %parallel_loop3A_860 = arith.index_cast %parallel_loop3A_843 : i32 to index
        %parallel_loop3A_861 = tpu.vector_load %parallel_loop3A_859[%parallel_loop3A_860] {strides = array<i32>} : memref<12288xf32, #tpu.memory_space<vmem>>, vector<16xf32>,
        %parallel_loop3A_862 = vector.shape_cast %parallel_loop3A_861 : vector<16xf32> to vector<16xf32>
        %parallel_loop3A_863 = vector.shape_cast %parallel_loop3A_856 : vector<16xf32> to vector<16xf32>
        tpu.vector_store %parallel_loop3A_859[%parallel_loop3A_860], %parallel_loop3A_863 {strides = array<i32>} : memref<12288xf32, #tpu.memory_space<vmem>>, vector<16xf32>,
      } {sc.loop_unroll_factor = 8 : i64, sc.parallel_access}
      %jit3A_234 = arith.constant 4 : i32
      %div3A_235 = arith.divsi %add3A_180, %jit3A_234 : i32
      %sign3A_236 = arith.constant 0 : i32
      %sign3A_237 = arith.cmpi sgt, %add3A_180, %sign3A_236 : i32
      %sign3A_238 = arith.extui %sign3A_237 : i1 to i32
      %sign3A_239 = arith.constant 0 : i32
      %sign3A_240 = arith.cmpi slt, %add3A_180, %sign3A_239 : i32
      %sign3A_241 = arith.extui %sign3A_240 : i1 to i32
      %sign3A_242 = arith.subi %sign3A_238, %sign3A_241 : i32
      %sign3A_243 = arith.constant 0 : i32
      %sign3A_244 = arith.cmpi sgt, %jit3A_234, %sign3A_243 : i32
      %sign3A_245 = arith.extui %sign3A_244 : i1 to i32
      %sign3A_246 = arith.constant 0 : i32
      %sign3A_247 = arith.cmpi slt, %jit3A_234, %sign3A_246 : i32
      %sign3A_248 = arith.extui %sign3A_247 : i1 to i32
      %sign3A_249 = arith.subi %sign3A_245, %sign3A_248 : i32
      %ne3A_250 = arith.cmpi ne, %sign3A_242, %sign3A_249 : i32
      %rem3A_251 = arith.remsi %add3A_180, %jit3A_234 : i32
      %ne3A_252 = arith.constant 0 : i32
      %ne3A_253 = arith.cmpi ne, %rem3A_251, %ne3A_252 : i32
      %and3A_254 = arith.andi %ne3A_250, %ne3A_253 : i1
      %sub3A_255 = arith.constant 1 : i32
      %sub3A_256 = arith.subi %div3A_235, %sub3A_255 : i32
      %select_n3A_257 = arith.select %and3A_254, %sub3A_256, %div3A_235 : i32
      %rem3A_258 = arith.constant 4 : i32
      %rem3A_259 = arith.remsi %add3A_180, %rem3A_258 : i32
      %mul3A_260 = arith.constant 16 : i32
      %mul3A_261 = arith.muli %select_n3A_257, %mul3A_260 : i32
      %add3A_262 = arith.addi %mul3A_2, %mul3A_261 : i32
      %scan3A_263 = arith.constant 0 : i32
      %scan3A_264 = arith.constant 0 : i32
      %scan3A_265 = arith.constant 16 : i32
      %scan3A_266 = arith.addi %scan3A_264, %scan3A_265 : i32
      %scan3A_267 = arith.constant 2 : i32
      %scan3A_268 = scf.for %scan3A_843 = %scan3A_264 to %scan3A_266 step %scan3A_267 iter_args(%scan3A_844 = %scan3A_263) -> (i32)  : i32 {
        %mul3A_845 = arith.constant 768 : i32
        %mul3A_846 = arith.muli %scan3A_843, %mul3A_845 : i32
        %add3A_847 = arith.addi %add3A_262, %scan3A_843 : i32
        %dma_start3A = arith.constant 1 : i32
        %dma_start3A_848 = tpu.memref_slice %arg8[%dma_start3A, %mul3A_846] : memref<4x12288xf32, #tpu.memory_space<vmem>> -> memref<1x768xf32, #tpu.memory_space<vmem>>
        %dma_start3A_849 = tpu.memref_squeeze %dma_start3A_848 : memref<1x768xf32, #tpu.memory_space<vmem>> -> memref<768xf32, #tpu.memory_space<vmem>>
        %dma_start3A_850 = arith.constant 0 : i32
        %dma_start3A_851 = tpu.memref_slice %arg5[%rem3A_259, %add3A_847, %dma_start3A_850] : memref<4x8192x768xf32, #tpu.memory_space<hbm>> -> memref<1x1x768xf32, #tpu.memory_space<hbm>>
        %dma_start3A_852 = tpu.memref_squeeze %dma_start3A_851 : memref<1x1x768xf32, #tpu.memory_space<hbm>> -> memref<768xf32, #tpu.memory_space<hbm>>
        %dma_start3A_853 = arith.constant 0 : i32
        %dma_start3A_854 = tpu.memref_slice %arg5[%rem3A_259, %add3A_847, %dma_start3A_853] : memref<4x8192x768xf32, #tpu.memory_space<hbm>> -> memref<1x1x768xf32, #tpu.memory_space<hbm>>
        %dma_start3A_855 = tpu.memref_squeeze %dma_start3A_854 : memref<1x1x768xf32, #tpu.memory_space<hbm>> -> memref<768xf32, #tpu.memory_space<hbm>>
        %dma_start3A_856 = tpu.memref_slice %arg8[%dma_start3A, %mul3A_846] : memref<4x12288xf32, #tpu.memory_space<vmem>> -> memref<1x768xf32, #tpu.memory_space<vmem>>
        %dma_start3A_857 = tpu.memref_squeeze %dma_start3A_856 : memref<1x768xf32, #tpu.memory_space<vmem>> -> memref<768xf32, #tpu.memory_space<vmem>>
        tpu.enqueue_dma source(%dma_start3A_857 : memref<768xf32, #tpu.memory_space<vmem>>) target(%dma_start3A_855 : memref<768xf32, #tpu.memory_space<hbm>>) target_semaphore(%arg16 : memref<!tpu.dma_semaphore, #tpu.memory_space<semaphore_mem>>)
        %scan3A_858 = arith.constant 0 : i32
        %scan3A_859 = arith.constant 1 : i32
        %scan3A_860 = arith.addi %scan3A_843, %scan3A_859 : i32
        %mul3A_861 = arith.constant 768 : i32
        %mul3A_862 = arith.muli %scan3A_860, %mul3A_861 : i32
        %add3A_863 = arith.addi %add3A_262, %scan3A_860 : i32
        %dma_start3A_864 = arith.constant 1 : i32
        %dma_start3A_865 = tpu.memref_slice %arg8[%dma_start3A_864, %mul3A_862] : memref<4x12288xf32, #tpu.memory_space<vmem>> -> memref<1x768xf32, #tpu.memory_space<vmem>>
        %dma_start3A_866 = tpu.memref_squeeze %dma_start3A_865 : memref<1x768xf32, #tpu.memory_space<vmem>> -> memref<768xf32, #tpu.memory_space<vmem>>
        %dma_start3A_867 = arith.constant 0 : i32
        %dma_start3A_868 = tpu.memref_slice %arg5[%rem3A_259, %add3A_863, %dma_start3A_867] : memref<4x8192x768xf32, #tpu.memory_space<hbm>> -> memref<1x1x768xf32, #tpu.memory_space<hbm>>
        %dma_start3A_869 = tpu.memref_squeeze %dma_start3A_868 : memref<1x1x768xf32, #tpu.memory_space<hbm>> -> memref<768xf32, #tpu.memory_space<hbm>>
        %dma_start3A_870 = arith.constant 0 : i32
        %dma_start3A_871 = tpu.memref_slice %arg5[%rem3A_259, %add3A_863, %dma_start3A_870] : memref<4x8192x768xf32, #tpu.memory_space<hbm>> -> memref<1x1x768xf32, #tpu.memory_space<hbm>>
        %dma_start3A_872 = tpu.memref_squeeze %dma_start3A_871 : memref<1x1x768xf32, #tpu.memory_space<hbm>> -> memref<768xf32, #tpu.memory_space<hbm>>
        %dma_start3A_873 = tpu.memref_slice %arg8[%dma_start3A_864, %mul3A_862] : memref<4x12288xf32, #tpu.memory_space<vmem>> -> memref<1x768xf32, #tpu.memory_space<vmem>>
        %dma_start3A_874 = tpu.memref_squeeze %dma_start3A_873 : memref<1x768xf32, #tpu.memory_space<vmem>> -> memref<768xf32, #tpu.memory_space<vmem>>
        tpu.enqueue_dma source(%dma_start3A_874 : memref<768xf32, #tpu.memory_space<vmem>>) target(%dma_start3A_872 : memref<768xf32, #tpu.memory_space<hbm>>) target_semaphore(%arg16 : memref<!tpu.dma_semaphore, #tpu.memory_space<semaphore_mem>>)
        %scan3A_875 = arith.constant 0 : i32
        scf.yield %scan3A_875 : i32
      }
      %scan3A_269 = arith.constant 16 : i32
      %mul3A_270 = arith.constant 8 : i32
      %mul3A_271 = arith.muli %mul3A_270, %scan3A_80 : i32
      %add3A_272 = arith.constant 2 : i32
      %add3A_273 = arith.addi %mul3A_271, %add3A_272 : i32
      %jit3A_274 = arith.constant 4 : i32
      %div3A_275 = arith.divsi %add3A_273, %jit3A_274 : i32
      %sign3A_276 = arith.constant 0 : i32
      %sign3A_277 = arith.cmpi sgt, %add3A_273, %sign3A_276 : i32
      %sign3A_278 = arith.extui %sign3A_277 : i1 to i32
      %sign3A_279 = arith.constant 0 : i32
      %sign3A_280 = arith.cmpi slt, %add3A_273, %sign3A_279 : i32
      %sign3A_281 = arith.extui %sign3A_280 : i1 to i32
      %sign3A_282 = arith.subi %sign3A_278, %sign3A_281 : i32
      %sign3A_283 = arith.constant 0 : i32
      %sign3A_284 = arith.cmpi sgt, %jit3A_274, %sign3A_283 : i32
      %sign3A_285 = arith.extui %sign3A_284 : i1 to i32
      %sign3A_286 = arith.constant 0 : i32
      %sign3A_287 = arith.cmpi slt, %jit3A_274, %sign3A_286 : i32
      %sign3A_288 = arith.extui %sign3A_287 : i1 to i32
      %sign3A_289 = arith.subi %sign3A_285, %sign3A_288 : i32
      %ne3A_290 = arith.cmpi ne, %sign3A_282, %sign3A_289 : i32
      %rem3A_291 = arith.remsi %add3A_273, %jit3A_274 : i32
      %ne3A_292 = arith.constant 0 : i32
      %ne3A_293 = arith.cmpi ne, %rem3A_291, %ne3A_292 : i32
      %and3A_294 = arith.andi %ne3A_290, %ne3A_293 : i1
      %sub3A_295 = arith.constant 1 : i32
      %sub3A_296 = arith.subi %div3A_275, %sub3A_295 : i32
      %select_n3A_297 = arith.select %and3A_294, %sub3A_296, %div3A_275 : i32
      %rem3A_298 = arith.constant 4 : i32
      %rem3A_299 = arith.remsi %add3A_273, %rem3A_298 : i32
      %add3A_300 = arith.constant 4 : i32
      %add3A_301 = arith.addi %add3A_273, %add3A_300 : i32
      %sub3A_302 = arith.constant 1 : i32
      %sub3A_303 = arith.subi %add3A_301, %sub3A_302 : i32
      %lt3A_304 = arith.constant 64 : i32
      %lt3A_305 = arith.cmpi slt, %sub3A_303, %lt3A_304 : i32
      %convert_element_type3A_306 = arith.extui %lt3A_305 : i1 to i32
      %cond3A_307 = arith.constant 0 : i32
      %cond3A_308 = arith.cmpi ne, %convert_element_type3A_306, %cond3A_307 : i32
      scf.if %cond3A_308 {
        %add3A_843 = arith.constant 4 : i32
        %add3A_844 = arith.addi %add3A_273, %add3A_843 : i32
        %sub3A_845 = arith.constant 1 : i32
        %sub3A_846 = arith.subi %add3A_844, %sub3A_845 : i32
        %jit3A_847 = arith.constant 4 : i32
        %div3A_848 = arith.divsi %sub3A_846, %jit3A_847 : i32
        %sign3A_849 = arith.constant 0 : i32
        %sign3A_850 = arith.cmpi sgt, %sub3A_846, %sign3A_849 : i32
        %sign3A_851 = arith.extui %sign3A_850 : i1 to i32
        %sign3A_852 = arith.constant 0 : i32
        %sign3A_853 = arith.cmpi slt, %sub3A_846, %sign3A_852 : i32
        %sign3A_854 = arith.extui %sign3A_853 : i1 to i32
        %sign3A_855 = arith.subi %sign3A_851, %sign3A_854 : i32
        %sign3A_856 = arith.constant 0 : i32
        %sign3A_857 = arith.cmpi sgt, %jit3A_847, %sign3A_856 : i32
        %sign3A_858 = arith.extui %sign3A_857 : i1 to i32
        %sign3A_859 = arith.constant 0 : i32
        %sign3A_860 = arith.cmpi slt, %jit3A_847, %sign3A_859 : i32
        %sign3A_861 = arith.extui %sign3A_860 : i1 to i32
        %sign3A_862 = arith.subi %sign3A_858, %sign3A_861 : i32
        %ne3A_863 = arith.cmpi ne, %sign3A_855, %sign3A_862 : i32
        %rem3A_864 = arith.remsi %sub3A_846, %jit3A_847 : i32
        %ne3A_865 = arith.constant 0 : i32
        %ne3A_866 = arith.cmpi ne, %rem3A_864, %ne3A_865 : i32
        %and3A_867 = arith.andi %ne3A_863, %ne3A_866 : i1
        %sub3A_868 = arith.constant 1 : i32
        %sub3A_869 = arith.subi %div3A_848, %sub3A_868 : i32
        %select_n3A_870 = arith.select %and3A_867, %sub3A_869, %div3A_848 : i32
        %rem3A_871 = arith.constant 4 : i32
        %rem3A_872 = arith.remsi %sub3A_846, %rem3A_871 : i32
        %mul3A_873 = arith.constant 16 : i32
        %mul3A_874 = arith.muli %select_n3A_870, %mul3A_873 : i32
        %add3A_875 = arith.addi %mul3A_2, %mul3A_874 : i32
        %scan3A_876 = arith.constant 0 : i32
        %scan3A_877 = arith.constant 0 : i32
        %scan3A_878 = arith.constant 16 : i32
        %scan3A_879 = arith.addi %scan3A_877, %scan3A_878 : i32
        %scan3A_880 = arith.constant 2 : i32
        %scan3A_881 = scf.for %scan3A_883 = %scan3A_877 to %scan3A_879 step %scan3A_880 iter_args(%scan3A_884 = %scan3A_876) -> (i32)  : i32 {
          %add3A_885 = arith.addi %add3A_875, %scan3A_883 : i32
          %mul3A_886 = arith.constant 768 : i32
          %mul3A_887 = arith.muli %scan3A_883, %mul3A_886 : i32
          %dma_start3A = arith.constant 1 : i32
          %dma_start3A_888 = tpu.memref_slice %arg6[%dma_start3A, %mul3A_887] : memref<4x12288xf32, #tpu.memory_space<vmem>> -> memref<1x768xf32, #tpu.memory_space<vmem>>
          %dma_start3A_889 = tpu.memref_squeeze %dma_start3A_888 : memref<1x768xf32, #tpu.memory_space<vmem>> -> memref<768xf32, #tpu.memory_space<vmem>>
          %dma_start3A_890 = arith.constant 0 : i32
          %dma_start3A_891 = tpu.memref_slice %arg2[%rem3A_872, %add3A_885, %dma_start3A_890] : memref<4x8192x768xf32, #tpu.memory_space<hbm>> -> memref<1x1x768xf32, #tpu.memory_space<hbm>>
          %dma_start3A_892 = tpu.memref_squeeze %dma_start3A_891 : memref<1x1x768xf32, #tpu.memory_space<hbm>> -> memref<768xf32, #tpu.memory_space<hbm>>
          %dma_start3A_893 = tpu.memref_slice %arg6[%dma_start3A, %mul3A_887] : memref<4x12288xf32, #tpu.memory_space<vmem>> -> memref<1x768xf32, #tpu.memory_space<vmem>>
          %dma_start3A_894 = tpu.memref_squeeze %dma_start3A_893 : memref<1x768xf32, #tpu.memory_space<vmem>> -> memref<768xf32, #tpu.memory_space<vmem>>
          %dma_start3A_895 = arith.constant 0 : i32
          %dma_start3A_896 = tpu.memref_slice %arg2[%rem3A_872, %add3A_885, %dma_start3A_895] : memref<4x8192x768xf32, #tpu.memory_space<hbm>> -> memref<1x1x768xf32, #tpu.memory_space<hbm>>
          %dma_start3A_897 = tpu.memref_squeeze %dma_start3A_896 : memref<1x1x768xf32, #tpu.memory_space<hbm>> -> memref<768xf32, #tpu.memory_space<hbm>>
          tpu.enqueue_dma source(%dma_start3A_897 : memref<768xf32, #tpu.memory_space<hbm>>) target(%dma_start3A_894 : memref<768xf32, #tpu.memory_space<vmem>>) target_semaphore(%arg10 : memref<!tpu.dma_semaphore, #tpu.memory_space<semaphore_mem>>)
          %scan3A_898 = arith.constant 0 : i32
          %scan3A_899 = arith.constant 1 : i32
          %scan3A_900 = arith.addi %scan3A_883, %scan3A_899 : i32
          %add3A_901 = arith.addi %add3A_875, %scan3A_900 : i32
          %mul3A_902 = arith.constant 768 : i32
          %mul3A_903 = arith.muli %scan3A_900, %mul3A_902 : i32
          %dma_start3A_904 = arith.constant 1 : i32
          %dma_start3A_905 = tpu.memref_slice %arg6[%dma_start3A_904, %mul3A_903] : memref<4x12288xf32, #tpu.memory_space<vmem>> -> memref<1x768xf32, #tpu.memory_space<vmem>>
          %dma_start3A_906 = tpu.memref_squeeze %dma_start3A_905 : memref<1x768xf32, #tpu.memory_space<vmem>> -> memref<768xf32, #tpu.memory_space<vmem>>
          %dma_start3A_907 = arith.constant 0 : i32
          %dma_start3A_908 = tpu.memref_slice %arg2[%rem3A_872, %add3A_901, %dma_start3A_907] : memref<4x8192x768xf32, #tpu.memory_space<hbm>> -> memref<1x1x768xf32, #tpu.memory_space<hbm>>
          %dma_start3A_909 = tpu.memref_squeeze %dma_start3A_908 : memref<1x1x768xf32, #tpu.memory_space<hbm>> -> memref<768xf32, #tpu.memory_space<hbm>>
          %dma_start3A_910 = tpu.memref_slice %arg6[%dma_start3A_904, %mul3A_903] : memref<4x12288xf32, #tpu.memory_space<vmem>> -> memref<1x768xf32, #tpu.memory_space<vmem>>
          %dma_start3A_911 = tpu.memref_squeeze %dma_start3A_910 : memref<1x768xf32, #tpu.memory_space<vmem>> -> memref<768xf32, #tpu.memory_space<vmem>>
          %dma_start3A_912 = arith.constant 0 : i32
          %dma_start3A_913 = tpu.memref_slice %arg2[%rem3A_872, %add3A_901, %dma_start3A_912] : memref<4x8192x768xf32, #tpu.memory_space<hbm>> -> memref<1x1x768xf32, #tpu.memory_space<hbm>>
          %dma_start3A_914 = tpu.memref_squeeze %dma_start3A_913 : memref<1x1x768xf32, #tpu.memory_space<hbm>> -> memref<768xf32, #tpu.memory_space<hbm>>
          tpu.enqueue_dma source(%dma_start3A_914 : memref<768xf32, #tpu.memory_space<hbm>>) target(%dma_start3A_911 : memref<768xf32, #tpu.memory_space<vmem>>) target_semaphore(%arg10 : memref<!tpu.dma_semaphore, #tpu.memory_space<semaphore_mem>>)
          %scan3A_915 = arith.constant 0 : i32
          scf.yield %scan3A_915 : i32
        }
        %scan3A_882 = arith.constant 16 : i32
      } else {
      }
      %dma_wait3A_309 = arith.constant 2 : i32
      %dma_wait3A_310 = arith.constant 0 : i32
      %dma_wait3A_311 = tpu.memref_slice %arg6[%dma_wait3A_309, %dma_wait3A_310] : memref<4x12288xf32, #tpu.memory_space<vmem>> -> memref<1x12288xf32, #tpu.memory_space<vmem>>
      %dma_wait3A_312 = tpu.memref_squeeze %dma_wait3A_311 : memref<1x12288xf32, #tpu.memory_space<vmem>> -> memref<12288xf32, #tpu.memory_space<vmem>>
      %dma_wait3A_313 = arith.constant 0 : i32
      %dma_wait3A_314 = tpu.memref_slice %arg6[%dma_wait3A_309, %dma_wait3A_313] : memref<4x12288xf32, #tpu.memory_space<vmem>> -> memref<1x12288xf32, #tpu.memory_space<vmem>>
      %dma_wait3A_315 = tpu.memref_squeeze %dma_wait3A_314 : memref<1x12288xf32, #tpu.memory_space<vmem>> -> memref<12288xf32, #tpu.memory_space<vmem>>
      tpu.wait_dma2 semaphore(%arg11 : memref<!tpu.dma_semaphore, #tpu.memory_space<semaphore_mem>>) src(%arg4 : memref<12288xf32, #tpu.memory_space<hbm>>) dst(%dma_wait3A_315 : memref<12288xf32, #tpu.memory_space<vmem>>)
      %ge3A_316 = arith.constant 4 : i32
      %ge3A_317 = arith.cmpi sge, %add3A_273, %ge3A_316 : i32
      %convert_element_type3A_318 = arith.extui %ge3A_317 : i1 to i32
      %cond3A_319 = arith.constant 0 : i32
      %cond3A_320 = arith.cmpi ne, %convert_element_type3A_318, %cond3A_319 : i32
      scf.if %cond3A_320 {
        %dma_wait3A_843 = arith.constant 2 : i32
        %dma_wait3A_844 = arith.constant 0 : i32
        %dma_wait3A_845 = tpu.memref_slice %arg8[%dma_wait3A_843, %dma_wait3A_844] : memref<4x12288xf32, #tpu.memory_space<vmem>> -> memref<1x12288xf32, #tpu.memory_space<vmem>>
        %dma_wait3A_846 = tpu.memref_squeeze %dma_wait3A_845 : memref<1x12288xf32, #tpu.memory_space<vmem>> -> memref<12288xf32, #tpu.memory_space<vmem>>
        %dma_wait3A_847 = arith.constant 0 : i32
        %dma_wait3A_848 = tpu.memref_slice %arg8[%dma_wait3A_843, %dma_wait3A_847] : memref<4x12288xf32, #tpu.memory_space<vmem>> -> memref<1x12288xf32, #tpu.memory_space<vmem>>
        %dma_wait3A_849 = tpu.memref_squeeze %dma_wait3A_848 : memref<1x12288xf32, #tpu.memory_space<vmem>> -> memref<12288xf32, #tpu.memory_space<vmem>>
        tpu.wait_dma2 semaphore(%arg17 : memref<!tpu.dma_semaphore, #tpu.memory_space<semaphore_mem>>) src(%dma_wait3A_849 : memref<12288xf32, #tpu.memory_space<vmem>>) dst(%arg4 : memref<12288xf32, #tpu.memory_space<hbm>>)
      } else {
      }
      %parallel_loop3A_321 = arith.constant 0 : i32
      %parallel_loop3A_322 = arith.constant 12288 : i32
      %parallel_loop3A_323 = arith.constant 16 : i32
      %parallel_loop3A_324 = arith.constant 2 : i32
      %parallel_loop3A_325 = arith.constant 0 : i32
      %parallel_loop3A_326 = arith.constant 2 : i32
      scf.for %parallel_loop3A_843 = %parallel_loop3A_321 to %parallel_loop3A_322 step %parallel_loop3A_323  : i32 {
        %parallel_loop3A_844 = arith.constant 0 : i32
        %parallel_loop3A_845 = tpu.memref_slice %arg6[%parallel_loop3A_324, %parallel_loop3A_844] : memref<4x12288xf32, #tpu.memory_space<vmem>> -> memref<1x12288xf32, #tpu.memory_space<vmem>>
        %parallel_loop3A_846 = tpu.memref_squeeze %parallel_loop3A_845 : memref<1x12288xf32, #tpu.memory_space<vmem>> -> memref<12288xf32, #tpu.memory_space<vmem>>
        %parallel_loop3A_847 = arith.index_cast %parallel_loop3A_843 : i32 to index
        %parallel_loop3A_848 = tpu.vector_load %parallel_loop3A_846[%parallel_loop3A_847] {strides = array<i32>} : memref<12288xf32, #tpu.memory_space<vmem>>, vector<16xf32>,
        %parallel_loop3A_849 = vector.shape_cast %parallel_loop3A_848 : vector<16xf32> to vector<16xf32>
        %parallel_loop3A_850 = arith.constant 0 : i32
        %parallel_loop3A_851 = tpu.memref_slice %arg7[%parallel_loop3A_325, %parallel_loop3A_850] : memref<2x12288xf32, #tpu.memory_space<vmem>> -> memref<1x12288xf32, #tpu.memory_space<vmem>>
        %parallel_loop3A_852 = tpu.memref_squeeze %parallel_loop3A_851 : memref<1x12288xf32, #tpu.memory_space<vmem>> -> memref<12288xf32, #tpu.memory_space<vmem>>
        %parallel_loop3A_853 = arith.index_cast %parallel_loop3A_843 : i32 to index
        %parallel_loop3A_854 = tpu.vector_load %parallel_loop3A_852[%parallel_loop3A_853] {strides = array<i32>} : memref<12288xf32, #tpu.memory_space<vmem>>, vector<16xf32>,
        %parallel_loop3A_855 = vector.shape_cast %parallel_loop3A_854 : vector<16xf32> to vector<16xf32>
        %parallel_loop3A_856 = arith.addf %parallel_loop3A_849, %parallel_loop3A_855 : vector<16xf32>
        %parallel_loop3A_857 = arith.constant 0 : i32
        %parallel_loop3A_858 = tpu.memref_slice %arg8[%parallel_loop3A_326, %parallel_loop3A_857] : memref<4x12288xf32, #tpu.memory_space<vmem>> -> memref<1x12288xf32, #tpu.memory_space<vmem>>
        %parallel_loop3A_859 = tpu.memref_squeeze %parallel_loop3A_858 : memref<1x12288xf32, #tpu.memory_space<vmem>> -> memref<12288xf32, #tpu.memory_space<vmem>>
        %parallel_loop3A_860 = arith.index_cast %parallel_loop3A_843 : i32 to index
        %parallel_loop3A_861 = tpu.vector_load %parallel_loop3A_859[%parallel_loop3A_860] {strides = array<i32>} : memref<12288xf32, #tpu.memory_space<vmem>>, vector<16xf32>,
        %parallel_loop3A_862 = vector.shape_cast %parallel_loop3A_861 : vector<16xf32> to vector<16xf32>
        %parallel_loop3A_863 = vector.shape_cast %parallel_loop3A_856 : vector<16xf32> to vector<16xf32>
        tpu.vector_store %parallel_loop3A_859[%parallel_loop3A_860], %parallel_loop3A_863 {strides = array<i32>} : memref<12288xf32, #tpu.memory_space<vmem>>, vector<16xf32>,
      } {sc.loop_unroll_factor = 8 : i64, sc.parallel_access}
      %jit3A_327 = arith.constant 4 : i32
      %div3A_328 = arith.divsi %add3A_273, %jit3A_327 : i32
      %sign3A_329 = arith.constant 0 : i32
      %sign3A_330 = arith.cmpi sgt, %add3A_273, %sign3A_329 : i32
      %sign3A_331 = arith.extui %sign3A_330 : i1 to i32
      %sign3A_332 = arith.constant 0 : i32
      %sign3A_333 = arith.cmpi slt, %add3A_273, %sign3A_332 : i32
      %sign3A_334 = arith.extui %sign3A_333 : i1 to i32
      %sign3A_335 = arith.subi %sign3A_331, %sign3A_334 : i32
      %sign3A_336 = arith.constant 0 : i32
      %sign3A_337 = arith.cmpi sgt, %jit3A_327, %sign3A_336 : i32
      %sign3A_338 = arith.extui %sign3A_337 : i1 to i32
      %sign3A_339 = arith.constant 0 : i32
      %sign3A_340 = arith.cmpi slt, %jit3A_327, %sign3A_339 : i32
      %sign3A_341 = arith.extui %sign3A_340 : i1 to i32
      %sign3A_342 = arith.subi %sign3A_338, %sign3A_341 : i32
      %ne3A_343 = arith.cmpi ne, %sign3A_335, %sign3A_342 : i32
      %rem3A_344 = arith.remsi %add3A_273, %jit3A_327 : i32
      %ne3A_345 = arith.constant 0 : i32
      %ne3A_346 = arith.cmpi ne, %rem3A_344, %ne3A_345 : i32
      %and3A_347 = arith.andi %ne3A_343, %ne3A_346 : i1
      %sub3A_348 = arith.constant 1 : i32
      %sub3A_349 = arith.subi %div3A_328, %sub3A_348 : i32
      %select_n3A_350 = arith.select %and3A_347, %sub3A_349, %div3A_328 : i32
      %rem3A_351 = arith.constant 4 : i32
      %rem3A_352 = arith.remsi %add3A_273, %rem3A_351 : i32
      %mul3A_353 = arith.constant 16 : i32
      %mul3A_354 = arith.muli %select_n3A_350, %mul3A_353 : i32
      %add3A_355 = arith.addi %mul3A_2, %mul3A_354 : i32
      %scan3A_356 = arith.constant 0 : i32
      %scan3A_357 = arith.constant 0 : i32
      %scan3A_358 = arith.constant 16 : i32
      %scan3A_359 = arith.addi %scan3A_357, %scan3A_358 : i32
      %scan3A_360 = arith.constant 2 : i32
      %scan3A_361 = scf.for %scan3A_843 = %scan3A_357 to %scan3A_359 step %scan3A_360 iter_args(%scan3A_844 = %scan3A_356) -> (i32)  : i32 {
        %mul3A_845 = arith.constant 768 : i32
        %mul3A_846 = arith.muli %scan3A_843, %mul3A_845 : i32
        %add3A_847 = arith.addi %add3A_355, %scan3A_843 : i32
        %dma_start3A = arith.constant 2 : i32
        %dma_start3A_848 = tpu.memref_slice %arg8[%dma_start3A, %mul3A_846] : memref<4x12288xf32, #tpu.memory_space<vmem>> -> memref<1x768xf32, #tpu.memory_space<vmem>>
        %dma_start3A_849 = tpu.memref_squeeze %dma_start3A_848 : memref<1x768xf32, #tpu.memory_space<vmem>> -> memref<768xf32, #tpu.memory_space<vmem>>
        %dma_start3A_850 = arith.constant 0 : i32
        %dma_start3A_851 = tpu.memref_slice %arg5[%rem3A_352, %add3A_847, %dma_start3A_850] : memref<4x8192x768xf32, #tpu.memory_space<hbm>> -> memref<1x1x768xf32, #tpu.memory_space<hbm>>
        %dma_start3A_852 = tpu.memref_squeeze %dma_start3A_851 : memref<1x1x768xf32, #tpu.memory_space<hbm>> -> memref<768xf32, #tpu.memory_space<hbm>>
        %dma_start3A_853 = arith.constant 0 : i32
        %dma_start3A_854 = tpu.memref_slice %arg5[%rem3A_352, %add3A_847, %dma_start3A_853] : memref<4x8192x768xf32, #tpu.memory_space<hbm>> -> memref<1x1x768xf32, #tpu.memory_space<hbm>>
        %dma_start3A_855 = tpu.memref_squeeze %dma_start3A_854 : memref<1x1x768xf32, #tpu.memory_space<hbm>> -> memref<768xf32, #tpu.memory_space<hbm>>
        %dma_start3A_856 = tpu.memref_slice %arg8[%dma_start3A, %mul3A_846] : memref<4x12288xf32, #tpu.memory_space<vmem>> -> memref<1x768xf32, #tpu.memory_space<vmem>>
        %dma_start3A_857 = tpu.memref_squeeze %dma_start3A_856 : memref<1x768xf32, #tpu.memory_space<vmem>> -> memref<768xf32, #tpu.memory_space<vmem>>
        tpu.enqueue_dma source(%dma_start3A_857 : memref<768xf32, #tpu.memory_space<vmem>>) target(%dma_start3A_855 : memref<768xf32, #tpu.memory_space<hbm>>) target_semaphore(%arg17 : memref<!tpu.dma_semaphore, #tpu.memory_space<semaphore_mem>>)
        %scan3A_858 = arith.constant 0 : i32
        %scan3A_859 = arith.constant 1 : i32
        %scan3A_860 = arith.addi %scan3A_843, %scan3A_859 : i32
        %mul3A_861 = arith.constant 768 : i32
        %mul3A_862 = arith.muli %scan3A_860, %mul3A_861 : i32
        %add3A_863 = arith.addi %add3A_355, %scan3A_860 : i32
        %dma_start3A_864 = arith.constant 2 : i32
        %dma_start3A_865 = tpu.memref_slice %arg8[%dma_start3A_864, %mul3A_862] : memref<4x12288xf32, #tpu.memory_space<vmem>> -> memref<1x768xf32, #tpu.memory_space<vmem>>
        %dma_start3A_866 = tpu.memref_squeeze %dma_start3A_865 : memref<1x768xf32, #tpu.memory_space<vmem>> -> memref<768xf32, #tpu.memory_space<vmem>>
        %dma_start3A_867 = arith.constant 0 : i32
        %dma_start3A_868 = tpu.memref_slice %arg5[%rem3A_352, %add3A_863, %dma_start3A_867] : memref<4x8192x768xf32, #tpu.memory_space<hbm>> -> memref<1x1x768xf32, #tpu.memory_space<hbm>>
        %dma_start3A_869 = tpu.memref_squeeze %dma_start3A_868 : memref<1x1x768xf32, #tpu.memory_space<hbm>> -> memref<768xf32, #tpu.memory_space<hbm>>
        %dma_start3A_870 = arith.constant 0 : i32
        %dma_start3A_871 = tpu.memref_slice %arg5[%rem3A_352, %add3A_863, %dma_start3A_870] : memref<4x8192x768xf32, #tpu.memory_space<hbm>> -> memref<1x1x768xf32, #tpu.memory_space<hbm>>
        %dma_start3A_872 = tpu.memref_squeeze %dma_start3A_871 : memref<1x1x768xf32, #tpu.memory_space<hbm>> -> memref<768xf32, #tpu.memory_space<hbm>>
        %dma_start3A_873 = tpu.memref_slice %arg8[%dma_start3A_864, %mul3A_862] : memref<4x12288xf32, #tpu.memory_space<vmem>> -> memref<1x768xf32, #tpu.memory_space<vmem>>
        %dma_start3A_874 = tpu.memref_squeeze %dma_start3A_873 : memref<1x768xf32, #tpu.memory_space<vmem>> -> memref<768xf32, #tpu.memory_space<vmem>>
        tpu.enqueue_dma source(%dma_start3A_874 : memref<768xf32, #tpu.memory_space<vmem>>) target(%dma_start3A_872 : memref<768xf32, #tpu.memory_space<hbm>>) target_semaphore(%arg17 : memref<!tpu.dma_semaphore, #tpu.memory_space<semaphore_mem>>)
        %scan3A_875 = arith.constant 0 : i32
        scf.yield %scan3A_875 : i32
      }
      %scan3A_362 = arith.constant 16 : i32
      %mul3A_363 = arith.constant 8 : i32
      %mul3A_364 = arith.muli %mul3A_363, %scan3A_80 : i32
      %add3A_365 = arith.constant 3 : i32
      %add3A_366 = arith.addi %mul3A_364, %add3A_365 : i32
      %jit3A_367 = arith.constant 4 : i32
      %div3A_368 = arith.divsi %add3A_366, %jit3A_367 : i32
      %sign3A_369 = arith.constant 0 : i32
      %sign3A_370 = arith.cmpi sgt, %add3A_366, %sign3A_369 : i32
      %sign3A_371 = arith.extui %sign3A_370 : i1 to i32
      %sign3A_372 = arith.constant 0 : i32
      %sign3A_373 = arith.cmpi slt, %add3A_366, %sign3A_372 : i32
      %sign3A_374 = arith.extui %sign3A_373 : i1 to i32
      %sign3A_375 = arith.subi %sign3A_371, %sign3A_374 : i32
      %sign3A_376 = arith.constant 0 : i32
      %sign3A_377 = arith.cmpi sgt, %jit3A_367, %sign3A_376 : i32
      %sign3A_378 = arith.extui %sign3A_377 : i1 to i32
      %sign3A_379 = arith.constant 0 : i32
      %sign3A_380 = arith.cmpi slt, %jit3A_367, %sign3A_379 : i32
      %sign3A_381 = arith.extui %sign3A_380 : i1 to i32
      %sign3A_382 = arith.subi %sign3A_378, %sign3A_381 : i32
      %ne3A_383 = arith.cmpi ne, %sign3A_375, %sign3A_382 : i32
      %rem3A_384 = arith.remsi %add3A_366, %jit3A_367 : i32
      %ne3A_385 = arith.constant 0 : i32
      %ne3A_386 = arith.cmpi ne, %rem3A_384, %ne3A_385 : i32
      %and3A_387 = arith.andi %ne3A_383, %ne3A_386 : i1
      %sub3A_388 = arith.constant 1 : i32
      %sub3A_389 = arith.subi %div3A_368, %sub3A_388 : i32
      %select_n3A_390 = arith.select %and3A_387, %sub3A_389, %div3A_368 : i32
      %rem3A_391 = arith.constant 4 : i32
      %rem3A_392 = arith.remsi %add3A_366, %rem3A_391 : i32
      %add3A_393 = arith.constant 4 : i32
      %add3A_394 = arith.addi %add3A_366, %add3A_393 : i32
      %sub3A_395 = arith.constant 1 : i32
      %sub3A_396 = arith.subi %add3A_394, %sub3A_395 : i32
      %lt3A_397 = arith.constant 64 : i32
      %lt3A_398 = arith.cmpi slt, %sub3A_396, %lt3A_397 : i32
      %convert_element_type3A_399 = arith.extui %lt3A_398 : i1 to i32
      %cond3A_400 = arith.constant 0 : i32
      %cond3A_401 = arith.cmpi ne, %convert_element_type3A_399, %cond3A_400 : i32
      scf.if %cond3A_401 {
        %add3A_843 = arith.constant 4 : i32
        %add3A_844 = arith.addi %add3A_366, %add3A_843 : i32
        %sub3A_845 = arith.constant 1 : i32
        %sub3A_846 = arith.subi %add3A_844, %sub3A_845 : i32
        %jit3A_847 = arith.constant 4 : i32
        %div3A_848 = arith.divsi %sub3A_846, %jit3A_847 : i32
        %sign3A_849 = arith.constant 0 : i32
        %sign3A_850 = arith.cmpi sgt, %sub3A_846, %sign3A_849 : i32
        %sign3A_851 = arith.extui %sign3A_850 : i1 to i32
        %sign3A_852 = arith.constant 0 : i32
        %sign3A_853 = arith.cmpi slt, %sub3A_846, %sign3A_852 : i32
        %sign3A_854 = arith.extui %sign3A_853 : i1 to i32
        %sign3A_855 = arith.subi %sign3A_851, %sign3A_854 : i32
        %sign3A_856 = arith.constant 0 : i32
        %sign3A_857 = arith.cmpi sgt, %jit3A_847, %sign3A_856 : i32
        %sign3A_858 = arith.extui %sign3A_857 : i1 to i32
        %sign3A_859 = arith.constant 0 : i32
        %sign3A_860 = arith.cmpi slt, %jit3A_847, %sign3A_859 : i32
        %sign3A_861 = arith.extui %sign3A_860 : i1 to i32
        %sign3A_862 = arith.subi %sign3A_858, %sign3A_861 : i32
        %ne3A_863 = arith.cmpi ne, %sign3A_855, %sign3A_862 : i32
        %rem3A_864 = arith.remsi %sub3A_846, %jit3A_847 : i32
        %ne3A_865 = arith.constant 0 : i32
        %ne3A_866 = arith.cmpi ne, %rem3A_864, %ne3A_865 : i32
        %and3A_867 = arith.andi %ne3A_863, %ne3A_866 : i1
        %sub3A_868 = arith.constant 1 : i32
        %sub3A_869 = arith.subi %div3A_848, %sub3A_868 : i32
        %select_n3A_870 = arith.select %and3A_867, %sub3A_869, %div3A_848 : i32
        %rem3A_871 = arith.constant 4 : i32
        %rem3A_872 = arith.remsi %sub3A_846, %rem3A_871 : i32
        %mul3A_873 = arith.constant 16 : i32
        %mul3A_874 = arith.muli %select_n3A_870, %mul3A_873 : i32
        %add3A_875 = arith.addi %mul3A_2, %mul3A_874 : i32
        %scan3A_876 = arith.constant 0 : i32
        %scan3A_877 = arith.constant 0 : i32
        %scan3A_878 = arith.constant 16 : i32
        %scan3A_879 = arith.addi %scan3A_877, %scan3A_878 : i32
        %scan3A_880 = arith.constant 2 : i32
        %scan3A_881 = scf.for %scan3A_883 = %scan3A_877 to %scan3A_879 step %scan3A_880 iter_args(%scan3A_884 = %scan3A_876) -> (i32)  : i32 {
          %add3A_885 = arith.addi %add3A_875, %scan3A_883 : i32
          %mul3A_886 = arith.constant 768 : i32
          %mul3A_887 = arith.muli %scan3A_883, %mul3A_886 : i32
          %dma_start3A = arith.constant 2 : i32
          %dma_start3A_888 = tpu.memref_slice %arg6[%dma_start3A, %mul3A_887] : memref<4x12288xf32, #tpu.memory_space<vmem>> -> memref<1x768xf32, #tpu.memory_space<vmem>>
          %dma_start3A_889 = tpu.memref_squeeze %dma_start3A_888 : memref<1x768xf32, #tpu.memory_space<vmem>> -> memref<768xf32, #tpu.memory_space<vmem>>
          %dma_start3A_890 = arith.constant 0 : i32
          %dma_start3A_891 = tpu.memref_slice %arg2[%rem3A_872, %add3A_885, %dma_start3A_890] : memref<4x8192x768xf32, #tpu.memory_space<hbm>> -> memref<1x1x768xf32, #tpu.memory_space<hbm>>
          %dma_start3A_892 = tpu.memref_squeeze %dma_start3A_891 : memref<1x1x768xf32, #tpu.memory_space<hbm>> -> memref<768xf32, #tpu.memory_space<hbm>>
          %dma_start3A_893 = tpu.memref_slice %arg6[%dma_start3A, %mul3A_887] : memref<4x12288xf32, #tpu.memory_space<vmem>> -> memref<1x768xf32, #tpu.memory_space<vmem>>
          %dma_start3A_894 = tpu.memref_squeeze %dma_start3A_893 : memref<1x768xf32, #tpu.memory_space<vmem>> -> memref<768xf32, #tpu.memory_space<vmem>>
          %dma_start3A_895 = arith.constant 0 : i32
          %dma_start3A_896 = tpu.memref_slice %arg2[%rem3A_872, %add3A_885, %dma_start3A_895] : memref<4x8192x768xf32, #tpu.memory_space<hbm>> -> memref<1x1x768xf32, #tpu.memory_space<hbm>>
          %dma_start3A_897 = tpu.memref_squeeze %dma_start3A_896 : memref<1x1x768xf32, #tpu.memory_space<hbm>> -> memref<768xf32, #tpu.memory_space<hbm>>
          tpu.enqueue_dma source(%dma_start3A_897 : memref<768xf32, #tpu.memory_space<hbm>>) target(%dma_start3A_894 : memref<768xf32, #tpu.memory_space<vmem>>) target_semaphore(%arg11 : memref<!tpu.dma_semaphore, #tpu.memory_space<semaphore_mem>>)
          %scan3A_898 = arith.constant 0 : i32
          %scan3A_899 = arith.constant 1 : i32
          %scan3A_900 = arith.addi %scan3A_883, %scan3A_899 : i32
          %add3A_901 = arith.addi %add3A_875, %scan3A_900 : i32
          %mul3A_902 = arith.constant 768 : i32
          %mul3A_903 = arith.muli %scan3A_900, %mul3A_902 : i32
          %dma_start3A_904 = arith.constant 2 : i32
          %dma_start3A_905 = tpu.memref_slice %arg6[%dma_start3A_904, %mul3A_903] : memref<4x12288xf32, #tpu.memory_space<vmem>> -> memref<1x768xf32, #tpu.memory_space<vmem>>
          %dma_start3A_906 = tpu.memref_squeeze %dma_start3A_905 : memref<1x768xf32, #tpu.memory_space<vmem>> -> memref<768xf32, #tpu.memory_space<vmem>>
          %dma_start3A_907 = arith.constant 0 : i32
          %dma_start3A_908 = tpu.memref_slice %arg2[%rem3A_872, %add3A_901, %dma_start3A_907] : memref<4x8192x768xf32, #tpu.memory_space<hbm>> -> memref<1x1x768xf32, #tpu.memory_space<hbm>>
          %dma_start3A_909 = tpu.memref_squeeze %dma_start3A_908 : memref<1x1x768xf32, #tpu.memory_space<hbm>> -> memref<768xf32, #tpu.memory_space<hbm>>
          %dma_start3A_910 = tpu.memref_slice %arg6[%dma_start3A_904, %mul3A_903] : memref<4x12288xf32, #tpu.memory_space<vmem>> -> memref<1x768xf32, #tpu.memory_space<vmem>>
          %dma_start3A_911 = tpu.memref_squeeze %dma_start3A_910 : memref<1x768xf32, #tpu.memory_space<vmem>> -> memref<768xf32, #tpu.memory_space<vmem>>
          %dma_start3A_912 = arith.constant 0 : i32
          %dma_start3A_913 = tpu.memref_slice %arg2[%rem3A_872, %add3A_901, %dma_start3A_912] : memref<4x8192x768xf32, #tpu.memory_space<hbm>> -> memref<1x1x768xf32, #tpu.memory_space<hbm>>
          %dma_start3A_914 = tpu.memref_squeeze %dma_start3A_913 : memref<1x1x768xf32, #tpu.memory_space<hbm>> -> memref<768xf32, #tpu.memory_space<hbm>>
          tpu.enqueue_dma source(%dma_start3A_914 : memref<768xf32, #tpu.memory_space<hbm>>) target(%dma_start3A_911 : memref<768xf32, #tpu.memory_space<vmem>>) target_semaphore(%arg11 : memref<!tpu.dma_semaphore, #tpu.memory_space<semaphore_mem>>)
          %scan3A_915 = arith.constant 0 : i32
          scf.yield %scan3A_915 : i32
        }
        %scan3A_882 = arith.constant 16 : i32
      } else {
      }
      %dma_wait3A_402 = arith.constant 3 : i32
      %dma_wait3A_403 = arith.constant 0 : i32
      %dma_wait3A_404 = tpu.memref_slice %arg6[%dma_wait3A_402, %dma_wait3A_403] : memref<4x12288xf32, #tpu.memory_space<vmem>> -> memref<1x12288xf32, #tpu.memory_space<vmem>>
      %dma_wait3A_405 = tpu.memref_squeeze %dma_wait3A_404 : memref<1x12288xf32, #tpu.memory_space<vmem>> -> memref<12288xf32, #tpu.memory_space<vmem>>
      %dma_wait3A_406 = arith.constant 0 : i32
      %dma_wait3A_407 = tpu.memref_slice %arg6[%dma_wait3A_402, %dma_wait3A_406] : memref<4x12288xf32, #tpu.memory_space<vmem>> -> memref<1x12288xf32, #tpu.memory_space<vmem>>
      %dma_wait3A_408 = tpu.memref_squeeze %dma_wait3A_407 : memref<1x12288xf32, #tpu.memory_space<vmem>> -> memref<12288xf32, #tpu.memory_space<vmem>>
      tpu.wait_dma2 semaphore(%arg12 : memref<!tpu.dma_semaphore, #tpu.memory_space<semaphore_mem>>) src(%arg4 : memref<12288xf32, #tpu.memory_space<hbm>>) dst(%dma_wait3A_408 : memref<12288xf32, #tpu.memory_space<vmem>>)
      %ge3A_409 = arith.constant 4 : i32
      %ge3A_410 = arith.cmpi sge, %add3A_366, %ge3A_409 : i32
      %convert_element_type3A_411 = arith.extui %ge3A_410 : i1 to i32
      %cond3A_412 = arith.constant 0 : i32
      %cond3A_413 = arith.cmpi ne, %convert_element_type3A_411, %cond3A_412 : i32
      scf.if %cond3A_413 {
        %dma_wait3A_843 = arith.constant 3 : i32
        %dma_wait3A_844 = arith.constant 0 : i32
        %dma_wait3A_845 = tpu.memref_slice %arg8[%dma_wait3A_843, %dma_wait3A_844] : memref<4x12288xf32, #tpu.memory_space<vmem>> -> memref<1x12288xf32, #tpu.memory_space<vmem>>
        %dma_wait3A_846 = tpu.memref_squeeze %dma_wait3A_845 : memref<1x12288xf32, #tpu.memory_space<vmem>> -> memref<12288xf32, #tpu.memory_space<vmem>>
        %dma_wait3A_847 = arith.constant 0 : i32
        %dma_wait3A_848 = tpu.memref_slice %arg8[%dma_wait3A_843, %dma_wait3A_847] : memref<4x12288xf32, #tpu.memory_space<vmem>> -> memref<1x12288xf32, #tpu.memory_space<vmem>>
        %dma_wait3A_849 = tpu.memref_squeeze %dma_wait3A_848 : memref<1x12288xf32, #tpu.memory_space<vmem>> -> memref<12288xf32, #tpu.memory_space<vmem>>
        tpu.wait_dma2 semaphore(%arg18 : memref<!tpu.dma_semaphore, #tpu.memory_space<semaphore_mem>>) src(%dma_wait3A_849 : memref<12288xf32, #tpu.memory_space<vmem>>) dst(%arg4 : memref<12288xf32, #tpu.memory_space<hbm>>)
      } else {
      }
      %parallel_loop3A_414 = arith.constant 0 : i32
      %parallel_loop3A_415 = arith.constant 12288 : i32
      %parallel_loop3A_416 = arith.constant 16 : i32
      %parallel_loop3A_417 = arith.constant 3 : i32
      %parallel_loop3A_418 = arith.constant 0 : i32
      %parallel_loop3A_419 = arith.constant 3 : i32
      scf.for %parallel_loop3A_843 = %parallel_loop3A_414 to %parallel_loop3A_415 step %parallel_loop3A_416  : i32 {
        %parallel_loop3A_844 = arith.constant 0 : i32
        %parallel_loop3A_845 = tpu.memref_slice %arg6[%parallel_loop3A_417, %parallel_loop3A_844] : memref<4x12288xf32, #tpu.memory_space<vmem>> -> memref<1x12288xf32, #tpu.memory_space<vmem>>
        %parallel_loop3A_846 = tpu.memref_squeeze %parallel_loop3A_845 : memref<1x12288xf32, #tpu.memory_space<vmem>> -> memref<12288xf32, #tpu.memory_space<vmem>>
        %parallel_loop3A_847 = arith.index_cast %parallel_loop3A_843 : i32 to index
        %parallel_loop3A_848 = tpu.vector_load %parallel_loop3A_846[%parallel_loop3A_847] {strides = array<i32>} : memref<12288xf32, #tpu.memory_space<vmem>>, vector<16xf32>,
        %parallel_loop3A_849 = vector.shape_cast %parallel_loop3A_848 : vector<16xf32> to vector<16xf32>
        %parallel_loop3A_850 = arith.constant 0 : i32
        %parallel_loop3A_851 = tpu.memref_slice %arg7[%parallel_loop3A_418, %parallel_loop3A_850] : memref<2x12288xf32, #tpu.memory_space<vmem>> -> memref<1x12288xf32, #tpu.memory_space<vmem>>
        %parallel_loop3A_852 = tpu.memref_squeeze %parallel_loop3A_851 : memref<1x12288xf32, #tpu.memory_space<vmem>> -> memref<12288xf32, #tpu.memory_space<vmem>>
        %parallel_loop3A_853 = arith.index_cast %parallel_loop3A_843 : i32 to index
        %parallel_loop3A_854 = tpu.vector_load %parallel_loop3A_852[%parallel_loop3A_853] {strides = array<i32>} : memref<12288xf32, #tpu.memory_space<vmem>>, vector<16xf32>,
        %parallel_loop3A_855 = vector.shape_cast %parallel_loop3A_854 : vector<16xf32> to vector<16xf32>
        %parallel_loop3A_856 = arith.addf %parallel_loop3A_849, %parallel_loop3A_855 : vector<16xf32>
        %parallel_loop3A_857 = arith.constant 0 : i32
        %parallel_loop3A_858 = tpu.memref_slice %arg8[%parallel_loop3A_419, %parallel_loop3A_857] : memref<4x12288xf32, #tpu.memory_space<vmem>> -> memref<1x12288xf32, #tpu.memory_space<vmem>>
        %parallel_loop3A_859 = tpu.memref_squeeze %parallel_loop3A_858 : memref<1x12288xf32, #tpu.memory_space<vmem>> -> memref<12288xf32, #tpu.memory_space<vmem>>
        %parallel_loop3A_860 = arith.index_cast %parallel_loop3A_843 : i32 to index
        %parallel_loop3A_861 = tpu.vector_load %parallel_loop3A_859[%parallel_loop3A_860] {strides = array<i32>} : memref<12288xf32, #tpu.memory_space<vmem>>, vector<16xf32>,
        %parallel_loop3A_862 = vector.shape_cast %parallel_loop3A_861 : vector<16xf32> to vector<16xf32>
        %parallel_loop3A_863 = vector.shape_cast %parallel_loop3A_856 : vector<16xf32> to vector<16xf32>
        tpu.vector_store %parallel_loop3A_859[%parallel_loop3A_860], %parallel_loop3A_863 {strides = array<i32>} : memref<12288xf32, #tpu.memory_space<vmem>>, vector<16xf32>,
      } {sc.loop_unroll_factor = 8 : i64, sc.parallel_access}
      %jit3A_420 = arith.constant 4 : i32
      %div3A_421 = arith.divsi %add3A_366, %jit3A_420 : i32
      %sign3A_422 = arith.constant 0 : i32
      %sign3A_423 = arith.cmpi sgt, %add3A_366, %sign3A_422 : i32
      %sign3A_424 = arith.extui %sign3A_423 : i1 to i32
      %sign3A_425 = arith.constant 0 : i32
      %sign3A_426 = arith.cmpi slt, %add3A_366, %sign3A_425 : i32
      %sign3A_427 = arith.extui %sign3A_426 : i1 to i32
      %sign3A_428 = arith.subi %sign3A_424, %sign3A_427 : i32
      %sign3A_429 = arith.constant 0 : i32
      %sign3A_430 = arith.cmpi sgt, %jit3A_420, %sign3A_429 : i32
      %sign3A_431 = arith.extui %sign3A_430 : i1 to i32
      %sign3A_432 = arith.constant 0 : i32
      %sign3A_433 = arith.cmpi slt, %jit3A_420, %sign3A_432 : i32
      %sign3A_434 = arith.extui %sign3A_433 : i1 to i32
      %sign3A_435 = arith.subi %sign3A_431, %sign3A_434 : i32
      %ne3A_436 = arith.cmpi ne, %sign3A_428, %sign3A_435 : i32
      %rem3A_437 = arith.remsi %add3A_366, %jit3A_420 : i32
      %ne3A_438 = arith.constant 0 : i32
      %ne3A_439 = arith.cmpi ne, %rem3A_437, %ne3A_438 : i32
      %and3A_440 = arith.andi %ne3A_436, %ne3A_439 : i1
      %sub3A_441 = arith.constant 1 : i32
      %sub3A_442 = arith.subi %div3A_421, %sub3A_441 : i32
      %select_n3A_443 = arith.select %and3A_440, %sub3A_442, %div3A_421 : i32
      %rem3A_444 = arith.constant 4 : i32
      %rem3A_445 = arith.remsi %add3A_366, %rem3A_444 : i32
      %mul3A_446 = arith.constant 16 : i32
      %mul3A_447 = arith.muli %select_n3A_443, %mul3A_446 : i32
      %add3A_448 = arith.addi %mul3A_2, %mul3A_447 : i32
      %scan3A_449 = arith.constant 0 : i32
      %scan3A_450 = arith.constant 0 : i32
      %scan3A_451 = arith.constant 16 : i32
      %scan3A_452 = arith.addi %scan3A_450, %scan3A_451 : i32
      %scan3A_453 = arith.constant 2 : i32
      %scan3A_454 = scf.for %scan3A_843 = %scan3A_450 to %scan3A_452 step %scan3A_453 iter_args(%scan3A_844 = %scan3A_449) -> (i32)  : i32 {
        %mul3A_845 = arith.constant 768 : i32
        %mul3A_846 = arith.muli %scan3A_843, %mul3A_845 : i32
        %add3A_847 = arith.addi %add3A_448, %scan3A_843 : i32
        %dma_start3A = arith.constant 3 : i32
        %dma_start3A_848 = tpu.memref_slice %arg8[%dma_start3A, %mul3A_846] : memref<4x12288xf32, #tpu.memory_space<vmem>> -> memref<1x768xf32, #tpu.memory_space<vmem>>
        %dma_start3A_849 = tpu.memref_squeeze %dma_start3A_848 : memref<1x768xf32, #tpu.memory_space<vmem>> -> memref<768xf32, #tpu.memory_space<vmem>>
        %dma_start3A_850 = arith.constant 0 : i32
        %dma_start3A_851 = tpu.memref_slice %arg5[%rem3A_445, %add3A_847, %dma_start3A_850] : memref<4x8192x768xf32, #tpu.memory_space<hbm>> -> memref<1x1x768xf32, #tpu.memory_space<hbm>>
        %dma_start3A_852 = tpu.memref_squeeze %dma_start3A_851 : memref<1x1x768xf32, #tpu.memory_space<hbm>> -> memref<768xf32, #tpu.memory_space<hbm>>
        %dma_start3A_853 = arith.constant 0 : i32
        %dma_start3A_854 = tpu.memref_slice %arg5[%rem3A_445, %add3A_847, %dma_start3A_853] : memref<4x8192x768xf32, #tpu.memory_space<hbm>> -> memref<1x1x768xf32, #tpu.memory_space<hbm>>
        %dma_start3A_855 = tpu.memref_squeeze %dma_start3A_854 : memref<1x1x768xf32, #tpu.memory_space<hbm>> -> memref<768xf32, #tpu.memory_space<hbm>>
        %dma_start3A_856 = tpu.memref_slice %arg8[%dma_start3A, %mul3A_846] : memref<4x12288xf32, #tpu.memory_space<vmem>> -> memref<1x768xf32, #tpu.memory_space<vmem>>
        %dma_start3A_857 = tpu.memref_squeeze %dma_start3A_856 : memref<1x768xf32, #tpu.memory_space<vmem>> -> memref<768xf32, #tpu.memory_space<vmem>>
        tpu.enqueue_dma source(%dma_start3A_857 : memref<768xf32, #tpu.memory_space<vmem>>) target(%dma_start3A_855 : memref<768xf32, #tpu.memory_space<hbm>>) target_semaphore(%arg18 : memref<!tpu.dma_semaphore, #tpu.memory_space<semaphore_mem>>)
        %scan3A_858 = arith.constant 0 : i32
        %scan3A_859 = arith.constant 1 : i32
        %scan3A_860 = arith.addi %scan3A_843, %scan3A_859 : i32
        %mul3A_861 = arith.constant 768 : i32
        %mul3A_862 = arith.muli %scan3A_860, %mul3A_861 : i32
        %add3A_863 = arith.addi %add3A_448, %scan3A_860 : i32
        %dma_start3A_864 = arith.constant 3 : i32
        %dma_start3A_865 = tpu.memref_slice %arg8[%dma_start3A_864, %mul3A_862] : memref<4x12288xf32, #tpu.memory_space<vmem>> -> memref<1x768xf32, #tpu.memory_space<vmem>>
        %dma_start3A_866 = tpu.memref_squeeze %dma_start3A_865 : memref<1x768xf32, #tpu.memory_space<vmem>> -> memref<768xf32, #tpu.memory_space<vmem>>
        %dma_start3A_867 = arith.constant 0 : i32
        %dma_start3A_868 = tpu.memref_slice %arg5[%rem3A_445, %add3A_863, %dma_start3A_867] : memref<4x8192x768xf32, #tpu.memory_space<hbm>> -> memref<1x1x768xf32, #tpu.memory_space<hbm>>
        %dma_start3A_869 = tpu.memref_squeeze %dma_start3A_868 : memref<1x1x768xf32, #tpu.memory_space<hbm>> -> memref<768xf32, #tpu.memory_space<hbm>>
        %dma_start3A_870 = arith.constant 0 : i32
        %dma_start3A_871 = tpu.memref_slice %arg5[%rem3A_445, %add3A_863, %dma_start3A_870] : memref<4x8192x768xf32, #tpu.memory_space<hbm>> -> memref<1x1x768xf32, #tpu.memory_space<hbm>>
        %dma_start3A_872 = tpu.memref_squeeze %dma_start3A_871 : memref<1x1x768xf32, #tpu.memory_space<hbm>> -> memref<768xf32, #tpu.memory_space<hbm>>
        %dma_start3A_873 = tpu.memref_slice %arg8[%dma_start3A_864, %mul3A_862] : memref<4x12288xf32, #tpu.memory_space<vmem>> -> memref<1x768xf32, #tpu.memory_space<vmem>>
        %dma_start3A_874 = tpu.memref_squeeze %dma_start3A_873 : memref<1x768xf32, #tpu.memory_space<vmem>> -> memref<768xf32, #tpu.memory_space<vmem>>
        tpu.enqueue_dma source(%dma_start3A_874 : memref<768xf32, #tpu.memory_space<vmem>>) target(%dma_start3A_872 : memref<768xf32, #tpu.memory_space<hbm>>) target_semaphore(%arg18 : memref<!tpu.dma_semaphore, #tpu.memory_space<semaphore_mem>>)
        %scan3A_875 = arith.constant 0 : i32
        scf.yield %scan3A_875 : i32
      }
      %scan3A_455 = arith.constant 16 : i32
      %mul3A_456 = arith.constant 8 : i32
      %mul3A_457 = arith.muli %mul3A_456, %scan3A_80 : i32
      %add3A_458 = arith.constant 4 : i32
      %add3A_459 = arith.addi %mul3A_457, %add3A_458 : i32
      %jit3A_460 = arith.constant 4 : i32
      %div3A_461 = arith.divsi %add3A_459, %jit3A_460 : i32
      %sign3A_462 = arith.constant 0 : i32
      %sign3A_463 = arith.cmpi sgt, %add3A_459, %sign3A_462 : i32
      %sign3A_464 = arith.extui %sign3A_463 : i1 to i32
      %sign3A_465 = arith.constant 0 : i32
      %sign3A_466 = arith.cmpi slt, %add3A_459, %sign3A_465 : i32
      %sign3A_467 = arith.extui %sign3A_466 : i1 to i32
      %sign3A_468 = arith.subi %sign3A_464, %sign3A_467 : i32
      %sign3A_469 = arith.constant 0 : i32
      %sign3A_470 = arith.cmpi sgt, %jit3A_460, %sign3A_469 : i32
      %sign3A_471 = arith.extui %sign3A_470 : i1 to i32
      %sign3A_472 = arith.constant 0 : i32
      %sign3A_473 = arith.cmpi slt, %jit3A_460, %sign3A_472 : i32
      %sign3A_474 = arith.extui %sign3A_473 : i1 to i32
      %sign3A_475 = arith.subi %sign3A_471, %sign3A_474 : i32
      %ne3A_476 = arith.cmpi ne, %sign3A_468, %sign3A_475 : i32
      %rem3A_477 = arith.remsi %add3A_459, %jit3A_460 : i32
      %ne3A_478 = arith.constant 0 : i32
      %ne3A_479 = arith.cmpi ne, %rem3A_477, %ne3A_478 : i32
      %and3A_480 = arith.andi %ne3A_476, %ne3A_479 : i1
      %sub3A_481 = arith.constant 1 : i32
      %sub3A_482 = arith.subi %div3A_461, %sub3A_481 : i32
      %select_n3A_483 = arith.select %and3A_480, %sub3A_482, %div3A_461 : i32
      %rem3A_484 = arith.constant 4 : i32
      %rem3A_485 = arith.remsi %add3A_459, %rem3A_484 : i32
      %add3A_486 = arith.constant 4 : i32
      %add3A_487 = arith.addi %add3A_459, %add3A_486 : i32
      %sub3A_488 = arith.constant 1 : i32
      %sub3A_489 = arith.subi %add3A_487, %sub3A_488 : i32
      %lt3A_490 = arith.constant 64 : i32
      %lt3A_491 = arith.cmpi slt, %sub3A_489, %lt3A_490 : i32
      %convert_element_type3A_492 = arith.extui %lt3A_491 : i1 to i32
      %cond3A_493 = arith.constant 0 : i32
      %cond3A_494 = arith.cmpi ne, %convert_element_type3A_492, %cond3A_493 : i32
      scf.if %cond3A_494 {
        %add3A_843 = arith.constant 4 : i32
        %add3A_844 = arith.addi %add3A_459, %add3A_843 : i32
        %sub3A_845 = arith.constant 1 : i32
        %sub3A_846 = arith.subi %add3A_844, %sub3A_845 : i32
        %jit3A_847 = arith.constant 4 : i32
        %div3A_848 = arith.divsi %sub3A_846, %jit3A_847 : i32
        %sign3A_849 = arith.constant 0 : i32
        %sign3A_850 = arith.cmpi sgt, %sub3A_846, %sign3A_849 : i32
        %sign3A_851 = arith.extui %sign3A_850 : i1 to i32
        %sign3A_852 = arith.constant 0 : i32
        %sign3A_853 = arith.cmpi slt, %sub3A_846, %sign3A_852 : i32
        %sign3A_854 = arith.extui %sign3A_853 : i1 to i32
        %sign3A_855 = arith.subi %sign3A_851, %sign3A_854 : i32
        %sign3A_856 = arith.constant 0 : i32
        %sign3A_857 = arith.cmpi sgt, %jit3A_847, %sign3A_856 : i32
        %sign3A_858 = arith.extui %sign3A_857 : i1 to i32
        %sign3A_859 = arith.constant 0 : i32
        %sign3A_860 = arith.cmpi slt, %jit3A_847, %sign3A_859 : i32
        %sign3A_861 = arith.extui %sign3A_860 : i1 to i32
        %sign3A_862 = arith.subi %sign3A_858, %sign3A_861 : i32
        %ne3A_863 = arith.cmpi ne, %sign3A_855, %sign3A_862 : i32
        %rem3A_864 = arith.remsi %sub3A_846, %jit3A_847 : i32
        %ne3A_865 = arith.constant 0 : i32
        %ne3A_866 = arith.cmpi ne, %rem3A_864, %ne3A_865 : i32
        %and3A_867 = arith.andi %ne3A_863, %ne3A_866 : i1
        %sub3A_868 = arith.constant 1 : i32
        %sub3A_869 = arith.subi %div3A_848, %sub3A_868 : i32
        %select_n3A_870 = arith.select %and3A_867, %sub3A_869, %div3A_848 : i32
        %rem3A_871 = arith.constant 4 : i32
        %rem3A_872 = arith.remsi %sub3A_846, %rem3A_871 : i32
        %mul3A_873 = arith.constant 16 : i32
        %mul3A_874 = arith.muli %select_n3A_870, %mul3A_873 : i32
        %add3A_875 = arith.addi %mul3A_2, %mul3A_874 : i32
        %scan3A_876 = arith.constant 0 : i32
        %scan3A_877 = arith.constant 0 : i32
        %scan3A_878 = arith.constant 16 : i32
        %scan3A_879 = arith.addi %scan3A_877, %scan3A_878 : i32
        %scan3A_880 = arith.constant 2 : i32
        %scan3A_881 = scf.for %scan3A_883 = %scan3A_877 to %scan3A_879 step %scan3A_880 iter_args(%scan3A_884 = %scan3A_876) -> (i32)  : i32 {
          %add3A_885 = arith.addi %add3A_875, %scan3A_883 : i32
          %mul3A_886 = arith.constant 768 : i32
          %mul3A_887 = arith.muli %scan3A_883, %mul3A_886 : i32
          %dma_start3A = arith.constant 3 : i32
          %dma_start3A_888 = tpu.memref_slice %arg6[%dma_start3A, %mul3A_887] : memref<4x12288xf32, #tpu.memory_space<vmem>> -> memref<1x768xf32, #tpu.memory_space<vmem>>
          %dma_start3A_889 = tpu.memref_squeeze %dma_start3A_888 : memref<1x768xf32, #tpu.memory_space<vmem>> -> memref<768xf32, #tpu.memory_space<vmem>>
          %dma_start3A_890 = arith.constant 0 : i32
          %dma_start3A_891 = tpu.memref_slice %arg2[%rem3A_872, %add3A_885, %dma_start3A_890] : memref<4x8192x768xf32, #tpu.memory_space<hbm>> -> memref<1x1x768xf32, #tpu.memory_space<hbm>>
          %dma_start3A_892 = tpu.memref_squeeze %dma_start3A_891 : memref<1x1x768xf32, #tpu.memory_space<hbm>> -> memref<768xf32, #tpu.memory_space<hbm>>
          %dma_start3A_893 = tpu.memref_slice %arg6[%dma_start3A, %mul3A_887] : memref<4x12288xf32, #tpu.memory_space<vmem>> -> memref<1x768xf32, #tpu.memory_space<vmem>>
          %dma_start3A_894 = tpu.memref_squeeze %dma_start3A_893 : memref<1x768xf32, #tpu.memory_space<vmem>> -> memref<768xf32, #tpu.memory_space<vmem>>
          %dma_start3A_895 = arith.constant 0 : i32
          %dma_start3A_896 = tpu.memref_slice %arg2[%rem3A_872, %add3A_885, %dma_start3A_895] : memref<4x8192x768xf32, #tpu.memory_space<hbm>> -> memref<1x1x768xf32, #tpu.memory_space<hbm>>
          %dma_start3A_897 = tpu.memref_squeeze %dma_start3A_896 : memref<1x1x768xf32, #tpu.memory_space<hbm>> -> memref<768xf32, #tpu.memory_space<hbm>>
          tpu.enqueue_dma source(%dma_start3A_897 : memref<768xf32, #tpu.memory_space<hbm>>) target(%dma_start3A_894 : memref<768xf32, #tpu.memory_space<vmem>>) target_semaphore(%arg12 : memref<!tpu.dma_semaphore, #tpu.memory_space<semaphore_mem>>)
          %scan3A_898 = arith.constant 0 : i32
          %scan3A_899 = arith.constant 1 : i32
          %scan3A_900 = arith.addi %scan3A_883, %scan3A_899 : i32
          %add3A_901 = arith.addi %add3A_875, %scan3A_900 : i32
          %mul3A_902 = arith.constant 768 : i32
          %mul3A_903 = arith.muli %scan3A_900, %mul3A_902 : i32
          %dma_start3A_904 = arith.constant 3 : i32
          %dma_start3A_905 = tpu.memref_slice %arg6[%dma_start3A_904, %mul3A_903] : memref<4x12288xf32, #tpu.memory_space<vmem>> -> memref<1x768xf32, #tpu.memory_space<vmem>>
          %dma_start3A_906 = tpu.memref_squeeze %dma_start3A_905 : memref<1x768xf32, #tpu.memory_space<vmem>> -> memref<768xf32, #tpu.memory_space<vmem>>
          %dma_start3A_907 = arith.constant 0 : i32
          %dma_start3A_908 = tpu.memref_slice %arg2[%rem3A_872, %add3A_901, %dma_start3A_907] : memref<4x8192x768xf32, #tpu.memory_space<hbm>> -> memref<1x1x768xf32, #tpu.memory_space<hbm>>
          %dma_start3A_909 = tpu.memref_squeeze %dma_start3A_908 : memref<1x1x768xf32, #tpu.memory_space<hbm>> -> memref<768xf32, #tpu.memory_space<hbm>>
          %dma_start3A_910 = tpu.memref_slice %arg6[%dma_start3A_904, %mul3A_903] : memref<4x12288xf32, #tpu.memory_space<vmem>> -> memref<1x768xf32, #tpu.memory_space<vmem>>
          %dma_start3A_911 = tpu.memref_squeeze %dma_start3A_910 : memref<1x768xf32, #tpu.memory_space<vmem>> -> memref<768xf32, #tpu.memory_space<vmem>>
          %dma_start3A_912 = arith.constant 0 : i32
          %dma_start3A_913 = tpu.memref_slice %arg2[%rem3A_872, %add3A_901, %dma_start3A_912] : memref<4x8192x768xf32, #tpu.memory_space<hbm>> -> memref<1x1x768xf32, #tpu.memory_space<hbm>>
          %dma_start3A_914 = tpu.memref_squeeze %dma_start3A_913 : memref<1x1x768xf32, #tpu.memory_space<hbm>> -> memref<768xf32, #tpu.memory_space<hbm>>
          tpu.enqueue_dma source(%dma_start3A_914 : memref<768xf32, #tpu.memory_space<hbm>>) target(%dma_start3A_911 : memref<768xf32, #tpu.memory_space<vmem>>) target_semaphore(%arg12 : memref<!tpu.dma_semaphore, #tpu.memory_space<semaphore_mem>>)
          %scan3A_915 = arith.constant 0 : i32
          scf.yield %scan3A_915 : i32
        }
        %scan3A_882 = arith.constant 16 : i32
      } else {
      }
      %dma_wait3A_495 = arith.constant 1 : i32
      %dma_wait3A_496 = arith.constant 0 : i32
      %dma_wait3A_497 = tpu.memref_slice %arg7[%dma_wait3A_495, %dma_wait3A_496] : memref<2x12288xf32, #tpu.memory_space<vmem>> -> memref<1x12288xf32, #tpu.memory_space<vmem>>
      %dma_wait3A_498 = tpu.memref_squeeze %dma_wait3A_497 : memref<1x12288xf32, #tpu.memory_space<vmem>> -> memref<12288xf32, #tpu.memory_space<vmem>>
      %dma_wait3A_499 = arith.constant 0 : i32
      %dma_wait3A_500 = tpu.memref_slice %arg7[%dma_wait3A_495, %dma_wait3A_499] : memref<2x12288xf32, #tpu.memory_space<vmem>> -> memref<1x12288xf32, #tpu.memory_space<vmem>>
      %dma_wait3A_501 = tpu.memref_squeeze %dma_wait3A_500 : memref<1x12288xf32, #tpu.memory_space<vmem>> -> memref<12288xf32, #tpu.memory_space<vmem>>
      tpu.wait_dma2 semaphore(%arg14 : memref<!tpu.dma_semaphore, #tpu.memory_space<semaphore_mem>>) src(%arg4 : memref<12288xf32, #tpu.memory_space<hbm>>) dst(%dma_wait3A_501 : memref<12288xf32, #tpu.memory_space<vmem>>)
      %add3A_502 = arith.constant 1 : i32
      %add3A_503 = arith.addi %select_n3A_483, %add3A_502 : i32
      %lt3A_504 = arith.constant 16 : i32
      %lt3A_505 = arith.cmpi slt, %add3A_503, %lt3A_504 : i32
      %convert_element_type3A_506 = arith.extui %lt3A_505 : i1 to i32
      %cond3A_507 = arith.constant 0 : i32
      %cond3A_508 = arith.cmpi ne, %convert_element_type3A_506, %cond3A_507 : i32
      scf.if %cond3A_508 {
        %add3A_843 = arith.constant 1 : i32
        %add3A_844 = arith.addi %select_n3A_483, %add3A_843 : i32
        %mul3A_845 = arith.constant 16 : i32
        %mul3A_846 = arith.muli %add3A_844, %mul3A_845 : i32
        %add3A_847 = arith.addi %mul3A_2, %mul3A_846 : i32
        %scan3A_848 = arith.constant 0 : i32
        %scan3A_849 = arith.constant 0 : i32
        %scan3A_850 = arith.constant 16 : i32
        %scan3A_851 = arith.addi %scan3A_849, %scan3A_850 : i32
        %scan3A_852 = arith.constant 2 : i32
        %scan3A_853 = scf.for %scan3A_855 = %scan3A_849 to %scan3A_851 step %scan3A_852 iter_args(%scan3A_856 = %scan3A_848) -> (i32)  : i32 {
          %add3A_857 = arith.addi %add3A_847, %scan3A_855 : i32
          %mul3A_858 = arith.constant 768 : i32
          %mul3A_859 = arith.muli %scan3A_855, %mul3A_858 : i32
          %dma_start3A = arith.constant 0 : i32
          %dma_start3A_860 = tpu.memref_slice %arg7[%dma_start3A, %mul3A_859] : memref<2x12288xf32, #tpu.memory_space<vmem>> -> memref<1x768xf32, #tpu.memory_space<vmem>>
          %dma_start3A_861 = tpu.memref_squeeze %dma_start3A_860 : memref<1x768xf32, #tpu.memory_space<vmem>> -> memref<768xf32, #tpu.memory_space<vmem>>
          %dma_start3A_862 = arith.constant 0 : i32
          %dma_start3A_863 = tpu.memref_slice %arg3[%add3A_857, %dma_start3A_862] : memref<8192x768xf32, #tpu.memory_space<hbm>> -> memref<1x768xf32, #tpu.memory_space<hbm>>
          %dma_start3A_864 = tpu.memref_squeeze %dma_start3A_863 : memref<1x768xf32, #tpu.memory_space<hbm>> -> memref<768xf32, #tpu.memory_space<hbm>>
          %dma_start3A_865 = tpu.memref_slice %arg7[%dma_start3A, %mul3A_859] : memref<2x12288xf32, #tpu.memory_space<vmem>> -> memref<1x768xf32, #tpu.memory_space<vmem>>
          %dma_start3A_866 = tpu.memref_squeeze %dma_start3A_865 : memref<1x768xf32, #tpu.memory_space<vmem>> -> memref<768xf32, #tpu.memory_space<vmem>>
          %dma_start3A_867 = arith.constant 0 : i32
          %dma_start3A_868 = tpu.memref_slice %arg3[%add3A_857, %dma_start3A_867] : memref<8192x768xf32, #tpu.memory_space<hbm>> -> memref<1x768xf32, #tpu.memory_space<hbm>>
          %dma_start3A_869 = tpu.memref_squeeze %dma_start3A_868 : memref<1x768xf32, #tpu.memory_space<hbm>> -> memref<768xf32, #tpu.memory_space<hbm>>
          tpu.enqueue_dma source(%dma_start3A_869 : memref<768xf32, #tpu.memory_space<hbm>>) target(%dma_start3A_866 : memref<768xf32, #tpu.memory_space<vmem>>) target_semaphore(%arg13 : memref<!tpu.dma_semaphore, #tpu.memory_space<semaphore_mem>>)
          %scan3A_870 = arith.constant 0 : i32
          %scan3A_871 = arith.constant 1 : i32
          %scan3A_872 = arith.addi %scan3A_855, %scan3A_871 : i32
          %add3A_873 = arith.addi %add3A_847, %scan3A_872 : i32
          %mul3A_874 = arith.constant 768 : i32
          %mul3A_875 = arith.muli %scan3A_872, %mul3A_874 : i32
          %dma_start3A_876 = arith.constant 0 : i32
          %dma_start3A_877 = tpu.memref_slice %arg7[%dma_start3A_876, %mul3A_875] : memref<2x12288xf32, #tpu.memory_space<vmem>> -> memref<1x768xf32, #tpu.memory_space<vmem>>
          %dma_start3A_878 = tpu.memref_squeeze %dma_start3A_877 : memref<1x768xf32, #tpu.memory_space<vmem>> -> memref<768xf32, #tpu.memory_space<vmem>>
          %dma_start3A_879 = arith.constant 0 : i32
          %dma_start3A_880 = tpu.memref_slice %arg3[%add3A_873, %dma_start3A_879] : memref<8192x768xf32, #tpu.memory_space<hbm>> -> memref<1x768xf32, #tpu.memory_space<hbm>>
          %dma_start3A_881 = tpu.memref_squeeze %dma_start3A_880 : memref<1x768xf32, #tpu.memory_space<hbm>> -> memref<768xf32, #tpu.memory_space<hbm>>
          %dma_start3A_882 = tpu.memref_slice %arg7[%dma_start3A_876, %mul3A_875] : memref<2x12288xf32, #tpu.memory_space<vmem>> -> memref<1x768xf32, #tpu.memory_space<vmem>>
          %dma_start3A_883 = tpu.memref_squeeze %dma_start3A_882 : memref<1x768xf32, #tpu.memory_space<vmem>> -> memref<768xf32, #tpu.memory_space<vmem>>
          %dma_start3A_884 = arith.constant 0 : i32
          %dma_start3A_885 = tpu.memref_slice %arg3[%add3A_873, %dma_start3A_884] : memref<8192x768xf32, #tpu.memory_space<hbm>> -> memref<1x768xf32, #tpu.memory_space<hbm>>
          %dma_start3A_886 = tpu.memref_squeeze %dma_start3A_885 : memref<1x768xf32, #tpu.memory_space<hbm>> -> memref<768xf32, #tpu.memory_space<hbm>>
          tpu.enqueue_dma source(%dma_start3A_886 : memref<768xf32, #tpu.memory_space<hbm>>) target(%dma_start3A_883 : memref<768xf32, #tpu.memory_space<vmem>>) target_semaphore(%arg13 : memref<!tpu.dma_semaphore, #tpu.memory_space<semaphore_mem>>)
          %scan3A_887 = arith.constant 0 : i32
          scf.yield %scan3A_887 : i32
        }
        %scan3A_854 = arith.constant 16 : i32
      } else {
      }
      %dma_wait3A_509 = arith.constant 0 : i32
      %dma_wait3A_510 = arith.constant 0 : i32
      %dma_wait3A_511 = tpu.memref_slice %arg6[%dma_wait3A_509, %dma_wait3A_510] : memref<4x12288xf32, #tpu.memory_space<vmem>> -> memref<1x12288xf32, #tpu.memory_space<vmem>>
      %dma_wait3A_512 = tpu.memref_squeeze %dma_wait3A_511 : memref<1x12288xf32, #tpu.memory_space<vmem>> -> memref<12288xf32, #tpu.memory_space<vmem>>
      %dma_wait3A_513 = arith.constant 0 : i32
      %dma_wait3A_514 = tpu.memref_slice %arg6[%dma_wait3A_509, %dma_wait3A_513] : memref<4x12288xf32, #tpu.memory_space<vmem>> -> memref<1x12288xf32, #tpu.memory_space<vmem>>
      %dma_wait3A_515 = tpu.memref_squeeze %dma_wait3A_514 : memref<1x12288xf32, #tpu.memory_space<vmem>> -> memref<12288xf32, #tpu.memory_space<vmem>>
      tpu.wait_dma2 semaphore(%arg9 : memref<!tpu.dma_semaphore, #tpu.memory_space<semaphore_mem>>) src(%arg4 : memref<12288xf32, #tpu.memory_space<hbm>>) dst(%dma_wait3A_515 : memref<12288xf32, #tpu.memory_space<vmem>>)
      %ge3A_516 = arith.constant 4 : i32
      %ge3A_517 = arith.cmpi sge, %add3A_459, %ge3A_516 : i32
      %convert_element_type3A_518 = arith.extui %ge3A_517 : i1 to i32
      %cond3A_519 = arith.constant 0 : i32
      %cond3A_520 = arith.cmpi ne, %convert_element_type3A_518, %cond3A_519 : i32
      scf.if %cond3A_520 {
        %dma_wait3A_843 = arith.constant 0 : i32
        %dma_wait3A_844 = arith.constant 0 : i32
        %dma_wait3A_845 = tpu.memref_slice %arg8[%dma_wait3A_843, %dma_wait3A_844] : memref<4x12288xf32, #tpu.memory_space<vmem>> -> memref<1x12288xf32, #tpu.memory_space<vmem>>
        %dma_wait3A_846 = tpu.memref_squeeze %dma_wait3A_845 : memref<1x12288xf32, #tpu.memory_space<vmem>> -> memref<12288xf32, #tpu.memory_space<vmem>>
        %dma_wait3A_847 = arith.constant 0 : i32
        %dma_wait3A_848 = tpu.memref_slice %arg8[%dma_wait3A_843, %dma_wait3A_847] : memref<4x12288xf32, #tpu.memory_space<vmem>> -> memref<1x12288xf32, #tpu.memory_space<vmem>>
        %dma_wait3A_849 = tpu.memref_squeeze %dma_wait3A_848 : memref<1x12288xf32, #tpu.memory_space<vmem>> -> memref<12288xf32, #tpu.memory_space<vmem>>
        tpu.wait_dma2 semaphore(%arg15 : memref<!tpu.dma_semaphore, #tpu.memory_space<semaphore_mem>>) src(%dma_wait3A_849 : memref<12288xf32, #tpu.memory_space<vmem>>) dst(%arg4 : memref<12288xf32, #tpu.memory_space<hbm>>)
      } else {
      }
      %parallel_loop3A_521 = arith.constant 0 : i32
      %parallel_loop3A_522 = arith.constant 12288 : i32
      %parallel_loop3A_523 = arith.constant 16 : i32
      %parallel_loop3A_524 = arith.constant 0 : i32
      %parallel_loop3A_525 = arith.constant 1 : i32
      %parallel_loop3A_526 = arith.constant 0 : i32
      scf.for %parallel_loop3A_843 = %parallel_loop3A_521 to %parallel_loop3A_522 step %parallel_loop3A_523  : i32 {
        %parallel_loop3A_844 = arith.constant 0 : i32
        %parallel_loop3A_845 = tpu.memref_slice %arg6[%parallel_loop3A_524, %parallel_loop3A_844] : memref<4x12288xf32, #tpu.memory_space<vmem>> -> memref<1x12288xf32, #tpu.memory_space<vmem>>
        %parallel_loop3A_846 = tpu.memref_squeeze %parallel_loop3A_845 : memref<1x12288xf32, #tpu.memory_space<vmem>> -> memref<12288xf32, #tpu.memory_space<vmem>>
        %parallel_loop3A_847 = arith.index_cast %parallel_loop3A_843 : i32 to index
        %parallel_loop3A_848 = tpu.vector_load %parallel_loop3A_846[%parallel_loop3A_847] {strides = array<i32>} : memref<12288xf32, #tpu.memory_space<vmem>>, vector<16xf32>,
        %parallel_loop3A_849 = vector.shape_cast %parallel_loop3A_848 : vector<16xf32> to vector<16xf32>
        %parallel_loop3A_850 = arith.constant 0 : i32
        %parallel_loop3A_851 = tpu.memref_slice %arg7[%parallel_loop3A_525, %parallel_loop3A_850] : memref<2x12288xf32, #tpu.memory_space<vmem>> -> memref<1x12288xf32, #tpu.memory_space<vmem>>
        %parallel_loop3A_852 = tpu.memref_squeeze %parallel_loop3A_851 : memref<1x12288xf32, #tpu.memory_space<vmem>> -> memref<12288xf32, #tpu.memory_space<vmem>>
        %parallel_loop3A_853 = arith.index_cast %parallel_loop3A_843 : i32 to index
        %parallel_loop3A_854 = tpu.vector_load %parallel_loop3A_852[%parallel_loop3A_853] {strides = array<i32>} : memref<12288xf32, #tpu.memory_space<vmem>>, vector<16xf32>,
        %parallel_loop3A_855 = vector.shape_cast %parallel_loop3A_854 : vector<16xf32> to vector<16xf32>
        %parallel_loop3A_856 = arith.addf %parallel_loop3A_849, %parallel_loop3A_855 : vector<16xf32>
        %parallel_loop3A_857 = arith.constant 0 : i32
        %parallel_loop3A_858 = tpu.memref_slice %arg8[%parallel_loop3A_526, %parallel_loop3A_857] : memref<4x12288xf32, #tpu.memory_space<vmem>> -> memref<1x12288xf32, #tpu.memory_space<vmem>>
        %parallel_loop3A_859 = tpu.memref_squeeze %parallel_loop3A_858 : memref<1x12288xf32, #tpu.memory_space<vmem>> -> memref<12288xf32, #tpu.memory_space<vmem>>
        %parallel_loop3A_860 = arith.index_cast %parallel_loop3A_843 : i32 to index
        %parallel_loop3A_861 = tpu.vector_load %parallel_loop3A_859[%parallel_loop3A_860] {strides = array<i32>} : memref<12288xf32, #tpu.memory_space<vmem>>, vector<16xf32>,
        %parallel_loop3A_862 = vector.shape_cast %parallel_loop3A_861 : vector<16xf32> to vector<16xf32>
        %parallel_loop3A_863 = vector.shape_cast %parallel_loop3A_856 : vector<16xf32> to vector<16xf32>
        tpu.vector_store %parallel_loop3A_859[%parallel_loop3A_860], %parallel_loop3A_863 {strides = array<i32>} : memref<12288xf32, #tpu.memory_space<vmem>>, vector<16xf32>,
      } {sc.loop_unroll_factor = 8 : i64, sc.parallel_access}
      %jit3A_527 = arith.constant 4 : i32
      %div3A_528 = arith.divsi %add3A_459, %jit3A_527 : i32
      %sign3A_529 = arith.constant 0 : i32
      %sign3A_530 = arith.cmpi sgt, %add3A_459, %sign3A_529 : i32
      %sign3A_531 = arith.extui %sign3A_530 : i1 to i32
      %sign3A_532 = arith.constant 0 : i32
      %sign3A_533 = arith.cmpi slt, %add3A_459, %sign3A_532 : i32
      %sign3A_534 = arith.extui %sign3A_533 : i1 to i32
      %sign3A_535 = arith.subi %sign3A_531, %sign3A_534 : i32
      %sign3A_536 = arith.constant 0 : i32
      %sign3A_537 = arith.cmpi sgt, %jit3A_527, %sign3A_536 : i32
      %sign3A_538 = arith.extui %sign3A_537 : i1 to i32
      %sign3A_539 = arith.constant 0 : i32
      %sign3A_540 = arith.cmpi slt, %jit3A_527, %sign3A_539 : i32
      %sign3A_541 = arith.extui %sign3A_540 : i1 to i32
      %sign3A_542 = arith.subi %sign3A_538, %sign3A_541 : i32
      %ne3A_543 = arith.cmpi ne, %sign3A_535, %sign3A_542 : i32
      %rem3A_544 = arith.remsi %add3A_459, %jit3A_527 : i32
      %ne3A_545 = arith.constant 0 : i32
      %ne3A_546 = arith.cmpi ne, %rem3A_544, %ne3A_545 : i32
      %and3A_547 = arith.andi %ne3A_543, %ne3A_546 : i1
      %sub3A_548 = arith.constant 1 : i32
      %sub3A_549 = arith.subi %div3A_528, %sub3A_548 : i32
      %select_n3A_550 = arith.select %and3A_547, %sub3A_549, %div3A_528 : i32
      %rem3A_551 = arith.constant 4 : i32
      %rem3A_552 = arith.remsi %add3A_459, %rem3A_551 : i32
      %mul3A_553 = arith.constant 16 : i32
      %mul3A_554 = arith.muli %select_n3A_550, %mul3A_553 : i32
      %add3A_555 = arith.addi %mul3A_2, %mul3A_554 : i32
      %scan3A_556 = arith.constant 0 : i32
      %scan3A_557 = arith.constant 0 : i32
      %scan3A_558 = arith.constant 16 : i32
      %scan3A_559 = arith.addi %scan3A_557, %scan3A_558 : i32
      %scan3A_560 = arith.constant 2 : i32
      %scan3A_561 = scf.for %scan3A_843 = %scan3A_557 to %scan3A_559 step %scan3A_560 iter_args(%scan3A_844 = %scan3A_556) -> (i32)  : i32 {
        %mul3A_845 = arith.constant 768 : i32
        %mul3A_846 = arith.muli %scan3A_843, %mul3A_845 : i32
        %add3A_847 = arith.addi %add3A_555, %scan3A_843 : i32
        %dma_start3A = arith.constant 0 : i32
        %dma_start3A_848 = tpu.memref_slice %arg8[%dma_start3A, %mul3A_846] : memref<4x12288xf32, #tpu.memory_space<vmem>> -> memref<1x768xf32, #tpu.memory_space<vmem>>
        %dma_start3A_849 = tpu.memref_squeeze %dma_start3A_848 : memref<1x768xf32, #tpu.memory_space<vmem>> -> memref<768xf32, #tpu.memory_space<vmem>>
        %dma_start3A_850 = arith.constant 0 : i32
        %dma_start3A_851 = tpu.memref_slice %arg5[%rem3A_552, %add3A_847, %dma_start3A_850] : memref<4x8192x768xf32, #tpu.memory_space<hbm>> -> memref<1x1x768xf32, #tpu.memory_space<hbm>>
        %dma_start3A_852 = tpu.memref_squeeze %dma_start3A_851 : memref<1x1x768xf32, #tpu.memory_space<hbm>> -> memref<768xf32, #tpu.memory_space<hbm>>
        %dma_start3A_853 = arith.constant 0 : i32
        %dma_start3A_854 = tpu.memref_slice %arg5[%rem3A_552, %add3A_847, %dma_start3A_853] : memref<4x8192x768xf32, #tpu.memory_space<hbm>> -> memref<1x1x768xf32, #tpu.memory_space<hbm>>
        %dma_start3A_855 = tpu.memref_squeeze %dma_start3A_854 : memref<1x1x768xf32, #tpu.memory_space<hbm>> -> memref<768xf32, #tpu.memory_space<hbm>>
        %dma_start3A_856 = tpu.memref_slice %arg8[%dma_start3A, %mul3A_846] : memref<4x12288xf32, #tpu.memory_space<vmem>> -> memref<1x768xf32, #tpu.memory_space<vmem>>
        %dma_start3A_857 = tpu.memref_squeeze %dma_start3A_856 : memref<1x768xf32, #tpu.memory_space<vmem>> -> memref<768xf32, #tpu.memory_space<vmem>>
        tpu.enqueue_dma source(%dma_start3A_857 : memref<768xf32, #tpu.memory_space<vmem>>) target(%dma_start3A_855 : memref<768xf32, #tpu.memory_space<hbm>>) target_semaphore(%arg15 : memref<!tpu.dma_semaphore, #tpu.memory_space<semaphore_mem>>)
        %scan3A_858 = arith.constant 0 : i32
        %scan3A_859 = arith.constant 1 : i32
        %scan3A_860 = arith.addi %scan3A_843, %scan3A_859 : i32
        %mul3A_861 = arith.constant 768 : i32
        %mul3A_862 = arith.muli %scan3A_860, %mul3A_861 : i32
        %add3A_863 = arith.addi %add3A_555, %scan3A_860 : i32
        %dma_start3A_864 = arith.constant 0 : i32
        %dma_start3A_865 = tpu.memref_slice %arg8[%dma_start3A_864, %mul3A_862] : memref<4x12288xf32, #tpu.memory_space<vmem>> -> memref<1x768xf32, #tpu.memory_space<vmem>>
        %dma_start3A_866 = tpu.memref_squeeze %dma_start3A_865 : memref<1x768xf32, #tpu.memory_space<vmem>> -> memref<768xf32, #tpu.memory_space<vmem>>
        %dma_start3A_867 = arith.constant 0 : i32
        %dma_start3A_868 = tpu.memref_slice %arg5[%rem3A_552, %add3A_863, %dma_start3A_867] : memref<4x8192x768xf32, #tpu.memory_space<hbm>> -> memref<1x1x768xf32, #tpu.memory_space<hbm>>
        %dma_start3A_869 = tpu.memref_squeeze %dma_start3A_868 : memref<1x1x768xf32, #tpu.memory_space<hbm>> -> memref<768xf32, #tpu.memory_space<hbm>>
        %dma_start3A_870 = arith.constant 0 : i32
        %dma_start3A_871 = tpu.memref_slice %arg5[%rem3A_552, %add3A_863, %dma_start3A_870] : memref<4x8192x768xf32, #tpu.memory_space<hbm>> -> memref<1x1x768xf32, #tpu.memory_space<hbm>>
        %dma_start3A_872 = tpu.memref_squeeze %dma_start3A_871 : memref<1x1x768xf32, #tpu.memory_space<hbm>> -> memref<768xf32, #tpu.memory_space<hbm>>
        %dma_start3A_873 = tpu.memref_slice %arg8[%dma_start3A_864, %mul3A_862] : memref<4x12288xf32, #tpu.memory_space<vmem>> -> memref<1x768xf32, #tpu.memory_space<vmem>>
        %dma_start3A_874 = tpu.memref_squeeze %dma_start3A_873 : memref<1x768xf32, #tpu.memory_space<vmem>> -> memref<768xf32, #tpu.memory_space<vmem>>
        tpu.enqueue_dma source(%dma_start3A_874 : memref<768xf32, #tpu.memory_space<vmem>>) target(%dma_start3A_872 : memref<768xf32, #tpu.memory_space<hbm>>) target_semaphore(%arg15 : memref<!tpu.dma_semaphore, #tpu.memory_space<semaphore_mem>>)
        %scan3A_875 = arith.constant 0 : i32
        scf.yield %scan3A_875 : i32
      }
      %scan3A_562 = arith.constant 16 : i32
      %mul3A_563 = arith.constant 8 : i32
      %mul3A_564 = arith.muli %mul3A_563, %scan3A_80 : i32
      %add3A_565 = arith.constant 5 : i32
      %add3A_566 = arith.addi %mul3A_564, %add3A_565 : i32
      %jit3A_567 = arith.constant 4 : i32
      %div3A_568 = arith.divsi %add3A_566, %jit3A_567 : i32
      %sign3A_569 = arith.constant 0 : i32
      %sign3A_570 = arith.cmpi sgt, %add3A_566, %sign3A_569 : i32
      %sign3A_571 = arith.extui %sign3A_570 : i1 to i32
      %sign3A_572 = arith.constant 0 : i32
      %sign3A_573 = arith.cmpi slt, %add3A_566, %sign3A_572 : i32
      %sign3A_574 = arith.extui %sign3A_573 : i1 to i32
      %sign3A_575 = arith.subi %sign3A_571, %sign3A_574 : i32
      %sign3A_576 = arith.constant 0 : i32
      %sign3A_577 = arith.cmpi sgt, %jit3A_567, %sign3A_576 : i32
      %sign3A_578 = arith.extui %sign3A_577 : i1 to i32
      %sign3A_579 = arith.constant 0 : i32
      %sign3A_580 = arith.cmpi slt, %jit3A_567, %sign3A_579 : i32
      %sign3A_581 = arith.extui %sign3A_580 : i1 to i32
      %sign3A_582 = arith.subi %sign3A_578, %sign3A_581 : i32
      %ne3A_583 = arith.cmpi ne, %sign3A_575, %sign3A_582 : i32
      %rem3A_584 = arith.remsi %add3A_566, %jit3A_567 : i32
      %ne3A_585 = arith.constant 0 : i32
      %ne3A_586 = arith.cmpi ne, %rem3A_584, %ne3A_585 : i32
      %and3A_587 = arith.andi %ne3A_583, %ne3A_586 : i1
      %sub3A_588 = arith.constant 1 : i32
      %sub3A_589 = arith.subi %div3A_568, %sub3A_588 : i32
      %select_n3A_590 = arith.select %and3A_587, %sub3A_589, %div3A_568 : i32
      %rem3A_591 = arith.constant 4 : i32
      %rem3A_592 = arith.remsi %add3A_566, %rem3A_591 : i32
      %add3A_593 = arith.constant 4 : i32
      %add3A_594 = arith.addi %add3A_566, %add3A_593 : i32
      %sub3A_595 = arith.constant 1 : i32
      %sub3A_596 = arith.subi %add3A_594, %sub3A_595 : i32
      %lt3A_597 = arith.constant 64 : i32
      %lt3A_598 = arith.cmpi slt, %sub3A_596, %lt3A_597 : i32
      %convert_element_type3A_599 = arith.extui %lt3A_598 : i1 to i32
      %cond3A_600 = arith.constant 0 : i32
      %cond3A_601 = arith.cmpi ne, %convert_element_type3A_599, %cond3A_600 : i32
      scf.if %cond3A_601 {
        %add3A_843 = arith.constant 4 : i32
        %add3A_844 = arith.addi %add3A_566, %add3A_843 : i32
        %sub3A_845 = arith.constant 1 : i32
        %sub3A_846 = arith.subi %add3A_844, %sub3A_845 : i32
        %jit3A_847 = arith.constant 4 : i32
        %div3A_848 = arith.divsi %sub3A_846, %jit3A_847 : i32
        %sign3A_849 = arith.constant 0 : i32
        %sign3A_850 = arith.cmpi sgt, %sub3A_846, %sign3A_849 : i32
        %sign3A_851 = arith.extui %sign3A_850 : i1 to i32
        %sign3A_852 = arith.constant 0 : i32
        %sign3A_853 = arith.cmpi slt, %sub3A_846, %sign3A_852 : i32
        %sign3A_854 = arith.extui %sign3A_853 : i1 to i32
        %sign3A_855 = arith.subi %sign3A_851, %sign3A_854 : i32
        %sign3A_856 = arith.constant 0 : i32
        %sign3A_857 = arith.cmpi sgt, %jit3A_847, %sign3A_856 : i32
        %sign3A_858 = arith.extui %sign3A_857 : i1 to i32
        %sign3A_859 = arith.constant 0 : i32
        %sign3A_860 = arith.cmpi slt, %jit3A_847, %sign3A_859 : i32
        %sign3A_861 = arith.extui %sign3A_860 : i1 to i32
        %sign3A_862 = arith.subi %sign3A_858, %sign3A_861 : i32
        %ne3A_863 = arith.cmpi ne, %sign3A_855, %sign3A_862 : i32
        %rem3A_864 = arith.remsi %sub3A_846, %jit3A_847 : i32
        %ne3A_865 = arith.constant 0 : i32
        %ne3A_866 = arith.cmpi ne, %rem3A_864, %ne3A_865 : i32
        %and3A_867 = arith.andi %ne3A_863, %ne3A_866 : i1
        %sub3A_868 = arith.constant 1 : i32
        %sub3A_869 = arith.subi %div3A_848, %sub3A_868 : i32
        %select_n3A_870 = arith.select %and3A_867, %sub3A_869, %div3A_848 : i32
        %rem3A_871 = arith.constant 4 : i32
        %rem3A_872 = arith.remsi %sub3A_846, %rem3A_871 : i32
        %mul3A_873 = arith.constant 16 : i32
        %mul3A_874 = arith.muli %select_n3A_870, %mul3A_873 : i32
        %add3A_875 = arith.addi %mul3A_2, %mul3A_874 : i32
        %scan3A_876 = arith.constant 0 : i32
        %scan3A_877 = arith.constant 0 : i32
        %scan3A_878 = arith.constant 16 : i32
        %scan3A_879 = arith.addi %scan3A_877, %scan3A_878 : i32
        %scan3A_880 = arith.constant 2 : i32
        %scan3A_881 = scf.for %scan3A_883 = %scan3A_877 to %scan3A_879 step %scan3A_880 iter_args(%scan3A_884 = %scan3A_876) -> (i32)  : i32 {
          %add3A_885 = arith.addi %add3A_875, %scan3A_883 : i32
          %mul3A_886 = arith.constant 768 : i32
          %mul3A_887 = arith.muli %scan3A_883, %mul3A_886 : i32
          %dma_start3A = arith.constant 0 : i32
          %dma_start3A_888 = tpu.memref_slice %arg6[%dma_start3A, %mul3A_887] : memref<4x12288xf32, #tpu.memory_space<vmem>> -> memref<1x768xf32, #tpu.memory_space<vmem>>
          %dma_start3A_889 = tpu.memref_squeeze %dma_start3A_888 : memref<1x768xf32, #tpu.memory_space<vmem>> -> memref<768xf32, #tpu.memory_space<vmem>>
          %dma_start3A_890 = arith.constant 0 : i32
          %dma_start3A_891 = tpu.memref_slice %arg2[%rem3A_872, %add3A_885, %dma_start3A_890] : memref<4x8192x768xf32, #tpu.memory_space<hbm>> -> memref<1x1x768xf32, #tpu.memory_space<hbm>>
          %dma_start3A_892 = tpu.memref_squeeze %dma_start3A_891 : memref<1x1x768xf32, #tpu.memory_space<hbm>> -> memref<768xf32, #tpu.memory_space<hbm>>
          %dma_start3A_893 = tpu.memref_slice %arg6[%dma_start3A, %mul3A_887] : memref<4x12288xf32, #tpu.memory_space<vmem>> -> memref<1x768xf32, #tpu.memory_space<vmem>>
          %dma_start3A_894 = tpu.memref_squeeze %dma_start3A_893 : memref<1x768xf32, #tpu.memory_space<vmem>> -> memref<768xf32, #tpu.memory_space<vmem>>
          %dma_start3A_895 = arith.constant 0 : i32
          %dma_start3A_896 = tpu.memref_slice %arg2[%rem3A_872, %add3A_885, %dma_start3A_895] : memref<4x8192x768xf32, #tpu.memory_space<hbm>> -> memref<1x1x768xf32, #tpu.memory_space<hbm>>
          %dma_start3A_897 = tpu.memref_squeeze %dma_start3A_896 : memref<1x1x768xf32, #tpu.memory_space<hbm>> -> memref<768xf32, #tpu.memory_space<hbm>>
          tpu.enqueue_dma source(%dma_start3A_897 : memref<768xf32, #tpu.memory_space<hbm>>) target(%dma_start3A_894 : memref<768xf32, #tpu.memory_space<vmem>>) target_semaphore(%arg9 : memref<!tpu.dma_semaphore, #tpu.memory_space<semaphore_mem>>)
          %scan3A_898 = arith.constant 0 : i32
          %scan3A_899 = arith.constant 1 : i32
          %scan3A_900 = arith.addi %scan3A_883, %scan3A_899 : i32
          %add3A_901 = arith.addi %add3A_875, %scan3A_900 : i32
          %mul3A_902 = arith.constant 768 : i32
          %mul3A_903 = arith.muli %scan3A_900, %mul3A_902 : i32
          %dma_start3A_904 = arith.constant 0 : i32
          %dma_start3A_905 = tpu.memref_slice %arg6[%dma_start3A_904, %mul3A_903] : memref<4x12288xf32, #tpu.memory_space<vmem>> -> memref<1x768xf32, #tpu.memory_space<vmem>>
          %dma_start3A_906 = tpu.memref_squeeze %dma_start3A_905 : memref<1x768xf32, #tpu.memory_space<vmem>> -> memref<768xf32, #tpu.memory_space<vmem>>
          %dma_start3A_907 = arith.constant 0 : i32
          %dma_start3A_908 = tpu.memref_slice %arg2[%rem3A_872, %add3A_901, %dma_start3A_907] : memref<4x8192x768xf32, #tpu.memory_space<hbm>> -> memref<1x1x768xf32, #tpu.memory_space<hbm>>
          %dma_start3A_909 = tpu.memref_squeeze %dma_start3A_908 : memref<1x1x768xf32, #tpu.memory_space<hbm>> -> memref<768xf32, #tpu.memory_space<hbm>>
          %dma_start3A_910 = tpu.memref_slice %arg6[%dma_start3A_904, %mul3A_903] : memref<4x12288xf32, #tpu.memory_space<vmem>> -> memref<1x768xf32, #tpu.memory_space<vmem>>
          %dma_start3A_911 = tpu.memref_squeeze %dma_start3A_910 : memref<1x768xf32, #tpu.memory_space<vmem>> -> memref<768xf32, #tpu.memory_space<vmem>>
          %dma_start3A_912 = arith.constant 0 : i32
          %dma_start3A_913 = tpu.memref_slice %arg2[%rem3A_872, %add3A_901, %dma_start3A_912] : memref<4x8192x768xf32, #tpu.memory_space<hbm>> -> memref<1x1x768xf32, #tpu.memory_space<hbm>>
          %dma_start3A_914 = tpu.memref_squeeze %dma_start3A_913 : memref<1x1x768xf32, #tpu.memory_space<hbm>> -> memref<768xf32, #tpu.memory_space<hbm>>
          tpu.enqueue_dma source(%dma_start3A_914 : memref<768xf32, #tpu.memory_space<hbm>>) target(%dma_start3A_911 : memref<768xf32, #tpu.memory_space<vmem>>) target_semaphore(%arg9 : memref<!tpu.dma_semaphore, #tpu.memory_space<semaphore_mem>>)
          %scan3A_915 = arith.constant 0 : i32
          scf.yield %scan3A_915 : i32
        }
        %scan3A_882 = arith.constant 16 : i32
      } else {
      }
      %dma_wait3A_602 = arith.constant 1 : i32
      %dma_wait3A_603 = arith.constant 0 : i32
      %dma_wait3A_604 = tpu.memref_slice %arg6[%dma_wait3A_602, %dma_wait3A_603] : memref<4x12288xf32, #tpu.memory_space<vmem>> -> memref<1x12288xf32, #tpu.memory_space<vmem>>
      %dma_wait3A_605 = tpu.memref_squeeze %dma_wait3A_604 : memref<1x12288xf32, #tpu.memory_space<vmem>> -> memref<12288xf32, #tpu.memory_space<vmem>>
      %dma_wait3A_606 = arith.constant 0 : i32
      %dma_wait3A_607 = tpu.memref_slice %arg6[%dma_wait3A_602, %dma_wait3A_606] : memref<4x12288xf32, #tpu.memory_space<vmem>> -> memref<1x12288xf32, #tpu.memory_space<vmem>>
      %dma_wait3A_608 = tpu.memref_squeeze %dma_wait3A_607 : memref<1x12288xf32, #tpu.memory_space<vmem>> -> memref<12288xf32, #tpu.memory_space<vmem>>
      tpu.wait_dma2 semaphore(%arg10 : memref<!tpu.dma_semaphore, #tpu.memory_space<semaphore_mem>>) src(%arg4 : memref<12288xf32, #tpu.memory_space<hbm>>) dst(%dma_wait3A_608 : memref<12288xf32, #tpu.memory_space<vmem>>)
      %ge3A_609 = arith.constant 4 : i32
      %ge3A_610 = arith.cmpi sge, %add3A_566, %ge3A_609 : i32
      %convert_element_type3A_611 = arith.extui %ge3A_610 : i1 to i32
      %cond3A_612 = arith.constant 0 : i32
      %cond3A_613 = arith.cmpi ne, %convert_element_type3A_611, %cond3A_612 : i32
      scf.if %cond3A_613 {
        %dma_wait3A_843 = arith.constant 1 : i32
        %dma_wait3A_844 = arith.constant 0 : i32
        %dma_wait3A_845 = tpu.memref_slice %arg8[%dma_wait3A_843, %dma_wait3A_844] : memref<4x12288xf32, #tpu.memory_space<vmem>> -> memref<1x12288xf32, #tpu.memory_space<vmem>>
        %dma_wait3A_846 = tpu.memref_squeeze %dma_wait3A_845 : memref<1x12288xf32, #tpu.memory_space<vmem>> -> memref<12288xf32, #tpu.memory_space<vmem>>
        %dma_wait3A_847 = arith.constant 0 : i32
        %dma_wait3A_848 = tpu.memref_slice %arg8[%dma_wait3A_843, %dma_wait3A_847] : memref<4x12288xf32, #tpu.memory_space<vmem>> -> memref<1x12288xf32, #tpu.memory_space<vmem>>
        %dma_wait3A_849 = tpu.memref_squeeze %dma_wait3A_848 : memref<1x12288xf32, #tpu.memory_space<vmem>> -> memref<12288xf32, #tpu.memory_space<vmem>>
        tpu.wait_dma2 semaphore(%arg16 : memref<!tpu.dma_semaphore, #tpu.memory_space<semaphore_mem>>) src(%dma_wait3A_849 : memref<12288xf32, #tpu.memory_space<vmem>>) dst(%arg4 : memref<12288xf32, #tpu.memory_space<hbm>>)
      } else {
      }
      %parallel_loop3A_614 = arith.constant 0 : i32
      %parallel_loop3A_615 = arith.constant 12288 : i32
      %parallel_loop3A_616 = arith.constant 16 : i32
      %parallel_loop3A_617 = arith.constant 1 : i32
      %parallel_loop3A_618 = arith.constant 1 : i32
      %parallel_loop3A_619 = arith.constant 1 : i32
      scf.for %parallel_loop3A_843 = %parallel_loop3A_614 to %parallel_loop3A_615 step %parallel_loop3A_616  : i32 {
        %parallel_loop3A_844 = arith.constant 0 : i32
        %parallel_loop3A_845 = tpu.memref_slice %arg6[%parallel_loop3A_617, %parallel_loop3A_844] : memref<4x12288xf32, #tpu.memory_space<vmem>> -> memref<1x12288xf32, #tpu.memory_space<vmem>>
        %parallel_loop3A_846 = tpu.memref_squeeze %parallel_loop3A_845 : memref<1x12288xf32, #tpu.memory_space<vmem>> -> memref<12288xf32, #tpu.memory_space<vmem>>
        %parallel_loop3A_847 = arith.index_cast %parallel_loop3A_843 : i32 to index
        %parallel_loop3A_848 = tpu.vector_load %parallel_loop3A_846[%parallel_loop3A_847] {strides = array<i32>} : memref<12288xf32, #tpu.memory_space<vmem>>, vector<16xf32>,
        %parallel_loop3A_849 = vector.shape_cast %parallel_loop3A_848 : vector<16xf32> to vector<16xf32>
        %parallel_loop3A_850 = arith.constant 0 : i32
        %parallel_loop3A_851 = tpu.memref_slice %arg7[%parallel_loop3A_618, %parallel_loop3A_850] : memref<2x12288xf32, #tpu.memory_space<vmem>> -> memref<1x12288xf32, #tpu.memory_space<vmem>>
        %parallel_loop3A_852 = tpu.memref_squeeze %parallel_loop3A_851 : memref<1x12288xf32, #tpu.memory_space<vmem>> -> memref<12288xf32, #tpu.memory_space<vmem>>
        %parallel_loop3A_853 = arith.index_cast %parallel_loop3A_843 : i32 to index
        %parallel_loop3A_854 = tpu.vector_load %parallel_loop3A_852[%parallel_loop3A_853] {strides = array<i32>} : memref<12288xf32, #tpu.memory_space<vmem>>, vector<16xf32>,
        %parallel_loop3A_855 = vector.shape_cast %parallel_loop3A_854 : vector<16xf32> to vector<16xf32>
        %parallel_loop3A_856 = arith.addf %parallel_loop3A_849, %parallel_loop3A_855 : vector<16xf32>
        %parallel_loop3A_857 = arith.constant 0 : i32
        %parallel_loop3A_858 = tpu.memref_slice %arg8[%parallel_loop3A_619, %parallel_loop3A_857] : memref<4x12288xf32, #tpu.memory_space<vmem>> -> memref<1x12288xf32, #tpu.memory_space<vmem>>
        %parallel_loop3A_859 = tpu.memref_squeeze %parallel_loop3A_858 : memref<1x12288xf32, #tpu.memory_space<vmem>> -> memref<12288xf32, #tpu.memory_space<vmem>>
        %parallel_loop3A_860 = arith.index_cast %parallel_loop3A_843 : i32 to index
        %parallel_loop3A_861 = tpu.vector_load %parallel_loop3A_859[%parallel_loop3A_860] {strides = array<i32>} : memref<12288xf32, #tpu.memory_space<vmem>>, vector<16xf32>,
        %parallel_loop3A_862 = vector.shape_cast %parallel_loop3A_861 : vector<16xf32> to vector<16xf32>
        %parallel_loop3A_863 = vector.shape_cast %parallel_loop3A_856 : vector<16xf32> to vector<16xf32>
        tpu.vector_store %parallel_loop3A_859[%parallel_loop3A_860], %parallel_loop3A_863 {strides = array<i32>} : memref<12288xf32, #tpu.memory_space<vmem>>, vector<16xf32>,
      } {sc.loop_unroll_factor = 8 : i64, sc.parallel_access}
      %jit3A_620 = arith.constant 4 : i32
      %div3A_621 = arith.divsi %add3A_566, %jit3A_620 : i32
      %sign3A_622 = arith.constant 0 : i32
      %sign3A_623 = arith.cmpi sgt, %add3A_566, %sign3A_622 : i32
      %sign3A_624 = arith.extui %sign3A_623 : i1 to i32
      %sign3A_625 = arith.constant 0 : i32
      %sign3A_626 = arith.cmpi slt, %add3A_566, %sign3A_625 : i32
      %sign3A_627 = arith.extui %sign3A_626 : i1 to i32
      %sign3A_628 = arith.subi %sign3A_624, %sign3A_627 : i32
      %sign3A_629 = arith.constant 0 : i32
      %sign3A_630 = arith.cmpi sgt, %jit3A_620, %sign3A_629 : i32
      %sign3A_631 = arith.extui %sign3A_630 : i1 to i32
      %sign3A_632 = arith.constant 0 : i32
      %sign3A_633 = arith.cmpi slt, %jit3A_620, %sign3A_632 : i32
      %sign3A_634 = arith.extui %sign3A_633 : i1 to i32
      %sign3A_635 = arith.subi %sign3A_631, %sign3A_634 : i32
      %ne3A_636 = arith.cmpi ne, %sign3A_628, %sign3A_635 : i32
      %rem3A_637 = arith.remsi %add3A_566, %jit3A_620 : i32
      %ne3A_638 = arith.constant 0 : i32
      %ne3A_639 = arith.cmpi ne, %rem3A_637, %ne3A_638 : i32
      %and3A_640 = arith.andi %ne3A_636, %ne3A_639 : i1
      %sub3A_641 = arith.constant 1 : i32
      %sub3A_642 = arith.subi %div3A_621, %sub3A_641 : i32
      %select_n3A_643 = arith.select %and3A_640, %sub3A_642, %div3A_621 : i32
      %rem3A_644 = arith.constant 4 : i32
      %rem3A_645 = arith.remsi %add3A_566, %rem3A_644 : i32
      %mul3A_646 = arith.constant 16 : i32
      %mul3A_647 = arith.muli %select_n3A_643, %mul3A_646 : i32
      %add3A_648 = arith.addi %mul3A_2, %mul3A_647 : i32
      %scan3A_649 = arith.constant 0 : i32
      %scan3A_650 = arith.constant 0 : i32
      %scan3A_651 = arith.constant 16 : i32
      %scan3A_652 = arith.addi %scan3A_650, %scan3A_651 : i32
      %scan3A_653 = arith.constant 2 : i32
      %scan3A_654 = scf.for %scan3A_843 = %scan3A_650 to %scan3A_652 step %scan3A_653 iter_args(%scan3A_844 = %scan3A_649) -> (i32)  : i32 {
        %mul3A_845 = arith.constant 768 : i32
        %mul3A_846 = arith.muli %scan3A_843, %mul3A_845 : i32
        %add3A_847 = arith.addi %add3A_648, %scan3A_843 : i32
        %dma_start3A = arith.constant 1 : i32
        %dma_start3A_848 = tpu.memref_slice %arg8[%dma_start3A, %mul3A_846] : memref<4x12288xf32, #tpu.memory_space<vmem>> -> memref<1x768xf32, #tpu.memory_space<vmem>>
        %dma_start3A_849 = tpu.memref_squeeze %dma_start3A_848 : memref<1x768xf32, #tpu.memory_space<vmem>> -> memref<768xf32, #tpu.memory_space<vmem>>
        %dma_start3A_850 = arith.constant 0 : i32
        %dma_start3A_851 = tpu.memref_slice %arg5[%rem3A_645, %add3A_847, %dma_start3A_850] : memref<4x8192x768xf32, #tpu.memory_space<hbm>> -> memref<1x1x768xf32, #tpu.memory_space<hbm>>
        %dma_start3A_852 = tpu.memref_squeeze %dma_start3A_851 : memref<1x1x768xf32, #tpu.memory_space<hbm>> -> memref<768xf32, #tpu.memory_space<hbm>>
        %dma_start3A_853 = arith.constant 0 : i32
        %dma_start3A_854 = tpu.memref_slice %arg5[%rem3A_645, %add3A_847, %dma_start3A_853] : memref<4x8192x768xf32, #tpu.memory_space<hbm>> -> memref<1x1x768xf32, #tpu.memory_space<hbm>>
        %dma_start3A_855 = tpu.memref_squeeze %dma_start3A_854 : memref<1x1x768xf32, #tpu.memory_space<hbm>> -> memref<768xf32, #tpu.memory_space<hbm>>
        %dma_start3A_856 = tpu.memref_slice %arg8[%dma_start3A, %mul3A_846] : memref<4x12288xf32, #tpu.memory_space<vmem>> -> memref<1x768xf32, #tpu.memory_space<vmem>>
        %dma_start3A_857 = tpu.memref_squeeze %dma_start3A_856 : memref<1x768xf32, #tpu.memory_space<vmem>> -> memref<768xf32, #tpu.memory_space<vmem>>
        tpu.enqueue_dma source(%dma_start3A_857 : memref<768xf32, #tpu.memory_space<vmem>>) target(%dma_start3A_855 : memref<768xf32, #tpu.memory_space<hbm>>) target_semaphore(%arg16 : memref<!tpu.dma_semaphore, #tpu.memory_space<semaphore_mem>>)
        %scan3A_858 = arith.constant 0 : i32
        %scan3A_859 = arith.constant 1 : i32
        %scan3A_860 = arith.addi %scan3A_843, %scan3A_859 : i32
        %mul3A_861 = arith.constant 768 : i32
        %mul3A_862 = arith.muli %scan3A_860, %mul3A_861 : i32
        %add3A_863 = arith.addi %add3A_648, %scan3A_860 : i32
        %dma_start3A_864 = arith.constant 1 : i32
        %dma_start3A_865 = tpu.memref_slice %arg8[%dma_start3A_864, %mul3A_862] : memref<4x12288xf32, #tpu.memory_space<vmem>> -> memref<1x768xf32, #tpu.memory_space<vmem>>
        %dma_start3A_866 = tpu.memref_squeeze %dma_start3A_865 : memref<1x768xf32, #tpu.memory_space<vmem>> -> memref<768xf32, #tpu.memory_space<vmem>>
        %dma_start3A_867 = arith.constant 0 : i32
        %dma_start3A_868 = tpu.memref_slice %arg5[%rem3A_645, %add3A_863, %dma_start3A_867] : memref<4x8192x768xf32, #tpu.memory_space<hbm>> -> memref<1x1x768xf32, #tpu.memory_space<hbm>>
        %dma_start3A_869 = tpu.memref_squeeze %dma_start3A_868 : memref<1x1x768xf32, #tpu.memory_space<hbm>> -> memref<768xf32, #tpu.memory_space<hbm>>
        %dma_start3A_870 = arith.constant 0 : i32
        %dma_start3A_871 = tpu.memref_slice %arg5[%rem3A_645, %add3A_863, %dma_start3A_870] : memref<4x8192x768xf32, #tpu.memory_space<hbm>> -> memref<1x1x768xf32, #tpu.memory_space<hbm>>
        %dma_start3A_872 = tpu.memref_squeeze %dma_start3A_871 : memref<1x1x768xf32, #tpu.memory_space<hbm>> -> memref<768xf32, #tpu.memory_space<hbm>>
        %dma_start3A_873 = tpu.memref_slice %arg8[%dma_start3A_864, %mul3A_862] : memref<4x12288xf32, #tpu.memory_space<vmem>> -> memref<1x768xf32, #tpu.memory_space<vmem>>
        %dma_start3A_874 = tpu.memref_squeeze %dma_start3A_873 : memref<1x768xf32, #tpu.memory_space<vmem>> -> memref<768xf32, #tpu.memory_space<vmem>>
        tpu.enqueue_dma source(%dma_start3A_874 : memref<768xf32, #tpu.memory_space<vmem>>) target(%dma_start3A_872 : memref<768xf32, #tpu.memory_space<hbm>>) target_semaphore(%arg16 : memref<!tpu.dma_semaphore, #tpu.memory_space<semaphore_mem>>)
        %scan3A_875 = arith.constant 0 : i32
        scf.yield %scan3A_875 : i32
      }
      %scan3A_655 = arith.constant 16 : i32
      %mul3A_656 = arith.constant 8 : i32
      %mul3A_657 = arith.muli %mul3A_656, %scan3A_80 : i32
      %add3A_658 = arith.constant 6 : i32
      %add3A_659 = arith.addi %mul3A_657, %add3A_658 : i32
      %jit3A_660 = arith.constant 4 : i32
      %div3A_661 = arith.divsi %add3A_659, %jit3A_660 : i32
      %sign3A_662 = arith.constant 0 : i32
      %sign3A_663 = arith.cmpi sgt, %add3A_659, %sign3A_662 : i32
      %sign3A_664 = arith.extui %sign3A_663 : i1 to i32
      %sign3A_665 = arith.constant 0 : i32
      %sign3A_666 = arith.cmpi slt, %add3A_659, %sign3A_665 : i32
      %sign3A_667 = arith.extui %sign3A_666 : i1 to i32
      %sign3A_668 = arith.subi %sign3A_664, %sign3A_667 : i32
      %sign3A_669 = arith.constant 0 : i32
      %sign3A_670 = arith.cmpi sgt, %jit3A_660, %sign3A_669 : i32
      %sign3A_671 = arith.extui %sign3A_670 : i1 to i32
      %sign3A_672 = arith.constant 0 : i32
      %sign3A_673 = arith.cmpi slt, %jit3A_660, %sign3A_672 : i32
      %sign3A_674 = arith.extui %sign3A_673 : i1 to i32
      %sign3A_675 = arith.subi %sign3A_671, %sign3A_674 : i32
      %ne3A_676 = arith.cmpi ne, %sign3A_668, %sign3A_675 : i32
      %rem3A_677 = arith.remsi %add3A_659, %jit3A_660 : i32
      %ne3A_678 = arith.constant 0 : i32
      %ne3A_679 = arith.cmpi ne, %rem3A_677, %ne3A_678 : i32
      %and3A_680 = arith.andi %ne3A_676, %ne3A_679 : i1
      %sub3A_681 = arith.constant 1 : i32
      %sub3A_682 = arith.subi %div3A_661, %sub3A_681 : i32
      %select_n3A_683 = arith.select %and3A_680, %sub3A_682, %div3A_661 : i32
      %rem3A_684 = arith.constant 4 : i32
      %rem3A_685 = arith.remsi %add3A_659, %rem3A_684 : i32
      %add3A_686 = arith.constant 4 : i32
      %add3A_687 = arith.addi %add3A_659, %add3A_686 : i32
      %sub3A_688 = arith.constant 1 : i32
      %sub3A_689 = arith.subi %add3A_687, %sub3A_688 : i32
      %lt3A_690 = arith.constant 64 : i32
      %lt3A_691 = arith.cmpi slt, %sub3A_689, %lt3A_690 : i32
      %convert_element_type3A_692 = arith.extui %lt3A_691 : i1 to i32
      %cond3A_693 = arith.constant 0 : i32
      %cond3A_694 = arith.cmpi ne, %convert_element_type3A_692, %cond3A_693 : i32
      scf.if %cond3A_694 {
        %add3A_843 = arith.constant 4 : i32
        %add3A_844 = arith.addi %add3A_659, %add3A_843 : i32
        %sub3A_845 = arith.constant 1 : i32
        %sub3A_846 = arith.subi %add3A_844, %sub3A_845 : i32
        %jit3A_847 = arith.constant 4 : i32
        %div3A_848 = arith.divsi %sub3A_846, %jit3A_847 : i32
        %sign3A_849 = arith.constant 0 : i32
        %sign3A_850 = arith.cmpi sgt, %sub3A_846, %sign3A_849 : i32
        %sign3A_851 = arith.extui %sign3A_850 : i1 to i32
        %sign3A_852 = arith.constant 0 : i32
        %sign3A_853 = arith.cmpi slt, %sub3A_846, %sign3A_852 : i32
        %sign3A_854 = arith.extui %sign3A_853 : i1 to i32
        %sign3A_855 = arith.subi %sign3A_851, %sign3A_854 : i32
        %sign3A_856 = arith.constant 0 : i32
        %sign3A_857 = arith.cmpi sgt, %jit3A_847, %sign3A_856 : i32
        %sign3A_858 = arith.extui %sign3A_857 : i1 to i32
        %sign3A_859 = arith.constant 0 : i32
        %sign3A_860 = arith.cmpi slt, %jit3A_847, %sign3A_859 : i32
        %sign3A_861 = arith.extui %sign3A_860 : i1 to i32
        %sign3A_862 = arith.subi %sign3A_858, %sign3A_861 : i32
        %ne3A_863 = arith.cmpi ne, %sign3A_855, %sign3A_862 : i32
        %rem3A_864 = arith.remsi %sub3A_846, %jit3A_847 : i32
        %ne3A_865 = arith.constant 0 : i32
        %ne3A_866 = arith.cmpi ne, %rem3A_864, %ne3A_865 : i32
        %and3A_867 = arith.andi %ne3A_863, %ne3A_866 : i1
        %sub3A_868 = arith.constant 1 : i32
        %sub3A_869 = arith.subi %div3A_848, %sub3A_868 : i32
        %select_n3A_870 = arith.select %and3A_867, %sub3A_869, %div3A_848 : i32
        %rem3A_871 = arith.constant 4 : i32
        %rem3A_872 = arith.remsi %sub3A_846, %rem3A_871 : i32
        %mul3A_873 = arith.constant 16 : i32
        %mul3A_874 = arith.muli %select_n3A_870, %mul3A_873 : i32
        %add3A_875 = arith.addi %mul3A_2, %mul3A_874 : i32
        %scan3A_876 = arith.constant 0 : i32
        %scan3A_877 = arith.constant 0 : i32
        %scan3A_878 = arith.constant 16 : i32
        %scan3A_879 = arith.addi %scan3A_877, %scan3A_878 : i32
        %scan3A_880 = arith.constant 2 : i32
        %scan3A_881 = scf.for %scan3A_883 = %scan3A_877 to %scan3A_879 step %scan3A_880 iter_args(%scan3A_884 = %scan3A_876) -> (i32)  : i32 {
          %add3A_885 = arith.addi %add3A_875, %scan3A_883 : i32
          %mul3A_886 = arith.constant 768 : i32
          %mul3A_887 = arith.muli %scan3A_883, %mul3A_886 : i32
          %dma_start3A = arith.constant 1 : i32
          %dma_start3A_888 = tpu.memref_slice %arg6[%dma_start3A, %mul3A_887] : memref<4x12288xf32, #tpu.memory_space<vmem>> -> memref<1x768xf32, #tpu.memory_space<vmem>>
          %dma_start3A_889 = tpu.memref_squeeze %dma_start3A_888 : memref<1x768xf32, #tpu.memory_space<vmem>> -> memref<768xf32, #tpu.memory_space<vmem>>
          %dma_start3A_890 = arith.constant 0 : i32
          %dma_start3A_891 = tpu.memref_slice %arg2[%rem3A_872, %add3A_885, %dma_start3A_890] : memref<4x8192x768xf32, #tpu.memory_space<hbm>> -> memref<1x1x768xf32, #tpu.memory_space<hbm>>
          %dma_start3A_892 = tpu.memref_squeeze %dma_start3A_891 : memref<1x1x768xf32, #tpu.memory_space<hbm>> -> memref<768xf32, #tpu.memory_space<hbm>>
          %dma_start3A_893 = tpu.memref_slice %arg6[%dma_start3A, %mul3A_887] : memref<4x12288xf32, #tpu.memory_space<vmem>> -> memref<1x768xf32, #tpu.memory_space<vmem>>
          %dma_start3A_894 = tpu.memref_squeeze %dma_start3A_893 : memref<1x768xf32, #tpu.memory_space<vmem>> -> memref<768xf32, #tpu.memory_space<vmem>>
          %dma_start3A_895 = arith.constant 0 : i32
          %dma_start3A_896 = tpu.memref_slice %arg2[%rem3A_872, %add3A_885, %dma_start3A_895] : memref<4x8192x768xf32, #tpu.memory_space<hbm>> -> memref<1x1x768xf32, #tpu.memory_space<hbm>>
          %dma_start3A_897 = tpu.memref_squeeze %dma_start3A_896 : memref<1x1x768xf32, #tpu.memory_space<hbm>> -> memref<768xf32, #tpu.memory_space<hbm>>
          tpu.enqueue_dma source(%dma_start3A_897 : memref<768xf32, #tpu.memory_space<hbm>>) target(%dma_start3A_894 : memref<768xf32, #tpu.memory_space<vmem>>) target_semaphore(%arg10 : memref<!tpu.dma_semaphore, #tpu.memory_space<semaphore_mem>>)
          %scan3A_898 = arith.constant 0 : i32
          %scan3A_899 = arith.constant 1 : i32
          %scan3A_900 = arith.addi %scan3A_883, %scan3A_899 : i32
          %add3A_901 = arith.addi %add3A_875, %scan3A_900 : i32
          %mul3A_902 = arith.constant 768 : i32
          %mul3A_903 = arith.muli %scan3A_900, %mul3A_902 : i32
          %dma_start3A_904 = arith.constant 1 : i32
          %dma_start3A_905 = tpu.memref_slice %arg6[%dma_start3A_904, %mul3A_903] : memref<4x12288xf32, #tpu.memory_space<vmem>> -> memref<1x768xf32, #tpu.memory_space<vmem>>
          %dma_start3A_906 = tpu.memref_squeeze %dma_start3A_905 : memref<1x768xf32, #tpu.memory_space<vmem>> -> memref<768xf32, #tpu.memory_space<vmem>>
          %dma_start3A_907 = arith.constant 0 : i32
          %dma_start3A_908 = tpu.memref_slice %arg2[%rem3A_872, %add3A_901, %dma_start3A_907] : memref<4x8192x768xf32, #tpu.memory_space<hbm>> -> memref<1x1x768xf32, #tpu.memory_space<hbm>>
          %dma_start3A_909 = tpu.memref_squeeze %dma_start3A_908 : memref<1x1x768xf32, #tpu.memory_space<hbm>> -> memref<768xf32, #tpu.memory_space<hbm>>
          %dma_start3A_910 = tpu.memref_slice %arg6[%dma_start3A_904, %mul3A_903] : memref<4x12288xf32, #tpu.memory_space<vmem>> -> memref<1x768xf32, #tpu.memory_space<vmem>>
          %dma_start3A_911 = tpu.memref_squeeze %dma_start3A_910 : memref<1x768xf32, #tpu.memory_space<vmem>> -> memref<768xf32, #tpu.memory_space<vmem>>
          %dma_start3A_912 = arith.constant 0 : i32
          %dma_start3A_913 = tpu.memref_slice %arg2[%rem3A_872, %add3A_901, %dma_start3A_912] : memref<4x8192x768xf32, #tpu.memory_space<hbm>> -> memref<1x1x768xf32, #tpu.memory_space<hbm>>
          %dma_start3A_914 = tpu.memref_squeeze %dma_start3A_913 : memref<1x1x768xf32, #tpu.memory_space<hbm>> -> memref<768xf32, #tpu.memory_space<hbm>>
          tpu.enqueue_dma source(%dma_start3A_914 : memref<768xf32, #tpu.memory_space<hbm>>) target(%dma_start3A_911 : memref<768xf32, #tpu.memory_space<vmem>>) target_semaphore(%arg10 : memref<!tpu.dma_semaphore, #tpu.memory_space<semaphore_mem>>)
          %scan3A_915 = arith.constant 0 : i32
          scf.yield %scan3A_915 : i32
        }
        %scan3A_882 = arith.constant 16 : i32
      } else {
      }
      %dma_wait3A_695 = arith.constant 2 : i32
      %dma_wait3A_696 = arith.constant 0 : i32
      %dma_wait3A_697 = tpu.memref_slice %arg6[%dma_wait3A_695, %dma_wait3A_696] : memref<4x12288xf32, #tpu.memory_space<vmem>> -> memref<1x12288xf32, #tpu.memory_space<vmem>>
      %dma_wait3A_698 = tpu.memref_squeeze %dma_wait3A_697 : memref<1x12288xf32, #tpu.memory_space<vmem>> -> memref<12288xf32, #tpu.memory_space<vmem>>
      %dma_wait3A_699 = arith.constant 0 : i32
      %dma_wait3A_700 = tpu.memref_slice %arg6[%dma_wait3A_695, %dma_wait3A_699] : memref<4x12288xf32, #tpu.memory_space<vmem>> -> memref<1x12288xf32, #tpu.memory_space<vmem>>
      %dma_wait3A_701 = tpu.memref_squeeze %dma_wait3A_700 : memref<1x12288xf32, #tpu.memory_space<vmem>> -> memref<12288xf32, #tpu.memory_space<vmem>>
      tpu.wait_dma2 semaphore(%arg11 : memref<!tpu.dma_semaphore, #tpu.memory_space<semaphore_mem>>) src(%arg4 : memref<12288xf32, #tpu.memory_space<hbm>>) dst(%dma_wait3A_701 : memref<12288xf32, #tpu.memory_space<vmem>>)
      %ge3A_702 = arith.constant 4 : i32
      %ge3A_703 = arith.cmpi sge, %add3A_659, %ge3A_702 : i32
      %convert_element_type3A_704 = arith.extui %ge3A_703 : i1 to i32
      %cond3A_705 = arith.constant 0 : i32
      %cond3A_706 = arith.cmpi ne, %convert_element_type3A_704, %cond3A_705 : i32
      scf.if %cond3A_706 {
        %dma_wait3A_843 = arith.constant 2 : i32
        %dma_wait3A_844 = arith.constant 0 : i32
        %dma_wait3A_845 = tpu.memref_slice %arg8[%dma_wait3A_843, %dma_wait3A_844] : memref<4x12288xf32, #tpu.memory_space<vmem>> -> memref<1x12288xf32, #tpu.memory_space<vmem>>
        %dma_wait3A_846 = tpu.memref_squeeze %dma_wait3A_845 : memref<1x12288xf32, #tpu.memory_space<vmem>> -> memref<12288xf32, #tpu.memory_space<vmem>>
        %dma_wait3A_847 = arith.constant 0 : i32
        %dma_wait3A_848 = tpu.memref_slice %arg8[%dma_wait3A_843, %dma_wait3A_847] : memref<4x12288xf32, #tpu.memory_space<vmem>> -> memref<1x12288xf32, #tpu.memory_space<vmem>>
        %dma_wait3A_849 = tpu.memref_squeeze %dma_wait3A_848 : memref<1x12288xf32, #tpu.memory_space<vmem>> -> memref<12288xf32, #tpu.memory_space<vmem>>
        tpu.wait_dma2 semaphore(%arg17 : memref<!tpu.dma_semaphore, #tpu.memory_space<semaphore_mem>>) src(%dma_wait3A_849 : memref<12288xf32, #tpu.memory_space<vmem>>) dst(%arg4 : memref<12288xf32, #tpu.memory_space<hbm>>)
      } else {
      }
      %parallel_loop3A_707 = arith.constant 0 : i32
      %parallel_loop3A_708 = arith.constant 12288 : i32
      %parallel_loop3A_709 = arith.constant 16 : i32
      %parallel_loop3A_710 = arith.constant 2 : i32
      %parallel_loop3A_711 = arith.constant 1 : i32
      %parallel_loop3A_712 = arith.constant 2 : i32
      scf.for %parallel_loop3A_843 = %parallel_loop3A_707 to %parallel_loop3A_708 step %parallel_loop3A_709  : i32 {
        %parallel_loop3A_844 = arith.constant 0 : i32
        %parallel_loop3A_845 = tpu.memref_slice %arg6[%parallel_loop3A_710, %parallel_loop3A_844] : memref<4x12288xf32, #tpu.memory_space<vmem>> -> memref<1x12288xf32, #tpu.memory_space<vmem>>
        %parallel_loop3A_846 = tpu.memref_squeeze %parallel_loop3A_845 : memref<1x12288xf32, #tpu.memory_space<vmem>> -> memref<12288xf32, #tpu.memory_space<vmem>>
        %parallel_loop3A_847 = arith.index_cast %parallel_loop3A_843 : i32 to index
        %parallel_loop3A_848 = tpu.vector_load %parallel_loop3A_846[%parallel_loop3A_847] {strides = array<i32>} : memref<12288xf32, #tpu.memory_space<vmem>>, vector<16xf32>,
        %parallel_loop3A_849 = vector.shape_cast %parallel_loop3A_848 : vector<16xf32> to vector<16xf32>
        %parallel_loop3A_850 = arith.constant 0 : i32
        %parallel_loop3A_851 = tpu.memref_slice %arg7[%parallel_loop3A_711, %parallel_loop3A_850] : memref<2x12288xf32, #tpu.memory_space<vmem>> -> memref<1x12288xf32, #tpu.memory_space<vmem>>
        %parallel_loop3A_852 = tpu.memref_squeeze %parallel_loop3A_851 : memref<1x12288xf32, #tpu.memory_space<vmem>> -> memref<12288xf32, #tpu.memory_space<vmem>>
        %parallel_loop3A_853 = arith.index_cast %parallel_loop3A_843 : i32 to index
        %parallel_loop3A_854 = tpu.vector_load %parallel_loop3A_852[%parallel_loop3A_853] {strides = array<i32>} : memref<12288xf32, #tpu.memory_space<vmem>>, vector<16xf32>,
        %parallel_loop3A_855 = vector.shape_cast %parallel_loop3A_854 : vector<16xf32> to vector<16xf32>
        %parallel_loop3A_856 = arith.addf %parallel_loop3A_849, %parallel_loop3A_855 : vector<16xf32>
        %parallel_loop3A_857 = arith.constant 0 : i32
        %parallel_loop3A_858 = tpu.memref_slice %arg8[%parallel_loop3A_712, %parallel_loop3A_857] : memref<4x12288xf32, #tpu.memory_space<vmem>> -> memref<1x12288xf32, #tpu.memory_space<vmem>>
        %parallel_loop3A_859 = tpu.memref_squeeze %parallel_loop3A_858 : memref<1x12288xf32, #tpu.memory_space<vmem>> -> memref<12288xf32, #tpu.memory_space<vmem>>
        %parallel_loop3A_860 = arith.index_cast %parallel_loop3A_843 : i32 to index
        %parallel_loop3A_861 = tpu.vector_load %parallel_loop3A_859[%parallel_loop3A_860] {strides = array<i32>} : memref<12288xf32, #tpu.memory_space<vmem>>, vector<16xf32>,
        %parallel_loop3A_862 = vector.shape_cast %parallel_loop3A_861 : vector<16xf32> to vector<16xf32>
        %parallel_loop3A_863 = vector.shape_cast %parallel_loop3A_856 : vector<16xf32> to vector<16xf32>
        tpu.vector_store %parallel_loop3A_859[%parallel_loop3A_860], %parallel_loop3A_863 {strides = array<i32>} : memref<12288xf32, #tpu.memory_space<vmem>>, vector<16xf32>,
      } {sc.loop_unroll_factor = 8 : i64, sc.parallel_access}
      %jit3A_713 = arith.constant 4 : i32
      %div3A_714 = arith.divsi %add3A_659, %jit3A_713 : i32
      %sign3A_715 = arith.constant 0 : i32
      %sign3A_716 = arith.cmpi sgt, %add3A_659, %sign3A_715 : i32
      %sign3A_717 = arith.extui %sign3A_716 : i1 to i32
      %sign3A_718 = arith.constant 0 : i32
      %sign3A_719 = arith.cmpi slt, %add3A_659, %sign3A_718 : i32
      %sign3A_720 = arith.extui %sign3A_719 : i1 to i32
      %sign3A_721 = arith.subi %sign3A_717, %sign3A_720 : i32
      %sign3A_722 = arith.constant 0 : i32
      %sign3A_723 = arith.cmpi sgt, %jit3A_713, %sign3A_722 : i32
      %sign3A_724 = arith.extui %sign3A_723 : i1 to i32
      %sign3A_725 = arith.constant 0 : i32
      %sign3A_726 = arith.cmpi slt, %jit3A_713, %sign3A_725 : i32
      %sign3A_727 = arith.extui %sign3A_726 : i1 to i32
      %sign3A_728 = arith.subi %sign3A_724, %sign3A_727 : i32
      %ne3A_729 = arith.cmpi ne, %sign3A_721, %sign3A_728 : i32
      %rem3A_730 = arith.remsi %add3A_659, %jit3A_713 : i32
      %ne3A_731 = arith.constant 0 : i32
      %ne3A_732 = arith.cmpi ne, %rem3A_730, %ne3A_731 : i32
      %and3A_733 = arith.andi %ne3A_729, %ne3A_732 : i1
      %sub3A_734 = arith.constant 1 : i32
      %sub3A_735 = arith.subi %div3A_714, %sub3A_734 : i32
      %select_n3A_736 = arith.select %and3A_733, %sub3A_735, %div3A_714 : i32
      %rem3A_737 = arith.constant 4 : i32
      %rem3A_738 = arith.remsi %add3A_659, %rem3A_737 : i32
      %mul3A_739 = arith.constant 16 : i32
      %mul3A_740 = arith.muli %select_n3A_736, %mul3A_739 : i32
      %add3A_741 = arith.addi %mul3A_2, %mul3A_740 : i32
      %scan3A_742 = arith.constant 0 : i32
      %scan3A_743 = arith.constant 0 : i32
      %scan3A_744 = arith.constant 16 : i32
      %scan3A_745 = arith.addi %scan3A_743, %scan3A_744 : i32
      %scan3A_746 = arith.constant 2 : i32
      %scan3A_747 = scf.for %scan3A_843 = %scan3A_743 to %scan3A_745 step %scan3A_746 iter_args(%scan3A_844 = %scan3A_742) -> (i32)  : i32 {
        %mul3A_845 = arith.constant 768 : i32
        %mul3A_846 = arith.muli %scan3A_843, %mul3A_845 : i32
        %add3A_847 = arith.addi %add3A_741, %scan3A_843 : i32
        %dma_start3A = arith.constant 2 : i32
        %dma_start3A_848 = tpu.memref_slice %arg8[%dma_start3A, %mul3A_846] : memref<4x12288xf32, #tpu.memory_space<vmem>> -> memref<1x768xf32, #tpu.memory_space<vmem>>
        %dma_start3A_849 = tpu.memref_squeeze %dma_start3A_848 : memref<1x768xf32, #tpu.memory_space<vmem>> -> memref<768xf32, #tpu.memory_space<vmem>>
        %dma_start3A_850 = arith.constant 0 : i32
        %dma_start3A_851 = tpu.memref_slice %arg5[%rem3A_738, %add3A_847, %dma_start3A_850] : memref<4x8192x768xf32, #tpu.memory_space<hbm>> -> memref<1x1x768xf32, #tpu.memory_space<hbm>>
        %dma_start3A_852 = tpu.memref_squeeze %dma_start3A_851 : memref<1x1x768xf32, #tpu.memory_space<hbm>> -> memref<768xf32, #tpu.memory_space<hbm>>
        %dma_start3A_853 = arith.constant 0 : i32
        %dma_start3A_854 = tpu.memref_slice %arg5[%rem3A_738, %add3A_847, %dma_start3A_853] : memref<4x8192x768xf32, #tpu.memory_space<hbm>> -> memref<1x1x768xf32, #tpu.memory_space<hbm>>
        %dma_start3A_855 = tpu.memref_squeeze %dma_start3A_854 : memref<1x1x768xf32, #tpu.memory_space<hbm>> -> memref<768xf32, #tpu.memory_space<hbm>>
        %dma_start3A_856 = tpu.memref_slice %arg8[%dma_start3A, %mul3A_846] : memref<4x12288xf32, #tpu.memory_space<vmem>> -> memref<1x768xf32, #tpu.memory_space<vmem>>
        %dma_start3A_857 = tpu.memref_squeeze %dma_start3A_856 : memref<1x768xf32, #tpu.memory_space<vmem>> -> memref<768xf32, #tpu.memory_space<vmem>>
        tpu.enqueue_dma source(%dma_start3A_857 : memref<768xf32, #tpu.memory_space<vmem>>) target(%dma_start3A_855 : memref<768xf32, #tpu.memory_space<hbm>>) target_semaphore(%arg17 : memref<!tpu.dma_semaphore, #tpu.memory_space<semaphore_mem>>)
        %scan3A_858 = arith.constant 0 : i32
        %scan3A_859 = arith.constant 1 : i32
        %scan3A_860 = arith.addi %scan3A_843, %scan3A_859 : i32
        %mul3A_861 = arith.constant 768 : i32
        %mul3A_862 = arith.muli %scan3A_860, %mul3A_861 : i32
        %add3A_863 = arith.addi %add3A_741, %scan3A_860 : i32
        %dma_start3A_864 = arith.constant 2 : i32
        %dma_start3A_865 = tpu.memref_slice %arg8[%dma_start3A_864, %mul3A_862] : memref<4x12288xf32, #tpu.memory_space<vmem>> -> memref<1x768xf32, #tpu.memory_space<vmem>>
        %dma_start3A_866 = tpu.memref_squeeze %dma_start3A_865 : memref<1x768xf32, #tpu.memory_space<vmem>> -> memref<768xf32, #tpu.memory_space<vmem>>
        %dma_start3A_867 = arith.constant 0 : i32
        %dma_start3A_868 = tpu.memref_slice %arg5[%rem3A_738, %add3A_863, %dma_start3A_867] : memref<4x8192x768xf32, #tpu.memory_space<hbm>> -> memref<1x1x768xf32, #tpu.memory_space<hbm>>
        %dma_start3A_869 = tpu.memref_squeeze %dma_start3A_868 : memref<1x1x768xf32, #tpu.memory_space<hbm>> -> memref<768xf32, #tpu.memory_space<hbm>>
        %dma_start3A_870 = arith.constant 0 : i32
        %dma_start3A_871 = tpu.memref_slice %arg5[%rem3A_738, %add3A_863, %dma_start3A_870] : memref<4x8192x768xf32, #tpu.memory_space<hbm>> -> memref<1x1x768xf32, #tpu.memory_space<hbm>>
        %dma_start3A_872 = tpu.memref_squeeze %dma_start3A_871 : memref<1x1x768xf32, #tpu.memory_space<hbm>> -> memref<768xf32, #tpu.memory_space<hbm>>
        %dma_start3A_873 = tpu.memref_slice %arg8[%dma_start3A_864, %mul3A_862] : memref<4x12288xf32, #tpu.memory_space<vmem>> -> memref<1x768xf32, #tpu.memory_space<vmem>>
        %dma_start3A_874 = tpu.memref_squeeze %dma_start3A_873 : memref<1x768xf32, #tpu.memory_space<vmem>> -> memref<768xf32, #tpu.memory_space<vmem>>
        tpu.enqueue_dma source(%dma_start3A_874 : memref<768xf32, #tpu.memory_space<vmem>>) target(%dma_start3A_872 : memref<768xf32, #tpu.memory_space<hbm>>) target_semaphore(%arg17 : memref<!tpu.dma_semaphore, #tpu.memory_space<semaphore_mem>>)
        %scan3A_875 = arith.constant 0 : i32
        scf.yield %scan3A_875 : i32
      }
      %scan3A_748 = arith.constant 16 : i32
      %mul3A_749 = arith.constant 8 : i32
      %mul3A_750 = arith.muli %mul3A_749, %scan3A_80 : i32
      %add3A_751 = arith.constant 7 : i32
      %add3A_752 = arith.addi %mul3A_750, %add3A_751 : i32
      %jit3A_753 = arith.constant 4 : i32
      %div3A_754 = arith.divsi %add3A_752, %jit3A_753 : i32
      %sign3A_755 = arith.constant 0 : i32
      %sign3A_756 = arith.cmpi sgt, %add3A_752, %sign3A_755 : i32
      %sign3A_757 = arith.extui %sign3A_756 : i1 to i32
      %sign3A_758 = arith.constant 0 : i32
      %sign3A_759 = arith.cmpi slt, %add3A_752, %sign3A_758 : i32
      %sign3A_760 = arith.extui %sign3A_759 : i1 to i32
      %sign3A_761 = arith.subi %sign3A_757, %sign3A_760 : i32
      %sign3A_762 = arith.constant 0 : i32
      %sign3A_763 = arith.cmpi sgt, %jit3A_753, %sign3A_762 : i32
      %sign3A_764 = arith.extui %sign3A_763 : i1 to i32
      %sign3A_765 = arith.constant 0 : i32
      %sign3A_766 = arith.cmpi slt, %jit3A_753, %sign3A_765 : i32
      %sign3A_767 = arith.extui %sign3A_766 : i1 to i32
      %sign3A_768 = arith.subi %sign3A_764, %sign3A_767 : i32
      %ne3A_769 = arith.cmpi ne, %sign3A_761, %sign3A_768 : i32
      %rem3A_770 = arith.remsi %add3A_752, %jit3A_753 : i32
      %ne3A_771 = arith.constant 0 : i32
      %ne3A_772 = arith.cmpi ne, %rem3A_770, %ne3A_771 : i32
      %and3A_773 = arith.andi %ne3A_769, %ne3A_772 : i1
      %sub3A_774 = arith.constant 1 : i32
      %sub3A_775 = arith.subi %div3A_754, %sub3A_774 : i32
      %select_n3A_776 = arith.select %and3A_773, %sub3A_775, %div3A_754 : i32
      %rem3A_777 = arith.constant 4 : i32
      %rem3A_778 = arith.remsi %add3A_752, %rem3A_777 : i32
      %add3A_779 = arith.constant 4 : i32
      %add3A_780 = arith.addi %add3A_752, %add3A_779 : i32
      %sub3A_781 = arith.constant 1 : i32
      %sub3A_782 = arith.subi %add3A_780, %sub3A_781 : i32
      %lt3A_783 = arith.constant 64 : i32
      %lt3A_784 = arith.cmpi slt, %sub3A_782, %lt3A_783 : i32
      %convert_element_type3A_785 = arith.extui %lt3A_784 : i1 to i32
      %cond3A_786 = arith.constant 0 : i32
      %cond3A_787 = arith.cmpi ne, %convert_element_type3A_785, %cond3A_786 : i32
      scf.if %cond3A_787 {
        %add3A_843 = arith.constant 4 : i32
        %add3A_844 = arith.addi %add3A_752, %add3A_843 : i32
        %sub3A_845 = arith.constant 1 : i32
        %sub3A_846 = arith.subi %add3A_844, %sub3A_845 : i32
        %jit3A_847 = arith.constant 4 : i32
        %div3A_848 = arith.divsi %sub3A_846, %jit3A_847 : i32
        %sign3A_849 = arith.constant 0 : i32
        %sign3A_850 = arith.cmpi sgt, %sub3A_846, %sign3A_849 : i32
        %sign3A_851 = arith.extui %sign3A_850 : i1 to i32
        %sign3A_852 = arith.constant 0 : i32
        %sign3A_853 = arith.cmpi slt, %sub3A_846, %sign3A_852 : i32
        %sign3A_854 = arith.extui %sign3A_853 : i1 to i32
        %sign3A_855 = arith.subi %sign3A_851, %sign3A_854 : i32
        %sign3A_856 = arith.constant 0 : i32
        %sign3A_857 = arith.cmpi sgt, %jit3A_847, %sign3A_856 : i32
        %sign3A_858 = arith.extui %sign3A_857 : i1 to i32
        %sign3A_859 = arith.constant 0 : i32
        %sign3A_860 = arith.cmpi slt, %jit3A_847, %sign3A_859 : i32
        %sign3A_861 = arith.extui %sign3A_860 : i1 to i32
        %sign3A_862 = arith.subi %sign3A_858, %sign3A_861 : i32
        %ne3A_863 = arith.cmpi ne, %sign3A_855, %sign3A_862 : i32
        %rem3A_864 = arith.remsi %sub3A_846, %jit3A_847 : i32
        %ne3A_865 = arith.constant 0 : i32
        %ne3A_866 = arith.cmpi ne, %rem3A_864, %ne3A_865 : i32
        %and3A_867 = arith.andi %ne3A_863, %ne3A_866 : i1
        %sub3A_868 = arith.constant 1 : i32
        %sub3A_869 = arith.subi %div3A_848, %sub3A_868 : i32
        %select_n3A_870 = arith.select %and3A_867, %sub3A_869, %div3A_848 : i32
        %rem3A_871 = arith.constant 4 : i32
        %rem3A_872 = arith.remsi %sub3A_846, %rem3A_871 : i32
        %mul3A_873 = arith.constant 16 : i32
        %mul3A_874 = arith.muli %select_n3A_870, %mul3A_873 : i32
        %add3A_875 = arith.addi %mul3A_2, %mul3A_874 : i32
        %scan3A_876 = arith.constant 0 : i32
        %scan3A_877 = arith.constant 0 : i32
        %scan3A_878 = arith.constant 16 : i32
        %scan3A_879 = arith.addi %scan3A_877, %scan3A_878 : i32
        %scan3A_880 = arith.constant 2 : i32
        %scan3A_881 = scf.for %scan3A_883 = %scan3A_877 to %scan3A_879 step %scan3A_880 iter_args(%scan3A_884 = %scan3A_876) -> (i32)  : i32 {
          %add3A_885 = arith.addi %add3A_875, %scan3A_883 : i32
          %mul3A_886 = arith.constant 768 : i32
          %mul3A_887 = arith.muli %scan3A_883, %mul3A_886 : i32
          %dma_start3A = arith.constant 2 : i32
          %dma_start3A_888 = tpu.memref_slice %arg6[%dma_start3A, %mul3A_887] : memref<4x12288xf32, #tpu.memory_space<vmem>> -> memref<1x768xf32, #tpu.memory_space<vmem>>
          %dma_start3A_889 = tpu.memref_squeeze %dma_start3A_888 : memref<1x768xf32, #tpu.memory_space<vmem>> -> memref<768xf32, #tpu.memory_space<vmem>>
          %dma_start3A_890 = arith.constant 0 : i32
          %dma_start3A_891 = tpu.memref_slice %arg2[%rem3A_872, %add3A_885, %dma_start3A_890] : memref<4x8192x768xf32, #tpu.memory_space<hbm>> -> memref<1x1x768xf32, #tpu.memory_space<hbm>>
          %dma_start3A_892 = tpu.memref_squeeze %dma_start3A_891 : memref<1x1x768xf32, #tpu.memory_space<hbm>> -> memref<768xf32, #tpu.memory_space<hbm>>
          %dma_start3A_893 = tpu.memref_slice %arg6[%dma_start3A, %mul3A_887] : memref<4x12288xf32, #tpu.memory_space<vmem>> -> memref<1x768xf32, #tpu.memory_space<vmem>>
          %dma_start3A_894 = tpu.memref_squeeze %dma_start3A_893 : memref<1x768xf32, #tpu.memory_space<vmem>> -> memref<768xf32, #tpu.memory_space<vmem>>
          %dma_start3A_895 = arith.constant 0 : i32
          %dma_start3A_896 = tpu.memref_slice %arg2[%rem3A_872, %add3A_885, %dma_start3A_895] : memref<4x8192x768xf32, #tpu.memory_space<hbm>> -> memref<1x1x768xf32, #tpu.memory_space<hbm>>
          %dma_start3A_897 = tpu.memref_squeeze %dma_start3A_896 : memref<1x1x768xf32, #tpu.memory_space<hbm>> -> memref<768xf32, #tpu.memory_space<hbm>>
          tpu.enqueue_dma source(%dma_start3A_897 : memref<768xf32, #tpu.memory_space<hbm>>) target(%dma_start3A_894 : memref<768xf32, #tpu.memory_space<vmem>>) target_semaphore(%arg11 : memref<!tpu.dma_semaphore, #tpu.memory_space<semaphore_mem>>)
          %scan3A_898 = arith.constant 0 : i32
          %scan3A_899 = arith.constant 1 : i32
          %scan3A_900 = arith.addi %scan3A_883, %scan3A_899 : i32
          %add3A_901 = arith.addi %add3A_875, %scan3A_900 : i32
          %mul3A_902 = arith.constant 768 : i32
          %mul3A_903 = arith.muli %scan3A_900, %mul3A_902 : i32
          %dma_start3A_904 = arith.constant 2 : i32
          %dma_start3A_905 = tpu.memref_slice %arg6[%dma_start3A_904, %mul3A_903] : memref<4x12288xf32, #tpu.memory_space<vmem>> -> memref<1x768xf32, #tpu.memory_space<vmem>>
          %dma_start3A_906 = tpu.memref_squeeze %dma_start3A_905 : memref<1x768xf32, #tpu.memory_space<vmem>> -> memref<768xf32, #tpu.memory_space<vmem>>
          %dma_start3A_907 = arith.constant 0 : i32
          %dma_start3A_908 = tpu.memref_slice %arg2[%rem3A_872, %add3A_901, %dma_start3A_907] : memref<4x8192x768xf32, #tpu.memory_space<hbm>> -> memref<1x1x768xf32, #tpu.memory_space<hbm>>
          %dma_start3A_909 = tpu.memref_squeeze %dma_start3A_908 : memref<1x1x768xf32, #tpu.memory_space<hbm>> -> memref<768xf32, #tpu.memory_space<hbm>>
          %dma_start3A_910 = tpu.memref_slice %arg6[%dma_start3A_904, %mul3A_903] : memref<4x12288xf32, #tpu.memory_space<vmem>> -> memref<1x768xf32, #tpu.memory_space<vmem>>
          %dma_start3A_911 = tpu.memref_squeeze %dma_start3A_910 : memref<1x768xf32, #tpu.memory_space<vmem>> -> memref<768xf32, #tpu.memory_space<vmem>>
          %dma_start3A_912 = arith.constant 0 : i32
          %dma_start3A_913 = tpu.memref_slice %arg2[%rem3A_872, %add3A_901, %dma_start3A_912] : memref<4x8192x768xf32, #tpu.memory_space<hbm>> -> memref<1x1x768xf32, #tpu.memory_space<hbm>>
          %dma_start3A_914 = tpu.memref_squeeze %dma_start3A_913 : memref<1x1x768xf32, #tpu.memory_space<hbm>> -> memref<768xf32, #tpu.memory_space<hbm>>
          tpu.enqueue_dma source(%dma_start3A_914 : memref<768xf32, #tpu.memory_space<hbm>>) target(%dma_start3A_911 : memref<768xf32, #tpu.memory_space<vmem>>) target_semaphore(%arg11 : memref<!tpu.dma_semaphore, #tpu.memory_space<semaphore_mem>>)
          %scan3A_915 = arith.constant 0 : i32
          scf.yield %scan3A_915 : i32
        }
        %scan3A_882 = arith.constant 16 : i32
      } else {
      }
      %dma_wait3A_788 = arith.constant 3 : i32
      %dma_wait3A_789 = arith.constant 0 : i32
      %dma_wait3A_790 = tpu.memref_slice %arg6[%dma_wait3A_788, %dma_wait3A_789] : memref<4x12288xf32, #tpu.memory_space<vmem>> -> memref<1x12288xf32, #tpu.memory_space<vmem>>
      %dma_wait3A_791 = tpu.memref_squeeze %dma_wait3A_790 : memref<1x12288xf32, #tpu.memory_space<vmem>> -> memref<12288xf32, #tpu.memory_space<vmem>>
      %dma_wait3A_792 = arith.constant 0 : i32
      %dma_wait3A_793 = tpu.memref_slice %arg6[%dma_wait3A_788, %dma_wait3A_792] : memref<4x12288xf32, #tpu.memory_space<vmem>> -> memref<1x12288xf32, #tpu.memory_space<vmem>>
      %dma_wait3A_794 = tpu.memref_squeeze %dma_wait3A_793 : memref<1x12288xf32, #tpu.memory_space<vmem>> -> memref<12288xf32, #tpu.memory_space<vmem>>
      tpu.wait_dma2 semaphore(%arg12 : memref<!tpu.dma_semaphore, #tpu.memory_space<semaphore_mem>>) src(%arg4 : memref<12288xf32, #tpu.memory_space<hbm>>) dst(%dma_wait3A_794 : memref<12288xf32, #tpu.memory_space<vmem>>)
      %ge3A_795 = arith.constant 4 : i32
      %ge3A_796 = arith.cmpi sge, %add3A_752, %ge3A_795 : i32
      %convert_element_type3A_797 = arith.extui %ge3A_796 : i1 to i32
      %cond3A_798 = arith.constant 0 : i32
      %cond3A_799 = arith.cmpi ne, %convert_element_type3A_797, %cond3A_798 : i32
      scf.if %cond3A_799 {
        %dma_wait3A_843 = arith.constant 3 : i32
        %dma_wait3A_844 = arith.constant 0 : i32
        %dma_wait3A_845 = tpu.memref_slice %arg8[%dma_wait3A_843, %dma_wait3A_844] : memref<4x12288xf32, #tpu.memory_space<vmem>> -> memref<1x12288xf32, #tpu.memory_space<vmem>>
        %dma_wait3A_846 = tpu.memref_squeeze %dma_wait3A_845 : memref<1x12288xf32, #tpu.memory_space<vmem>> -> memref<12288xf32, #tpu.memory_space<vmem>>
        %dma_wait3A_847 = arith.constant 0 : i32
        %dma_wait3A_848 = tpu.memref_slice %arg8[%dma_wait3A_843, %dma_wait3A_847] : memref<4x12288xf32, #tpu.memory_space<vmem>> -> memref<1x12288xf32, #tpu.memory_space<vmem>>
        %dma_wait3A_849 = tpu.memref_squeeze %dma_wait3A_848 : memref<1x12288xf32, #tpu.memory_space<vmem>> -> memref<12288xf32, #tpu.memory_space<vmem>>
        tpu.wait_dma2 semaphore(%arg18 : memref<!tpu.dma_semaphore, #tpu.memory_space<semaphore_mem>>) src(%dma_wait3A_849 : memref<12288xf32, #tpu.memory_space<vmem>>) dst(%arg4 : memref<12288xf32, #tpu.memory_space<hbm>>)
      } else {
      }
      %parallel_loop3A_800 = arith.constant 0 : i32
      %parallel_loop3A_801 = arith.constant 12288 : i32
      %parallel_loop3A_802 = arith.constant 16 : i32
      %parallel_loop3A_803 = arith.constant 3 : i32
      %parallel_loop3A_804 = arith.constant 1 : i32
      %parallel_loop3A_805 = arith.constant 3 : i32
      scf.for %parallel_loop3A_843 = %parallel_loop3A_800 to %parallel_loop3A_801 step %parallel_loop3A_802  : i32 {
        %parallel_loop3A_844 = arith.constant 0 : i32
        %parallel_loop3A_845 = tpu.memref_slice %arg6[%parallel_loop3A_803, %parallel_loop3A_844] : memref<4x12288xf32, #tpu.memory_space<vmem>> -> memref<1x12288xf32, #tpu.memory_space<vmem>>
        %parallel_loop3A_846 = tpu.memref_squeeze %parallel_loop3A_845 : memref<1x12288xf32, #tpu.memory_space<vmem>> -> memref<12288xf32, #tpu.memory_space<vmem>>
        %parallel_loop3A_847 = arith.index_cast %parallel_loop3A_843 : i32 to index
        %parallel_loop3A_848 = tpu.vector_load %parallel_loop3A_846[%parallel_loop3A_847] {strides = array<i32>} : memref<12288xf32, #tpu.memory_space<vmem>>, vector<16xf32>,
        %parallel_loop3A_849 = vector.shape_cast %parallel_loop3A_848 : vector<16xf32> to vector<16xf32>
        %parallel_loop3A_850 = arith.constant 0 : i32
        %parallel_loop3A_851 = tpu.memref_slice %arg7[%parallel_loop3A_804, %parallel_loop3A_850] : memref<2x12288xf32, #tpu.memory_space<vmem>> -> memref<1x12288xf32, #tpu.memory_space<vmem>>
        %parallel_loop3A_852 = tpu.memref_squeeze %parallel_loop3A_851 : memref<1x12288xf32, #tpu.memory_space<vmem>> -> memref<12288xf32, #tpu.memory_space<vmem>>
        %parallel_loop3A_853 = arith.index_cast %parallel_loop3A_843 : i32 to index
        %parallel_loop3A_854 = tpu.vector_load %parallel_loop3A_852[%parallel_loop3A_853] {strides = array<i32>} : memref<12288xf32, #tpu.memory_space<vmem>>, vector<16xf32>,
        %parallel_loop3A_855 = vector.shape_cast %parallel_loop3A_854 : vector<16xf32> to vector<16xf32>
        %parallel_loop3A_856 = arith.addf %parallel_loop3A_849, %parallel_loop3A_855 : vector<16xf32>
        %parallel_loop3A_857 = arith.constant 0 : i32
        %parallel_loop3A_858 = tpu.memref_slice %arg8[%parallel_loop3A_805, %parallel_loop3A_857] : memref<4x12288xf32, #tpu.memory_space<vmem>> -> memref<1x12288xf32, #tpu.memory_space<vmem>>
        %parallel_loop3A_859 = tpu.memref_squeeze %parallel_loop3A_858 : memref<1x12288xf32, #tpu.memory_space<vmem>> -> memref<12288xf32, #tpu.memory_space<vmem>>
        %parallel_loop3A_860 = arith.index_cast %parallel_loop3A_843 : i32 to index
        %parallel_loop3A_861 = tpu.vector_load %parallel_loop3A_859[%parallel_loop3A_860] {strides = array<i32>} : memref<12288xf32, #tpu.memory_space<vmem>>, vector<16xf32>,
        %parallel_loop3A_862 = vector.shape_cast %parallel_loop3A_861 : vector<16xf32> to vector<16xf32>
        %parallel_loop3A_863 = vector.shape_cast %parallel_loop3A_856 : vector<16xf32> to vector<16xf32>
        tpu.vector_store %parallel_loop3A_859[%parallel_loop3A_860], %parallel_loop3A_863 {strides = array<i32>} : memref<12288xf32, #tpu.memory_space<vmem>>, vector<16xf32>,
      } {sc.loop_unroll_factor = 8 : i64, sc.parallel_access}
      %jit3A_806 = arith.constant 4 : i32
      %div3A_807 = arith.divsi %add3A_752, %jit3A_806 : i32
      %sign3A_808 = arith.constant 0 : i32
      %sign3A_809 = arith.cmpi sgt, %add3A_752, %sign3A_808 : i32
      %sign3A_810 = arith.extui %sign3A_809 : i1 to i32
      %sign3A_811 = arith.constant 0 : i32
      %sign3A_812 = arith.cmpi slt, %add3A_752, %sign3A_811 : i32
      %sign3A_813 = arith.extui %sign3A_812 : i1 to i32
      %sign3A_814 = arith.subi %sign3A_810, %sign3A_813 : i32
      %sign3A_815 = arith.constant 0 : i32
      %sign3A_816 = arith.cmpi sgt, %jit3A_806, %sign3A_815 : i32
      %sign3A_817 = arith.extui %sign3A_816 : i1 to i32
      %sign3A_818 = arith.constant 0 : i32
      %sign3A_819 = arith.cmpi slt, %jit3A_806, %sign3A_818 : i32
      %sign3A_820 = arith.extui %sign3A_819 : i1 to i32
      %sign3A_821 = arith.subi %sign3A_817, %sign3A_820 : i32
      %ne3A_822 = arith.cmpi ne, %sign3A_814, %sign3A_821 : i32
      %rem3A_823 = arith.remsi %add3A_752, %jit3A_806 : i32
      %ne3A_824 = arith.constant 0 : i32
      %ne3A_825 = arith.cmpi ne, %rem3A_823, %ne3A_824 : i32
      %and3A_826 = arith.andi %ne3A_822, %ne3A_825 : i1
      %sub3A_827 = arith.constant 1 : i32
      %sub3A_828 = arith.subi %div3A_807, %sub3A_827 : i32
      %select_n3A_829 = arith.select %and3A_826, %sub3A_828, %div3A_807 : i32
      %rem3A_830 = arith.constant 4 : i32
      %rem3A_831 = arith.remsi %add3A_752, %rem3A_830 : i32
      %mul3A_832 = arith.constant 16 : i32
      %mul3A_833 = arith.muli %select_n3A_829, %mul3A_832 : i32
      %add3A_834 = arith.addi %mul3A_2, %mul3A_833 : i32
      %scan3A_835 = arith.constant 0 : i32
      %scan3A_836 = arith.constant 0 : i32
      %scan3A_837 = arith.constant 16 : i32
      %scan3A_838 = arith.addi %scan3A_836, %scan3A_837 : i32
      %scan3A_839 = arith.constant 2 : i32
      %scan3A_840 = scf.for %scan3A_843 = %scan3A_836 to %scan3A_838 step %scan3A_839 iter_args(%scan3A_844 = %scan3A_835) -> (i32)  : i32 {
        %mul3A_845 = arith.constant 768 : i32
        %mul3A_846 = arith.muli %scan3A_843, %mul3A_845 : i32
        %add3A_847 = arith.addi %add3A_834, %scan3A_843 : i32
        %dma_start3A = arith.constant 3 : i32
        %dma_start3A_848 = tpu.memref_slice %arg8[%dma_start3A, %mul3A_846] : memref<4x12288xf32, #tpu.memory_space<vmem>> -> memref<1x768xf32, #tpu.memory_space<vmem>>
        %dma_start3A_849 = tpu.memref_squeeze %dma_start3A_848 : memref<1x768xf32, #tpu.memory_space<vmem>> -> memref<768xf32, #tpu.memory_space<vmem>>
        %dma_start3A_850 = arith.constant 0 : i32
        %dma_start3A_851 = tpu.memref_slice %arg5[%rem3A_831, %add3A_847, %dma_start3A_850] : memref<4x8192x768xf32, #tpu.memory_space<hbm>> -> memref<1x1x768xf32, #tpu.memory_space<hbm>>
        %dma_start3A_852 = tpu.memref_squeeze %dma_start3A_851 : memref<1x1x768xf32, #tpu.memory_space<hbm>> -> memref<768xf32, #tpu.memory_space<hbm>>
        %dma_start3A_853 = arith.constant 0 : i32
        %dma_start3A_854 = tpu.memref_slice %arg5[%rem3A_831, %add3A_847, %dma_start3A_853] : memref<4x8192x768xf32, #tpu.memory_space<hbm>> -> memref<1x1x768xf32, #tpu.memory_space<hbm>>
        %dma_start3A_855 = tpu.memref_squeeze %dma_start3A_854 : memref<1x1x768xf32, #tpu.memory_space<hbm>> -> memref<768xf32, #tpu.memory_space<hbm>>
        %dma_start3A_856 = tpu.memref_slice %arg8[%dma_start3A, %mul3A_846] : memref<4x12288xf32, #tpu.memory_space<vmem>> -> memref<1x768xf32, #tpu.memory_space<vmem>>
        %dma_start3A_857 = tpu.memref_squeeze %dma_start3A_856 : memref<1x768xf32, #tpu.memory_space<vmem>> -> memref<768xf32, #tpu.memory_space<vmem>>
        tpu.enqueue_dma source(%dma_start3A_857 : memref<768xf32, #tpu.memory_space<vmem>>) target(%dma_start3A_855 : memref<768xf32, #tpu.memory_space<hbm>>) target_semaphore(%arg18 : memref<!tpu.dma_semaphore, #tpu.memory_space<semaphore_mem>>)
        %scan3A_858 = arith.constant 0 : i32
        %scan3A_859 = arith.constant 1 : i32
        %scan3A_860 = arith.addi %scan3A_843, %scan3A_859 : i32
        %mul3A_861 = arith.constant 768 : i32
        %mul3A_862 = arith.muli %scan3A_860, %mul3A_861 : i32
        %add3A_863 = arith.addi %add3A_834, %scan3A_860 : i32
        %dma_start3A_864 = arith.constant 3 : i32
        %dma_start3A_865 = tpu.memref_slice %arg8[%dma_start3A_864, %mul3A_862] : memref<4x12288xf32, #tpu.memory_space<vmem>> -> memref<1x768xf32, #tpu.memory_space<vmem>>
        %dma_start3A_866 = tpu.memref_squeeze %dma_start3A_865 : memref<1x768xf32, #tpu.memory_space<vmem>> -> memref<768xf32, #tpu.memory_space<vmem>>
        %dma_start3A_867 = arith.constant 0 : i32
        %dma_start3A_868 = tpu.memref_slice %arg5[%rem3A_831, %add3A_863, %dma_start3A_867] : memref<4x8192x768xf32, #tpu.memory_space<hbm>> -> memref<1x1x768xf32, #tpu.memory_space<hbm>>
        %dma_start3A_869 = tpu.memref_squeeze %dma_start3A_868 : memref<1x1x768xf32, #tpu.memory_space<hbm>> -> memref<768xf32, #tpu.memory_space<hbm>>
        %dma_start3A_870 = arith.constant 0 : i32
        %dma_start3A_871 = tpu.memref_slice %arg5[%rem3A_831, %add3A_863, %dma_start3A_870] : memref<4x8192x768xf32, #tpu.memory_space<hbm>> -> memref<1x1x768xf32, #tpu.memory_space<hbm>>
        %dma_start3A_872 = tpu.memref_squeeze %dma_start3A_871 : memref<1x1x768xf32, #tpu.memory_space<hbm>> -> memref<768xf32, #tpu.memory_space<hbm>>
        %dma_start3A_873 = tpu.memref_slice %arg8[%dma_start3A_864, %mul3A_862] : memref<4x12288xf32, #tpu.memory_space<vmem>> -> memref<1x768xf32, #tpu.memory_space<vmem>>
        %dma_start3A_874 = tpu.memref_squeeze %dma_start3A_873 : memref<1x768xf32, #tpu.memory_space<vmem>> -> memref<768xf32, #tpu.memory_space<vmem>>
        tpu.enqueue_dma source(%dma_start3A_874 : memref<768xf32, #tpu.memory_space<vmem>>) target(%dma_start3A_872 : memref<768xf32, #tpu.memory_space<hbm>>) target_semaphore(%arg18 : memref<!tpu.dma_semaphore, #tpu.memory_space<semaphore_mem>>)
        %scan3A_875 = arith.constant 0 : i32
        scf.yield %scan3A_875 : i32
      }
      %scan3A_841 = arith.constant 16 : i32
      %scan3A_842 = arith.constant 0 : i32
      scf.yield %scan3A_842 : i32
    }
    %scan3A_52 = arith.constant 8 : i32
    %dma_wait3A = arith.constant 0 : i32
    %dma_wait3A_53 = arith.constant 0 : i32
    %dma_wait3A_54 = tpu.memref_slice %arg8[%dma_wait3A, %dma_wait3A_53] : memref<4x12288xf32, #tpu.memory_space<vmem>> -> memref<1x12288xf32, #tpu.memory_space<vmem>>
    %dma_wait3A_55 = tpu.memref_squeeze %dma_wait3A_54 : memref<1x12288xf32, #tpu.memory_space<vmem>> -> memref<12288xf32, #tpu.memory_space<vmem>>
    %dma_wait3A_56 = arith.constant 0 : i32
    %dma_wait3A_57 = tpu.memref_slice %arg8[%dma_wait3A, %dma_wait3A_56] : memref<4x12288xf32, #tpu.memory_space<vmem>> -> memref<1x12288xf32, #tpu.memory_space<vmem>>
    %dma_wait3A_58 = tpu.memref_squeeze %dma_wait3A_57 : memref<1x12288xf32, #tpu.memory_space<vmem>> -> memref<12288xf32, #tpu.memory_space<vmem>>
    tpu.wait_dma2 semaphore(%arg15 : memref<!tpu.dma_semaphore, #tpu.memory_space<semaphore_mem>>) src(%dma_wait3A_58 : memref<12288xf32, #tpu.memory_space<vmem>>) dst(%arg4 : memref<12288xf32, #tpu.memory_space<hbm>>)
    %dma_wait3A_59 = arith.constant 1 : i32
    %dma_wait3A_60 = arith.constant 0 : i32
    %dma_wait3A_61 = tpu.memref_slice %arg8[%dma_wait3A_59, %dma_wait3A_60] : memref<4x12288xf32, #tpu.memory_space<vmem>> -> memref<1x12288xf32, #tpu.memory_space<vmem>>
    %dma_wait3A_62 = tpu.memref_squeeze %dma_wait3A_61 : memref<1x12288xf32, #tpu.memory_space<vmem>> -> memref<12288xf32, #tpu.memory_space<vmem>>
    %dma_wait3A_63 = arith.constant 0 : i32
    %dma_wait3A_64 = tpu.memref_slice %arg8[%dma_wait3A_59, %dma_wait3A_63] : memref<4x12288xf32, #tpu.memory_space<vmem>> -> memref<1x12288xf32, #tpu.memory_space<vmem>>
    %dma_wait3A_65 = tpu.memref_squeeze %dma_wait3A_64 : memref<1x12288xf32, #tpu.memory_space<vmem>> -> memref<12288xf32, #tpu.memory_space<vmem>>
    tpu.wait_dma2 semaphore(%arg16 : memref<!tpu.dma_semaphore, #tpu.memory_space<semaphore_mem>>) src(%dma_wait3A_65 : memref<12288xf32, #tpu.memory_space<vmem>>) dst(%arg4 : memref<12288xf32, #tpu.memory_space<hbm>>)
    %dma_wait3A_66 = arith.constant 2 : i32
    %dma_wait3A_67 = arith.constant 0 : i32
    %dma_wait3A_68 = tpu.memref_slice %arg8[%dma_wait3A_66, %dma_wait3A_67] : memref<4x12288xf32, #tpu.memory_space<vmem>> -> memref<1x12288xf32, #tpu.memory_space<vmem>>
    %dma_wait3A_69 = tpu.memref_squeeze %dma_wait3A_68 : memref<1x12288xf32, #tpu.memory_space<vmem>> -> memref<12288xf32, #tpu.memory_space<vmem>>
    %dma_wait3A_70 = arith.constant 0 : i32
    %dma_wait3A_71 = tpu.memref_slice %arg8[%dma_wait3A_66, %dma_wait3A_70] : memref<4x12288xf32, #tpu.memory_space<vmem>> -> memref<1x12288xf32, #tpu.memory_space<vmem>>
    %dma_wait3A_72 = tpu.memref_squeeze %dma_wait3A_71 : memref<1x12288xf32, #tpu.memory_space<vmem>> -> memref<12288xf32, #tpu.memory_space<vmem>>
    tpu.wait_dma2 semaphore(%arg17 : memref<!tpu.dma_semaphore, #tpu.memory_space<semaphore_mem>>) src(%dma_wait3A_72 : memref<12288xf32, #tpu.memory_space<vmem>>) dst(%arg4 : memref<12288xf32, #tpu.memory_space<hbm>>)
    %dma_wait3A_73 = arith.constant 3 : i32
    %dma_wait3A_74 = arith.constant 0 : i32
    %dma_wait3A_75 = tpu.memref_slice %arg8[%dma_wait3A_73, %dma_wait3A_74] : memref<4x12288xf32, #tpu.memory_space<vmem>> -> memref<1x12288xf32, #tpu.memory_space<vmem>>
    %dma_wait3A_76 = tpu.memref_squeeze %dma_wait3A_75 : memref<1x12288xf32, #tpu.memory_space<vmem>> -> memref<12288xf32, #tpu.memory_space<vmem>>
    %dma_wait3A_77 = arith.constant 0 : i32
    %dma_wait3A_78 = tpu.memref_slice %arg8[%dma_wait3A_73, %dma_wait3A_77] : memref<4x12288xf32, #tpu.memory_space<vmem>> -> memref<1x12288xf32, #tpu.memory_space<vmem>>
    %dma_wait3A_79 = tpu.memref_squeeze %dma_wait3A_78 : memref<1x12288xf32, #tpu.memory_space<vmem>> -> memref<12288xf32, #tpu.memory_space<vmem>>
    tpu.wait_dma2 semaphore(%arg18 : memref<!tpu.dma_semaphore, #tpu.memory_space<semaphore_mem>>) src(%dma_wait3A_79 : memref<12288xf32, #tpu.memory_space<vmem>>) dst(%arg4 : memref<12288xf32, #tpu.memory_space<hbm>>)
    return
  }
}

</mosaic_0001>

<sc_bundles>
// kernel: kernel.3.cloned.1.call-start
scs
__scs_entry_jumppad:
0x0: {  	(pc) =	sbr.rel $0x88, $3  }
0x1: {  	(tag) =	ssettag $0x0;
	lr =	simm.s32 $0x1  }
0x2: {  	[smem:$0x3F9F] =	sst lr;
	_ =	strace $0xD0000000  }
0x3: {  	_ = 	snop  }
0x4: {  	_ = 	snop  }
0x5: {  	_ = 	snop  }
0x6: {  	_ = 	snop  }
0x7: {  	_ = 	snop  }
__scs_overlays_trampoline_lowered:
0x8: {  	[smem:$0x3FAE] =	sst s0  }
0x9: {  	[smem:$0x3FAF] =	sst s1  }
0xa: {  	[smem:$0x3FB0] =	sst s2  }
0xb: {  	[smem:$0x3FB1] =	sst s3  }
0xc: {  	[smem:$0x3FB2] =	sst s4  }
0xd: {  	[smem:$0x3FB3] =	sst s5  }
0xe: {  	[smem:$0x3FB4] =	sst s6  }
0xf: {  	[smem:$0x3FB5] =	sst s7  }
0x10: {  	[smem:$0x3FB6] =	sst s8  }
0x11: {  	[smem:$0x3FB7] =	sst s9;
	s0 =	simm.s32 @!p0 $0x0  }
0x12: {  	s1 =	sld [smem:$0x3F9D];
	s0 =	simm.s32 @p0 $0x1  }
0x13: {  	[smem:$0x3FB8] =	sst s0;
	s0 =	simm.s32 @!p1 $0x0  }
0x14: {  	s2 =	sld [smem:$0x3F9C];
	s0 =	simm.s32 @p1 $0x1  }
0x15: {  	[smem:$0x3FB9] =	sst s0;
	s0 =	simm.s32 @!p2 $0x0  }
0x16: {  	s3 =	sld [smem:$0x3FDB];
	s0 =	simm.s32 @p2 $0x1  }
0x17: {  	s4 =	simm.s32 $0x1BF5;
	[smem:$0x3FBB] =	sst s0  }
0x18: {  	s0 =	sld [smem:$0x3F9E];
	_ =	swait.ge [sflag:s4], $0x0  }
0x19: {  	s7 =	sld [smem:$0x3F9F]  }
0x1a: {  	s8 =	sadd.s32 $0xFFFFE003, lr  }
0x1b: {  	s9 =	sadd.s32 $0xFFFFFEF7, lr;
	s5 =	simm.s32 $0xFFFFFFFF;
	p2 =	slt.u32 s8, $0xFFFFF086  }
0x1c: {  	p1 =	slt.u32 s9, $0xF7A;
	s5 =	simm.s32 @!p2 $0x0  }
0x1d: {  	s5 =	simm.s32 @p1 $0x1;
	p0 =	seq.s32 s7, s2  }
0x1e: {  	s7 =	smul.u32 @!p0 $0xF7A, s2;
	p2 =	seq.s32 @!p0 s5, $0x0  }
0x1f: {  	s9 =	smul.u32 $0xF7A, s1;
	s8 =	simm.s32 @!p0 $0x1BF5;
	p2 =	por !p2, p0  }
0x20: {  	[sflag:s8] =	ssyncset.s32 @!p0 $0xFFFFF086;
	s6 =	sadd.s32 @!p0 s3, s7;
	s7 =	simm.s32 @!p0 $0x108  }
0x21: {  	s3 =	sadd.s32 s3, s9;
	s6 =	sadd.s32 @!p0 $0x88, s6;
	s7 =	simm.s32 @p2 $0x1082  }
0x22: {  	[simem:s7], [sflag:s8] =	dma.local @!p0 [hbm:s6], $0xF7A  }
0x23: {  	s9 =	sor.u32 $0xD0000000, s2;
	s6 =	simm.s32 $0x108;
	_ =	swait.ge @!p0 [sflag:s8], $0x0  }
0x24: {  	s3 =	sadd.s32 $0x88, s3;
	s6 =	simm.s32 @!p1 $0x1082;
	[sflag:s4] =	ssyncset.s32 $0xFFFFF086  }
0x25: {  	[simem:s6], [sflag:s4] =	dma.local [hbm:s3], $0xF7A  }
0x26: {  	[smem:$0x3F9F] =	sst s1;
	(tag) =	ssettag s2;
	_ =	strace s9  }
0x27: {  	s1 =	sld [smem:$0x3FAF]  }
0x28: {  	s2 =	sld [smem:$0x3FB0]  }
0x29: {  	s4 =	sld [smem:$0x3FB2]  }
0x2a: {  	p0 =	seq.s32 s5, $0x0;
	s5 =	sld [smem:$0x3FB3]  }
0x2b: {  	s6 =	sld [smem:$0x3FB4]  }
0x2c: {  	s7 =	sld [smem:$0x3FB5]  }
0x2d: {  	s3 =	simm.s32 $0x108;
	s8 =	sld [smem:$0x3FB6]  }
0x2e: {  	s3 =	simm.s32 @!p0 $0x1082;
	s9 =	sld [smem:$0x3FB7]  }
0x2f: {  	lr =	sadd.s32 s0, s3;
	s0 =	sld [smem:$0x3FAE]  }
0x30: {  	s3 =	sld [smem:$0x3FB1]  }
0x31: {  	[smem:$0x3FBA] =	sst s10  }
0x32: {  	s10 =	sld [smem:$0x3FB8];
	_ =	sdelay $0x3  }
0x33: {  	p0 =	seq.s32 s10, $0x1;
	s10 =	sld [smem:$0x3FBA];
	_ =	sdelay $0x3  }
0x34: {  	[smem:$0x3FBA] =	sst s10  }
0x35: {  	s10 =	sld [smem:$0x3FB9];
	_ =	sdelay $0x3  }
0x36: {  	p1 =	seq.s32 s10, $0x1;
	s10 =	sld [smem:$0x3FBA];
	_ =	sdelay $0x3  }
0x37: {  	[smem:$0x3FBA] =	sst s10  }
0x38: {  	s10 =	sld [smem:$0x3FBB]  }
0x39: {  	_ = 	snop;
	(pc) =	sbr.ind lr, $3  }
0x3a: {  	_ = 	snop  }
0x3b: {  	_ = 	snop  }
0x3c: {  	p2 =	seq.s32 s10, $0x1;
	s10 =	sld [smem:$0x3FBA]  }
0x3d: {  	_ =	shalt  }
0x3e: {  	_ =	shalt  }
0x3f: {  	_ =	shalt  }
0x40: {  	_ =	shalt  }
0x41: {  	_ =	shalt  }
0x42: {  	_ =	shalt  }
0x43: {  	_ =	shalt  }
0x44: {  	_ =	shalt  }
0x45: {  	_ =	shalt  }
0x46: {  	_ =	shalt  }
0x47: {  	_ =	shalt  }
0x48: {  	_ =	shalt  }
0x49: {  	_ =	shalt  }
0x4a: {  	_ =	shalt  }
0x4b: {  	_ =	shalt  }
0x4c: {  	_ =	shalt  }
0x4d: {  	_ =	shalt  }
0x4e: {  	_ =	shalt  }
0x4f: {  	_ =	shalt  }
0x50: {  	_ =	shalt  }
0x51: {  	_ =	shalt  }
0x52: {  	_ =	shalt  }
0x53: {  	_ =	shalt  }
0x54: {  	_ =	shalt  }
0x55: {  	_ =	shalt  }
0x56: {  	_ =	shalt  }
0x57: {  	_ =	shalt  }
0x58: {  	_ =	shalt  }
0x59: {  	_ =	shalt  }
0x5a: {  	_ =	shalt  }
0x5b: {  	_ =	shalt  }
0x5c: {  	_ =	shalt  }
0x5d: {  	_ =	shalt  }
0x5e: {  	_ =	shalt  }
0x5f: {  	_ =	shalt  }
0x60: {  	_ =	shalt  }
0x61: {  	_ =	shalt  }
0x62: {  	_ =	shalt  }
0x63: {  	_ =	shalt  }
0x64: {  	_ =	shalt  }
0x65: {  	_ =	shalt  }
0x66: {  	_ =	shalt  }
0x67: {  	_ =	shalt  }
0x68: {  	_ =	shalt  }
0x69: {  	_ =	shalt  }
0x6a: {  	_ =	shalt  }
0x6b: {  	_ =	shalt  }
0x6c: {  	_ =	shalt  }
0x6d: {  	_ =	shalt  }
0x6e: {  	_ =	shalt  }
0x6f: {  	_ =	shalt  }
0x70: {  	_ =	shalt  }
0x71: {  	_ =	shalt  }
0x72: {  	_ =	shalt  }
0x73: {  	_ =	shalt  }
0x74: {  	_ =	shalt  }
0x75: {  	_ =	shalt  }
0x76: {  	_ =	shalt  }
0x77: {  	_ =	shalt  }
0x78: {  	_ =	shalt  }
0x79: {  	_ =	shalt  }
0x7a: {  	_ =	shalt  }
0x7b: {  	_ =	shalt  }
0x7c: {  	_ =	shalt  }
0x7d: {  	_ =	shalt  }
0x7e: {  	_ =	shalt  }
0x7f: {  	_ =	shalt  }
0x80: {  	_ =	shalt  }
0x81: {  	_ =	shalt  }
0x82: {  	_ =	shalt  }
0x83: {  	_ =	shalt  }
0x84: {  	_ =	shalt  }
0x85: {  	_ =	shalt  }
0x86: {  	_ =	shalt  }
0x87: {  	_ =	shalt  }
.Lfunc_end0:
.L_simem_size_0:
called_computation_lowered:
.L_overlay_start_0:
0x88: {  	s2 =	sld [smem:$0x3FD9]  }
0x89: {  	s3 =	sld [smem:$0x3FFE];
	_ =	sdelay $0x1  }
0x8a: {  	s1 =	srdreg.scid  }
0x8b: {  	s0 =	sand.u32 $0x1, s1  }
0x8c: {  	s18 =	sshll.u32 s0, $0xA;
	s2 =	sadd.s32 s3, s2  }
0x8d: {  	s2 =	sadd.s32 s2, s18  }
0x8e: {  	[smem:$0x3FC6] =	sst s2  }
0x8f: {  	_ = 	snop  }
0x90: {  	s2 =	sld [smem:$0x3FC9]  }
0x91: {  	s19 =	sld [smem:$0x3FC8]  }
0x92: {  	s4 =	sld [smem:$0x3FD0];
	(tm) =	ssettm $0x1  }
0x93: {  	s5 =	sld [smem:$0x3FFB];
	_ =	sdelay $0x3  }
0x94: {  	_ =	strace s5  }
0x95: {  	s5 =	sld [smem:$0x3FFC];
	_ =	sdelay $0x3  }
0x96: {  	_ =	strace s5  }
0x97: {  	s5 =	sld [smem:$0x3FFD];
	_ =	sdelay $0x3  }
0x98: {  	_ =	strace s5  }
0x99: {  	_ =	strace $0x8FFFFFFF  }
0x9a: {  	s20 =	sld [smem:$0x3FDB];
	_ =	sdelay $0x1  }
0x9b: {  	s6 =	simm.s32 $_scs_section_size  }
0x9c: {  	s7 =	simm.s32 $_size__tile_overlayer_lowered;
	s8 =	simm.s32 $_tile_overlayer_lowered  }
0x9d: {  	s23 =	simm.s32 $0x1BFF;
	s22 =	sshll.u32 s8, $0x1;
	s5 =	sadd.s32 s6, s20  }
0x9e: {  	s9 =	simm.s32 $0x0;
	s21 =	sshll.u32 s7, $0x1;
	s7 =	sadd.s32 s22, s5  }
0x9f: {  	[timem:s9], [sflag:s23] =	dma.local [hbm:s7], s21  }
0xa0: {  	_ =	swait.ge [sflag:s23], s21  }
0xa1: {  	s6 =	ssub.s32 $0x0, s21;
	[sflag:s23] =	ssyncset.done $0x0  }
0xa2: {  	[sflag:s23] =	ssyncadd.s32 s6;
	_ =	sdelay $0x1  }
0xa3: {  	s24 =	simm.s32 $0x1B8B  }
0xa4: {  	_ =	swait.ge [sflag:s24], $0x1  }
0xa5: {  	[sflag:s24] =	ssyncset.done $0x0  }
0xa6: {  	s25 =	simm.s32 $0x1B8E;
	[sflag:s24] =	ssyncadd.s32 $0xFFFFFFFF  }
0xa7: {  	s26 =	simm.s32 $execute0_lowered;
	[smem:$0x3FD2] =	sst s25  }
0xa8: {  	s6 =	sshll.u32 s26, $0x1;
	_ =	strace $0x80000046;
	[dreg:$0x1] =	wrdreg $0xFFFFFFFF  }
0xa9: {  	s28 =	simm.s32 $_size_execute0_lowered;
	s5 =	sadd.s32 s5, s6;
	[dreg:$0x0] =	wrdreg $0x0  }
0xaa: {  	s6 =	sshll.u32 s28, $0x1;
	[dreg:$0x2] =	wrdreg s5  }
0xab: {  	[dreg:$0x3] =	wrdreg s6  }
0xac: {  	[dreg:$0x4] =	wrdreg $0xC0  }
0xad: {  	_ =	task [dreg:s9], $0x5FFFF  }
0xae: {  	[dreg:$0x1] =	wrdreg $0xFFFFFFFF  }
0xaf: {  	[dreg:$0x0] =	wrdreg $0x60  }
0xb0: {  	[dreg:$0x2] =	wrdreg s2  }
0xb1: {  	[dreg:$0x3] =	wrdreg s19  }
0xb2: {  	[dreg:$0x4] =	wrdreg s4  }
0xb3: {  	[dreg:$0x5] =	wrdreg $0x9  }
0xb4: {  	_ =	task.clear_ibuf [dreg:s9], $0x6FFFF;
	_ =	strace $0x90000046  }
0xb5: {  	s29 =	simm.s32 $0x9;
	_ =	strace $0x80000048  }
0xb6: {  	_ =	swait.ge [sflag:s29], $0x1  }
0xb7: {  	[sflag:s29] =	ssyncadd.s32 $0xFFFFFFFF  }
0xb8: {  	_ =	strace $0x90000048  }
0xb9: {  	_ =	sfence  }
0xba: {  	s30 =	sld [smem:$0x0];
	_ =	sdelay $0x2  }
0xbb: {  	s31 =	sshll.u32 s1, $0xD;
	s1 =	sshrl.u32 s1, $0x2  }
0xbc: {  	s3 =	sand.u32 $0x4000, s31;
	s1 =	sadd.s32 s1, s30  }
0xbd: {  	s0 =	sor.u32 s3, s0;
	s1 =	sshll.u32 s1, $0x11  }
0xbe: {  	s0 =	sor.u32 s1, s0  }
0xbf: {  	s0 =	sadd.s32 $0x8F2B, s0  }
0xc0: {  	[sflag:s0] =	ssyncadd.remote.s32 $0x1  }
0xc1: {  	_ =	sfence.sel $0xFFFF  }
0xc2: {  	[dreg:$0x0] =	wrdreg $0xFFFFFFFF;
	(pc) =	sbr.abs _section_cstart, $3  }
0xc3: {  	[dreg:$0x1] =	wrdreg $0xFFFFFFFF  }
0xc4: {  	_ =	task.clear_ibuf [dreg:s9], $0x2FFFF;
	_ =	strace $0x9FFFFFFF  }
0xc5: {  	(tm) =	ssettm $0x7FFFFFFF  }
tec
execute0_lowered:
.L_overlay_start_1:
0x0: {  	(tag) =	ssettag $0x1  }
0x1: {  	s1 =	rddreg [dreg:$0x0]  }
0x2: {  	s2 =	rddreg [dreg:$0x1]  }
0x3: {  	s3 =	rddreg [dreg:$0x2];
	s4 =	simm.s32 $0x0;
	s0 =	srdreg.scid  }
0x4: {  	s9 =	stileid.u32;
	s11 =	simm.s32 $0x1;
	s12 =	simm.s32 $0x2  }
0x5: {  	[smem:$0x7FF] =	sst s4;
	s0 =	sand.u32 $0x1, s0;
	s7 =	sshll.u32 s9, $0x10  }
0x6: {  	s9 =	sshll.u32 s9, $0x9;
	s5 =	ssub.s32 $0x2, s0;
	s8 =	sshll.u32 s0, $0xF  }
0x7: {  	_ =	strace $0x80000047;
	s6 =	sshrl.u32 s5, $0x1;
	s7 =	sor.u32 s8, s7  }
0x8: {  	s0 =	sshll.u32 s0, $0x8;
	s5 =	ssub.s32 s5, s6;
	s29 =	sor.u32 $0x1080, s7  }
0x9: {  	s6 =	sor.u32 s0, s9;
	s5 =	smax.u32 s5, $0x1;
	[dreg:$0x4] =	wrdreg s29  }
0xa: {  	s13 =	simm.s32 $0x3;
	s30 =	sor.u32 $0x10, s6;
	[dreg:$0x5] =	wrdreg s5  }
0xb: {  	s14 =	simm.s32 $0x4;
	s31 =	sor.u32 $0x20, s6;
	[dreg:$0x6] =	wrdreg s30  }
0xc: {  	s19 =	simm.s32 $0xA;
	[dreg:$0x7] =	wrdreg s31;
	s5 =	simm.s32 $0x0  }
.LBB2_1:
0xd: {  	s0 =	sadd.s32 $0x0, s6  }
0xe: {  	s0 =	sshrl.u32 s0, $0x3  }
0xf: {  	s18 =	simm.s32 $0x0;
	s0 =	smul.u32 $0x1800, s0  }
0x10: {  	s23 =	sand.u32 $0x300, s18  }
0x11: {  	[dreg:$0x8] =	wrdreg s5;
	s5 =	sor.u32 s23, s0  }
0x12: {  	s5 =	sshrl.u32 s5, $0x3  }
0x13: {  	s7 =	simm.s32 $0xC000;
	s5 =	sadd.s32 s2, s5  }
0x14: {  	[tilespmem:s7], [sflag:$0x5] =	stream.linear.gather [hbm4b:s5+s4], $0x80, $0x38;
	[tilespmem:$0x1E000] =	vst v63  }
0x15: {  	s8 =	simm.s32 $0xC100;
	s24 =	simm.s32 $0x80;
	s20 =	sadd.s32 $0x80, s5  }
0x16: {  	[tilespmem:s8], [sflag:$0x5] =	stream.linear.gather [hbm4b:s20+s4], $0x80, $0x38;
	[tilespmem:$0x1E000] =	vst v63  }
0x17: {  	s22 =	simm.s32 $0xC200;
	s26 =	simm.s32 $0xC300;
	s21 =	sadd.s32 $0x100, s5  }
0x18: {  	[tilespmem:s22], [sflag:$0x5] =	stream.linear.gather [hbm4b:s21+s4], $0x80, $0x38;
	[tilespmem:$0x1E000] =	vst v63  }
0x19: {  	s29 =	simm.s32 $0xC400;
	s25 =	sadd.s32 $0x180, s5;
	s21 =	sand.u32 $0x380, s24  }
0x1a: {  	[tilespmem:s26], [sflag:$0x5] =	stream.linear.gather [hbm4b:s25+s4], $0x80, $0x38;
	[tilespmem:$0x1E000] =	vst v63  }
0x1b: {  	s30 =	simm.s32 $0xC500;
	s28 =	sadd.s32 $0x200, s5;
	s0 =	sor.u32 s21, s0  }
0x1c: {  	[tilespmem:s29], [sflag:$0x5] =	stream.linear.gather [hbm4b:s28+s4], $0x80, $0x38;
	[tilespmem:$0x1E000] =	vst v63  }
0x1d: {  	s9 =	simm.s32 $0xC600;
	s5 =	sadd.s32 $0x280, s5;
	s0 =	sshrl.u32 s0, $0x3  }
0x1e: {  	[tilespmem:s30], [sflag:$0x5] =	stream.linear.gather [hbm4b:s5+s4], $0x80, $0x38;
	[tilespmem:$0x1E000] =	vst v63  }
0x1f: {  	s31 =	simm.s32 $0xC700;
	s7 =	simm.s32 $0xCB00;
	s8 =	sadd.s32 s2, s0  }
0x20: {  	[tilespmem:s9], [sflag:$0x5] =	stream.linear.gather [hbm4b:s8+s4], $0x80, $0x38;
	[tilespmem:$0x1E000] =	vst v63  }
0x21: {  	s20 =	simm.s32 $0xCA00;
	s25 =	simm.s32 $0xC800;
	s0 =	sadd.s32 $0x80, s8  }
0x22: {  	[tilespmem:s31], [sflag:$0x5] =	stream.linear.gather [hbm4b:s0+s4], $0x80, $0x38;
	[tilespmem:$0x1E000] =	vst v63  }
0x23: {  	s10 =	sadd.s32 $0x100, s8;
	s5 =	simm.s32 $0xD200;
	s0 =	simm.s32 $0x0  }
.LBB2_2:
0x24: {  	s0 =	sadd.s32 $0x2, s0;
	s15 =	sadd.s32 $0x200, s5;
	s9 =	sadd.s32 $0x300, s9  }
0x25: {  	[tilespmem:s25], [sflag:$0x5] =	stream.linear.gather [hbm4b:s10+s4], $0x80, $0x38;
	[tilespmem:$0x1E000] =	vst v63  }
0x26: {  	s16 =	sadd.s32 $0x200, s8;
	s24 =	sadd.s32 $0x100, s24;
	s10 =	sadd.s32 s6, s0  }
0x27: {  	s22 =	sadd.s32 $0xFFFFFF80, s24;
	s25 =	sadd.s32 $0x180, s8;
	s10 =	sshrl.u32 s10, $0x3  }
0x28: {  	[tilespmem:s9], [sflag:$0x5] =	stream.linear.gather [hbm4b:s25+s4], $0x80, $0x38;
	[tilespmem:$0x1E000] =	vst v63  }
0x29: {  	s9 =	smul.u32 $0x1800, s10;
	s10 =	sand.u32 $0x300, s22;
	s22 =	sand.u32 $0x380, s24  }
0x2a: {  	[tilespmem:s20], [sflag:$0x5] =	stream.linear.gather [hbm4b:s16+s4], $0x80, $0x38;
	[tilespmem:$0x1E000] =	vst v63  }
0x2b: {  	s8 =	sadd.s32 $0x280, s8;
	s10 =	sor.u32 s10, s9;
	s9 =	sor.u32 s22, s9  }
0x2c: {  	p0 =	slt.u32 s0, $0xE;
	s10 =	sshrl.u32 s10, $0x3;
	s16 =	sshrl.u32 s9, $0x3  }
0x2d: {  	[tilespmem:s7], [sflag:$0x5] =	stream.linear.gather [hbm4b:s8+s4], $0x80, $0x38;
	[tilespmem:$0x1E000] =	vst v63  }
0x2e: {  	s25 =	smov.u32 s15;
	s7 =	sadd.s32 $0xFFFFFA00, s5;
	s8 =	sadd.s32 s2, s10  }
0x2f: {  	[tilespmem:s7], [sflag:$0x5] =	stream.linear.gather [hbm4b:s8+s4], $0x80, $0x38;
	[tilespmem:$0x1E000] =	vst v63  }
0x30: {  	s9 =	smov.u32 s5;
	s10 =	sadd.s32 $0xFFFFFB00, s5;
	s7 =	sadd.s32 $0x80, s8  }
0x31: {  	[tilespmem:s10], [sflag:$0x5] =	stream.linear.gather [hbm4b:s7+s4], $0x80, $0x38;
	[tilespmem:$0x1E000] =	vst v63  }
0x32: {  	s7 =	sadd.s32 $0x100, s8;
	s10 =	sadd.s32 $0xFFFFFC00, s5  }
0x33: {  	[tilespmem:s10], [sflag:$0x5] =	stream.linear.gather [hbm4b:s7+s4], $0x80, $0x38;
	[tilespmem:$0x1E000] =	vst v63  }
0x34: {  	s7 =	sadd.s32 $0x180, s8;
	s10 =	sadd.s32 $0xFFFFFD00, s5  }
0x35: {  	[tilespmem:s10], [sflag:$0x5] =	stream.linear.gather [hbm4b:s7+s4], $0x80, $0x38;
	[tilespmem:$0x1E000] =	vst v63  }
0x36: {  	s22 =	simm.s32 $0xC00;
	s7 =	sadd.s32 $0x200, s8;
	s10 =	sadd.s32 $0xFFFFFE00, s5  }
0x37: {  	[tilespmem:s10], [sflag:$0x5] =	stream.linear.gather [hbm4b:s7+s4], $0x80, $0x38;
	[tilespmem:$0x1E000] =	vst v63  }
0x38: {  	s8 =	sadd.s32 $0x280, s8;
	s10 =	sadd.s32 $0xFFFFFF00, s5;
	s7 =	sadd.s32 $0x500, s5  }
0x39: {  	[tilespmem:s10], [sflag:$0x5] =	stream.linear.gather [hbm4b:s8+s4], $0x80, $0x38;
	[tilespmem:$0x1E000] =	vst v63  }
.Ltmp0:
0x3a: {  	_ = 	snop;
	(pc) =	sbr.rel @p0 .LBB2_2-.Ltmp0, $4  }
0x3b: {  	s20 =	sadd.s32 $0x400, s9;
	s5 =	sadd.s32 $0xC00, s5;
	s8 =	sadd.s32 s2, s16  }
0x3c: {  	[tilespmem:s9], [sflag:$0x5] =	stream.linear.gather [hbm4b:s8+s4], $0x80, $0x38;
	[tilespmem:$0x1E000] =	vst v63  }
0x3d: {  	s16 =	sadd.s32 $0x100, s9;
	s15 =	sadd.s32 $0x80, s8;
	s10 =	sadd.s32 $0x100, s8  }
0x3e: {  	[tilespmem:s16], [sflag:$0x5] =	stream.linear.gather [hbm4b:s15+s4], $0x80, $0x38;
	[tilespmem:$0x1E000] =	vst v63  }
0x3f: {  	[tilespmem:s25], [sflag:$0x5] =	stream.linear.gather [hbm4b:s10+s4], $0x80, $0x38;
	[tilespmem:$0x1E000] =	vst v63  }
0x40: {  	s0 =	sadd.s32 $0x300, s9;
	s5 =	sadd.s32 $0x180, s8;
	s10 =	sadd.s32 $0x0, s6  }
0x41: {  	[tilespmem:s0], [sflag:$0x5] =	stream.linear.gather [hbm4b:s5+s4], $0x80, $0x38;
	[tilespmem:$0x1E000] =	vst v63  }
0x42: {  	s0 =	sshrl.u32 s10, $0x3  }
0x43: {  	s9 =	sadd.s32 $0x200, s8;
	s0 =	smul.u32 $0x1800, s0  }
0x44: {  	[tilespmem:s20], [sflag:$0x5] =	stream.linear.gather [hbm4b:s9+s4], $0x80, $0x38;
	[tilespmem:$0x1E000] =	vst v63  }
0x45: {  	s15 =	sadd.s32 $0x280, s8;
	s16 =	sor.u32 s23, s0  }
0x46: {  	[tilespmem:s7], [sflag:$0x5] =	stream.linear.gather [hbm4b:s15+s4], $0x80, $0x38;
	[tilespmem:$0x1E000] =	vst v63  }
0x47: {  	s5 =	sshrl.u32 s16, $0x3  }
0x48: {  	s17 =	simm.s32 $0x0;
	s5 =	sadd.s32 s1, s5  }
0x49: {  	[tilespmem:s17], [sflag:$0x1] =	stream.linear.gather [hbm4b:s5+s4], $0x80, $0x38;
	[tilespmem:$0x1E000] =	vst v63  }
0x4a: {  	s20 =	simm.s32 $0x200;
	s18 =	sadd.s32 $0x80, s5  }
0x4b: {  	[tilespmem:s20], [sflag:$0x1] =	stream.linear.gather [hbm4b:s18+s4], $0x80, $0x38;
	[tilespmem:$0x1E000] =	vst v63  }
0x4c: {  	s24 =	simm.s32 $0x400;
	s23 =	sadd.s32 $0x100, s5  }
0x4d: {  	[tilespmem:s24], [sflag:$0x1] =	stream.linear.gather [hbm4b:s23+s4], $0x80, $0x38;
	[tilespmem:$0x1E000] =	vst v63  }
0x4e: {  	s26 =	simm.s32 $0x600;
	s25 =	sadd.s32 $0x180, s5  }
0x4f: {  	[tilespmem:s26], [sflag:$0x1] =	stream.linear.gather [hbm4b:s25+s4], $0x80, $0x38;
	[tilespmem:$0x1E000] =	vst v63  }
0x50: {  	s29 =	simm.s32 $0x800;
	s0 =	sor.u32 s21, s0;
	s28 =	sadd.s32 $0x200, s5  }
0x51: {  	[tilespmem:s29], [sflag:$0x1] =	stream.linear.gather [hbm4b:s28+s4], $0x80, $0x38;
	[tilespmem:$0x1E000] =	vst v63  }
0x52: {  	s30 =	simm.s32 $0xA00;
	s0 =	sshrl.u32 s0, $0x3;
	s5 =	sadd.s32 $0x280, s5  }
0x53: {  	[tilespmem:s30], [sflag:$0x1] =	stream.linear.gather [hbm4b:s5+s4], $0x80, $0x38;
	[tilespmem:$0x1E000] =	vst v63  }
0x54: {  	s31 =	simm.s32 $0xE00;
	s9 =	simm.s32 $0x1600;
	s8 =	sadd.s32 s1, s0  }
0x55: {  	[tilespmem:s22], [sflag:$0x1] =	stream.linear.gather [hbm4b:s8+s4], $0x80, $0x38;
	[tilespmem:$0x1E000] =	vst v63  }
0x56: {  	s15 =	simm.s32 $0x1000;
	s7 =	simm.s32 $0xC00;
	s0 =	sadd.s32 $0x80, s8  }
0x57: {  	[tilespmem:s31], [sflag:$0x1] =	stream.linear.gather [hbm4b:s0+s4], $0x80, $0x38;
	[tilespmem:$0x1E000] =	vst v63  }
0x58: {  	s10 =	sadd.s32 $0x100, s8;
	s5 =	simm.s32 $0x180;
	s0 =	simm.s32 $0x0  }
.LBB2_4:
0x59: {  	[tilespmem:s15], [sflag:$0x1] =	stream.linear.gather [hbm4b:s10+s4], $0x80, $0x38;
	[tilespmem:$0x1E000] =	vst v63  }
0x5a: {  	s0 =	sadd.s32 $0x2, s0;
	s10 =	sadd.s32 $0x180, s8;
	s15 =	sadd.s32 $0x600, s22  }
0x5b: {  	[tilespmem:s15], [sflag:$0x1] =	stream.linear.gather [hbm4b:s10+s4], $0x80, $0x38;
	[tilespmem:$0x1E000] =	vst v63  }
0x5c: {  	s22 =	sadd.s32 $0x1800, s22;
	s10 =	sadd.s32 s6, s0;
	s15 =	sadd.s32 $0xFFFFFF80, s5  }
0x5d: {  	s7 =	sadd.s32 $0x800, s7;
	s10 =	sshrl.u32 s10, $0x3;
	s15 =	sand.u32 $0x300, s15  }
0x5e: {  	s16 =	sand.u32 $0x380, s5;
	s20 =	sadd.s32 $0x200, s8;
	s10 =	smul.u32 $0x1800, s10  }
0x5f: {  	[tilespmem:s7], [sflag:$0x1] =	stream.linear.gather [hbm4b:s20+s4], $0x80, $0x38;
	[tilespmem:$0x1E000] =	vst v63  }
0x60: {  	s8 =	sadd.s32 $0x280, s8;
	s7 =	sor.u32 s15, s10;
	s10 =	sor.u32 s16, s10  }
0x61: {  	p0 =	slt.u32 s0, $0xE;
	s7 =	sshrl.u32 s7, $0x3;
	s10 =	sshrl.u32 s10, $0x3  }
0x62: {  	[tilespmem:s9], [sflag:$0x1] =	stream.linear.gather [hbm4b:s8+s4], $0x80, $0x38;
	[tilespmem:$0x1E000] =	vst v63  }
0x63: {  	s8 =	sadd.s32 $0xFFFFF400, s22;
	s9 =	sadd.s32 s1, s7;
	s7 =	smov.u32 s22  }
0x64: {  	[tilespmem:s8], [sflag:$0x1] =	stream.linear.gather [hbm4b:s9+s4], $0x80, $0x38;
	[tilespmem:$0x1E000] =	vst v63  }
0x65: {  	s15 =	sadd.s32 $0xFFFFF600, s22;
	s8 =	sadd.s32 $0x80, s9  }
0x66: {  	[tilespmem:s15], [sflag:$0x1] =	stream.linear.gather [hbm4b:s8+s4], $0x80, $0x38;
	[tilespmem:$0x1E000] =	vst v63  }
0x67: {  	s8 =	sadd.s32 $0x100, s9;
	s15 =	sadd.s32 $0xFFFFF800, s22  }
0x68: {  	[tilespmem:s15], [sflag:$0x1] =	stream.linear.gather [hbm4b:s8+s4], $0x80, $0x38;
	[tilespmem:$0x1E000] =	vst v63  }
0x69: {  	s8 =	sadd.s32 $0x180, s9;
	s15 =	sadd.s32 $0xFFFFFA00, s22  }
0x6a: {  	[tilespmem:s15], [sflag:$0x1] =	stream.linear.gather [hbm4b:s8+s4], $0x80, $0x38;
	[tilespmem:$0x1E000] =	vst v63  }
0x6b: {  	s8 =	sadd.s32 $0x200, s9;
	s15 =	sadd.s32 $0xFFFFFC00, s22  }
0x6c: {  	[tilespmem:s15], [sflag:$0x1] =	stream.linear.gather [hbm4b:s8+s4], $0x80, $0x38;
	[tilespmem:$0x1E000] =	vst v63  }
0x6d: {  	s21 =	simm.s32 $0x1680;
	s8 =	sadd.s32 $0x280, s9;
	s9 =	sadd.s32 $0xFFFFFE00, s22  }
0x6e: {  	[tilespmem:s9], [sflag:$0x1] =	stream.linear.gather [hbm4b:s8+s4], $0x80, $0x38;
	[tilespmem:$0x1E000] =	vst v63  }
.Ltmp1:
0x6f: {  	s8 =	sadd.s32 s1, s10;
	(pc) =	sbr.rel @p0 .LBB2_4-.Ltmp1, $4  }
0x70: {  	[tilespmem:s22], [sflag:$0x1] =	stream.linear.gather [hbm4b:s8+s4], $0x80, $0x38;
	[tilespmem:$0x1E000] =	vst v63  }
0x71: {  	s15 =	sadd.s32 $0x200, s22;
	s9 =	sadd.s32 $0xA00, s22;
	s10 =	sadd.s32 $0x80, s8  }
0x72: {  	[tilespmem:s15], [sflag:$0x1] =	stream.linear.gather [hbm4b:s10+s4], $0x80, $0x38;
	[tilespmem:$0x1E000] =	vst v63  }
0x73: {  	s5 =	sadd.s32 $0x100, s5;
	s10 =	sadd.s32 $0x100, s8;
	s15 =	sadd.s32 $0x400, s22  }
0x74: {  	[tilespmem:s15], [sflag:$0x1] =	stream.linear.gather [hbm4b:s10+s4], $0x80, $0x38;
	[tilespmem:$0x1E000] =	vst v63  }
0x75: {  	s0 =	sadd.s32 $0x180, s8;
	s5 =	sadd.s32 $0x600, s22;
	s10 =	sadd.s32 $0x0, s6  }
0x76: {  	[tilespmem:s5], [sflag:$0x1] =	stream.linear.gather [hbm4b:s0+s4], $0x80, $0x38;
	[tilespmem:$0x1E000] =	vst v63  }
0x77: {  	s15 =	simm.s32 $0x0;
	s0 =	sshrl.u32 s10, $0x3  }
0x78: {  	s5 =	sadd.s32 $0x800, s7;
	s7 =	sadd.s32 $0x200, s8;
	s0 =	smul.u32 $0x1800, s0  }
0x79: {  	[tilespmem:s5], [sflag:$0x1] =	stream.linear.gather [hbm4b:s7+s4], $0x80, $0x38;
	[tilespmem:$0x1E000] =	vst v63  }
0x7a: {  	s24 =	sand.u32 $0x300, s15;
	s8 =	sadd.s32 $0x280, s8;
	s0 =	sadd.s32 $0x600000, s0  }
0x7b: {  	[tilespmem:s9], [sflag:$0x1] =	stream.linear.gather [hbm4b:s8+s4], $0x80, $0x38;
	[tilespmem:$0x1E000] =	vst v63  }
0x7c: {  	s5 =	sor.u32 s24, s0  }
0x7d: {  	s16 =	simm.s32 $0x80;
	s5 =	sshrl.u32 s5, $0x3  }
0x7e: {  	s18 =	simm.s32 $0x280;
	s20 =	simm.s32 $0x80;
	s5 =	sadd.s32 s1, s5  }
0x7f: {  	[tilespmem:s16], [sflag:$0x2] =	stream.linear.gather [hbm4b:s5+s4], $0x80, $0x38;
	[tilespmem:$0x1E000] =	vst v63  }
0x80: {  	s23 =	simm.s32 $0x480;
	s26 =	simm.s32 $0x680;
	s17 =	sadd.s32 $0x80, s5  }
0x81: {  	[tilespmem:s18], [sflag:$0x2] =	stream.linear.gather [hbm4b:s17+s4], $0x80, $0x38;
	[tilespmem:$0x1E000] =	vst v63  }
0x82: {  	s29 =	simm.s32 $0x880;
	s30 =	simm.s32 $0xA80;
	s22 =	sadd.s32 $0x100, s5  }
0x83: {  	[tilespmem:s23], [sflag:$0x2] =	stream.linear.gather [hbm4b:s22+s4], $0x80, $0x38;
	[tilespmem:$0x1E000] =	vst v63  }
0x84: {  	s31 =	simm.s32 $0xC80;
	s25 =	sadd.s32 $0x180, s5;
	s23 =	sand.u32 $0x380, s20  }
0x85: {  	[tilespmem:s26], [sflag:$0x2] =	stream.linear.gather [hbm4b:s25+s4], $0x80, $0x38;
	[tilespmem:$0x1E000] =	vst v63  }
0x86: {  	s8 =	simm.s32 $0xE80;
	s28 =	sadd.s32 $0x200, s5;
	s0 =	sor.u32 s23, s0  }
0x87: {  	[tilespmem:s29], [sflag:$0x2] =	stream.linear.gather [hbm4b:s28+s4], $0x80, $0x38;
	[tilespmem:$0x1E000] =	vst v63  }
0x88: {  	s5 =	sadd.s32 $0x280, s5;
	s0 =	sshrl.u32 s0, $0x3;
	s25 =	simm.s32 $0x2E80  }
0x89: {  	[tilespmem:s30], [sflag:$0x2] =	stream.linear.gather [hbm4b:s5+s4], $0x80, $0x38;
	[tilespmem:$0x1E000] =	vst v63  }
0x8a: {  	s7 =	sadd.s32 s1, s0;
	s0 =	simm.s32 $0x0;
	s5 =	simm.s32 $0x180  }
0x8b: {  	[tilespmem:s31], [sflag:$0x2] =	stream.linear.gather [hbm4b:s7+s4], $0x80, $0x38;
	[tilespmem:$0x1E000] =	vst v63  }
.LBB2_6:
0x8c: {  	s0 =	sadd.s32 $0x2, s0;
	s9 =	sadd.s32 $0xFFFFF800, s25;
	s10 =	sadd.s32 $0x80, s7  }
0x8d: {  	[tilespmem:s8], [sflag:$0x2] =	stream.linear.gather [hbm4b:s10+s4], $0x80, $0x38;
	[tilespmem:$0x1E000] =	vst v63  }
0x8e: {  	s15 =	sadd.s32 $0xFFFFFA00, s21;
	s8 =	sadd.s32 s6, s0;
	s10 =	sadd.s32 $0x100, s7  }
0x8f: {  	[tilespmem:s15], [sflag:$0x2] =	stream.linear.gather [hbm4b:s10+s4], $0x80, $0x38;
	[tilespmem:$0x1E000] =	vst v63  }
0x90: {  	s8 =	sshrl.u32 s8, $0x3;
	s10 =	sadd.s32 $0x180, s7;
	s15 =	sadd.s32 $0xFFFFFC00, s21  }
0x91: {  	s16 =	sadd.s32 $0xFFFFFF80, s5;
	s20 =	sadd.s32 $0xFFFFFE00, s21;
	s8 =	smul.u32 $0x1800, s8  }
0x92: {  	[tilespmem:s15], [sflag:$0x2] =	stream.linear.gather [hbm4b:s10+s4], $0x80, $0x38;
	[tilespmem:$0x1E000] =	vst v63  }
0x93: {  	s8 =	sadd.s32 $0x600000, s8;
	s10 =	sand.u32 $0x300, s16;
	s15 =	sand.u32 $0x380, s5  }
0x94: {  	s10 =	sor.u32 s10, s8;
	s8 =	sor.u32 s15, s8;
	s15 =	sadd.s32 $0x200, s7  }
0x95: {  	[tilespmem:s20], [sflag:$0x2] =	stream.linear.gather [hbm4b:s15+s4], $0x80, $0x38;
	[tilespmem:$0x1E000] =	vst v63  }
0x96: {  	p0 =	slt.u32 s0, $0xE;
	s10 =	sshrl.u32 s10, $0x3;
	s15 =	sshrl.u32 s8, $0x3  }
0x97: {  	s7 =	sadd.s32 $0x280, s7;
	s10 =	sadd.s32 s1, s10;
	s8 =	smov.u32 s9  }
0x98: {  	[tilespmem:s21], [sflag:$0x2] =	stream.linear.gather [hbm4b:s7+s4], $0x80, $0x38;
	[tilespmem:$0x1E000] =	vst v63  }
0x99: {  	s7 =	sadd.s32 $0xFFFFEA00, s25;
	s21 =	smov.u32 s25  }
0x9a: {  	[tilespmem:s7], [sflag:$0x2] =	stream.linear.gather [hbm4b:s10+s4], $0x80, $0x38;
	[tilespmem:$0x1E000] =	vst v63  }
0x9b: {  	s9 =	sadd.s32 $0xFFFFEC00, s25;
	s7 =	sadd.s32 $0x80, s10  }
0x9c: {  	[tilespmem:s9], [sflag:$0x2] =	stream.linear.gather [hbm4b:s7+s4], $0x80, $0x38;
	[tilespmem:$0x1E000] =	vst v63  }
0x9d: {  	s7 =	sadd.s32 $0x100, s10;
	s9 =	sadd.s32 $0xFFFFEE00, s25  }
0x9e: {  	[tilespmem:s9], [sflag:$0x2] =	stream.linear.gather [hbm4b:s7+s4], $0x80, $0x38;
	[tilespmem:$0x1E000] =	vst v63  }
0x9f: {  	s7 =	sadd.s32 $0x180, s10;
	s9 =	sadd.s32 $0xFFFFF000, s25  }
0xa0: {  	[tilespmem:s9], [sflag:$0x2] =	stream.linear.gather [hbm4b:s7+s4], $0x80, $0x38;
	[tilespmem:$0x1E000] =	vst v63  }
0xa1: {  	s22 =	simm.s32 $0x1700;
	s7 =	sadd.s32 $0x200, s10;
	s9 =	sadd.s32 $0xFFFFF200, s25  }
0xa2: {  	[tilespmem:s9], [sflag:$0x2] =	stream.linear.gather [hbm4b:s7+s4], $0x80, $0x38;
	[tilespmem:$0x1E000] =	vst v63  }
.Ltmp2:
0xa3: {  	_ = 	snop;
	(pc) =	sbr.rel @p0 .LBB2_6-.Ltmp2, $4  }
0xa4: {  	s5 =	sadd.s32 $0x100, s5;
	s7 =	sadd.s32 $0x280, s10;
	s9 =	sadd.s32 $0xFFFFF400, s25  }
0xa5: {  	[tilespmem:s9], [sflag:$0x2] =	stream.linear.gather [hbm4b:s7+s4], $0x80, $0x38;
	[tilespmem:$0x1E000] =	vst v63  }
0xa6: {  	s25 =	sadd.s32 $0x1800, s25;
	s9 =	sadd.s32 $0xFFFFF600, s21;
	s7 =	sadd.s32 s1, s15  }
0xa7: {  	[tilespmem:s9], [sflag:$0x2] =	stream.linear.gather [hbm4b:s7+s4], $0x80, $0x38;
	[tilespmem:$0x1E000] =	vst v63  }
0xa8: {  	s0 =	sadd.s32 $0x80, s7;
	s9 =	sadd.s32 $0x0, s6  }
0xa9: {  	[tilespmem:s8], [sflag:$0x2] =	stream.linear.gather [hbm4b:s0+s4], $0x80, $0x38;
	[tilespmem:$0x1E000] =	vst v63  }
0xaa: {  	s0 =	sshrl.u32 s9, $0x3  }
0xab: {  	s29 =	sadd.s32 $0x100, s7;
	s5 =	sadd.s32 $0xFFFFFA00, s21;
	s0 =	smul.u32 $0x1800, s0  }
0xac: {  	[tilespmem:s5], [sflag:$0x2] =	stream.linear.gather [hbm4b:s29+s4], $0x80, $0x38;
	[tilespmem:$0x1E000] =	vst v63  }
0xad: {  	s30 =	sadd.s32 $0x180, s7;
	s31 =	sadd.s32 $0xFFFFFC00, s21;
	s0 =	sadd.s32 $0xC00000, s0  }
0xae: {  	[tilespmem:s31], [sflag:$0x2] =	stream.linear.gather [hbm4b:s30+s4], $0x80, $0x38;
	[tilespmem:$0x1E000] =	vst v63  }
0xaf: {  	s8 =	sadd.s32 $0x200, s7;
	s5 =	sadd.s32 $0xFFFFFE00, s21;
	s15 =	sor.u32 s24, s0  }
0xb0: {  	[tilespmem:s5], [sflag:$0x2] =	stream.linear.gather [hbm4b:s8+s4], $0x80, $0x38;
	[tilespmem:$0x1E000] =	vst v63  }
0xb1: {  	s10 =	sadd.s32 $0x280, s7;
	s5 =	sshrl.u32 s15, $0x3  }
0xb2: {  	[tilespmem:s21], [sflag:$0x2] =	stream.linear.gather [hbm4b:s10+s4], $0x80, $0x38;
	[tilespmem:$0x1E000] =	vst v63  }
0xb3: {  	s16 =	simm.s32 $0x100;
	s5 =	sadd.s32 s1, s5;
	s21 =	simm.s32 $0x0  }
0xb4: {  	[tilespmem:s16], [sflag:$0x3] =	stream.linear.gather [hbm4b:s5+s21], $0x80, $0x38;
	[tilespmem:$0x1E000] =	vst v63  }
0xb5: {  	s18 =	simm.s32 $0x300;
	s26 =	simm.s32 $0x700;
	s17 =	sadd.s32 $0x80, s5  }
0xb6: {  	[tilespmem:s18], [sflag:$0x3] =	stream.linear.gather [hbm4b:s17+s21], $0x80, $0x38;
	[tilespmem:$0x1E000] =	vst v63  }
0xb7: {  	s29 =	simm.s32 $0x900;
	s24 =	simm.s32 $0x500;
	s20 =	sadd.s32 $0x100, s5  }
0xb8: {  	[tilespmem:s24], [sflag:$0x3] =	stream.linear.gather [hbm4b:s20+s21], $0x80, $0x38;
	[tilespmem:$0x1E000] =	vst v63  }
0xb9: {  	s0 =	sor.u32 s23, s0;
	s30 =	simm.s32 $0xB00;
	s25 =	sadd.s32 $0x180, s5  }
0xba: {  	[tilespmem:s26], [sflag:$0x3] =	stream.linear.gather [hbm4b:s25+s21], $0x80, $0x38;
	[tilespmem:$0x1E000] =	vst v63  }
0xbb: {  	s31 =	simm.s32 $0xD00;
	s0 =	sshrl.u32 s0, $0x3;
	s28 =	sadd.s32 $0x200, s5  }
0xbc: {  	[tilespmem:s29], [sflag:$0x3] =	stream.linear.gather [hbm4b:s28+s21], $0x80, $0x38;
	[tilespmem:$0x1E000] =	vst v63  }
0xbd: {  	s23 =	simm.s32 $0x180;
	s7 =	sadd.s32 s1, s0;
	s5 =	sadd.s32 $0x280, s5  }
0xbe: {  	[tilespmem:s30], [sflag:$0x3] =	stream.linear.gather [hbm4b:s5+s21], $0x80, $0x38;
	[tilespmem:$0x1E000] =	vst v63  }
0xbf: {  	s0 =	simm.s32 $0x0;
	s8 =	simm.s32 $0xF00;
	s5 =	simm.s32 $0x2F00  }
0xc0: {  	[tilespmem:s31], [sflag:$0x3] =	stream.linear.gather [hbm4b:s7+s21], $0x80, $0x38;
	[tilespmem:$0x1E000] =	vst v63  }
.LBB2_8:
0xc1: {  	s0 =	sadd.s32 $0x2, s0;
	s9 =	sadd.s32 $0xFFFFF800, s5;
	s10 =	sadd.s32 $0x80, s7  }
0xc2: {  	[tilespmem:s8], [sflag:$0x3] =	stream.linear.gather [hbm4b:s10+s21], $0x80, $0x38;
	[tilespmem:$0x1E000] =	vst v63  }
0xc3: {  	s15 =	sadd.s32 $0xFFFFFA00, s22;
	s8 =	sadd.s32 s6, s0;
	s10 =	sadd.s32 $0x100, s7  }
0xc4: {  	[tilespmem:s15], [sflag:$0x3] =	stream.linear.gather [hbm4b:s10+s21], $0x80, $0x38;
	[tilespmem:$0x1E000] =	vst v63  }
0xc5: {  	s8 =	sshrl.u32 s8, $0x3;
	s10 =	sadd.s32 $0x180, s7;
	s15 =	sadd.s32 $0xFFFFFC00, s22  }
0xc6: {  	s16 =	sadd.s32 $0xFFFFFF80, s23;
	s20 =	sadd.s32 $0xFFFFFE00, s22;
	s8 =	smul.u32 $0x1800, s8  }
0xc7: {  	[tilespmem:s15], [sflag:$0x3] =	stream.linear.gather [hbm4b:s10+s21], $0x80, $0x38;
	[tilespmem:$0x1E000] =	vst v63  }
0xc8: {  	s8 =	sadd.s32 $0xC00000, s8;
	s10 =	sand.u32 $0x300, s16;
	s15 =	sand.u32 $0x380, s23  }
0xc9: {  	s10 =	sor.u32 s10, s8;
	s8 =	sor.u32 s15, s8;
	s15 =	sadd.s32 $0x200, s7  }
0xca: {  	[tilespmem:s20], [sflag:$0x3] =	stream.linear.gather [hbm4b:s15+s21], $0x80, $0x38;
	[tilespmem:$0x1E000] =	vst v63  }
0xcb: {  	s7 =	sadd.s32 $0x280, s7;
	s10 =	sshrl.u32 s10, $0x3;
	s15 =	sshrl.u32 s8, $0x3  }
0xcc: {  	p0 =	slt.u32 s0, $0xE;
	s10 =	sadd.s32 s1, s10;
	s8 =	smov.u32 s9  }
0xcd: {  	[tilespmem:s22], [sflag:$0x3] =	stream.linear.gather [hbm4b:s7+s21], $0x80, $0x38;
	[tilespmem:$0x1E000] =	vst v63  }
0xce: {  	s7 =	sadd.s32 $0xFFFFEA00, s5;
	s22 =	smov.u32 s5  }
0xcf: {  	[tilespmem:s7], [sflag:$0x3] =	stream.linear.gather [hbm4b:s10+s21], $0x80, $0x38;
	[tilespmem:$0x1E000] =	vst v63  }
0xd0: {  	s9 =	sadd.s32 $0xFFFFEC00, s5;
	s7 =	sadd.s32 $0x80, s10  }
0xd1: {  	[tilespmem:s9], [sflag:$0x3] =	stream.linear.gather [hbm4b:s7+s21], $0x80, $0x38;
	[tilespmem:$0x1E000] =	vst v63  }
0xd2: {  	s7 =	sadd.s32 $0x100, s10;
	s9 =	sadd.s32 $0xFFFFEE00, s5  }
0xd3: {  	[tilespmem:s9], [sflag:$0x3] =	stream.linear.gather [hbm4b:s7+s21], $0x80, $0x38;
	[tilespmem:$0x1E000] =	vst v63  }
0xd4: {  	s7 =	sadd.s32 $0x180, s10;
	s9 =	sadd.s32 $0xFFFFF000, s5  }
0xd5: {  	[tilespmem:s9], [sflag:$0x3] =	stream.linear.gather [hbm4b:s7+s21], $0x80, $0x38;
	[tilespmem:$0x1E000] =	vst v63  }
0xd6: {  	s7 =	sadd.s32 $0x200, s10;
	s9 =	sadd.s32 $0xFFFFF200, s5  }
0xd7: {  	[tilespmem:s9], [sflag:$0x3] =	stream.linear.gather [hbm4b:s7+s21], $0x80, $0x38;
	[tilespmem:$0x1E000] =	vst v63  }
.Ltmp3:
0xd8: {  	_ = 	snop;
	(pc) =	sbr.rel @p0 .LBB2_8-.Ltmp3, $4  }
0xd9: {  	s5 =	sadd.s32 $0x1800, s5;
	s7 =	sadd.s32 $0x280, s10;
	s9 =	sadd.s32 $0xFFFFF400, s22  }
0xda: {  	[tilespmem:s9], [sflag:$0x3] =	stream.linear.gather [hbm4b:s7+s21], $0x80, $0x38;
	[tilespmem:$0x1E000] =	vst v63  }
0xdb: {  	s23 =	sadd.s32 $0x100, s23;
	s9 =	sadd.s32 $0xFFFFF600, s22;
	s7 =	sadd.s32 s1, s15  }
0xdc: {  	[tilespmem:s9], [sflag:$0x3] =	stream.linear.gather [hbm4b:s7+s21], $0x80, $0x38;
	[tilespmem:$0x1E000] =	vst v63  }
0xdd: {  	s0 =	sadd.s32 $0x80, s7  }
0xde: {  	[tilespmem:s8], [sflag:$0x3] =	stream.linear.gather [hbm4b:s0+s21], $0x80, $0x38;
	[tilespmem:$0x1E000] =	vst v63  }
0xdf: {  	s25 =	sadd.s32 $0x100, s7;
	s5 =	sadd.s32 $0xFFFFFA00, s22  }
0xe0: {  	[tilespmem:s5], [sflag:$0x3] =	stream.linear.gather [hbm4b:s25+s21], $0x80, $0x38;
	[tilespmem:$0x1E000] =	vst v63  }
0xe1: {  	s26 =	sadd.s32 $0x180, s7;
	s28 =	sadd.s32 $0xFFFFFC00, s22  }
0xe2: {  	[tilespmem:s28], [sflag:$0x3] =	stream.linear.gather [hbm4b:s26+s21], $0x80, $0x38;
	[tilespmem:$0x1E000] =	vst v63  }
0xe3: {  	s29 =	sadd.s32 $0xFFFFFE00, s22;
	s30 =	sadd.s32 $0x200, s7  }
0xe4: {  	[tilespmem:s29], [sflag:$0x3] =	stream.linear.gather [hbm4b:s30+s21], $0x80, $0x38;
	[tilespmem:$0x1E000] =	vst v63  }
0xe5: {  	s31 =	sadd.s32 $0x280, s7;
	s23 =	rddreg [dreg:$0x6]  }
0xe6: {  	[tilespmem:s22], [sflag:$0x3] =	stream.linear.gather [hbm4b:s31+s21], $0x80, $0x38;
	[tilespmem:$0x1E000] =	vst v63  }
0xe7: {  	s24 =	smov.u32 s6;
	s25 =	smov.u32 s21;
	s22 =	rddreg [dreg:$0x7]  }
.LBB2_10:
0xe8: {  	s0 =	sadd.s32 $0x0, s24  }
0xe9: {  	s0 =	sshrl.u32 s0, $0x3  }
0xea: {  	s0 =	smul.u32 $0x1800, s0  }
0xeb: {  	s5 =	simm.s32 $0x0  }
0xec: {  	s7 =	simm.s32 $0x180;
	s5 =	sand.u32 $0x300, s5;
	s0 =	sadd.s32 $0x1200000, s0  }
0xed: {  	s28 =	simm.s32 $0x80;
	s8 =	simm.s32 $0x380;
	s5 =	sor.u32 s5, s0  }
0xee: {  	s26 =	simm.s32 $0x1780;
	s15 =	sand.u32 $0x380, s28;
	s5 =	sshrl.u32 s5, $0x3  }
0xef: {  	s10 =	simm.s32 $0x580;
	s0 =	sor.u32 s15, s0;
	s5 =	sadd.s32 s1, s5  }
0xf0: {  	[tilespmem:s7], [sflag:$0x4] =	stream.linear.gather [hbm4b:s5+s4], $0x80, $0x38;
	[tilespmem:$0x1E000] =	vst v63  }
0xf1: {  	s18 =	simm.s32 $0x980;
	s20 =	sshrl.u32 s0, $0x3;
	s31 =	sadd.s32 $0x80, s5  }
0xf2: {  	[tilespmem:s8], [sflag:$0x4] =	stream.linear.gather [hbm4b:s31+s4], $0x80, $0x38;
	[tilespmem:$0x1E000] =	vst v63  }
0xf3: {  	s0 =	simm.s32 $0x0;
	s29 =	sadd.s32 s1, s20;
	s9 =	sadd.s32 $0x100, s5  }
0xf4: {  	[tilespmem:s10], [sflag:$0x4] =	stream.linear.gather [hbm4b:s9+s4], $0x80, $0x38;
	[tilespmem:$0x1E000] =	vst v63  }
0xf5: {  	s16 =	sadd.s32 $0x180, s5;
	s17 =	sadd.s32 $0x200, s5;
	s9 =	simm.s32 $0x780  }
0xf6: {  	[tilespmem:s9], [sflag:$0x4] =	stream.linear.gather [hbm4b:s16+s4], $0x80, $0x38;
	[tilespmem:$0x1E000] =	vst v63  }
0xf7: {  	s30 =	sadd.s32 $0x280, s5;
	s7 =	simm.s32 $0x1580;
	s5 =	simm.s32 $0x2F80  }
0xf8: {  	[tilespmem:s18], [sflag:$0x4] =	stream.linear.gather [hbm4b:s17+s4], $0x80, $0x38;
	[tilespmem:$0x1E000] =	vst v63  }
0xf9: {  	s31 =	simm.s32 $0xB80;
	s8 =	simm.s32 $0x1380;
	s9 =	simm.s32 $0xD80  }
0xfa: {  	[tilespmem:s31], [sflag:$0x4] =	stream.linear.gather [hbm4b:s30+s4], $0x80, $0x38;
	[tilespmem:$0x1E000] =	vst v63  }
.LBB2_11:
0xfb: {  	s0 =	sadd.s32 $0x2, s0;
	s10 =	sadd.s32 $0xFFFFF600, s5;
	s28 =	sadd.s32 $0x100, s28  }
0xfc: {  	[tilespmem:s9], [sflag:$0x4] =	stream.linear.gather [hbm4b:s29+s4], $0x80, $0x38;
	[tilespmem:$0x1E000] =	vst v63  }
0xfd: {  	s15 =	sadd.s32 $0x80, s29;
	s16 =	sadd.s32 $0xFFFFF800, s26;
	s9 =	sadd.s32 s24, s0  }
0xfe: {  	[tilespmem:s16], [sflag:$0x4] =	stream.linear.gather [hbm4b:s15+s4], $0x80, $0x38;
	[tilespmem:$0x1E000] =	vst v63  }
0xff: {  	s9 =	sshrl.u32 s9, $0x3;
	s15 =	sadd.s32 $0xFFFFFA00, s26;
	s16 =	sadd.s32 $0x180, s29  }
0x100: {  	s30 =	sadd.s32 $0x100, s29;
	s20 =	sadd.s32 $0xFFFFFF80, s28;
	s9 =	smul.u32 $0x1800, s9  }
0x101: {  	[tilespmem:s15], [sflag:$0x4] =	stream.linear.gather [hbm4b:s30+s4], $0x80, $0x38;
	[tilespmem:$0x1E000] =	vst v63  }
0x102: {  	s9 =	sadd.s32 $0x1200000, s9;
	s15 =	sand.u32 $0x300, s20;
	s20 =	sand.u32 $0x380, s28  }
0x103: {  	s15 =	sor.u32 s15, s9;
	s9 =	sor.u32 s20, s9;
	s20 =	sadd.s32 $0x280, s29  }
0x104: {  	[tilespmem:s8], [sflag:$0x4] =	stream.linear.gather [hbm4b:s16+s4], $0x80, $0x38;
	[tilespmem:$0x1E000] =	vst v63  }
0x105: {  	s9 =	sshrl.u32 s9, $0x3;
	s8 =	sshrl.u32 s15, $0x3;
	s15 =	sadd.s32 $0x200, s29  }
0x106: {  	[tilespmem:s7], [sflag:$0x4] =	stream.linear.gather [hbm4b:s15+s4], $0x80, $0x38;
	[tilespmem:$0x1E000] =	vst v63  }
0x107: {  	p0 =	slt.u32 s0, $0xE;
	s29 =	sadd.s32 s1, s9;
	s9 =	smov.u32 s10  }
0x108: {  	[tilespmem:s26], [sflag:$0x4] =	stream.linear.gather [hbm4b:s20+s4], $0x80, $0x38;
	[tilespmem:$0x1E000] =	vst v63  }
0x109: {  	s10 =	sadd.s32 s1, s8;
	s7 =	sadd.s32 $0xFFFFEA00, s5;
	s26 =	smov.u32 s5  }
0x10a: {  	[tilespmem:s7], [sflag:$0x4] =	stream.linear.gather [hbm4b:s10+s4], $0x80, $0x38;
	[tilespmem:$0x1E000] =	vst v63  }
0x10b: {  	s8 =	sadd.s32 $0xFFFFEC00, s5;
	s7 =	sadd.s32 $0x80, s10  }
0x10c: {  	[tilespmem:s8], [sflag:$0x4] =	stream.linear.gather [hbm4b:s7+s4], $0x80, $0x38;
	[tilespmem:$0x1E000] =	vst v63  }
0x10d: {  	s7 =	sadd.s32 $0x100, s10;
	s8 =	sadd.s32 $0xFFFFEE00, s5  }
0x10e: {  	[tilespmem:s8], [sflag:$0x4] =	stream.linear.gather [hbm4b:s7+s4], $0x80, $0x38;
	[tilespmem:$0x1E000] =	vst v63  }
0x10f: {  	s15 =	sadd.s32 $0xFFFFF000, s5;
	s8 =	sadd.s32 $0x180, s10;
	s7 =	sadd.s32 $0xFFFFFE00, s5  }
0x110: {  	[tilespmem:s15], [sflag:$0x4] =	stream.linear.gather [hbm4b:s8+s4], $0x80, $0x38;
	[tilespmem:$0x1E000] =	vst v63  }
.Ltmp4:
0x111: {  	_ = 	snop;
	(pc) =	sbr.rel @p0 .LBB2_11-.Ltmp4, $4  }
0x112: {  	s16 =	sadd.s32 $0xFFFFF200, s5;
	s15 =	sadd.s32 $0x200, s10;
	s8 =	sadd.s32 $0xFFFFFC00, s5  }
0x113: {  	[tilespmem:s16], [sflag:$0x4] =	stream.linear.gather [hbm4b:s15+s4], $0x80, $0x38;
	[tilespmem:$0x1E000] =	vst v63  }
0x114: {  	s10 =	sadd.s32 $0x280, s10;
	s5 =	sadd.s32 $0x1800, s5;
	s15 =	sadd.s32 $0xFFFFF400, s26  }
0x115: {  	[tilespmem:s15], [sflag:$0x4] =	stream.linear.gather [hbm4b:s10+s4], $0x80, $0x38;
	[tilespmem:$0x1E000] =	vst v63  }
0x116: {  	[tilespmem:s9], [sflag:$0x4] =	stream.linear.gather [hbm4b:s29+s4], $0x80, $0x38;
	[tilespmem:$0x1E000] =	vst v63  }
0x117: {  	s0 =	sadd.s32 $0x80, s29;
	s5 =	sadd.s32 $0xFFFFF800, s26  }
0x118: {  	[tilespmem:s5], [sflag:$0x4] =	stream.linear.gather [hbm4b:s0+s4], $0x80, $0x38;
	[tilespmem:$0x1E000] =	vst v63  }
0x119: {  	s18 =	sadd.s32 $0xFFFFFA00, s26;
	s20 =	sadd.s32 $0x100, s29  }
0x11a: {  	[tilespmem:s18], [sflag:$0x4] =	stream.linear.gather [hbm4b:s20+s4], $0x80, $0x38;
	[tilespmem:$0x1E000] =	vst v63  }
0x11b: {  	s30 =	sadd.s32 $0x180, s29  }
0x11c: {  	[tilespmem:s8], [sflag:$0x4] =	stream.linear.gather [hbm4b:s30+s4], $0x80, $0x38;
	[tilespmem:$0x1E000] =	vst v63  }
0x11d: {  	s31 =	sadd.s32 $0x200, s29;
	s9 =	simm.s32 $0x0  }
0x11e: {  	[tilespmem:s7], [sflag:$0x4] =	stream.linear.gather [hbm4b:s31+s4], $0x80, $0x38;
	[tilespmem:$0x1E000] =	vst v63  }
0x11f: {  	s10 =	simm.s32 $0x80;
	s28 =	simm.s32 $0x0;
	s7 =	sadd.s32 $0x0, s24  }
0x120: {  	s15 =	simm.s32 $0xC080;
	s5 =	sadd.s32 $0x280, s29;
	s0 =	sshrl.u32 s7, $0x3  }
0x121: {  	[tilespmem:s26], [sflag:$0x4] =	stream.linear.gather [hbm4b:s5+s4], $0x80, $0x38;
	[tilespmem:$0x1E000] =	vst v63  }
0x122: {  	s16 =	sand.u32 $0x380, s10;
	s10 =	simm.s32 $0xC180;
	s0 =	sor.u32 $0x2, s0  }
0x123: {  	s29 =	simm.s32 $0xC680;
	s20 =	simm.s32 $0xC280;
	s0 =	smul.u32 $0x1800, s0  }
0x124: {  	s8 =	simm.s32 $0x5;
	s31 =	simm.s32 $0xC380;
	s5 =	sand.u32 $0x300, s9  }
0x125: {  	s7 =	simm.s32 $0xC480;
	_ =	swait.ge [sflag:s8], $0x3000;
	s5 =	sor.u32 s5, s0  }
0x126: {  	s26 =	simm.s32 $0xCB80;
	[sflag:s8] =	ssyncset.done $0x0;
	s5 =	sshrl.u32 s5, $0x3  }
0x127: {  	[sflag:s8] =	ssyncadd.s32 $0xFFFFD000;
	s0 =	sor.u32 s16, s0;
	s8 =	sadd.s32 s2, s5  }
0x128: {  	[tilespmem:s15], [sflag:$0x6] =	stream.linear.gather [hbm4b:s8+s4], $0x80, $0x38;
	[tilespmem:$0x1E000] =	vst v63  }
0x129: {  	s9 =	sshrl.u32 s0, $0x3;
	s0 =	simm.s32 $0x180;
	s17 =	sadd.s32 $0x80, s8  }
0x12a: {  	[tilespmem:s10], [sflag:$0x6] =	stream.linear.gather [hbm4b:s17+s4], $0x80, $0x38;
	[tilespmem:$0x1E000] =	vst v63  }
0x12b: {  	s5 =	simm.s32 $0xD780;
	s18 =	sadd.s32 $0x100, s8;
	s30 =	sadd.s32 $0x180, s8  }
0x12c: {  	[tilespmem:s20], [sflag:$0x6] =	stream.linear.gather [hbm4b:s18+s4], $0x80, $0x38;
	[tilespmem:$0x1E000] =	vst v63  }
0x12d: {  	s15 =	simm.s32 $0xC580;
	s10 =	sadd.s32 $0x200, s8;
	s20 =	simm.s32 $0xC780  }
0x12e: {  	[tilespmem:s31], [sflag:$0x6] =	stream.linear.gather [hbm4b:s30+s4], $0x80, $0x38;
	[tilespmem:$0x1E000] =	vst v63  }
.LBB2_13:
0x12f: {  	s28 =	sadd.s32 $0x2, s28;
	s16 =	sadd.s32 $0xFFFFF900, s5;
	s30 =	sadd.s32 s2, s9  }
0x130: {  	[tilespmem:s7], [sflag:$0x6] =	stream.linear.gather [hbm4b:s10+s4], $0x80, $0x38;
	[tilespmem:$0x1E000] =	vst v63  }
0x131: {  	s8 =	sadd.s32 $0x280, s8;
	s7 =	sadd.s32 s24, s28;
	s9 =	sadd.s32 $0x80, s30  }
0x132: {  	[tilespmem:s15], [sflag:$0x6] =	stream.linear.gather [hbm4b:s8+s4], $0x80, $0x38;
	[tilespmem:$0x1E000] =	vst v63  }
0x133: {  	p0 =	slt.u32 s28, $0xE;
	s7 =	sshrl.u32 s7, $0x3;
	s8 =	sadd.s32 $0xFFFFFF00, s26  }
0x134: {  	[tilespmem:s29], [sflag:$0x6] =	stream.linear.gather [hbm4b:s30+s4], $0x80, $0x38;
	[tilespmem:$0x1E000] =	vst v63  }
0x135: {  	s10 =	sadd.s32 $0xFFFFFD00, s26;
	s7 =	sor.u32 $0x2, s7;
	s15 =	sadd.s32 $0xFFFFFE00, s26  }
0x136: {  	[tilespmem:s20], [sflag:$0x6] =	stream.linear.gather [hbm4b:s9+s4], $0x80, $0x38;
	[tilespmem:$0x1E000] =	vst v63  }
0x137: {  	s7 =	smul.u32 $0x1800, s7;
	s9 =	sadd.s32 $0xFFFFFF80, s0;
	s20 =	sadd.s32 $0x100, s30  }
0x138: {  	s31 =	sadd.s32 $0x180, s30;
	s29 =	sand.u32 $0x380, s0;
	s9 =	sand.u32 $0x300, s9  }
0x139: {  	[tilespmem:s10], [sflag:$0x6] =	stream.linear.gather [hbm4b:s20+s4], $0x80, $0x38;
	[tilespmem:$0x1E000] =	vst v63  }
0x13a: {  	s9 =	sor.u32 s9, s7;
	s7 =	sor.u32 s29, s7;
	s10 =	sadd.s32 $0x200, s30  }
0x13b: {  	[tilespmem:s15], [sflag:$0x6] =	stream.linear.gather [hbm4b:s31+s4], $0x80, $0x38;
	[tilespmem:$0x1E000] =	vst v63  }
0x13c: {  	s20 =	sadd.s32 $0x280, s30;
	s15 =	sshrl.u32 s9, $0x3;
	s9 =	sshrl.u32 s7, $0x3  }
0x13d: {  	[tilespmem:s8], [sflag:$0x6] =	stream.linear.gather [hbm4b:s10+s4], $0x80, $0x38;
	[tilespmem:$0x1E000] =	vst v63  }
0x13e: {  	s7 =	smov.u32 s16  }
0x13f: {  	[tilespmem:s26], [sflag:$0x6] =	stream.linear.gather [hbm4b:s20+s4], $0x80, $0x38;
	[tilespmem:$0x1E000] =	vst v63  }
0x140: {  	s0 =	sadd.s32 $0x100, s0;
	s8 =	sadd.s32 s2, s15;
	s26 =	smov.u32 s5  }
0x141: {  	s15 =	sadd.s32 $0xFFFFF500, s5;
	s16 =	sadd.s32 $0x80, s8;
	s10 =	sadd.s32 $0x200, s8  }
0x142: {  	[tilespmem:s15], [sflag:$0x6] =	stream.linear.gather [hbm4b:s8+s4], $0x80, $0x38;
	[tilespmem:$0x1E000] =	vst v63  }
0x143: {  	s29 =	sadd.s32 $0x100, s8;
	s30 =	sadd.s32 $0x180, s8;
	s15 =	sadd.s32 $0xFFFFF600, s5  }
0x144: {  	[tilespmem:s15], [sflag:$0x6] =	stream.linear.gather [hbm4b:s16+s4], $0x80, $0x38;
	[tilespmem:$0x1E000] =	vst v63  }
.Ltmp5:
0x145: {  	_ = 	snop;
	(pc) =	sbr.rel @p0 .LBB2_13-.Ltmp5, $4  }
0x146: {  	s20 =	sadd.s32 $0xFFFFFC00, s26;
	s5 =	sadd.s32 $0xC00, s5;
	s15 =	sadd.s32 $0xFFFFF700, s26  }
0x147: {  	[tilespmem:s15], [sflag:$0x6] =	stream.linear.gather [hbm4b:s29+s4], $0x80, $0x38;
	[tilespmem:$0x1E000] =	vst v63  }
0x148: {  	s16 =	sadd.s32 $0xFFFFF800, s26;
	s15 =	sadd.s32 $0xFFFFFA00, s26;
	s29 =	sadd.s32 $0xFFFFFB00, s26  }
0x149: {  	[tilespmem:s16], [sflag:$0x6] =	stream.linear.gather [hbm4b:s30+s4], $0x80, $0x38;
	[tilespmem:$0x1E000] =	vst v63  }
0x14a: {  	[tilespmem:s7], [sflag:$0x6] =	stream.linear.gather [hbm4b:s10+s4], $0x80, $0x38;
	[tilespmem:$0x1E000] =	vst v63  }
0x14b: {  	s0 =	sadd.s32 $0x280, s8  }
0x14c: {  	[tilespmem:s15], [sflag:$0x6] =	stream.linear.gather [hbm4b:s0+s4], $0x80, $0x38;
	[tilespmem:$0x1E000] =	vst v63  }
0x14d: {  	s10 =	sadd.s32 s2, s9  }
0x14e: {  	[tilespmem:s29], [sflag:$0x6] =	stream.linear.gather [hbm4b:s10+s4], $0x80, $0x38;
	[tilespmem:$0x1E000] =	vst v63  }
0x14f: {  	s5 =	sadd.s32 $0x80, s10  }
0x150: {  	[tilespmem:s20], [sflag:$0x6] =	stream.linear.gather [hbm4b:s5+s4], $0x80, $0x38;
	[tilespmem:$0x1E000] =	vst v63  }
0x151: {  	s16 =	sadd.s32 $0x100, s10;
	s15 =	sadd.s32 $0xFFFFFD00, s26  }
0x152: {  	[tilespmem:s15], [sflag:$0x6] =	stream.linear.gather [hbm4b:s16+s4], $0x80, $0x38;
	[tilespmem:$0x1E000] =	vst v63  }
0x153: {  	s17 =	sadd.s32 $0xFFFFFE00, s26;
	s18 =	sadd.s32 $0x180, s10  }
0x154: {  	[tilespmem:s17], [sflag:$0x6] =	stream.linear.gather [hbm4b:s18+s4], $0x80, $0x38;
	[tilespmem:$0x1E000] =	vst v63  }
0x155: {  	s29 =	sadd.s32 $0x200, s10;
	s20 =	sadd.s32 $0xFFFFFF00, s26  }
0x156: {  	[tilespmem:s20], [sflag:$0x6] =	stream.linear.gather [hbm4b:s29+s4], $0x80, $0x38;
	[tilespmem:$0x1E000] =	vst v63  }
0x157: {  	s0 =	sadd.s32 $0x280, s10  }
0x158: {  	[tilespmem:s26], [sflag:$0x6] =	stream.linear.gather [hbm4b:s0+s4], $0x80, $0x38;
	[tilespmem:$0x1E000] =	vst v63  }
0x159: {  	_ =	swait.ge [sflag:s11], $0x3000  }
0x15a: {  	p0 =	seq.s32 s25, $0x0;
	[sflag:s11] =	ssyncset.done $0x0  }
0x15b: {  	s0 =	simm.s32 @!p0 $0x7;
	[sflag:s11] =	ssyncadd.s32 $0xFFFFD000  }
0x15c: {  	_ =	swait.ge @!p0 [sflag:s0], $0x3000  }
0x15d: {  	[sflag:s0] =	ssyncset.done @!p0 $0x0  }
0x15e: {  	s31 =	simm.s32 $0x40;
	[sflag:s0] =	ssyncadd.s32 @!p0 $0xFFFFD000  }
0x15f: {  	s30 =	simm.s32 $0xC040;
	v1 =	vld [tilespmem:s31+$0x30]  }
0x160: {  	v2 =	vld [tilespmem:s30+$0x30]  }
0x161: {  	v0 =	vld [tilespmem:s30+$0xFFFFFFC0]  }
0x162: {  	v3 =	vld [tilespmem:s31+$0xFFFFFFD0]  }
0x163: {  	v4 =	vld [tilespmem:s30+$0xFFFFFFD0]  }
0x164: {  	v5 =	vld [tilespmem:s31+$0xFFFFFFE0]  }
0x165: {  	v6 =	vld [tilespmem:s30+$0xFFFFFFE0]  }
0x166: {  	v7 =	vld [tilespmem:s31+$0xFFFFFFF0]  }
0x167: {  	v8 =	vld [tilespmem:s30+$0xFFFFFFF0]  }
0x168: {  	v9 =	vld [tilespmem:s31+$0x0]  }
0x169: {  	v10 =	vld [tilespmem:s30+$0x0];
	v2 =	vadd.f32 v2, v1  }
0x16a: {  	s0 =	simm.s32 $0x12040;
	v4 =	vadd.f32 v4, v3;
	v1 =	vld [tilespmem:s31+$0x10]  }
0x16b: {  	v5 =	vadd.f32 v6, v5;
	v3 =	vld [tilespmem:s30+$0x10];
	[tilespmem:s0+$0x30] =	vst v2  }
0x16c: {  	v6 =	vadd.f32 v8, v7;
	[tilespmem:s0+$0xFFFFFFD0] =	vst v4;
	v2 =	vld [tilespmem:s31+$0x20]  }
0x16d: {  	s28 =	simm.s32 $0x12C00;
	[tilespmem:s0+$0xFFFFFFE0] =	vst v5;
	v5 =	vld [tilespmem:s30+$0x20]  }
0x16e: {  	s7 =	simm.s32 $0x240;
	s5 =	simm.s32 $0x0;
	s26 =	sshll.u32 s25, $0x3;
	v4 =	vld [tilespmem:s31+$0xFFFFFFC0];
	[tilespmem:s0+$0xFFFFFFF0] =	vst v6;
	v6 =	vadd.f32 v10, v9  }
.LBB2_15:
0x16f: {  	v7 =	vld [tilespmem:s7+$0x30];
	s30 =	sadd.s32 $0x100, s30  }
0x170: {  	s5 =	sadd.s32 $0x80, s5;
	v8 =	vld [tilespmem:s30+$0x30];
	[tilespmem:s0+$0x0] =	vst v6;
	v1 =	vadd.f32 v3, v1  }
0x171: {  	p1 =	slt.u32 s5, $0x2F80;
	v3 =	vld [tilespmem:s30+$0xFFFFFFC0]  }
0x172: {  	v6 =	vld [tilespmem:s7+$0xFFFFFFD0];
	[tilespmem:s0+$0x10] =	vst v1;
	v1 =	vadd.f32 v5, v2  }
0x173: {  	v2 =	vld [tilespmem:s30+$0xFFFFFFD0];
	v9 =	vadd.f32 v0, v4  }
0x174: {  	v4 =	vld [tilespmem:s7+$0xFFFFFFE0];
	[tilespmem:s0+$0x20] =	vst v1  }
0x175: {  	v1 =	vld [tilespmem:s30+$0xFFFFFFE0];
	v5 =	vadd.f32 v8, v7;
	[tilespmem:s0+$0xFFFFFFC0] =	vst v9  }
0x176: {  	s0 =	sadd.s32 $0x200, s0;
	v7 =	vld [tilespmem:s7+$0xFFFFFFF0];
	v0 =	vmov v3  }
0x177: {  	s29 =	simm.s32 $0x80;
	v8 =	vld [tilespmem:s30+$0xFFFFFFF0];
	[tilespmem:s0+$0x30] =	vst v5  }
0x178: {  	v2 =	vadd.f32 v2, v6;
	v6 =	vld [tilespmem:s7+$0x0]  }
0x179: {  	v9 =	vld [tilespmem:s30+$0x0]  }
.Ltmp6:
0x17a: {  	[tilespmem:s0+$0xFFFFFFD0] =	vst v2;
	v2 =	vadd.f32 v1, v4;
	v1 =	vld [tilespmem:s7+$0x10];
	(pc) =	sbr.rel @p1 .LBB2_15-.Ltmp6, $4  }
0x17b: {  	v3 =	vld [tilespmem:s30+$0x10]  }
0x17c: {  	[tilespmem:s0+$0xFFFFFFE0] =	vst v2;
	v7 =	vadd.f32 v8, v7;
	v2 =	vld [tilespmem:s7+$0x20]  }
0x17d: {  	v5 =	vld [tilespmem:s30+$0x20]  }
0x17e: {  	v4 =	vld [tilespmem:s7+$0xFFFFFFC0];
	[tilespmem:s0+$0xFFFFFFF0] =	vst v7;
	v6 =	vadd.f32 v9, v6;
	s7 =	sadd.s32 $0x200, s7  }
0x17f: {  	s5 =	sadd.s32 $0x0, s24  }
0x180: {  	s5 =	sshrl.u32 s5, $0x3  }
0x181: {  	s7 =	simm.s32 $0x0;
	v1 =	vadd.f32 v3, v1;
	s5 =	smul.u32 $0x1800, s5  }
0x182: {  	[tilespmem:s0+$0x0] =	vst v6;
	s7 =	sand.u32 $0x300, s7;
	v2 =	vadd.f32 v5, v2  }
0x183: {  	[tilespmem:s0+$0x10] =	vst v1;
	v0 =	vadd.f32 v0, v4;
	s7 =	sor.u32 s7, s5  }
0x184: {  	[tilespmem:s0+$0x20] =	vst v2;
	s7 =	sshrl.u32 s7, $0x3  }
0x185: {  	s8 =	simm.s32 $0x12000;
	[tilespmem:s0+$0xFFFFFFC0] =	vst v0;
	s31 =	sadd.s32 s3, s7  }
0x186: {  	[hbm4b:s31+s4] =	stream.linear.scatter [tilespmem:s8], [sflag:$0x7], $0x80, $0x38;
	[tilespmem:$0x1E000] =	vst v63  }
0x187: {  	s9 =	simm.s32 $0x12200;
	s8 =	sadd.s32 $0x80, s31  }
0x188: {  	[hbm4b:s8+s4] =	stream.linear.scatter [tilespmem:s9], [sflag:$0x7], $0x80, $0x38;
	[tilespmem:$0x1E000] =	vst v63  }
0x189: {  	s10 =	simm.s32 $0x12400;
	s15 =	sadd.s32 $0x100, s31  }
0x18a: {  	[hbm4b:s15+s4] =	stream.linear.scatter [tilespmem:s10], [sflag:$0x7], $0x80, $0x38;
	[tilespmem:$0x1E000] =	vst v63  }
0x18b: {  	s16 =	sand.u32 $0x380, s29;
	s17 =	simm.s32 $0x12600;
	s9 =	sadd.s32 $0x180, s31  }
0x18c: {  	[hbm4b:s9+s4] =	stream.linear.scatter [tilespmem:s17], [sflag:$0x7], $0x80, $0x38;
	[tilespmem:$0x1E000] =	vst v63  }
0x18d: {  	s18 =	simm.s32 $0x12800;
	s5 =	sor.u32 s16, s5;
	s20 =	sadd.s32 $0x200, s31  }
0x18e: {  	[hbm4b:s20+s4] =	stream.linear.scatter [tilespmem:s18], [sflag:$0x7], $0x80, $0x38;
	[tilespmem:$0x1E000] =	vst v63  }
0x18f: {  	s30 =	simm.s32 $0x12A00;
	s5 =	sshrl.u32 s5, $0x3;
	s0 =	sadd.s32 $0x280, s31  }
0x190: {  	[hbm4b:s0+s4] =	stream.linear.scatter [tilespmem:s30], [sflag:$0x7], $0x80, $0x38;
	[tilespmem:$0x1E000] =	vst v63  }
0x191: {  	s7 =	simm.s32 $0x13600;
	s8 =	sadd.s32 s3, s5;
	s31 =	simm.s32 $0x12E00  }
0x192: {  	[hbm4b:s8+s4] =	stream.linear.scatter [tilespmem:s28], [sflag:$0x7], $0x80, $0x38;
	[tilespmem:$0x1E000] =	vst v63  }
0x193: {  	s5 =	sadd.s32 $0x80, s8;
	s10 =	sadd.s32 $0x100, s8;
	s9 =	simm.s32 $0x13000  }
0x194: {  	[hbm4b:s5+s4] =	stream.linear.scatter [tilespmem:s31], [sflag:$0x7], $0x80, $0x38;
	[tilespmem:$0x1E000] =	vst v63  }
0x195: {  	s20 =	simm.s32 $0x13400;
	s0 =	simm.s32 $0x0;
	s5 =	simm.s32 $0x14400  }
.LBB2_17:
0x196: {  	s0 =	sadd.s32 $0x2, s0;
	s15 =	sadd.s32 $0x400, s5;
	s16 =	sadd.s32 $0x600, s28  }
0x197: {  	[hbm4b:s10+s4] =	stream.linear.scatter [tilespmem:s9], [sflag:$0x7], $0x80, $0x38;
	[tilespmem:$0x1E000] =	vst v63  }
0x198: {  	s29 =	sadd.s32 $0x100, s29;
	s9 =	sadd.s32 s24, s0;
	s10 =	sadd.s32 $0x200, s8  }
0x199: {  	s30 =	sadd.s32 $0x180, s8;
	s28 =	sadd.s32 $0xFFFFFF80, s29;
	s9 =	sshrl.u32 s9, $0x3  }
0x19a: {  	[hbm4b:s30+s4] =	stream.linear.scatter [tilespmem:s16], [sflag:$0x7], $0x80, $0x38;
	[tilespmem:$0x1E000] =	vst v63  }
0x19b: {  	s9 =	smul.u32 $0x1800, s9;
	s16 =	sand.u32 $0x300, s28;
	s28 =	sand.u32 $0x380, s29  }
0x19c: {  	[hbm4b:s10+s4] =	stream.linear.scatter [tilespmem:s20], [sflag:$0x7], $0x80, $0x38;
	[tilespmem:$0x1E000] =	vst v63  }
0x19d: {  	s8 =	sadd.s32 $0x280, s8;
	s10 =	sor.u32 s16, s9;
	s9 =	sor.u32 s28, s9  }
0x19e: {  	p1 =	slt.u32 s0, $0xE;
	s10 =	sshrl.u32 s10, $0x3;
	s16 =	sshrl.u32 s9, $0x3  }
0x19f: {  	[hbm4b:s8+s4] =	stream.linear.scatter [tilespmem:s7], [sflag:$0x7], $0x80, $0x38;
	[tilespmem:$0x1E000] =	vst v63  }
0x1a0: {  	s9 =	smov.u32 s15;
	s7 =	sadd.s32 s3, s10;
	s8 =	sadd.s32 $0xFFFFF400, s5  }
0x1a1: {  	[hbm4b:s7+s4] =	stream.linear.scatter [tilespmem:s8], [sflag:$0x7], $0x80, $0x38;
	[tilespmem:$0x1E000] =	vst v63  }
0x1a2: {  	s28 =	smov.u32 s5;
	s10 =	sadd.s32 $0x80, s7;
	s8 =	sadd.s32 $0xFFFFF600, s5  }
0x1a3: {  	[hbm4b:s10+s4] =	stream.linear.scatter [tilespmem:s8], [sflag:$0x7], $0x80, $0x38;
	[tilespmem:$0x1E000] =	vst v63  }
0x1a4: {  	s8 =	sadd.s32 $0xFFFFF800, s5;
	s10 =	sadd.s32 $0x100, s7  }
0x1a5: {  	[hbm4b:s10+s4] =	stream.linear.scatter [tilespmem:s8], [sflag:$0x7], $0x80, $0x38;
	[tilespmem:$0x1E000] =	vst v63  }
0x1a6: {  	s8 =	sadd.s32 $0xFFFFFA00, s5;
	s10 =	sadd.s32 $0x180, s7  }
0x1a7: {  	[hbm4b:s10+s4] =	stream.linear.scatter [tilespmem:s8], [sflag:$0x7], $0x80, $0x38;
	[tilespmem:$0x1E000] =	vst v63  }
0x1a8: {  	s8 =	sadd.s32 $0xFFFFFC00, s5;
	s10 =	sadd.s32 $0x200, s7  }
0x1a9: {  	[hbm4b:s10+s4] =	stream.linear.scatter [tilespmem:s8], [sflag:$0x7], $0x80, $0x38;
	[tilespmem:$0x1E000] =	vst v63  }
0x1aa: {  	s8 =	sadd.s32 $0xFFFFFE00, s5;
	s10 =	sadd.s32 $0x280, s7;
	s7 =	sadd.s32 $0xA00, s5  }
0x1ab: {  	[hbm4b:s10+s4] =	stream.linear.scatter [tilespmem:s8], [sflag:$0x7], $0x80, $0x38;
	[tilespmem:$0x1E000] =	vst v63  }
.Ltmp7:
0x1ac: {  	_ = 	snop;
	(pc) =	sbr.rel @p1 .LBB2_17-.Ltmp7, $4  }
0x1ad: {  	s20 =	sadd.s32 $0x800, s28;
	s5 =	sadd.s32 $0x1800, s5;
	s8 =	sadd.s32 s3, s16  }
0x1ae: {  	[hbm4b:s8+s4] =	stream.linear.scatter [tilespmem:s28], [sflag:$0x7], $0x80, $0x38;
	[tilespmem:$0x1E000] =	vst v63  }
0x1af: {  	s15 =	sadd.s32 $0x200, s28;
	s16 =	sadd.s32 $0x80, s8;
	s10 =	sadd.s32 $0x100, s8  }
0x1b0: {  	[hbm4b:s16+s4] =	stream.linear.scatter [tilespmem:s15], [sflag:$0x7], $0x80, $0x38;
	[tilespmem:$0x1E000] =	vst v63  }
0x1b1: {  	[hbm4b:s10+s4] =	stream.linear.scatter [tilespmem:s9], [sflag:$0x7], $0x80, $0x38;
	[tilespmem:$0x1E000] =	vst v63  }
0x1b2: {  	s0 =	sadd.s32 $0x600, s28;
	s5 =	sadd.s32 $0x180, s8;
	s17 =	sadd.s32 $0x0, s23  }
0x1b3: {  	[hbm4b:s5+s4] =	stream.linear.scatter [tilespmem:s0], [sflag:$0x7], $0x80, $0x38;
	[tilespmem:$0x1E000] =	vst v63  }
0x1b4: {  	s18 =	simm.s32 $0x0;
	s0 =	sshrl.u32 s17, $0x3  }
0x1b5: {  	s15 =	sadd.s32 $0x200, s8;
	s5 =	sand.u32 $0x300, s18;
	s0 =	smul.u32 $0x1800, s0  }
0x1b6: {  	[hbm4b:s15+s4] =	stream.linear.scatter [tilespmem:s20], [sflag:$0x7], $0x80, $0x38;
	[tilespmem:$0x1E000] =	vst v63  }
0x1b7: {  	s16 =	sadd.s32 $0x280, s8;
	s5 =	sor.u32 s5, s0  }
0x1b8: {  	[hbm4b:s16+s4] =	stream.linear.scatter [tilespmem:s7], [sflag:$0x7], $0x80, $0x38;
	[tilespmem:$0x1E000] =	vst v63  }
0x1b9: {  	s5 =	sshrl.u32 s5, $0x3  }
0x1ba: {  	s31 =	simm.s32 $0x200;
	s20 =	simm.s32 $0x0;
	s5 =	sadd.s32 s1, s5  }
0x1bb: {  	[tilespmem:s20], [sflag:$0x1] =	stream.linear.gather [hbm4b:s5+s4], $0x80, $0x38;
	[tilespmem:$0x1E000] =	vst v63  }
0x1bc: {  	s28 =	simm.s32 $0x80;
	s10 =	simm.s32 $0x400;
	s30 =	sadd.s32 $0x80, s5  }
0x1bd: {  	[tilespmem:s31], [sflag:$0x1] =	stream.linear.gather [hbm4b:s30+s4], $0x80, $0x38;
	[tilespmem:$0x1E000] =	vst v63  }
0x1be: {  	s26 =	sor.u32 $0x4, s26;
	s29 =	simm.s32 $0x1400;
	s9 =	sadd.s32 $0x100, s5  }
0x1bf: {  	[tilespmem:s10], [sflag:$0x1] =	stream.linear.gather [hbm4b:s9+s4], $0x80, $0x38;
	[tilespmem:$0x1E000] =	vst v63  }
0x1c0: {  	s17 =	simm.s32 $0x600;
	s15 =	sand.u32 $0x380, s28;
	s16 =	sadd.s32 $0x180, s5  }
0x1c1: {  	[tilespmem:s17], [sflag:$0x1] =	stream.linear.gather [hbm4b:s16+s4], $0x80, $0x38;
	[tilespmem:$0x1E000] =	vst v63  }
0x1c2: {  	s0 =	sor.u32 s15, s0;
	s18 =	sadd.s32 $0x200, s5;
	s20 =	simm.s32 $0x800  }
0x1c3: {  	[tilespmem:s20], [sflag:$0x1] =	stream.linear.gather [hbm4b:s18+s4], $0x80, $0x38;
	[tilespmem:$0x1E000] =	vst v63  }
0x1c4: {  	s0 =	sshrl.u32 s0, $0x3;
	s5 =	sadd.s32 $0x280, s5;
	s30 =	simm.s32 $0xA00  }
0x1c5: {  	[tilespmem:s30], [sflag:$0x1] =	stream.linear.gather [hbm4b:s5+s4], $0x80, $0x38;
	[tilespmem:$0x1E000] =	vst v63  }
0x1c6: {  	s7 =	simm.s32 $0x1600;
	s8 =	sadd.s32 s1, s0;
	s9 =	simm.s32 $0xC00  }
0x1c7: {  	[tilespmem:s9], [sflag:$0x1] =	stream.linear.gather [hbm4b:s8+s4], $0x80, $0x38;
	[tilespmem:$0x1E000] =	vst v63  }
0x1c8: {  	s0 =	sadd.s32 $0x80, s8;
	s31 =	simm.s32 $0xE00;
	s10 =	sadd.s32 $0x100, s8  }
0x1c9: {  	[tilespmem:s31], [sflag:$0x1] =	stream.linear.gather [hbm4b:s0+s4], $0x80, $0x38;
	[tilespmem:$0x1E000] =	vst v63  }
0x1ca: {  	s20 =	simm.s32 $0x1000;
	s5 =	simm.s32 $0x2400;
	s0 =	simm.s32 $0x0  }
.LBB2_19:
0x1cb: {  	s0 =	sadd.s32 $0x2, s0;
	s15 =	sadd.s32 $0x400, s5;
	s9 =	sadd.s32 $0x600, s9  }
0x1cc: {  	[tilespmem:s20], [sflag:$0x1] =	stream.linear.gather [hbm4b:s10+s4], $0x80, $0x38;
	[tilespmem:$0x1E000] =	vst v63  }
0x1cd: {  	s16 =	sadd.s32 $0x200, s8;
	s28 =	sadd.s32 $0x100, s28;
	s10 =	sadd.s32 s23, s0  }
0x1ce: {  	s30 =	sadd.s32 $0x180, s8;
	s20 =	sadd.s32 $0xFFFFFF80, s28;
	s10 =	sshrl.u32 s10, $0x3  }
0x1cf: {  	[tilespmem:s9], [sflag:$0x1] =	stream.linear.gather [hbm4b:s30+s4], $0x80, $0x38;
	[tilespmem:$0x1E000] =	vst v63  }
0x1d0: {  	s9 =	smul.u32 $0x1800, s10;
	s10 =	sand.u32 $0x300, s20;
	s20 =	sand.u32 $0x380, s28  }
0x1d1: {  	[tilespmem:s29], [sflag:$0x1] =	stream.linear.gather [hbm4b:s16+s4], $0x80, $0x38;
	[tilespmem:$0x1E000] =	vst v63  }
0x1d2: {  	s8 =	sadd.s32 $0x280, s8;
	s10 =	sor.u32 s10, s9;
	s9 =	sor.u32 s20, s9  }
0x1d3: {  	p1 =	slt.u32 s0, $0xE;
	s10 =	sshrl.u32 s10, $0x3;
	s16 =	sshrl.u32 s9, $0x3  }
0x1d4: {  	[tilespmem:s7], [sflag:$0x1] =	stream.linear.gather [hbm4b:s8+s4], $0x80, $0x38;
	[tilespmem:$0x1E000] =	vst v63  }
0x1d5: {  	s20 =	smov.u32 s15;
	s7 =	sadd.s32 $0xFFFFF400, s5;
	s8 =	sadd.s32 s1, s10  }
0x1d6: {  	[tilespmem:s7], [sflag:$0x1] =	stream.linear.gather [hbm4b:s8+s4], $0x80, $0x38;
	[tilespmem:$0x1E000] =	vst v63  }
0x1d7: {  	s9 =	smov.u32 s5;
	s10 =	sadd.s32 $0xFFFFF600, s5;
	s7 =	sadd.s32 $0x80, s8  }
0x1d8: {  	[tilespmem:s10], [sflag:$0x1] =	stream.linear.gather [hbm4b:s7+s4], $0x80, $0x38;
	[tilespmem:$0x1E000] =	vst v63  }
0x1d9: {  	s7 =	sadd.s32 $0x100, s8;
	s10 =	sadd.s32 $0xFFFFF800, s5  }
0x1da: {  	[tilespmem:s10], [sflag:$0x1] =	stream.linear.gather [hbm4b:s7+s4], $0x80, $0x38;
	[tilespmem:$0x1E000] =	vst v63  }
0x1db: {  	s7 =	sadd.s32 $0x180, s8;
	s10 =	sadd.s32 $0xFFFFFA00, s5  }
0x1dc: {  	[tilespmem:s10], [sflag:$0x1] =	stream.linear.gather [hbm4b:s7+s4], $0x80, $0x38;
	[tilespmem:$0x1E000] =	vst v63  }
0x1dd: {  	s7 =	sadd.s32 $0x200, s8;
	s10 =	sadd.s32 $0xFFFFFC00, s5  }
0x1de: {  	[tilespmem:s10], [sflag:$0x1] =	stream.linear.gather [hbm4b:s7+s4], $0x80, $0x38;
	[tilespmem:$0x1E000] =	vst v63  }
0x1df: {  	s8 =	sadd.s32 $0x280, s8;
	s10 =	sadd.s32 $0xFFFFFE00, s5;
	s7 =	sadd.s32 $0xA00, s5  }
0x1e0: {  	[tilespmem:s10], [sflag:$0x1] =	stream.linear.gather [hbm4b:s8+s4], $0x80, $0x38;
	[tilespmem:$0x1E000] =	vst v63  }
.Ltmp8:
0x1e1: {  	_ = 	snop;
	(pc) =	sbr.rel @p1 .LBB2_19-.Ltmp8, $4  }
0x1e2: {  	s29 =	sadd.s32 $0x800, s9;
	s5 =	sadd.s32 $0x1800, s5;
	s8 =	sadd.s32 s1, s16  }
0x1e3: {  	[tilespmem:s9], [sflag:$0x1] =	stream.linear.gather [hbm4b:s8+s4], $0x80, $0x38;
	[tilespmem:$0x1E000] =	vst v63  }
0x1e4: {  	s16 =	sadd.s32 $0x200, s9;
	s15 =	sadd.s32 $0x80, s8;
	s10 =	sadd.s32 $0x100, s8  }
0x1e5: {  	[tilespmem:s16], [sflag:$0x1] =	stream.linear.gather [hbm4b:s15+s4], $0x80, $0x38;
	[tilespmem:$0x1E000] =	vst v63  }
0x1e6: {  	[tilespmem:s20], [sflag:$0x1] =	stream.linear.gather [hbm4b:s10+s4], $0x80, $0x38;
	[tilespmem:$0x1E000] =	vst v63  }
0x1e7: {  	s0 =	sadd.s32 $0x600, s9;
	s5 =	sadd.s32 $0x180, s8  }
0x1e8: {  	[tilespmem:s0], [sflag:$0x1] =	stream.linear.gather [hbm4b:s5+s4], $0x80, $0x38;
	[tilespmem:$0x1E000] =	vst v63  }
0x1e9: {  	s28 =	sadd.s32 $0x200, s8  }
0x1ea: {  	[tilespmem:s29], [sflag:$0x1] =	stream.linear.gather [hbm4b:s28+s4], $0x80, $0x38;
	[tilespmem:$0x1E000] =	vst v63  }
0x1eb: {  	s30 =	sadd.s32 $0x280, s8  }
0x1ec: {  	[tilespmem:s7], [sflag:$0x1] =	stream.linear.gather [hbm4b:s30+s4], $0x80, $0x38;
	[tilespmem:$0x1E000] =	vst v63  }
0x1ed: {  	_ =	swait.ge [sflag:s12], $0x3000  }
0x1ee: {  	[sflag:s12] =	ssyncset.done $0x0  }
0x1ef: {  	s0 =	simm.s32 @!p0 $0x8;
	[sflag:s12] =	ssyncadd.s32 $0xFFFFD000  }
0x1f0: {  	_ =	swait.ge @!p0 [sflag:s0], $0x3000  }
0x1f1: {  	[sflag:s0] =	ssyncset.done @!p0 $0x0  }
0x1f2: {  	s31 =	simm.s32 $0xF0;
	[sflag:s0] =	ssyncadd.s32 @!p0 $0xFFFFD000  }
0x1f3: {  	s5 =	simm.s32 $0xC040;
	v1 =	vld [tilespmem:s31+$0x0]  }
0x1f4: {  	v2 =	vld [tilespmem:s5+$0x30]  }
0x1f5: {  	v0 =	vld [tilespmem:s5+$0xFFFFFFC0]  }
0x1f6: {  	v3 =	vld [tilespmem:s31+$0xFFFFFFA0]  }
0x1f7: {  	v4 =	vld [tilespmem:s5+$0xFFFFFFD0]  }
0x1f8: {  	v5 =	vld [tilespmem:s31+$0xFFFFFFB0]  }
0x1f9: {  	v6 =	vld [tilespmem:s5+$0xFFFFFFE0]  }
0x1fa: {  	v7 =	vld [tilespmem:s31+$0xFFFFFFC0]  }
0x1fb: {  	v8 =	vld [tilespmem:s5+$0xFFFFFFF0]  }
0x1fc: {  	v9 =	vld [tilespmem:s31+$0xFFFFFFD0]  }
0x1fd: {  	v10 =	vld [tilespmem:s5+$0x0];
	v2 =	vadd.f32 v2, v1  }
0x1fe: {  	s0 =	simm.s32 $0x120F0;
	v3 =	vadd.f32 v4, v3;
	v1 =	vld [tilespmem:s31+$0xFFFFFFE0]  }
0x1ff: {  	v5 =	vadd.f32 v6, v5;
	v4 =	vld [tilespmem:s5+$0x10];
	[tilespmem:s0+$0x0] =	vst v2  }
0x200: {  	v6 =	vadd.f32 v8, v7;
	[tilespmem:s0+$0xFFFFFFA0] =	vst v3;
	v2 =	vld [tilespmem:s31+$0xFFFFFFF0]  }
0x201: {  	[tilespmem:s0+$0xFFFFFFB0] =	vst v5;
	v5 =	vld [tilespmem:s5+$0x20]  }
0x202: {  	s8 =	simm.s32 $0x2F0;
	s29 =	simm.s32 $0x13680;
	s7 =	simm.s32 $0x0;
	v3 =	vld [tilespmem:s31+$0xFFFFFF90];
	[tilespmem:s0+$0xFFFFFFC0] =	vst v6;
	v6 =	vadd.f32 v10, v9  }
.LBB2_21:
0x203: {  	v7 =	vld [tilespmem:s8+$0x0];
	s5 =	sadd.s32 $0x100, s5  }
0x204: {  	s7 =	sadd.s32 $0x80, s7;
	v8 =	vld [tilespmem:s5+$0x30];
	[tilespmem:s0+$0xFFFFFFD0] =	vst v6;
	v1 =	vadd.f32 v4, v1  }
0x205: {  	p1 =	slt.u32 s7, $0x2F80;
	v4 =	vld [tilespmem:s5+$0xFFFFFFC0]  }
0x206: {  	v6 =	vld [tilespmem:s8+$0xFFFFFFA0];
	[tilespmem:s0+$0xFFFFFFE0] =	vst v1;
	v1 =	vadd.f32 v5, v2  }
0x207: {  	v2 =	vld [tilespmem:s5+$0xFFFFFFD0];
	v9 =	vadd.f32 v0, v3  }
0x208: {  	v3 =	vld [tilespmem:s8+$0xFFFFFFB0];
	[tilespmem:s0+$0xFFFFFFF0] =	vst v1  }
0x209: {  	v1 =	vld [tilespmem:s5+$0xFFFFFFE0];
	v5 =	vadd.f32 v8, v7;
	[tilespmem:s0+$0xFFFFFF90] =	vst v9  }
0x20a: {  	s0 =	sadd.s32 $0x200, s0;
	v7 =	vld [tilespmem:s8+$0xFFFFFFC0];
	v0 =	vmov v4  }
0x20b: {  	s28 =	simm.s32 $0x80;
	v8 =	vld [tilespmem:s5+$0xFFFFFFF0];
	[tilespmem:s0+$0x0] =	vst v5  }
0x20c: {  	v2 =	vadd.f32 v2, v6;
	v6 =	vld [tilespmem:s8+$0xFFFFFFD0]  }
0x20d: {  	v9 =	vld [tilespmem:s5+$0x0]  }
.Ltmp9:
0x20e: {  	[tilespmem:s0+$0xFFFFFFA0] =	vst v2;
	v2 =	vadd.f32 v1, v3;
	v1 =	vld [tilespmem:s8+$0xFFFFFFE0];
	(pc) =	sbr.rel @p1 .LBB2_21-.Ltmp9, $4  }
0x20f: {  	v4 =	vld [tilespmem:s5+$0x10]  }
0x210: {  	[tilespmem:s0+$0xFFFFFFB0] =	vst v2;
	v7 =	vadd.f32 v8, v7;
	v2 =	vld [tilespmem:s8+$0xFFFFFFF0]  }
0x211: {  	v5 =	vld [tilespmem:s5+$0x20]  }
0x212: {  	v3 =	vld [tilespmem:s8+$0xFFFFFF90];
	[tilespmem:s0+$0xFFFFFFC0] =	vst v7;
	v6 =	vadd.f32 v9, v6;
	s8 =	sadd.s32 $0x200, s8  }
0x213: {  	s5 =	sadd.s32 $0x0, s24  }
0x214: {  	s5 =	sshrl.u32 s5, $0x3  }
0x215: {  	s5 =	smul.u32 $0x1800, s5  }
0x216: {  	s7 =	simm.s32 $0x0;
	v1 =	vadd.f32 v4, v1  }
0x217: {  	[tilespmem:s0+$0xFFFFFFD0] =	vst v6;
	s30 =	sand.u32 $0x300, s7;
	v2 =	vadd.f32 v5, v2;
	s5 =	sadd.s32 $0x600000, s5  }
0x218: {  	[tilespmem:s0+$0xFFFFFFE0] =	vst v1;
	v0 =	vadd.f32 v0, v3;
	s7 =	sor.u32 s30, s5  }
0x219: {  	[tilespmem:s0+$0xFFFFFFF0] =	vst v2;
	s7 =	sshrl.u32 s7, $0x3  }
0x21a: {  	s16 =	simm.s32 $0x12080;
	[tilespmem:s0+$0xFFFFFF90] =	vst v0;
	s0 =	sadd.s32 s3, s7  }
0x21b: {  	[hbm4b:s0+s4] =	stream.linear.scatter [tilespmem:s16], [sflag:$0x8], $0x80, $0x38;
	[tilespmem:$0x1E000] =	vst v63  }
0x21c: {  	s17 =	simm.s32 $0x12280;
	s8 =	sadd.s32 $0x80, s0  }
0x21d: {  	[hbm4b:s8+s4] =	stream.linear.scatter [tilespmem:s17], [sflag:$0x8], $0x80, $0x38;
	[tilespmem:$0x1E000] =	vst v63  }
0x21e: {  	s18 =	simm.s32 $0x12480;
	s20 =	sadd.s32 $0x100, s0  }
0x21f: {  	[hbm4b:s20+s4] =	stream.linear.scatter [tilespmem:s18], [sflag:$0x8], $0x80, $0x38;
	[tilespmem:$0x1E000] =	vst v63  }
0x220: {  	s31 =	sand.u32 $0x380, s28;
	s9 =	simm.s32 $0x12680;
	s10 =	sadd.s32 $0x180, s0  }
0x221: {  	[hbm4b:s10+s4] =	stream.linear.scatter [tilespmem:s9], [sflag:$0x8], $0x80, $0x38;
	[tilespmem:$0x1E000] =	vst v63  }
0x222: {  	s15 =	simm.s32 $0x12880;
	s5 =	sor.u32 s31, s5;
	s16 =	sadd.s32 $0x200, s0  }
0x223: {  	[hbm4b:s16+s4] =	stream.linear.scatter [tilespmem:s15], [sflag:$0x8], $0x80, $0x38;
	[tilespmem:$0x1E000] =	vst v63  }
0x224: {  	s5 =	sshrl.u32 s5, $0x3;
	s0 =	sadd.s32 $0x280, s0;
	s17 =	simm.s32 $0x12A80  }
0x225: {  	[hbm4b:s0+s4] =	stream.linear.scatter [tilespmem:s17], [sflag:$0x8], $0x80, $0x38;
	[tilespmem:$0x1E000] =	vst v63  }
0x226: {  	s7 =	simm.s32 $0x80;
	s8 =	sadd.s32 s3, s5;
	s18 =	simm.s32 $0x12C80  }
0x227: {  	[hbm4b:s8+s4] =	stream.linear.scatter [tilespmem:s18], [sflag:$0x8], $0x80, $0x38;
	[tilespmem:$0x1E000] =	vst v63  }
0x228: {  	s5 =	sadd.s32 $0x80, s8;
	s20 =	simm.s32 $0x12E80;
	s9 =	simm.s32 $0x13080  }
0x229: {  	[hbm4b:s5+s4] =	stream.linear.scatter [tilespmem:s20], [sflag:$0x8], $0x80, $0x38;
	[tilespmem:$0x1E000] =	vst v63  }
0x22a: {  	s10 =	sadd.s32 $0x100, s8;
	s0 =	simm.s32 $0x0;
	s5 =	simm.s32 $0x14E80  }
.LBB2_23:
0x22b: {  	s0 =	sadd.s32 $0x2, s0;
	s15 =	sadd.s32 $0xFFFFFA00, s5;
	s7 =	sadd.s32 $0x100, s7  }
0x22c: {  	[hbm4b:s10+s4] =	stream.linear.scatter [tilespmem:s9], [sflag:$0x8], $0x80, $0x38;
	[tilespmem:$0x1E000] =	vst v63  }
0x22d: {  	s16 =	sadd.s32 $0x180, s8;
	s9 =	sadd.s32 s24, s0;
	s10 =	sadd.s32 $0xFFFFFC00, s29  }
0x22e: {  	[hbm4b:s16+s4] =	stream.linear.scatter [tilespmem:s10], [sflag:$0x8], $0x80, $0x38;
	[tilespmem:$0x1E000] =	vst v63  }
0x22f: {  	p1 =	slt.u32 s0, $0xE;
	s9 =	sshrl.u32 s9, $0x3;
	s10 =	sadd.s32 $0xFFFFFF80, s7  }
0x230: {  	s20 =	sadd.s32 $0x200, s8;
	s9 =	smul.u32 $0x1800, s9;
	s16 =	sadd.s32 $0xFFFFFE00, s29  }
0x231: {  	[hbm4b:s20+s4] =	stream.linear.scatter [tilespmem:s16], [sflag:$0x8], $0x80, $0x38;
	[tilespmem:$0x1E000] =	vst v63  }
0x232: {  	s10 =	sand.u32 $0x300, s10;
	s9 =	sadd.s32 $0x600000, s9;
	s16 =	sand.u32 $0x380, s7  }
0x233: {  	s8 =	sadd.s32 $0x280, s8;
	s10 =	sor.u32 s10, s9;
	s9 =	sor.u32 s16, s9  }
0x234: {  	s10 =	sshrl.u32 s10, $0x3;
	s16 =	sshrl.u32 s9, $0x3;
	s9 =	smov.u32 s15  }
0x235: {  	[hbm4b:s8+s4] =	stream.linear.scatter [tilespmem:s29], [sflag:$0x8], $0x80, $0x38;
	[tilespmem:$0x1E000] =	vst v63  }
0x236: {  	s8 =	sadd.s32 s3, s10;
	s10 =	sadd.s32 $0xFFFFEA00, s5;
	s29 =	smov.u32 s5  }
0x237: {  	[hbm4b:s8+s4] =	stream.linear.scatter [tilespmem:s10], [sflag:$0x8], $0x80, $0x38;
	[tilespmem:$0x1E000] =	vst v63  }
0x238: {  	s20 =	sadd.s32 $0xFFFFEE00, s5;
	s15 =	sadd.s32 $0x80, s8;
	s10 =	sadd.s32 $0xFFFFEC00, s5  }
0x239: {  	[hbm4b:s15+s4] =	stream.linear.scatter [tilespmem:s10], [sflag:$0x8], $0x80, $0x38;
	[tilespmem:$0x1E000] =	vst v63  }
0x23a: {  	s10 =	sadd.s32 $0x100, s8  }
0x23b: {  	[hbm4b:s10+s4] =	stream.linear.scatter [tilespmem:s20], [sflag:$0x8], $0x80, $0x38;
	[tilespmem:$0x1E000] =	vst v63  }
0x23c: {  	s15 =	sadd.s32 $0x180, s8;
	s10 =	sadd.s32 $0xFFFFF000, s5  }
0x23d: {  	[hbm4b:s15+s4] =	stream.linear.scatter [tilespmem:s10], [sflag:$0x8], $0x80, $0x38;
	[tilespmem:$0x1E000] =	vst v63  }
0x23e: {  	s10 =	sadd.s32 $0xFFFFF200, s5;
	s15 =	sadd.s32 $0x200, s8  }
0x23f: {  	[hbm4b:s15+s4] =	stream.linear.scatter [tilespmem:s10], [sflag:$0x8], $0x80, $0x38;
	[tilespmem:$0x1E000] =	vst v63  }
0x240: {  	s8 =	sadd.s32 $0x280, s8;
	s10 =	sadd.s32 $0xFFFFF400, s5  }
0x241: {  	[hbm4b:s8+s4] =	stream.linear.scatter [tilespmem:s10], [sflag:$0x8], $0x80, $0x38;
	[tilespmem:$0x1E000] =	vst v63  }
.Ltmp10:
0x242: {  	_ = 	snop;
	(pc) =	sbr.rel @p1 .LBB2_23-.Ltmp10, $4  }
0x243: {  	s5 =	sadd.s32 $0x1800, s5;
	s8 =	sadd.s32 s3, s16;
	s10 =	sadd.s32 $0xFFFFF600, s29  }
0x244: {  	[hbm4b:s8+s4] =	stream.linear.scatter [tilespmem:s10], [sflag:$0x8], $0x80, $0x38;
	[tilespmem:$0x1E000] =	vst v63  }
0x245: {  	s15 =	sadd.s32 $0xFFFFF800, s29;
	s16 =	sadd.s32 $0x80, s8;
	s10 =	sadd.s32 $0x100, s8  }
0x246: {  	[hbm4b:s16+s4] =	stream.linear.scatter [tilespmem:s15], [sflag:$0x8], $0x80, $0x38;
	[tilespmem:$0x1E000] =	vst v63  }
0x247: {  	[hbm4b:s10+s4] =	stream.linear.scatter [tilespmem:s9], [sflag:$0x8], $0x80, $0x38;
	[tilespmem:$0x1E000] =	vst v63  }
0x248: {  	s0 =	sadd.s32 $0xFFFFFC00, s29;
	s5 =	sadd.s32 $0x180, s8;
	s15 =	sadd.s32 $0x0, s23  }
0x249: {  	[hbm4b:s5+s4] =	stream.linear.scatter [tilespmem:s0], [sflag:$0x8], $0x80, $0x38;
	[tilespmem:$0x1E000] =	vst v63  }
0x24a: {  	s0 =	sshrl.u32 s15, $0x3  }
0x24b: {  	s9 =	sadd.s32 $0xFFFFFE00, s29;
	s10 =	sadd.s32 $0x200, s8;
	s0 =	smul.u32 $0x1800, s0  }
0x24c: {  	[hbm4b:s10+s4] =	stream.linear.scatter [tilespmem:s9], [sflag:$0x8], $0x80, $0x38;
	[tilespmem:$0x1E000] =	vst v63  }
0x24d: {  	s16 =	sadd.s32 $0x280, s8;
	s0 =	sadd.s32 $0x600000, s0  }
0x24e: {  	[hbm4b:s16+s4] =	stream.linear.scatter [tilespmem:s29], [sflag:$0x8], $0x80, $0x38;
	[tilespmem:$0x1E000] =	vst v63  }
0x24f: {  	s7 =	simm.s32 $0x80;
	s17 =	sor.u32 s30, s0  }
0x250: {  	s20 =	simm.s32 $0x280;
	s15 =	simm.s32 $0x680;
	s5 =	sshrl.u32 s17, $0x3  }
0x251: {  	s9 =	simm.s32 $0x480;
	s29 =	simm.s32 $0x1680;
	s5 =	sadd.s32 s1, s5  }
0x252: {  	[tilespmem:s7], [sflag:$0x2] =	stream.linear.gather [hbm4b:s5+s4], $0x80, $0x38;
	[tilespmem:$0x1E000] =	vst v63  }
0x253: {  	s0 =	sor.u32 s31, s0;
	s31 =	simm.s32 $0xA80;
	s18 =	sadd.s32 $0x80, s5  }
0x254: {  	[tilespmem:s20], [sflag:$0x2] =	stream.linear.gather [hbm4b:s18+s4], $0x80, $0x38;
	[tilespmem:$0x1E000] =	vst v63  }
0x255: {  	s17 =	simm.s32 $0x880;
	s8 =	sadd.s32 $0x100, s5;
	s10 =	sadd.s32 $0x180, s5  }
0x256: {  	[tilespmem:s9], [sflag:$0x2] =	stream.linear.gather [hbm4b:s8+s4], $0x80, $0x38;
	[tilespmem:$0x1E000] =	vst v63  }
0x257: {  	s16 =	sadd.s32 $0x200, s5;
	s7 =	simm.s32 $0x1480;
	s18 =	sshrl.u32 s0, $0x3  }
0x258: {  	[tilespmem:s15], [sflag:$0x2] =	stream.linear.gather [hbm4b:s10+s4], $0x80, $0x38;
	[tilespmem:$0x1E000] =	vst v63  }
0x259: {  	s20 =	sadd.s32 $0x280, s5;
	s0 =	simm.s32 $0x0;
	s5 =	simm.s32 $0x2E80  }
0x25a: {  	[tilespmem:s17], [sflag:$0x2] =	stream.linear.gather [hbm4b:s16+s4], $0x80, $0x38;
	[tilespmem:$0x1E000] =	vst v63  }
0x25b: {  	s30 =	sadd.s32 s1, s18;
	s9 =	simm.s32 $0xC80;
	s8 =	simm.s32 $0x1280  }
0x25c: {  	[tilespmem:s31], [sflag:$0x2] =	stream.linear.gather [hbm4b:s20+s4], $0x80, $0x38;
	[tilespmem:$0x1E000] =	vst v63  }
.LBB2_25:
0x25d: {  	s0 =	sadd.s32 $0x2, s0;
	s10 =	sadd.s32 $0xFFFFF600, s5;
	s28 =	sadd.s32 $0x100, s28  }
0x25e: {  	[tilespmem:s9], [sflag:$0x2] =	stream.linear.gather [hbm4b:s30+s4], $0x80, $0x38;
	[tilespmem:$0x1E000] =	vst v63  }
0x25f: {  	s15 =	sadd.s32 $0x80, s30;
	s16 =	sadd.s32 $0xFFFFF800, s29;
	s9 =	sadd.s32 s23, s0  }
0x260: {  	[tilespmem:s16], [sflag:$0x2] =	stream.linear.gather [hbm4b:s15+s4], $0x80, $0x38;
	[tilespmem:$0x1E000] =	vst v63  }
0x261: {  	s9 =	sshrl.u32 s9, $0x3;
	s15 =	sadd.s32 $0xFFFFFA00, s29;
	s16 =	sadd.s32 $0x180, s30  }
0x262: {  	s31 =	sadd.s32 $0x100, s30;
	s20 =	sadd.s32 $0xFFFFFF80, s28;
	s9 =	smul.u32 $0x1800, s9  }
0x263: {  	[tilespmem:s15], [sflag:$0x2] =	stream.linear.gather [hbm4b:s31+s4], $0x80, $0x38;
	[tilespmem:$0x1E000] =	vst v63  }
0x264: {  	s9 =	sadd.s32 $0x600000, s9;
	s15 =	sand.u32 $0x300, s20;
	s20 =	sand.u32 $0x380, s28  }
0x265: {  	s15 =	sor.u32 s15, s9;
	s9 =	sor.u32 s20, s9;
	s20 =	sadd.s32 $0x280, s30  }
0x266: {  	[tilespmem:s8], [sflag:$0x2] =	stream.linear.gather [hbm4b:s16+s4], $0x80, $0x38;
	[tilespmem:$0x1E000] =	vst v63  }
0x267: {  	s9 =	sshrl.u32 s9, $0x3;
	s8 =	sshrl.u32 s15, $0x3;
	s15 =	sadd.s32 $0x200, s30  }
0x268: {  	[tilespmem:s7], [sflag:$0x2] =	stream.linear.gather [hbm4b:s15+s4], $0x80, $0x38;
	[tilespmem:$0x1E000] =	vst v63  }
0x269: {  	p1 =	slt.u32 s0, $0xE;
	s30 =	sadd.s32 s1, s9;
	s9 =	smov.u32 s10  }
0x26a: {  	[tilespmem:s29], [sflag:$0x2] =	stream.linear.gather [hbm4b:s20+s4], $0x80, $0x38;
	[tilespmem:$0x1E000] =	vst v63  }
0x26b: {  	s10 =	sadd.s32 s1, s8;
	s7 =	sadd.s32 $0xFFFFEA00, s5;
	s29 =	smov.u32 s5  }
0x26c: {  	[tilespmem:s7], [sflag:$0x2] =	stream.linear.gather [hbm4b:s10+s4], $0x80, $0x38;
	[tilespmem:$0x1E000] =	vst v63  }
0x26d: {  	s8 =	sadd.s32 $0xFFFFEC00, s5;
	s7 =	sadd.s32 $0x80, s10  }
0x26e: {  	[tilespmem:s8], [sflag:$0x2] =	stream.linear.gather [hbm4b:s7+s4], $0x80, $0x38;
	[tilespmem:$0x1E000] =	vst v63  }
0x26f: {  	s7 =	sadd.s32 $0x100, s10;
	s8 =	sadd.s32 $0xFFFFEE00, s5  }
0x270: {  	[tilespmem:s8], [sflag:$0x2] =	stream.linear.gather [hbm4b:s7+s4], $0x80, $0x38;
	[tilespmem:$0x1E000] =	vst v63  }
0x271: {  	s15 =	sadd.s32 $0xFFFFF000, s5;
	s8 =	sadd.s32 $0x180, s10;
	s7 =	sadd.s32 $0xFFFFFE00, s5  }
0x272: {  	[tilespmem:s15], [sflag:$0x2] =	stream.linear.gather [hbm4b:s8+s4], $0x80, $0x38;
	[tilespmem:$0x1E000] =	vst v63  }
.Ltmp11:
0x273: {  	_ = 	snop;
	(pc) =	sbr.rel @p1 .LBB2_25-.Ltmp11, $4  }
0x274: {  	s16 =	sadd.s32 $0xFFFFF200, s5;
	s15 =	sadd.s32 $0x200, s10;
	s8 =	sadd.s32 $0xFFFFFC00, s5  }
0x275: {  	[tilespmem:s16], [sflag:$0x2] =	stream.linear.gather [hbm4b:s15+s4], $0x80, $0x38;
	[tilespmem:$0x1E000] =	vst v63  }
0x276: {  	s10 =	sadd.s32 $0x280, s10;
	s5 =	sadd.s32 $0x1800, s5;
	s15 =	sadd.s32 $0xFFFFF400, s29  }
0x277: {  	[tilespmem:s15], [sflag:$0x2] =	stream.linear.gather [hbm4b:s10+s4], $0x80, $0x38;
	[tilespmem:$0x1E000] =	vst v63  }
0x278: {  	[tilespmem:s9], [sflag:$0x2] =	stream.linear.gather [hbm4b:s30+s4], $0x80, $0x38;
	[tilespmem:$0x1E000] =	vst v63  }
0x279: {  	s0 =	sadd.s32 $0x80, s30;
	s5 =	sadd.s32 $0xFFFFF800, s29  }
0x27a: {  	[tilespmem:s5], [sflag:$0x2] =	stream.linear.gather [hbm4b:s0+s4], $0x80, $0x38;
	[tilespmem:$0x1E000] =	vst v63  }
0x27b: {  	s17 =	sadd.s32 $0xFFFFFA00, s29;
	s18 =	sadd.s32 $0x100, s30  }
0x27c: {  	[tilespmem:s17], [sflag:$0x2] =	stream.linear.gather [hbm4b:s18+s4], $0x80, $0x38;
	[tilespmem:$0x1E000] =	vst v63  }
0x27d: {  	s20 =	sadd.s32 $0x180, s30  }
0x27e: {  	[tilespmem:s8], [sflag:$0x2] =	stream.linear.gather [hbm4b:s20+s4], $0x80, $0x38;
	[tilespmem:$0x1E000] =	vst v63  }
0x27f: {  	s28 =	sadd.s32 $0x200, s30  }
0x280: {  	[tilespmem:s7], [sflag:$0x2] =	stream.linear.gather [hbm4b:s28+s4], $0x80, $0x38;
	[tilespmem:$0x1E000] =	vst v63  }
0x281: {  	s30 =	sadd.s32 $0x280, s30  }
0x282: {  	[tilespmem:s29], [sflag:$0x2] =	stream.linear.gather [hbm4b:s30+s4], $0x80, $0x38;
	[tilespmem:$0x1E000] =	vst v63  }
0x283: {  	_ =	swait.ge [sflag:s13], $0x3000  }
0x284: {  	[sflag:s13] =	ssyncset.done $0x0  }
0x285: {  	s0 =	simm.s32 @!p0 $0x9;
	[sflag:s13] =	ssyncadd.s32 $0xFFFFD000  }
0x286: {  	_ =	swait.ge @!p0 [sflag:s0], $0x3000  }
0x287: {  	[sflag:s0] =	ssyncset.done @!p0 $0x0  }
0x288: {  	s31 =	simm.s32 $0x170;
	[sflag:s0] =	ssyncadd.s32 @!p0 $0xFFFFD000  }
0x289: {  	s5 =	simm.s32 $0xC040;
	v1 =	vld [tilespmem:s31+$0x0]  }
0x28a: {  	v2 =	vld [tilespmem:s5+$0x30]  }
0x28b: {  	v0 =	vld [tilespmem:s5+$0xFFFFFFC0]  }
0x28c: {  	v3 =	vld [tilespmem:s31+$0xFFFFFFA0]  }
0x28d: {  	v4 =	vld [tilespmem:s5+$0xFFFFFFD0]  }
0x28e: {  	v5 =	vld [tilespmem:s31+$0xFFFFFFB0]  }
0x28f: {  	v6 =	vld [tilespmem:s5+$0xFFFFFFE0]  }
0x290: {  	v7 =	vld [tilespmem:s31+$0xFFFFFFC0]  }
0x291: {  	v8 =	vld [tilespmem:s5+$0xFFFFFFF0]  }
0x292: {  	v9 =	vld [tilespmem:s31+$0xFFFFFFD0]  }
0x293: {  	v10 =	vld [tilespmem:s5+$0x0];
	v2 =	vadd.f32 v2, v1  }
0x294: {  	s0 =	simm.s32 $0x12170;
	v3 =	vadd.f32 v4, v3;
	v1 =	vld [tilespmem:s31+$0xFFFFFFE0]  }
0x295: {  	v5 =	vadd.f32 v6, v5;
	v4 =	vld [tilespmem:s5+$0x10];
	[tilespmem:s0+$0x0] =	vst v2  }
0x296: {  	v6 =	vadd.f32 v8, v7;
	[tilespmem:s0+$0xFFFFFFA0] =	vst v3;
	v2 =	vld [tilespmem:s31+$0xFFFFFFF0]  }
0x297: {  	[tilespmem:s0+$0xFFFFFFB0] =	vst v5;
	v5 =	vld [tilespmem:s5+$0x20]  }
0x298: {  	s8 =	simm.s32 $0x370;
	s7 =	simm.s32 $0x0;
	s29 =	simm.s32 $0x13700;
	v3 =	vld [tilespmem:s31+$0xFFFFFF90];
	[tilespmem:s0+$0xFFFFFFC0] =	vst v6;
	v6 =	vadd.f32 v10, v9  }
.LBB2_27:
0x299: {  	v7 =	vld [tilespmem:s8+$0x0];
	s5 =	sadd.s32 $0x100, s5  }
0x29a: {  	s7 =	sadd.s32 $0x80, s7;
	v8 =	vld [tilespmem:s5+$0x30];
	[tilespmem:s0+$0xFFFFFFD0] =	vst v6;
	v1 =	vadd.f32 v4, v1  }
0x29b: {  	p1 =	slt.u32 s7, $0x2F80;
	v4 =	vld [tilespmem:s5+$0xFFFFFFC0]  }
0x29c: {  	v6 =	vld [tilespmem:s8+$0xFFFFFFA0];
	[tilespmem:s0+$0xFFFFFFE0] =	vst v1;
	v1 =	vadd.f32 v5, v2  }
0x29d: {  	v2 =	vld [tilespmem:s5+$0xFFFFFFD0];
	v9 =	vadd.f32 v0, v3  }
0x29e: {  	v3 =	vld [tilespmem:s8+$0xFFFFFFB0];
	[tilespmem:s0+$0xFFFFFFF0] =	vst v1  }
0x29f: {  	v1 =	vld [tilespmem:s5+$0xFFFFFFE0];
	v5 =	vadd.f32 v8, v7;
	[tilespmem:s0+$0xFFFFFF90] =	vst v9  }
0x2a0: {  	s0 =	sadd.s32 $0x200, s0;
	v7 =	vld [tilespmem:s8+$0xFFFFFFC0];
	v0 =	vmov v4  }
0x2a1: {  	s28 =	simm.s32 $0x80;
	v8 =	vld [tilespmem:s5+$0xFFFFFFF0];
	[tilespmem:s0+$0x0] =	vst v5  }
0x2a2: {  	v2 =	vadd.f32 v2, v6;
	v6 =	vld [tilespmem:s8+$0xFFFFFFD0]  }
0x2a3: {  	v9 =	vld [tilespmem:s5+$0x0]  }
.Ltmp12:
0x2a4: {  	[tilespmem:s0+$0xFFFFFFA0] =	vst v2;
	v2 =	vadd.f32 v1, v3;
	v1 =	vld [tilespmem:s8+$0xFFFFFFE0];
	(pc) =	sbr.rel @p1 .LBB2_27-.Ltmp12, $4  }
0x2a5: {  	v4 =	vld [tilespmem:s5+$0x10]  }
0x2a6: {  	[tilespmem:s0+$0xFFFFFFB0] =	vst v2;
	v7 =	vadd.f32 v8, v7;
	v2 =	vld [tilespmem:s8+$0xFFFFFFF0]  }
0x2a7: {  	v5 =	vld [tilespmem:s5+$0x20]  }
0x2a8: {  	v3 =	vld [tilespmem:s8+$0xFFFFFF90];
	[tilespmem:s0+$0xFFFFFFC0] =	vst v7;
	v6 =	vadd.f32 v9, v6;
	s8 =	sadd.s32 $0x200, s8  }
0x2a9: {  	s5 =	sadd.s32 $0x0, s24  }
0x2aa: {  	s5 =	sshrl.u32 s5, $0x3  }
0x2ab: {  	s5 =	smul.u32 $0x1800, s5  }
0x2ac: {  	s7 =	simm.s32 $0x0;
	v1 =	vadd.f32 v4, v1  }
0x2ad: {  	[tilespmem:s0+$0xFFFFFFD0] =	vst v6;
	s30 =	sand.u32 $0x300, s7;
	v2 =	vadd.f32 v5, v2;
	s5 =	sadd.s32 $0xC00000, s5  }
0x2ae: {  	[tilespmem:s0+$0xFFFFFFE0] =	vst v1;
	v0 =	vadd.f32 v0, v3;
	s7 =	sor.u32 s30, s5  }
0x2af: {  	[tilespmem:s0+$0xFFFFFFF0] =	vst v2;
	s7 =	sshrl.u32 s7, $0x3  }
0x2b0: {  	s16 =	simm.s32 $0x12100;
	[tilespmem:s0+$0xFFFFFF90] =	vst v0;
	s0 =	sadd.s32 s3, s7  }
0x2b1: {  	[hbm4b:s0+s4] =	stream.linear.scatter [tilespmem:s16], [sflag:$0x9], $0x80, $0x38;
	[tilespmem:$0x1E000] =	vst v63  }
0x2b2: {  	s17 =	simm.s32 $0x12300;
	s8 =	sadd.s32 $0x80, s0  }
0x2b3: {  	[hbm4b:s8+s4] =	stream.linear.scatter [tilespmem:s17], [sflag:$0x9], $0x80, $0x38;
	[tilespmem:$0x1E000] =	vst v63  }
0x2b4: {  	s18 =	simm.s32 $0x12500;
	s20 =	sadd.s32 $0x100, s0  }
0x2b5: {  	[hbm4b:s20+s4] =	stream.linear.scatter [tilespmem:s18], [sflag:$0x9], $0x80, $0x38;
	[tilespmem:$0x1E000] =	vst v63  }
0x2b6: {  	s31 =	sand.u32 $0x380, s28;
	s9 =	simm.s32 $0x12700;
	s10 =	sadd.s32 $0x180, s0  }
0x2b7: {  	[hbm4b:s10+s4] =	stream.linear.scatter [tilespmem:s9], [sflag:$0x9], $0x80, $0x38;
	[tilespmem:$0x1E000] =	vst v63  }
0x2b8: {  	s15 =	simm.s32 $0x12900;
	s5 =	sor.u32 s31, s5;
	s16 =	sadd.s32 $0x200, s0  }
0x2b9: {  	[hbm4b:s16+s4] =	stream.linear.scatter [tilespmem:s15], [sflag:$0x9], $0x80, $0x38;
	[tilespmem:$0x1E000] =	vst v63  }
0x2ba: {  	s5 =	sshrl.u32 s5, $0x3;
	s0 =	sadd.s32 $0x280, s0;
	s17 =	simm.s32 $0x12B00  }
0x2bb: {  	[hbm4b:s0+s4] =	stream.linear.scatter [tilespmem:s17], [sflag:$0x9], $0x80, $0x38;
	[tilespmem:$0x1E000] =	vst v63  }
0x2bc: {  	s7 =	simm.s32 $0x80;
	s8 =	sadd.s32 s3, s5;
	s18 =	simm.s32 $0x12D00  }
0x2bd: {  	[hbm4b:s8+s4] =	stream.linear.scatter [tilespmem:s18], [sflag:$0x9], $0x80, $0x38;
	[tilespmem:$0x1E000] =	vst v63  }
0x2be: {  	s5 =	sadd.s32 $0x80, s8;
	s20 =	simm.s32 $0x12F00;
	s9 =	simm.s32 $0x13100  }
0x2bf: {  	[hbm4b:s5+s4] =	stream.linear.scatter [tilespmem:s20], [sflag:$0x9], $0x80, $0x38;
	[tilespmem:$0x1E000] =	vst v63  }
0x2c0: {  	s10 =	sadd.s32 $0x100, s8;
	s0 =	simm.s32 $0x0;
	s5 =	simm.s32 $0x14F00  }
.LBB2_29:
0x2c1: {  	s0 =	sadd.s32 $0x2, s0;
	s15 =	sadd.s32 $0xFFFFFA00, s5;
	s7 =	sadd.s32 $0x100, s7  }
0x2c2: {  	[hbm4b:s10+s4] =	stream.linear.scatter [tilespmem:s9], [sflag:$0x9], $0x80, $0x38;
	[tilespmem:$0x1E000] =	vst v63  }
0x2c3: {  	s16 =	sadd.s32 $0x180, s8;
	s9 =	sadd.s32 s24, s0;
	s10 =	sadd.s32 $0xFFFFFC00, s29  }
0x2c4: {  	[hbm4b:s16+s4] =	stream.linear.scatter [tilespmem:s10], [sflag:$0x9], $0x80, $0x38;
	[tilespmem:$0x1E000] =	vst v63  }
0x2c5: {  	p1 =	slt.u32 s0, $0xE;
	s9 =	sshrl.u32 s9, $0x3;
	s10 =	sadd.s32 $0xFFFFFF80, s7  }
0x2c6: {  	s20 =	sadd.s32 $0x200, s8;
	s9 =	smul.u32 $0x1800, s9;
	s16 =	sadd.s32 $0xFFFFFE00, s29  }
0x2c7: {  	[hbm4b:s20+s4] =	stream.linear.scatter [tilespmem:s16], [sflag:$0x9], $0x80, $0x38;
	[tilespmem:$0x1E000] =	vst v63  }
0x2c8: {  	s10 =	sand.u32 $0x300, s10;
	s9 =	sadd.s32 $0xC00000, s9;
	s16 =	sand.u32 $0x380, s7  }
0x2c9: {  	s8 =	sadd.s32 $0x280, s8;
	s10 =	sor.u32 s10, s9;
	s9 =	sor.u32 s16, s9  }
0x2ca: {  	s10 =	sshrl.u32 s10, $0x3;
	s16 =	sshrl.u32 s9, $0x3;
	s9 =	smov.u32 s15  }
0x2cb: {  	[hbm4b:s8+s4] =	stream.linear.scatter [tilespmem:s29], [sflag:$0x9], $0x80, $0x38;
	[tilespmem:$0x1E000] =	vst v63  }
0x2cc: {  	s8 =	sadd.s32 s3, s10;
	s10 =	sadd.s32 $0xFFFFEA00, s5;
	s29 =	smov.u32 s5  }
0x2cd: {  	[hbm4b:s8+s4] =	stream.linear.scatter [tilespmem:s10], [sflag:$0x9], $0x80, $0x38;
	[tilespmem:$0x1E000] =	vst v63  }
0x2ce: {  	s20 =	sadd.s32 $0xFFFFEE00, s5;
	s15 =	sadd.s32 $0x80, s8;
	s10 =	sadd.s32 $0xFFFFEC00, s5  }
0x2cf: {  	[hbm4b:s15+s4] =	stream.linear.scatter [tilespmem:s10], [sflag:$0x9], $0x80, $0x38;
	[tilespmem:$0x1E000] =	vst v63  }
0x2d0: {  	s10 =	sadd.s32 $0x100, s8  }
0x2d1: {  	[hbm4b:s10+s4] =	stream.linear.scatter [tilespmem:s20], [sflag:$0x9], $0x80, $0x38;
	[tilespmem:$0x1E000] =	vst v63  }
0x2d2: {  	s15 =	sadd.s32 $0x180, s8;
	s10 =	sadd.s32 $0xFFFFF000, s5  }
0x2d3: {  	[hbm4b:s15+s4] =	stream.linear.scatter [tilespmem:s10], [sflag:$0x9], $0x80, $0x38;
	[tilespmem:$0x1E000] =	vst v63  }
0x2d4: {  	s10 =	sadd.s32 $0xFFFFF200, s5;
	s15 =	sadd.s32 $0x200, s8  }
0x2d5: {  	[hbm4b:s15+s4] =	stream.linear.scatter [tilespmem:s10], [sflag:$0x9], $0x80, $0x38;
	[tilespmem:$0x1E000] =	vst v63  }
0x2d6: {  	s8 =	sadd.s32 $0x280, s8;
	s10 =	sadd.s32 $0xFFFFF400, s5  }
0x2d7: {  	[hbm4b:s8+s4] =	stream.linear.scatter [tilespmem:s10], [sflag:$0x9], $0x80, $0x38;
	[tilespmem:$0x1E000] =	vst v63  }
.Ltmp13:
0x2d8: {  	_ = 	snop;
	(pc) =	sbr.rel @p1 .LBB2_29-.Ltmp13, $4  }
0x2d9: {  	s5 =	sadd.s32 $0x1800, s5;
	s8 =	sadd.s32 s3, s16;
	s10 =	sadd.s32 $0xFFFFF600, s29  }
0x2da: {  	[hbm4b:s8+s4] =	stream.linear.scatter [tilespmem:s10], [sflag:$0x9], $0x80, $0x38;
	[tilespmem:$0x1E000] =	vst v63  }
0x2db: {  	s15 =	sadd.s32 $0xFFFFF800, s29;
	s16 =	sadd.s32 $0x80, s8;
	s10 =	sadd.s32 $0x100, s8  }
0x2dc: {  	[hbm4b:s16+s4] =	stream.linear.scatter [tilespmem:s15], [sflag:$0x9], $0x80, $0x38;
	[tilespmem:$0x1E000] =	vst v63  }
0x2dd: {  	[hbm4b:s10+s4] =	stream.linear.scatter [tilespmem:s9], [sflag:$0x9], $0x80, $0x38;
	[tilespmem:$0x1E000] =	vst v63  }
0x2de: {  	s0 =	sadd.s32 $0xFFFFFC00, s29;
	s5 =	sadd.s32 $0x180, s8;
	s15 =	sadd.s32 $0x0, s23  }
0x2df: {  	[hbm4b:s5+s4] =	stream.linear.scatter [tilespmem:s0], [sflag:$0x9], $0x80, $0x38;
	[tilespmem:$0x1E000] =	vst v63  }
0x2e0: {  	s0 =	sshrl.u32 s15, $0x3  }
0x2e1: {  	s9 =	sadd.s32 $0xFFFFFE00, s29;
	s10 =	sadd.s32 $0x200, s8;
	s0 =	smul.u32 $0x1800, s0  }
0x2e2: {  	[hbm4b:s10+s4] =	stream.linear.scatter [tilespmem:s9], [sflag:$0x9], $0x80, $0x38;
	[tilespmem:$0x1E000] =	vst v63  }
0x2e3: {  	s16 =	sadd.s32 $0x280, s8;
	s0 =	sadd.s32 $0xC00000, s0  }
0x2e4: {  	[hbm4b:s16+s4] =	stream.linear.scatter [tilespmem:s29], [sflag:$0x9], $0x80, $0x38;
	[tilespmem:$0x1E000] =	vst v63  }
0x2e5: {  	s7 =	simm.s32 $0x100;
	s17 =	sor.u32 s30, s0  }
0x2e6: {  	s20 =	simm.s32 $0x300;
	s15 =	simm.s32 $0x700;
	s5 =	sshrl.u32 s17, $0x3  }
0x2e7: {  	s9 =	simm.s32 $0x500;
	s29 =	simm.s32 $0x1700;
	s5 =	sadd.s32 s1, s5  }
0x2e8: {  	[tilespmem:s7], [sflag:$0x3] =	stream.linear.gather [hbm4b:s5+s4], $0x80, $0x38;
	[tilespmem:$0x1E000] =	vst v63  }
0x2e9: {  	s0 =	sor.u32 s31, s0;
	s31 =	simm.s32 $0xB00;
	s18 =	sadd.s32 $0x80, s5  }
0x2ea: {  	[tilespmem:s20], [sflag:$0x3] =	stream.linear.gather [hbm4b:s18+s4], $0x80, $0x38;
	[tilespmem:$0x1E000] =	vst v63  }
0x2eb: {  	s17 =	simm.s32 $0x900;
	s8 =	sadd.s32 $0x100, s5;
	s10 =	sadd.s32 $0x180, s5  }
0x2ec: {  	[tilespmem:s9], [sflag:$0x3] =	stream.linear.gather [hbm4b:s8+s4], $0x80, $0x38;
	[tilespmem:$0x1E000] =	vst v63  }
0x2ed: {  	s16 =	sadd.s32 $0x200, s5;
	s7 =	simm.s32 $0x1500;
	s18 =	sshrl.u32 s0, $0x3  }
0x2ee: {  	[tilespmem:s15], [sflag:$0x3] =	stream.linear.gather [hbm4b:s10+s4], $0x80, $0x38;
	[tilespmem:$0x1E000] =	vst v63  }
0x2ef: {  	s20 =	sadd.s32 $0x280, s5;
	s0 =	simm.s32 $0x0;
	s5 =	simm.s32 $0x2F00  }
0x2f0: {  	[tilespmem:s17], [sflag:$0x3] =	stream.linear.gather [hbm4b:s16+s4], $0x80, $0x38;
	[tilespmem:$0x1E000] =	vst v63  }
0x2f1: {  	s30 =	sadd.s32 s1, s18;
	s9 =	simm.s32 $0xD00;
	s8 =	simm.s32 $0x1300  }
0x2f2: {  	[tilespmem:s31], [sflag:$0x3] =	stream.linear.gather [hbm4b:s20+s4], $0x80, $0x38;
	[tilespmem:$0x1E000] =	vst v63  }
.LBB2_31:
0x2f3: {  	s0 =	sadd.s32 $0x2, s0;
	s10 =	sadd.s32 $0xFFFFF600, s5;
	s28 =	sadd.s32 $0x100, s28  }
0x2f4: {  	[tilespmem:s9], [sflag:$0x3] =	stream.linear.gather [hbm4b:s30+s4], $0x80, $0x38;
	[tilespmem:$0x1E000] =	vst v63  }
0x2f5: {  	s15 =	sadd.s32 $0x80, s30;
	s16 =	sadd.s32 $0xFFFFF800, s29;
	s9 =	sadd.s32 s23, s0  }
0x2f6: {  	[tilespmem:s16], [sflag:$0x3] =	stream.linear.gather [hbm4b:s15+s4], $0x80, $0x38;
	[tilespmem:$0x1E000] =	vst v63  }
0x2f7: {  	s9 =	sshrl.u32 s9, $0x3;
	s15 =	sadd.s32 $0xFFFFFA00, s29;
	s16 =	sadd.s32 $0x180, s30  }
0x2f8: {  	s31 =	sadd.s32 $0x100, s30;
	s20 =	sadd.s32 $0xFFFFFF80, s28;
	s9 =	smul.u32 $0x1800, s9  }
0x2f9: {  	[tilespmem:s15], [sflag:$0x3] =	stream.linear.gather [hbm4b:s31+s4], $0x80, $0x38;
	[tilespmem:$0x1E000] =	vst v63  }
0x2fa: {  	s9 =	sadd.s32 $0xC00000, s9;
	s15 =	sand.u32 $0x300, s20;
	s20 =	sand.u32 $0x380, s28  }
0x2fb: {  	s15 =	sor.u32 s15, s9;
	s9 =	sor.u32 s20, s9;
	s20 =	sadd.s32 $0x280, s30  }
0x2fc: {  	[tilespmem:s8], [sflag:$0x3] =	stream.linear.gather [hbm4b:s16+s4], $0x80, $0x38;
	[tilespmem:$0x1E000] =	vst v63  }
0x2fd: {  	s9 =	sshrl.u32 s9, $0x3;
	s8 =	sshrl.u32 s15, $0x3;
	s15 =	sadd.s32 $0x200, s30  }
0x2fe: {  	[tilespmem:s7], [sflag:$0x3] =	stream.linear.gather [hbm4b:s15+s4], $0x80, $0x38;
	[tilespmem:$0x1E000] =	vst v63  }
0x2ff: {  	p1 =	slt.u32 s0, $0xE;
	s30 =	sadd.s32 s1, s9;
	s9 =	smov.u32 s10  }
0x300: {  	[tilespmem:s29], [sflag:$0x3] =	stream.linear.gather [hbm4b:s20+s4], $0x80, $0x38;
	[tilespmem:$0x1E000] =	vst v63  }
0x301: {  	s10 =	sadd.s32 s1, s8;
	s7 =	sadd.s32 $0xFFFFEA00, s5;
	s29 =	smov.u32 s5  }
0x302: {  	[tilespmem:s7], [sflag:$0x3] =	stream.linear.gather [hbm4b:s10+s4], $0x80, $0x38;
	[tilespmem:$0x1E000] =	vst v63  }
0x303: {  	s8 =	sadd.s32 $0xFFFFEC00, s5;
	s7 =	sadd.s32 $0x80, s10  }
0x304: {  	[tilespmem:s8], [sflag:$0x3] =	stream.linear.gather [hbm4b:s7+s4], $0x80, $0x38;
	[tilespmem:$0x1E000] =	vst v63  }
0x305: {  	s7 =	sadd.s32 $0x100, s10;
	s8 =	sadd.s32 $0xFFFFEE00, s5  }
0x306: {  	[tilespmem:s8], [sflag:$0x3] =	stream.linear.gather [hbm4b:s7+s4], $0x80, $0x38;
	[tilespmem:$0x1E000] =	vst v63  }
0x307: {  	s15 =	sadd.s32 $0xFFFFF000, s5;
	s8 =	sadd.s32 $0x180, s10;
	s7 =	sadd.s32 $0xFFFFFE00, s5  }
0x308: {  	[tilespmem:s15], [sflag:$0x3] =	stream.linear.gather [hbm4b:s8+s4], $0x80, $0x38;
	[tilespmem:$0x1E000] =	vst v63  }
.Ltmp14:
0x309: {  	_ = 	snop;
	(pc) =	sbr.rel @p1 .LBB2_31-.Ltmp14, $4  }
0x30a: {  	s16 =	sadd.s32 $0xFFFFF200, s5;
	s15 =	sadd.s32 $0x200, s10;
	s8 =	sadd.s32 $0xFFFFFC00, s5  }
0x30b: {  	[tilespmem:s16], [sflag:$0x3] =	stream.linear.gather [hbm4b:s15+s4], $0x80, $0x38;
	[tilespmem:$0x1E000] =	vst v63  }
0x30c: {  	s10 =	sadd.s32 $0x280, s10;
	s5 =	sadd.s32 $0x1800, s5;
	s15 =	sadd.s32 $0xFFFFF400, s29  }
0x30d: {  	[tilespmem:s15], [sflag:$0x3] =	stream.linear.gather [hbm4b:s10+s4], $0x80, $0x38;
	[tilespmem:$0x1E000] =	vst v63  }
0x30e: {  	[tilespmem:s9], [sflag:$0x3] =	stream.linear.gather [hbm4b:s30+s4], $0x80, $0x38;
	[tilespmem:$0x1E000] =	vst v63  }
0x30f: {  	s0 =	sadd.s32 $0x80, s30;
	s5 =	sadd.s32 $0xFFFFF800, s29  }
0x310: {  	[tilespmem:s5], [sflag:$0x3] =	stream.linear.gather [hbm4b:s0+s4], $0x80, $0x38;
	[tilespmem:$0x1E000] =	vst v63  }
0x311: {  	s17 =	sadd.s32 $0xFFFFFA00, s29;
	s18 =	sadd.s32 $0x100, s30  }
0x312: {  	[tilespmem:s17], [sflag:$0x3] =	stream.linear.gather [hbm4b:s18+s4], $0x80, $0x38;
	[tilespmem:$0x1E000] =	vst v63  }
0x313: {  	s20 =	sadd.s32 $0x180, s30  }
0x314: {  	[tilespmem:s8], [sflag:$0x3] =	stream.linear.gather [hbm4b:s20+s4], $0x80, $0x38;
	[tilespmem:$0x1E000] =	vst v63  }
0x315: {  	s28 =	sadd.s32 $0x200, s30  }
0x316: {  	[tilespmem:s7], [sflag:$0x3] =	stream.linear.gather [hbm4b:s28+s4], $0x80, $0x38;
	[tilespmem:$0x1E000] =	vst v63  }
0x317: {  	s30 =	sadd.s32 $0x280, s30  }
0x318: {  	[tilespmem:s29], [sflag:$0x3] =	stream.linear.gather [hbm4b:s30+s4], $0x80, $0x38;
	[tilespmem:$0x1E000] =	vst v63  }
0x319: {  	_ =	swait.ge [sflag:s14], $0x3000  }
0x31a: {  	[sflag:s14] =	ssyncset.done $0x0  }
0x31b: {  	s0 =	simm.s32 @!p0 $0xA;
	[sflag:s14] =	ssyncadd.s32 $0xFFFFD000  }
0x31c: {  	_ =	swait.ge @!p0 [sflag:s0], $0x3000  }
0x31d: {  	[sflag:s0] =	ssyncset.done @!p0 $0x0  }
0x31e: {  	s31 =	simm.s32 $0x1F0;
	[sflag:s0] =	ssyncadd.s32 @!p0 $0xFFFFD000  }
0x31f: {  	s5 =	simm.s32 $0xC040;
	v1 =	vld [tilespmem:s31+$0x0]  }
0x320: {  	v2 =	vld [tilespmem:s5+$0x30]  }
0x321: {  	v0 =	vld [tilespmem:s5+$0xFFFFFFC0]  }
0x322: {  	v3 =	vld [tilespmem:s31+$0xFFFFFFA0]  }
0x323: {  	v4 =	vld [tilespmem:s5+$0xFFFFFFD0]  }
0x324: {  	v5 =	vld [tilespmem:s31+$0xFFFFFFB0]  }
0x325: {  	v6 =	vld [tilespmem:s5+$0xFFFFFFE0]  }
0x326: {  	v7 =	vld [tilespmem:s31+$0xFFFFFFC0]  }
0x327: {  	v8 =	vld [tilespmem:s5+$0xFFFFFFF0]  }
0x328: {  	v9 =	vld [tilespmem:s31+$0xFFFFFFD0]  }
0x329: {  	v10 =	vld [tilespmem:s5+$0x0];
	v2 =	vadd.f32 v2, v1  }
0x32a: {  	s0 =	simm.s32 $0x121F0;
	v3 =	vadd.f32 v4, v3;
	v1 =	vld [tilespmem:s31+$0xFFFFFFE0]  }
0x32b: {  	v5 =	vadd.f32 v6, v5;
	v4 =	vld [tilespmem:s5+$0x10];
	[tilespmem:s0+$0x0] =	vst v2  }
0x32c: {  	v6 =	vadd.f32 v8, v7;
	[tilespmem:s0+$0xFFFFFFA0] =	vst v3;
	v2 =	vld [tilespmem:s31+$0xFFFFFFF0]  }
0x32d: {  	[tilespmem:s0+$0xFFFFFFB0] =	vst v5;
	v5 =	vld [tilespmem:s5+$0x20]  }
0x32e: {  	s8 =	simm.s32 $0x3F0;
	s7 =	simm.s32 $0x0;
	s29 =	simm.s32 $0x13780;
	v3 =	vld [tilespmem:s31+$0xFFFFFF90];
	[tilespmem:s0+$0xFFFFFFC0] =	vst v6;
	v6 =	vadd.f32 v10, v9  }
.LBB2_33:
0x32f: {  	v7 =	vld [tilespmem:s8+$0x0];
	s5 =	sadd.s32 $0x100, s5  }
0x330: {  	s7 =	sadd.s32 $0x80, s7;
	v8 =	vld [tilespmem:s5+$0x30];
	[tilespmem:s0+$0xFFFFFFD0] =	vst v6;
	v1 =	vadd.f32 v4, v1  }
0x331: {  	p0 =	slt.u32 s7, $0x2F80;
	v4 =	vld [tilespmem:s5+$0xFFFFFFC0]  }
0x332: {  	v6 =	vld [tilespmem:s8+$0xFFFFFFA0];
	[tilespmem:s0+$0xFFFFFFE0] =	vst v1;
	v1 =	vadd.f32 v5, v2  }
0x333: {  	v2 =	vld [tilespmem:s5+$0xFFFFFFD0];
	v9 =	vadd.f32 v0, v3  }
0x334: {  	v3 =	vld [tilespmem:s8+$0xFFFFFFB0];
	[tilespmem:s0+$0xFFFFFFF0] =	vst v1  }
0x335: {  	v1 =	vld [tilespmem:s5+$0xFFFFFFE0];
	v5 =	vadd.f32 v8, v7;
	[tilespmem:s0+$0xFFFFFF90] =	vst v9  }
0x336: {  	s0 =	sadd.s32 $0x200, s0;
	v7 =	vld [tilespmem:s8+$0xFFFFFFC0];
	v0 =	vmov v4  }
0x337: {  	s28 =	simm.s32 $0x80;
	v8 =	vld [tilespmem:s5+$0xFFFFFFF0];
	[tilespmem:s0+$0x0] =	vst v5  }
0x338: {  	v2 =	vadd.f32 v2, v6;
	v6 =	vld [tilespmem:s8+$0xFFFFFFD0]  }
0x339: {  	v9 =	vld [tilespmem:s5+$0x0]  }
.Ltmp15:
0x33a: {  	[tilespmem:s0+$0xFFFFFFA0] =	vst v2;
	v2 =	vadd.f32 v1, v3;
	v1 =	vld [tilespmem:s8+$0xFFFFFFE0];
	(pc) =	sbr.rel @p0 .LBB2_33-.Ltmp15, $4  }
0x33b: {  	v4 =	vld [tilespmem:s5+$0x10]  }
0x33c: {  	[tilespmem:s0+$0xFFFFFFB0] =	vst v2;
	v7 =	vadd.f32 v8, v7;
	v2 =	vld [tilespmem:s8+$0xFFFFFFF0]  }
0x33d: {  	v5 =	vld [tilespmem:s5+$0x20]  }
0x33e: {  	v3 =	vld [tilespmem:s8+$0xFFFFFF90];
	[tilespmem:s0+$0xFFFFFFC0] =	vst v7;
	v6 =	vadd.f32 v9, v6;
	s8 =	sadd.s32 $0x200, s8  }
0x33f: {  	s5 =	sadd.s32 $0x0, s24  }
0x340: {  	s5 =	sshrl.u32 s5, $0x3  }
0x341: {  	s5 =	smul.u32 $0x1800, s5  }
0x342: {  	s7 =	simm.s32 $0x0;
	v1 =	vadd.f32 v4, v1  }
0x343: {  	[tilespmem:s0+$0xFFFFFFD0] =	vst v6;
	s30 =	sand.u32 $0x300, s7;
	v2 =	vadd.f32 v5, v2;
	s5 =	sadd.s32 $0x1200000, s5  }
0x344: {  	[tilespmem:s0+$0xFFFFFFE0] =	vst v1;
	v0 =	vadd.f32 v0, v3;
	s7 =	sor.u32 s30, s5  }
0x345: {  	[tilespmem:s0+$0xFFFFFFF0] =	vst v2;
	s7 =	sshrl.u32 s7, $0x3  }
0x346: {  	s16 =	simm.s32 $0x12180;
	[tilespmem:s0+$0xFFFFFF90] =	vst v0;
	s0 =	sadd.s32 s3, s7  }
0x347: {  	[hbm4b:s0+s4] =	stream.linear.scatter [tilespmem:s16], [sflag:$0xA], $0x80, $0x38;
	[tilespmem:$0x1E000] =	vst v63  }
0x348: {  	s17 =	simm.s32 $0x12380;
	s8 =	sadd.s32 $0x80, s0  }
0x349: {  	[hbm4b:s8+s4] =	stream.linear.scatter [tilespmem:s17], [sflag:$0xA], $0x80, $0x38;
	[tilespmem:$0x1E000] =	vst v63  }
0x34a: {  	s18 =	simm.s32 $0x12580;
	s20 =	sadd.s32 $0x100, s0  }
0x34b: {  	[hbm4b:s20+s4] =	stream.linear.scatter [tilespmem:s18], [sflag:$0xA], $0x80, $0x38;
	[tilespmem:$0x1E000] =	vst v63  }
0x34c: {  	s31 =	sand.u32 $0x380, s28;
	s9 =	simm.s32 $0x12780;
	s10 =	sadd.s32 $0x180, s0  }
0x34d: {  	[hbm4b:s10+s4] =	stream.linear.scatter [tilespmem:s9], [sflag:$0xA], $0x80, $0x38;
	[tilespmem:$0x1E000] =	vst v63  }
0x34e: {  	s15 =	simm.s32 $0x12980;
	s5 =	sor.u32 s31, s5;
	s16 =	sadd.s32 $0x200, s0  }
0x34f: {  	[hbm4b:s16+s4] =	stream.linear.scatter [tilespmem:s15], [sflag:$0xA], $0x80, $0x38;
	[tilespmem:$0x1E000] =	vst v63  }
0x350: {  	s5 =	sshrl.u32 s5, $0x3;
	s0 =	sadd.s32 $0x280, s0;
	s17 =	simm.s32 $0x12B80  }
0x351: {  	[hbm4b:s0+s4] =	stream.linear.scatter [tilespmem:s17], [sflag:$0xA], $0x80, $0x38;
	[tilespmem:$0x1E000] =	vst v63  }
0x352: {  	s7 =	simm.s32 $0x80;
	s8 =	sadd.s32 s3, s5;
	s18 =	simm.s32 $0x12D80  }
0x353: {  	[hbm4b:s8+s4] =	stream.linear.scatter [tilespmem:s18], [sflag:$0xA], $0x80, $0x38;
	[tilespmem:$0x1E000] =	vst v63  }
0x354: {  	s5 =	sadd.s32 $0x80, s8;
	s20 =	simm.s32 $0x12F80;
	s9 =	simm.s32 $0x13180  }
0x355: {  	[hbm4b:s5+s4] =	stream.linear.scatter [tilespmem:s20], [sflag:$0xA], $0x80, $0x38;
	[tilespmem:$0x1E000] =	vst v63  }
0x356: {  	s10 =	sadd.s32 $0x100, s8;
	s0 =	simm.s32 $0x0;
	s5 =	simm.s32 $0x14F80  }
.LBB2_35:
0x357: {  	s0 =	sadd.s32 $0x2, s0;
	s15 =	sadd.s32 $0xFFFFFA00, s5;
	s7 =	sadd.s32 $0x100, s7  }
0x358: {  	[hbm4b:s10+s4] =	stream.linear.scatter [tilespmem:s9], [sflag:$0xA], $0x80, $0x38;
	[tilespmem:$0x1E000] =	vst v63  }
0x359: {  	s16 =	sadd.s32 $0x180, s8;
	s9 =	sadd.s32 s24, s0;
	s10 =	sadd.s32 $0xFFFFFC00, s29  }
0x35a: {  	[hbm4b:s16+s4] =	stream.linear.scatter [tilespmem:s10], [sflag:$0xA], $0x80, $0x38;
	[tilespmem:$0x1E000] =	vst v63  }
0x35b: {  	p0 =	slt.u32 s0, $0xE;
	s9 =	sshrl.u32 s9, $0x3;
	s10 =	sadd.s32 $0xFFFFFF80, s7  }
0x35c: {  	s20 =	sadd.s32 $0x200, s8;
	s9 =	smul.u32 $0x1800, s9;
	s16 =	sadd.s32 $0xFFFFFE00, s29  }
0x35d: {  	[hbm4b:s20+s4] =	stream.linear.scatter [tilespmem:s16], [sflag:$0xA], $0x80, $0x38;
	[tilespmem:$0x1E000] =	vst v63  }
0x35e: {  	s10 =	sand.u32 $0x300, s10;
	s9 =	sadd.s32 $0x1200000, s9;
	s16 =	sand.u32 $0x380, s7  }
0x35f: {  	s8 =	sadd.s32 $0x280, s8;
	s10 =	sor.u32 s10, s9;
	s9 =	sor.u32 s16, s9  }
0x360: {  	s10 =	sshrl.u32 s10, $0x3;
	s16 =	sshrl.u32 s9, $0x3;
	s9 =	smov.u32 s15  }
0x361: {  	[hbm4b:s8+s4] =	stream.linear.scatter [tilespmem:s29], [sflag:$0xA], $0x80, $0x38;
	[tilespmem:$0x1E000] =	vst v63  }
0x362: {  	s8 =	sadd.s32 s3, s10;
	s10 =	sadd.s32 $0xFFFFEA00, s5;
	s29 =	smov.u32 s5  }
0x363: {  	[hbm4b:s8+s4] =	stream.linear.scatter [tilespmem:s10], [sflag:$0xA], $0x80, $0x38;
	[tilespmem:$0x1E000] =	vst v63  }
0x364: {  	s20 =	sadd.s32 $0xFFFFEE00, s5;
	s15 =	sadd.s32 $0x80, s8;
	s10 =	sadd.s32 $0xFFFFEC00, s5  }
0x365: {  	[hbm4b:s15+s4] =	stream.linear.scatter [tilespmem:s10], [sflag:$0xA], $0x80, $0x38;
	[tilespmem:$0x1E000] =	vst v63  }
0x366: {  	s10 =	sadd.s32 $0x100, s8  }
0x367: {  	[hbm4b:s10+s4] =	stream.linear.scatter [tilespmem:s20], [sflag:$0xA], $0x80, $0x38;
	[tilespmem:$0x1E000] =	vst v63  }
0x368: {  	s15 =	sadd.s32 $0x180, s8;
	s10 =	sadd.s32 $0xFFFFF000, s5  }
0x369: {  	[hbm4b:s15+s4] =	stream.linear.scatter [tilespmem:s10], [sflag:$0xA], $0x80, $0x38;
	[tilespmem:$0x1E000] =	vst v63  }
0x36a: {  	s10 =	sadd.s32 $0xFFFFF200, s5;
	s15 =	sadd.s32 $0x200, s8  }
0x36b: {  	[hbm4b:s15+s4] =	stream.linear.scatter [tilespmem:s10], [sflag:$0xA], $0x80, $0x38;
	[tilespmem:$0x1E000] =	vst v63  }
0x36c: {  	s8 =	sadd.s32 $0x280, s8;
	s10 =	sadd.s32 $0xFFFFF400, s5  }
0x36d: {  	[hbm4b:s8+s4] =	stream.linear.scatter [tilespmem:s10], [sflag:$0xA], $0x80, $0x38;
	[tilespmem:$0x1E000] =	vst v63  }
.Ltmp16:
0x36e: {  	_ = 	snop;
	(pc) =	sbr.rel @p0 .LBB2_35-.Ltmp16, $4  }
0x36f: {  	s5 =	sadd.s32 $0x1800, s5;
	s8 =	sadd.s32 s3, s16;
	s10 =	sadd.s32 $0xFFFFF600, s29  }
0x370: {  	[hbm4b:s8+s4] =	stream.linear.scatter [tilespmem:s10], [sflag:$0xA], $0x80, $0x38;
	[tilespmem:$0x1E000] =	vst v63  }
0x371: {  	s15 =	sadd.s32 $0xFFFFF800, s29;
	s16 =	sadd.s32 $0x80, s8;
	s10 =	sadd.s32 $0x100, s8  }
0x372: {  	[hbm4b:s16+s4] =	stream.linear.scatter [tilespmem:s15], [sflag:$0xA], $0x80, $0x38;
	[tilespmem:$0x1E000] =	vst v63  }
0x373: {  	[hbm4b:s10+s4] =	stream.linear.scatter [tilespmem:s9], [sflag:$0xA], $0x80, $0x38;
	[tilespmem:$0x1E000] =	vst v63  }
0x374: {  	s0 =	sadd.s32 $0xFFFFFC00, s29;
	s5 =	sadd.s32 $0x180, s8;
	s15 =	sadd.s32 $0x0, s23  }
0x375: {  	[hbm4b:s5+s4] =	stream.linear.scatter [tilespmem:s0], [sflag:$0xA], $0x80, $0x38;
	[tilespmem:$0x1E000] =	vst v63  }
0x376: {  	s0 =	sshrl.u32 s15, $0x3  }
0x377: {  	s9 =	sadd.s32 $0xFFFFFE00, s29;
	s10 =	sadd.s32 $0x200, s8;
	s0 =	smul.u32 $0x1800, s0  }
0x378: {  	[hbm4b:s10+s4] =	stream.linear.scatter [tilespmem:s9], [sflag:$0xA], $0x80, $0x38;
	[tilespmem:$0x1E000] =	vst v63  }
0x379: {  	s16 =	sadd.s32 $0x280, s8;
	s0 =	sadd.s32 $0x1200000, s0  }
0x37a: {  	[hbm4b:s16+s4] =	stream.linear.scatter [tilespmem:s29], [sflag:$0xA], $0x80, $0x38;
	[tilespmem:$0x1E000] =	vst v63  }
0x37b: {  	s7 =	simm.s32 $0x180;
	s17 =	sor.u32 s30, s0  }
0x37c: {  	s20 =	simm.s32 $0x380;
	s15 =	simm.s32 $0x780;
	s5 =	sshrl.u32 s17, $0x3  }
0x37d: {  	s9 =	simm.s32 $0x580;
	s29 =	simm.s32 $0x1780;
	s5 =	sadd.s32 s1, s5  }
0x37e: {  	[tilespmem:s7], [sflag:$0x4] =	stream.linear.gather [hbm4b:s5+s4], $0x80, $0x38;
	[tilespmem:$0x1E000] =	vst v63  }
0x37f: {  	s0 =	sor.u32 s31, s0;
	s31 =	simm.s32 $0xB80;
	s18 =	sadd.s32 $0x80, s5  }
0x380: {  	[tilespmem:s20], [sflag:$0x4] =	stream.linear.gather [hbm4b:s18+s4], $0x80, $0x38;
	[tilespmem:$0x1E000] =	vst v63  }
0x381: {  	s17 =	simm.s32 $0x980;
	s8 =	sadd.s32 $0x100, s5;
	s10 =	sadd.s32 $0x180, s5  }
0x382: {  	[tilespmem:s9], [sflag:$0x4] =	stream.linear.gather [hbm4b:s8+s4], $0x80, $0x38;
	[tilespmem:$0x1E000] =	vst v63  }
0x383: {  	s16 =	sadd.s32 $0x200, s5;
	s7 =	simm.s32 $0x1580;
	s18 =	sshrl.u32 s0, $0x3  }
0x384: {  	[tilespmem:s15], [sflag:$0x4] =	stream.linear.gather [hbm4b:s10+s4], $0x80, $0x38;
	[tilespmem:$0x1E000] =	vst v63  }
0x385: {  	s20 =	sadd.s32 $0x280, s5;
	s0 =	simm.s32 $0x0;
	s5 =	simm.s32 $0x2F80  }
0x386: {  	[tilespmem:s17], [sflag:$0x4] =	stream.linear.gather [hbm4b:s16+s4], $0x80, $0x38;
	[tilespmem:$0x1E000] =	vst v63  }
0x387: {  	s30 =	sadd.s32 s1, s18;
	s9 =	simm.s32 $0xD80;
	s8 =	simm.s32 $0x1380  }
0x388: {  	[tilespmem:s31], [sflag:$0x4] =	stream.linear.gather [hbm4b:s20+s4], $0x80, $0x38;
	[tilespmem:$0x1E000] =	vst v63  }
.LBB2_37:
0x389: {  	s0 =	sadd.s32 $0x2, s0;
	s10 =	sadd.s32 $0xFFFFF600, s5;
	s28 =	sadd.s32 $0x100, s28  }
0x38a: {  	[tilespmem:s9], [sflag:$0x4] =	stream.linear.gather [hbm4b:s30+s4], $0x80, $0x38;
	[tilespmem:$0x1E000] =	vst v63  }
0x38b: {  	s15 =	sadd.s32 $0x80, s30;
	s16 =	sadd.s32 $0xFFFFF800, s29;
	s9 =	sadd.s32 s23, s0  }
0x38c: {  	[tilespmem:s16], [sflag:$0x4] =	stream.linear.gather [hbm4b:s15+s4], $0x80, $0x38;
	[tilespmem:$0x1E000] =	vst v63  }
0x38d: {  	s9 =	sshrl.u32 s9, $0x3;
	s15 =	sadd.s32 $0xFFFFFA00, s29;
	s16 =	sadd.s32 $0x180, s30  }
0x38e: {  	s31 =	sadd.s32 $0x100, s30;
	s20 =	sadd.s32 $0xFFFFFF80, s28;
	s9 =	smul.u32 $0x1800, s9  }
0x38f: {  	[tilespmem:s15], [sflag:$0x4] =	stream.linear.gather [hbm4b:s31+s4], $0x80, $0x38;
	[tilespmem:$0x1E000] =	vst v63  }
0x390: {  	s9 =	sadd.s32 $0x1200000, s9;
	s15 =	sand.u32 $0x300, s20;
	s20 =	sand.u32 $0x380, s28  }
0x391: {  	s15 =	sor.u32 s15, s9;
	s9 =	sor.u32 s20, s9;
	s20 =	sadd.s32 $0x280, s30  }
0x392: {  	[tilespmem:s8], [sflag:$0x4] =	stream.linear.gather [hbm4b:s16+s4], $0x80, $0x38;
	[tilespmem:$0x1E000] =	vst v63  }
0x393: {  	s9 =	sshrl.u32 s9, $0x3;
	s8 =	sshrl.u32 s15, $0x3;
	s15 =	sadd.s32 $0x200, s30  }
0x394: {  	[tilespmem:s7], [sflag:$0x4] =	stream.linear.gather [hbm4b:s15+s4], $0x80, $0x38;
	[tilespmem:$0x1E000] =	vst v63  }
0x395: {  	p0 =	slt.u32 s0, $0xE;
	s30 =	sadd.s32 s1, s9;
	s9 =	smov.u32 s10  }
0x396: {  	[tilespmem:s29], [sflag:$0x4] =	stream.linear.gather [hbm4b:s20+s4], $0x80, $0x38;
	[tilespmem:$0x1E000] =	vst v63  }
0x397: {  	s10 =	sadd.s32 s1, s8;
	s7 =	sadd.s32 $0xFFFFEA00, s5;
	s29 =	smov.u32 s5  }
0x398: {  	[tilespmem:s7], [sflag:$0x4] =	stream.linear.gather [hbm4b:s10+s4], $0x80, $0x38;
	[tilespmem:$0x1E000] =	vst v63  }
0x399: {  	s8 =	sadd.s32 $0xFFFFEC00, s5;
	s7 =	sadd.s32 $0x80, s10  }
0x39a: {  	[tilespmem:s8], [sflag:$0x4] =	stream.linear.gather [hbm4b:s7+s4], $0x80, $0x38;
	[tilespmem:$0x1E000] =	vst v63  }
0x39b: {  	s7 =	sadd.s32 $0x100, s10;
	s8 =	sadd.s32 $0xFFFFEE00, s5  }
0x39c: {  	[tilespmem:s8], [sflag:$0x4] =	stream.linear.gather [hbm4b:s7+s4], $0x80, $0x38;
	[tilespmem:$0x1E000] =	vst v63  }
0x39d: {  	s15 =	sadd.s32 $0xFFFFF000, s5;
	s8 =	sadd.s32 $0x180, s10;
	s7 =	sadd.s32 $0xFFFFFE00, s5  }
0x39e: {  	[tilespmem:s15], [sflag:$0x4] =	stream.linear.gather [hbm4b:s8+s4], $0x80, $0x38;
	[tilespmem:$0x1E000] =	vst v63  }
.Ltmp17:
0x39f: {  	_ = 	snop;
	(pc) =	sbr.rel @p0 .LBB2_37-.Ltmp17, $4  }
0x3a0: {  	s16 =	sadd.s32 $0xFFFFF200, s5;
	s15 =	sadd.s32 $0x200, s10;
	s8 =	sadd.s32 $0xFFFFFC00, s5  }
0x3a1: {  	[tilespmem:s16], [sflag:$0x4] =	stream.linear.gather [hbm4b:s15+s4], $0x80, $0x38;
	[tilespmem:$0x1E000] =	vst v63  }
0x3a2: {  	s10 =	sadd.s32 $0x280, s10;
	s5 =	sadd.s32 $0x1800, s5;
	s15 =	sadd.s32 $0xFFFFF400, s29  }
0x3a3: {  	[tilespmem:s15], [sflag:$0x4] =	stream.linear.gather [hbm4b:s10+s4], $0x80, $0x38;
	[tilespmem:$0x1E000] =	vst v63  }
0x3a4: {  	[tilespmem:s9], [sflag:$0x4] =	stream.linear.gather [hbm4b:s30+s4], $0x80, $0x38;
	[tilespmem:$0x1E000] =	vst v63  }
0x3a5: {  	s0 =	sadd.s32 $0x80, s30;
	s5 =	sadd.s32 $0xFFFFF800, s29  }
0x3a6: {  	[tilespmem:s5], [sflag:$0x4] =	stream.linear.gather [hbm4b:s0+s4], $0x80, $0x38;
	[tilespmem:$0x1E000] =	vst v63  }
0x3a7: {  	s17 =	sadd.s32 $0xFFFFFA00, s29;
	s18 =	sadd.s32 $0x100, s30  }
0x3a8: {  	[tilespmem:s17], [sflag:$0x4] =	stream.linear.gather [hbm4b:s18+s4], $0x80, $0x38;
	[tilespmem:$0x1E000] =	vst v63  }
0x3a9: {  	s20 =	sadd.s32 $0x180, s30  }
0x3aa: {  	[tilespmem:s8], [sflag:$0x4] =	stream.linear.gather [hbm4b:s20+s4], $0x80, $0x38;
	[tilespmem:$0x1E000] =	vst v63  }
0x3ab: {  	s28 =	sadd.s32 $0x200, s30;
	p0 =	sgt.u32 s26, $0x3B  }
0x3ac: {  	[tilespmem:s7], [sflag:$0x4] =	stream.linear.gather [hbm4b:s28+s4], $0x80, $0x38;
	[tilespmem:$0x1E000] =	vst v63  }
.Ltmp18:
0x3ad: {  	s30 =	sadd.s32 $0x280, s30;
	s31 =	simm.s32 $0x6;
	(pc) =	sbr.rel @p0 .LBB2_42-.Ltmp18, $4  }
0x3ae: {  	[tilespmem:s29], [sflag:$0x4] =	stream.linear.gather [hbm4b:s30+s4], $0x80, $0x38;
	[tilespmem:$0x1E000] =	vst v63  }
0x3af: {  	_ =	swait.ge [sflag:s31], $0x3000  }
0x3b0: {  	[sflag:s31] =	ssyncset.done $0x0  }
0x3b1: {  	[sflag:s31] =	ssyncadd.s32 $0xFFFFD000  }
0x3b2: {  	s5 =	sadd.s32 $0xFFFFFFFE, s24  }
0x3b3: {  	s0 =	rddreg [dreg:$0x4];
	s7 =	sadd.s32 $0x22, s5  }
0x3b4: {  	s10 =	simm.s32 $0xC600;
	s0 =	sadd.s32 s21, s0;
	s7 =	sshrl.u32 s7, $0x3  }
0x3b5: {  	s29 =	simm.s32 $0x2;
	s8 =	sadd.s32 $0xFFFFFF80, s0;
	s7 =	smul.u32 $0x1800, s7  }
0x3b6: {  	s28 =	simm.s32 $0xCB00;
	s20 =	simm.s32 $0xC000;
	s8 =	sand.u32 $0x300, s8  }
0x3b7: {  	s31 =	simm.s32 $0xC900;
	s9 =	simm.s32 $0xC100;
	s7 =	sor.u32 s8, s7  }
0x3b8: {  	s30 =	simm.s32 $0xCA00;
	s5 =	sadd.s32 $0x23, s5;
	s7 =	sshrl.u32 s7, $0x3  }
0x3b9: {  	s16 =	simm.s32 $0xC200;
	s5 =	sshrl.u32 s5, $0x3;
	s7 =	sadd.s32 s2, s7  }
0x3ba: {  	[tilespmem:s20], [sflag:$0x5] =	stream.linear.gather [hbm4b:s7+s4], $0x80, $0x38;
	[tilespmem:$0x1E000] =	vst v63  }
0x3bb: {  	s0 =	sand.u32 $0x380, s0;
	s5 =	smul.u32 $0x1800, s5;
	s26 =	sadd.s32 $0x80, s7  }
0x3bc: {  	[tilespmem:s9], [sflag:$0x5] =	stream.linear.gather [hbm4b:s26+s4], $0x80, $0x38;
	[tilespmem:$0x1E000] =	vst v63  }
0x3bd: {  	s18 =	simm.s32 $0xC300;
	s0 =	sor.u32 s0, s5;
	s15 =	sadd.s32 $0x100, s7  }
0x3be: {  	[tilespmem:s16], [sflag:$0x5] =	stream.linear.gather [hbm4b:s15+s4], $0x80, $0x38;
	[tilespmem:$0x1E000] =	vst v63  }
0x3bf: {  	s0 =	sshrl.u32 s0, $0x3;
	s17 =	sadd.s32 $0x180, s7;
	s20 =	sadd.s32 $0x200, s7  }
0x3c0: {  	[tilespmem:s18], [sflag:$0x5] =	stream.linear.gather [hbm4b:s17+s4], $0x80, $0x38;
	[tilespmem:$0x1E000] =	vst v63  }
0x3c1: {  	s26 =	simm.s32 $0xC400;
	s9 =	sadd.s32 $0x280, s7;
	s15 =	simm.s32 $0xC500  }
0x3c2: {  	[tilespmem:s26], [sflag:$0x5] =	stream.linear.gather [hbm4b:s20+s4], $0x80, $0x38;
	[tilespmem:$0x1E000] =	vst v63  }
0x3c3: {  	s16 =	simm.s32 $0xC700;
	s17 =	rddreg [dreg:$0x4];
	s20 =	sadd.s32 s2, s0  }
0x3c4: {  	[tilespmem:s15], [sflag:$0x5] =	stream.linear.gather [hbm4b:s9+s4], $0x80, $0x38;
	[tilespmem:$0x1E000] =	vst v63  }
0x3c5: {  	s26 =	simm.s32 $0xD200;
	s0 =	sadd.s32 $0x100, s21;
	s18 =	sadd.s32 $0x80, s20  }
0x3c6: {  	[tilespmem:s10], [sflag:$0x5] =	stream.linear.gather [hbm4b:s20+s4], $0x80, $0x38;
	[tilespmem:$0x1E000] =	vst v63  }
0x3c7: {  	s5 =	sadd.s32 s0, s17;
	s7 =	sadd.s32 $0x100, s20;
	s10 =	sadd.s32 $0x0, s24  }
0x3c8: {  	[tilespmem:s16], [sflag:$0x5] =	stream.linear.gather [hbm4b:s18+s4], $0x80, $0x38;
	[tilespmem:$0x1E000] =	vst v63  }
0x3c9: {  	s9 =	simm.s32 $0xC800;
	s15 =	sadd.s32 $0x180, s20;
	s16 =	sadd.s32 $0x22, s10  }
.LBB2_40:
0x3ca: {  	[tilespmem:s9], [sflag:$0x5] =	stream.linear.gather [hbm4b:s7+s4], $0x80, $0x38;
	[tilespmem:$0x1E000] =	vst v63  }
0x3cb: {  	s7 =	smov.u32 s29  }
0x3cc: {  	s8 =	smov.u32 s26;
	s16 =	sshrl.u32 s16, $0x3;
	s17 =	sadd.s32 $0xFFFFFF80, s5  }
0x3cd: {  	s10 =	sadd.s32 $0x23, s10;
	s29 =	sadd.s32 $0x2, s29;
	s0 =	sadd.s32 $0x100, s0  }
0x3ce: {  	s5 =	sand.u32 $0x380, s5;
	s9 =	smul.u32 $0x1800, s16;
	s18 =	sand.u32 $0x300, s17  }
0x3cf: {  	s17 =	sadd.s32 $0x200, s20;
	s10 =	sshrl.u32 s10, $0x3;
	p0 =	slt.u32 s29, $0xE  }
0x3d0: {  	[tilespmem:s31], [sflag:$0x5] =	stream.linear.gather [hbm4b:s15+s4], $0x80, $0x38;
	[tilespmem:$0x1E000] =	vst v63  }
0x3d1: {  	s10 =	smul.u32 $0x1800, s10;
	s31 =	sadd.s32 $0x300, s8;
	s9 =	sor.u32 s18, s9  }
0x3d2: {  	[tilespmem:s30], [sflag:$0x5] =	stream.linear.gather [hbm4b:s17+s4], $0x80, $0x38;
	[tilespmem:$0x1E000] =	vst v63  }
0x3d3: {  	s18 =	sadd.s32 $0x280, s20;
	s20 =	sadd.s32 $0xFFFFFA00, s8;
	s9 =	sshrl.u32 s9, $0x3  }
0x3d4: {  	[tilespmem:s28], [sflag:$0x5] =	stream.linear.gather [hbm4b:s18+s4], $0x80, $0x38;
	[tilespmem:$0x1E000] =	vst v63  }
0x3d5: {  	s30 =	sadd.s32 $0x400, s8;
	s5 =	sor.u32 s5, s10;
	s16 =	sadd.s32 s2, s9  }
0x3d6: {  	[tilespmem:s20], [sflag:$0x5] =	stream.linear.gather [hbm4b:s16+s4], $0x80, $0x38;
	[tilespmem:$0x1E000] =	vst v63  }
0x3d7: {  	s10 =	sadd.s32 s7, s24;
	s17 =	sadd.s32 $0x80, s16;
	s18 =	sadd.s32 $0xFFFFFB00, s8  }
0x3d8: {  	[tilespmem:s18], [sflag:$0x5] =	stream.linear.gather [hbm4b:s17+s4], $0x80, $0x38;
	[tilespmem:$0x1E000] =	vst v63  }
0x3d9: {  	s9 =	sadd.s32 $0x200, s8;
	s20 =	sadd.s32 $0x100, s16;
	s18 =	sadd.s32 $0xFFFFFC00, s8  }
0x3da: {  	[tilespmem:s18], [sflag:$0x5] =	stream.linear.gather [hbm4b:s20+s4], $0x80, $0x38;
	[tilespmem:$0x1E000] =	vst v63  }
0x3db: {  	s5 =	sshrl.u32 s5, $0x3;
	s20 =	sadd.s32 $0x180, s16;
	s18 =	sadd.s32 $0xFFFFFD00, s8  }
0x3dc: {  	[tilespmem:s18], [sflag:$0x5] =	stream.linear.gather [hbm4b:s20+s4], $0x80, $0x38;
	[tilespmem:$0x1E000] =	vst v63  }
0x3dd: {  	s28 =	sadd.s32 $0x500, s26;
	s20 =	sadd.s32 $0x200, s16;
	s18 =	sadd.s32 $0xFFFFFE00, s8  }
0x3de: {  	[tilespmem:s18], [sflag:$0x5] =	stream.linear.gather [hbm4b:s20+s4], $0x80, $0x38;
	[tilespmem:$0x1E000] =	vst v63  }
0x3df: {  	s26 =	sadd.s32 $0xC00, s26;
	s18 =	sadd.s32 $0x280, s16;
	s20 =	sadd.s32 $0xFFFFFF00, s8  }
0x3e0: {  	[tilespmem:s20], [sflag:$0x5] =	stream.linear.gather [hbm4b:s18+s4], $0x80, $0x38;
	[tilespmem:$0x1E000] =	vst v63  }
.Ltmp19:
0x3e1: {  	s17 =	sadd.s32 $0x100, s8;
	s20 =	sadd.s32 s2, s5;
	(pc) =	sbr.rel @p0 .LBB2_40-.Ltmp19, $4  }
0x3e2: {  	[tilespmem:s8], [sflag:$0x5] =	stream.linear.gather [hbm4b:s20+s4], $0x80, $0x38;
	[tilespmem:$0x1E000] =	vst v63  }
0x3e3: {  	s16 =	sadd.s32 $0x22, s10;
	s18 =	rddreg [dreg:$0x4];
	s5 =	sadd.s32 $0x80, s20  }
0x3e4: {  	[tilespmem:s17], [sflag:$0x5] =	stream.linear.gather [hbm4b:s5+s4], $0x80, $0x38;
	[tilespmem:$0x1E000] =	vst v63  }
0x3e5: {  	s15 =	sadd.s32 $0x180, s20;
	s7 =	sadd.s32 $0x100, s20;
	s5 =	sadd.s32 s0, s18  }
0x3e6: {  	[tilespmem:s9], [sflag:$0x5] =	stream.linear.gather [hbm4b:s7+s4], $0x80, $0x38;
	[tilespmem:$0x1E000] =	vst v63  }
0x3e7: {  	s0 =	sshrl.u32 s16, $0x3;
	s29 =	sadd.s32 $0xFFFFFF80, s5  }
0x3e8: {  	s0 =	smul.u32 $0x1800, s0;
	s7 =	sand.u32 $0x300, s29  }
0x3e9: {  	[tilespmem:s31], [sflag:$0x5] =	stream.linear.gather [hbm4b:s15+s4], $0x80, $0x38;
	[tilespmem:$0x1E000] =	vst v63  }
0x3ea: {  	s8 =	sadd.s32 $0x200, s20;
	s0 =	sor.u32 s7, s0  }
0x3eb: {  	[tilespmem:s30], [sflag:$0x5] =	stream.linear.gather [hbm4b:s8+s4], $0x80, $0x38;
	[tilespmem:$0x1E000] =	vst v63  }
0x3ec: {  	s8 =	sadd.s32 $0x280, s20;
	s0 =	sshrl.u32 s0, $0x3  }
0x3ed: {  	[tilespmem:s28], [sflag:$0x5] =	stream.linear.gather [hbm4b:s8+s4], $0x80, $0x38;
	[tilespmem:$0x1E000] =	vst v63  }
0x3ee: {  	s9 =	sadd.s32 $0x23, s10;
	s10 =	sadd.s32 $0xFFFFFA00, s26;
	s0 =	sadd.s32 s2, s0  }
0x3ef: {  	[tilespmem:s10], [sflag:$0x5] =	stream.linear.gather [hbm4b:s0+s4], $0x80, $0x38;
	[tilespmem:$0x1E000] =	vst v63  }
0x3f0: {  	s16 =	sadd.s32 $0xFFFFFB00, s26;
	s18 =	sadd.s32 $0xFFFFFC00, s26;
	s15 =	sadd.s32 $0x80, s0  }
0x3f1: {  	[tilespmem:s16], [sflag:$0x5] =	stream.linear.gather [hbm4b:s15+s4], $0x80, $0x38;
	[tilespmem:$0x1E000] =	vst v63  }
0x3f2: {  	s29 =	sand.u32 $0x380, s5;
	s7 =	sshrl.u32 s9, $0x3;
	s17 =	sadd.s32 $0x100, s0  }
0x3f3: {  	[tilespmem:s18], [sflag:$0x5] =	stream.linear.gather [hbm4b:s17+s4], $0x80, $0x38;
	[tilespmem:$0x1E000] =	vst v63  }
0x3f4: {  	s7 =	smul.u32 $0x1800, s7;
	s20 =	sadd.s32 $0x180, s0;
	s28 =	sadd.s32 $0xFFFFFD00, s26  }
0x3f5: {  	[tilespmem:s28], [sflag:$0x5] =	stream.linear.gather [hbm4b:s20+s4], $0x80, $0x38;
	[tilespmem:$0x1E000] =	vst v63  }
0x3f6: {  	s31 =	sadd.s32 $0xFFFFFE00, s26;
	s30 =	sadd.s32 $0x200, s0;
	s5 =	sor.u32 s29, s7  }
0x3f7: {  	[tilespmem:s31], [sflag:$0x5] =	stream.linear.gather [hbm4b:s30+s4], $0x80, $0x38;
	[tilespmem:$0x1E000] =	vst v63  }
0x3f8: {  	s9 =	sadd.s32 $0xFFFFFF00, s26;
	s5 =	sshrl.u32 s5, $0x3;
	s0 =	sadd.s32 $0x280, s0  }
0x3f9: {  	[tilespmem:s9], [sflag:$0x5] =	stream.linear.gather [hbm4b:s0+s4], $0x80, $0x38;
	[tilespmem:$0x1E000] =	vst v63  }
0x3fa: {  	s10 =	sadd.s32 s2, s5  }
0x3fb: {  	[tilespmem:s26], [sflag:$0x5] =	stream.linear.gather [hbm4b:s10+s4], $0x80, $0x38;
	[tilespmem:$0x1E000] =	vst v63  }
0x3fc: {  	s15 =	sadd.s32 $0x100, s26;
	s16 =	sadd.s32 $0x80, s10  }
0x3fd: {  	[tilespmem:s15], [sflag:$0x5] =	stream.linear.gather [hbm4b:s16+s4], $0x80, $0x38;
	[tilespmem:$0x1E000] =	vst v63  }
0x3fe: {  	s17 =	sadd.s32 $0x200, s26;
	s18 =	sadd.s32 $0x100, s10  }
0x3ff: {  	[tilespmem:s17], [sflag:$0x5] =	stream.linear.gather [hbm4b:s18+s4], $0x80, $0x38;
	[tilespmem:$0x1E000] =	vst v63  }
0x400: {  	s20 =	sadd.s32 $0x300, s26;
	s28 =	sadd.s32 $0x180, s10  }
0x401: {  	[tilespmem:s20], [sflag:$0x5] =	stream.linear.gather [hbm4b:s28+s4], $0x80, $0x38;
	[tilespmem:$0x1E000] =	vst v63  }
0x402: {  	s29 =	sadd.s32 $0x400, s26;
	s30 =	sadd.s32 $0x200, s10  }
0x403: {  	[tilespmem:s29], [sflag:$0x5] =	stream.linear.gather [hbm4b:s30+s4], $0x80, $0x38;
	[tilespmem:$0x1E000] =	vst v63  }
0x404: {  	s31 =	sadd.s32 $0x500, s26;
	s0 =	sadd.s32 $0x280, s10  }
0x405: {  	[tilespmem:s31], [sflag:$0x5] =	stream.linear.gather [hbm4b:s0+s4], $0x80, $0x38;
	[tilespmem:$0x1E000] =	vst v63  }
.LBB2_42:
0x406: {  	_ =	swait.ge [sflag:s11], $0x3000  }
0x407: {  	[sflag:s11] =	ssyncset.done $0x0  }
0x408: {  	s0 =	simm.s32 $0x7;
	[sflag:s11] =	ssyncadd.s32 $0xFFFFD000  }
0x409: {  	_ =	swait.ge [sflag:s0], $0x3000  }
0x40a: {  	[sflag:s0] =	ssyncset.done $0x0  }
0x40b: {  	s8 =	simm.s32 $0x40;
	[sflag:s0] =	ssyncadd.s32 $0xFFFFD000  }
0x40c: {  	s5 =	simm.s32 $0xC0F0;
	v1 =	vld [tilespmem:s8+$0x30]  }
0x40d: {  	v2 =	vld [tilespmem:s5+$0x0]  }
0x40e: {  	v0 =	vld [tilespmem:s5+$0xFFFFFF90]  }
0x40f: {  	v3 =	vld [tilespmem:s8+$0xFFFFFFD0]  }
0x410: {  	v4 =	vld [tilespmem:s5+$0xFFFFFFA0]  }
0x411: {  	v5 =	vld [tilespmem:s8+$0xFFFFFFE0]  }
0x412: {  	v6 =	vld [tilespmem:s5+$0xFFFFFFB0]  }
0x413: {  	v7 =	vld [tilespmem:s8+$0xFFFFFFF0]  }
0x414: {  	v8 =	vld [tilespmem:s5+$0xFFFFFFC0]  }
0x415: {  	v9 =	vld [tilespmem:s8+$0x0]  }
0x416: {  	v10 =	vld [tilespmem:s5+$0xFFFFFFD0];
	v2 =	vadd.f32 v2, v1  }
0x417: {  	s0 =	simm.s32 $0x12040;
	v3 =	vadd.f32 v4, v3;
	v1 =	vld [tilespmem:s8+$0x10]  }
0x418: {  	v5 =	vadd.f32 v6, v5;
	v4 =	vld [tilespmem:s5+$0xFFFFFFE0];
	[tilespmem:s0+$0x30] =	vst v2  }
0x419: {  	v6 =	vadd.f32 v8, v7;
	[tilespmem:s0+$0xFFFFFFD0] =	vst v3;
	v2 =	vld [tilespmem:s8+$0x20]  }
0x41a: {  	[tilespmem:s0+$0xFFFFFFE0] =	vst v5;
	v5 =	vld [tilespmem:s5+$0xFFFFFFF0]  }
0x41b: {  	s7 =	simm.s32 $0x0;
	v3 =	vld [tilespmem:s8+$0xFFFFFFC0];
	[tilespmem:s0+$0xFFFFFFF0] =	vst v6;
	v6 =	vadd.f32 v10, v9;
	s8 =	simm.s32 $0x240  }
.LBB2_43:
0x41c: {  	v7 =	vld [tilespmem:s8+$0x30];
	s5 =	sadd.s32 $0x100, s5  }
0x41d: {  	s7 =	sadd.s32 $0x80, s7;
	v8 =	vld [tilespmem:s5+$0x0];
	[tilespmem:s0+$0x0] =	vst v6;
	v1 =	vadd.f32 v4, v1  }
0x41e: {  	p0 =	slt.u32 s7, $0x2F80;
	v4 =	vld [tilespmem:s5+$0xFFFFFF90]  }
0x41f: {  	v6 =	vld [tilespmem:s8+$0xFFFFFFD0];
	[tilespmem:s0+$0x10] =	vst v1;
	v1 =	vadd.f32 v5, v2  }
0x420: {  	v2 =	vld [tilespmem:s5+$0xFFFFFFA0];
	v9 =	vadd.f32 v0, v3  }
0x421: {  	v3 =	vld [tilespmem:s8+$0xFFFFFFE0];
	[tilespmem:s0+$0x20] =	vst v1  }
0x422: {  	v1 =	vld [tilespmem:s5+$0xFFFFFFB0];
	v5 =	vadd.f32 v8, v7;
	[tilespmem:s0+$0xFFFFFFC0] =	vst v9  }
0x423: {  	s0 =	sadd.s32 $0x200, s0;
	v7 =	vld [tilespmem:s8+$0xFFFFFFF0];
	v0 =	vmov v4  }
0x424: {  	s28 =	simm.s32 $0x12C00;
	s26 =	simm.s32 $0x80;
	v8 =	vld [tilespmem:s5+$0xFFFFFFC0];
	[tilespmem:s0+$0x30] =	vst v5  }
0x425: {  	v2 =	vadd.f32 v2, v6;
	v6 =	vld [tilespmem:s8+$0x0]  }
0x426: {  	v9 =	vld [tilespmem:s5+$0xFFFFFFD0]  }
.Ltmp20:
0x427: {  	[tilespmem:s0+$0xFFFFFFD0] =	vst v2;
	v2 =	vadd.f32 v1, v3;
	v1 =	vld [tilespmem:s8+$0x10];
	(pc) =	sbr.rel @p0 .LBB2_43-.Ltmp20, $4  }
0x428: {  	v4 =	vld [tilespmem:s5+$0xFFFFFFE0]  }
0x429: {  	[tilespmem:s0+$0xFFFFFFE0] =	vst v2;
	v7 =	vadd.f32 v8, v7;
	v2 =	vld [tilespmem:s8+$0x20]  }
0x42a: {  	v5 =	vld [tilespmem:s5+$0xFFFFFFF0]  }
0x42b: {  	v3 =	vld [tilespmem:s8+$0xFFFFFFC0];
	[tilespmem:s0+$0xFFFFFFF0] =	vst v7;
	v6 =	vadd.f32 v9, v6;
	s8 =	sadd.s32 $0x200, s8  }
0x42c: {  	s5 =	sadd.s32 $0x0, s23  }
0x42d: {  	s5 =	sshrl.u32 s5, $0x3  }
0x42e: {  	s7 =	simm.s32 $0x0;
	v1 =	vadd.f32 v4, v1;
	s5 =	smul.u32 $0x1800, s5  }
0x42f: {  	[tilespmem:s0+$0x0] =	vst v6;
	s7 =	sand.u32 $0x300, s7;
	v2 =	vadd.f32 v5, v2  }
0x430: {  	[tilespmem:s0+$0x10] =	vst v1;
	v0 =	vadd.f32 v0, v3;
	s7 =	sor.u32 s7, s5  }
0x431: {  	[tilespmem:s0+$0x20] =	vst v2;
	s7 =	sshrl.u32 s7, $0x3  }
0x432: {  	s9 =	simm.s32 $0x12000;
	[tilespmem:s0+$0xFFFFFFC0] =	vst v0;
	s31 =	sadd.s32 s3, s7  }
0x433: {  	[hbm4b:s31+s4] =	stream.linear.scatter [tilespmem:s9], [sflag:$0x7], $0x80, $0x38;
	[tilespmem:$0x1E000] =	vst v63  }
0x434: {  	s10 =	simm.s32 $0x12200;
	s8 =	sadd.s32 $0x80, s31  }
0x435: {  	[hbm4b:s8+s4] =	stream.linear.scatter [tilespmem:s10], [sflag:$0x7], $0x80, $0x38;
	[tilespmem:$0x1E000] =	vst v63  }
0x436: {  	s15 =	simm.s32 $0x12400;
	s16 =	sadd.s32 $0x100, s31  }
0x437: {  	[hbm4b:s16+s4] =	stream.linear.scatter [tilespmem:s15], [sflag:$0x7], $0x80, $0x38;
	[tilespmem:$0x1E000] =	vst v63  }
0x438: {  	s17 =	sand.u32 $0x380, s26;
	s18 =	simm.s32 $0x12600;
	s9 =	sadd.s32 $0x180, s31  }
0x439: {  	[hbm4b:s9+s4] =	stream.linear.scatter [tilespmem:s18], [sflag:$0x7], $0x80, $0x38;
	[tilespmem:$0x1E000] =	vst v63  }
0x43a: {  	s20 =	simm.s32 $0x12800;
	s5 =	sor.u32 s17, s5;
	s29 =	sadd.s32 $0x200, s31  }
0x43b: {  	[hbm4b:s29+s4] =	stream.linear.scatter [tilespmem:s20], [sflag:$0x7], $0x80, $0x38;
	[tilespmem:$0x1E000] =	vst v63  }
0x43c: {  	s30 =	simm.s32 $0x12A00;
	s5 =	sshrl.u32 s5, $0x3;
	s0 =	sadd.s32 $0x280, s31  }
0x43d: {  	[hbm4b:s0+s4] =	stream.linear.scatter [tilespmem:s30], [sflag:$0x7], $0x80, $0x38;
	[tilespmem:$0x1E000] =	vst v63  }
0x43e: {  	s7 =	simm.s32 $0x13600;
	s31 =	simm.s32 $0x12E00;
	s8 =	sadd.s32 s3, s5  }
0x43f: {  	[hbm4b:s8+s4] =	stream.linear.scatter [tilespmem:s28], [sflag:$0x7], $0x80, $0x38;
	[tilespmem:$0x1E000] =	vst v63  }
0x440: {  	s5 =	sadd.s32 $0x80, s8;
	s10 =	sadd.s32 $0x100, s8;
	s9 =	simm.s32 $0x13000  }
0x441: {  	[hbm4b:s5+s4] =	stream.linear.scatter [tilespmem:s31], [sflag:$0x7], $0x80, $0x38;
	[tilespmem:$0x1E000] =	vst v63  }
0x442: {  	s20 =	simm.s32 $0x13400;
	s0 =	simm.s32 $0x0;
	s5 =	simm.s32 $0x14400  }
.LBB2_45:
0x443: {  	s0 =	sadd.s32 $0x2, s0;
	s15 =	sadd.s32 $0x400, s5;
	s16 =	sadd.s32 $0x600, s28  }
0x444: {  	[hbm4b:s10+s4] =	stream.linear.scatter [tilespmem:s9], [sflag:$0x7], $0x80, $0x38;
	[tilespmem:$0x1E000] =	vst v63  }
0x445: {  	s26 =	sadd.s32 $0x100, s26;
	s9 =	sadd.s32 s23, s0;
	s10 =	sadd.s32 $0x200, s8  }
0x446: {  	s18 =	sadd.s32 $0x180, s8;
	s17 =	sadd.s32 $0xFFFFFF80, s26;
	s9 =	sshrl.u32 s9, $0x3  }
0x447: {  	[hbm4b:s18+s4] =	stream.linear.scatter [tilespmem:s16], [sflag:$0x7], $0x80, $0x38;
	[tilespmem:$0x1E000] =	vst v63  }
0x448: {  	s9 =	smul.u32 $0x1800, s9;
	s16 =	sand.u32 $0x300, s17;
	s17 =	sand.u32 $0x380, s26  }
0x449: {  	[hbm4b:s10+s4] =	stream.linear.scatter [tilespmem:s20], [sflag:$0x7], $0x80, $0x38;
	[tilespmem:$0x1E000] =	vst v63  }
0x44a: {  	s8 =	sadd.s32 $0x280, s8;
	s10 =	sor.u32 s16, s9;
	s9 =	sor.u32 s17, s9  }
0x44b: {  	p0 =	slt.u32 s0, $0xE;
	s10 =	sshrl.u32 s10, $0x3;
	s16 =	sshrl.u32 s9, $0x3  }
0x44c: {  	[hbm4b:s8+s4] =	stream.linear.scatter [tilespmem:s7], [sflag:$0x7], $0x80, $0x38;
	[tilespmem:$0x1E000] =	vst v63  }
0x44d: {  	s9 =	smov.u32 s15;
	s7 =	sadd.s32 s3, s10;
	s8 =	sadd.s32 $0xFFFFF400, s5  }
0x44e: {  	[hbm4b:s7+s4] =	stream.linear.scatter [tilespmem:s8], [sflag:$0x7], $0x80, $0x38;
	[tilespmem:$0x1E000] =	vst v63  }
0x44f: {  	s28 =	smov.u32 s5;
	s10 =	sadd.s32 $0x80, s7;
	s8 =	sadd.s32 $0xFFFFF600, s5  }
0x450: {  	[hbm4b:s10+s4] =	stream.linear.scatter [tilespmem:s8], [sflag:$0x7], $0x80, $0x38;
	[tilespmem:$0x1E000] =	vst v63  }
0x451: {  	s8 =	sadd.s32 $0xFFFFF800, s5;
	s10 =	sadd.s32 $0x100, s7  }
0x452: {  	[hbm4b:s10+s4] =	stream.linear.scatter [tilespmem:s8], [sflag:$0x7], $0x80, $0x38;
	[tilespmem:$0x1E000] =	vst v63  }
0x453: {  	s8 =	sadd.s32 $0xFFFFFA00, s5;
	s10 =	sadd.s32 $0x180, s7  }
0x454: {  	[hbm4b:s10+s4] =	stream.linear.scatter [tilespmem:s8], [sflag:$0x7], $0x80, $0x38;
	[tilespmem:$0x1E000] =	vst v63  }
0x455: {  	s8 =	sadd.s32 $0xFFFFFC00, s5;
	s10 =	sadd.s32 $0x200, s7  }
0x456: {  	[hbm4b:s10+s4] =	stream.linear.scatter [tilespmem:s8], [sflag:$0x7], $0x80, $0x38;
	[tilespmem:$0x1E000] =	vst v63  }
0x457: {  	s8 =	sadd.s32 $0xFFFFFE00, s5;
	s10 =	sadd.s32 $0x280, s7;
	s7 =	sadd.s32 $0xA00, s5  }
0x458: {  	[hbm4b:s10+s4] =	stream.linear.scatter [tilespmem:s8], [sflag:$0x7], $0x80, $0x38;
	[tilespmem:$0x1E000] =	vst v63  }
.Ltmp21:
0x459: {  	_ = 	snop;
	(pc) =	sbr.rel @p0 .LBB2_45-.Ltmp21, $4  }
0x45a: {  	s20 =	sadd.s32 $0x800, s28;
	s5 =	sadd.s32 $0x1800, s5;
	s8 =	sadd.s32 s3, s16  }
0x45b: {  	[hbm4b:s8+s4] =	stream.linear.scatter [tilespmem:s28], [sflag:$0x7], $0x80, $0x38;
	[tilespmem:$0x1E000] =	vst v63  }
0x45c: {  	s15 =	sadd.s32 $0x200, s28;
	s16 =	sadd.s32 $0x80, s8;
	s10 =	sadd.s32 $0x100, s8  }
0x45d: {  	[hbm4b:s16+s4] =	stream.linear.scatter [tilespmem:s15], [sflag:$0x7], $0x80, $0x38;
	[tilespmem:$0x1E000] =	vst v63  }
0x45e: {  	[hbm4b:s10+s4] =	stream.linear.scatter [tilespmem:s9], [sflag:$0x7], $0x80, $0x38;
	[tilespmem:$0x1E000] =	vst v63  }
0x45f: {  	s0 =	sadd.s32 $0x600, s28;
	s5 =	sadd.s32 $0x180, s8;
	p0 =	seq.s32 s25, $0x7  }
0x460: {  	[hbm4b:s5+s4] =	stream.linear.scatter [tilespmem:s0], [sflag:$0x7], $0x80, $0x38;
	[tilespmem:$0x1E000] =	vst v63  }
.Ltmp22:
0x461: {  	_ = 	snop;
	(pc) =	sbr.rel @p0 .LBB2_50-.Ltmp22, $4  }
0x462: {  	s30 =	sadd.s32 $0x200, s8  }
0x463: {  	[hbm4b:s30+s4] =	stream.linear.scatter [tilespmem:s20], [sflag:$0x7], $0x80, $0x38;
	[tilespmem:$0x1E000] =	vst v63  }
0x464: {  	s31 =	sadd.s32 $0x280, s8  }
0x465: {  	[hbm4b:s31+s4] =	stream.linear.scatter [tilespmem:s7], [sflag:$0x7], $0x80, $0x38;
	[tilespmem:$0x1E000] =	vst v63  }
0x466: {  	s0 =	sadd.s32 $0x0, s22  }
0x467: {  	s0 =	sshrl.u32 s0, $0x3  }
0x468: {  	s5 =	simm.s32 $0x0;
	s0 =	smul.u32 $0x1800, s0  }
0x469: {  	s5 =	sand.u32 $0x300, s5  }
0x46a: {  	s5 =	sor.u32 s5, s0  }
0x46b: {  	s5 =	sshrl.u32 s5, $0x3  }
0x46c: {  	s7 =	simm.s32 $0x0;
	s5 =	sadd.s32 s1, s5  }
0x46d: {  	[tilespmem:s7], [sflag:$0x1] =	stream.linear.gather [hbm4b:s5+s4], $0x80, $0x38;
	[tilespmem:$0x1E000] =	vst v63  }
0x46e: {  	s8 =	simm.s32 $0x200;
	s26 =	simm.s32 $0x80;
	s10 =	sadd.s32 $0x80, s5  }
0x46f: {  	[tilespmem:s8], [sflag:$0x1] =	stream.linear.gather [hbm4b:s10+s4], $0x80, $0x38;
	[tilespmem:$0x1E000] =	vst v63  }
0x470: {  	s16 =	simm.s32 $0x400;
	s9 =	simm.s32 $0x600;
	s15 =	sadd.s32 $0x100, s5  }
0x471: {  	[tilespmem:s16], [sflag:$0x1] =	stream.linear.gather [hbm4b:s15+s4], $0x80, $0x38;
	[tilespmem:$0x1E000] =	vst v63  }
0x472: {  	s29 =	simm.s32 $0x800;
	s17 =	sand.u32 $0x380, s26;
	s18 =	sadd.s32 $0x180, s5  }
0x473: {  	[tilespmem:s9], [sflag:$0x1] =	stream.linear.gather [hbm4b:s18+s4], $0x80, $0x38;
	[tilespmem:$0x1E000] =	vst v63  }
0x474: {  	s30 =	simm.s32 $0xA00;
	s0 =	sor.u32 s17, s0;
	s20 =	sadd.s32 $0x200, s5  }
0x475: {  	[tilespmem:s29], [sflag:$0x1] =	stream.linear.gather [hbm4b:s20+s4], $0x80, $0x38;
	[tilespmem:$0x1E000] =	vst v63  }
0x476: {  	s31 =	simm.s32 $0xE00;
	s0 =	sshrl.u32 s0, $0x3;
	s5 =	sadd.s32 $0x280, s5  }
0x477: {  	[tilespmem:s30], [sflag:$0x1] =	stream.linear.gather [hbm4b:s5+s4], $0x80, $0x38;
	[tilespmem:$0x1E000] =	vst v63  }
0x478: {  	s28 =	simm.s32 $0x1400;
	s8 =	sadd.s32 s1, s0;
	s9 =	simm.s32 $0xC00  }
0x479: {  	[tilespmem:s9], [sflag:$0x1] =	stream.linear.gather [hbm4b:s8+s4], $0x80, $0x38;
	[tilespmem:$0x1E000] =	vst v63  }
0x47a: {  	s7 =	simm.s32 $0x1600;
	s0 =	sadd.s32 $0x80, s8;
	s10 =	sadd.s32 $0x100, s8  }
0x47b: {  	[tilespmem:s31], [sflag:$0x1] =	stream.linear.gather [hbm4b:s0+s4], $0x80, $0x38;
	[tilespmem:$0x1E000] =	vst v63  }
0x47c: {  	s20 =	simm.s32 $0x1000;
	s5 =	simm.s32 $0x2400;
	s0 =	simm.s32 $0x0  }
.LBB2_48:
0x47d: {  	s0 =	sadd.s32 $0x2, s0;
	s15 =	sadd.s32 $0x400, s5;
	s9 =	sadd.s32 $0x600, s9  }
0x47e: {  	[tilespmem:s20], [sflag:$0x1] =	stream.linear.gather [hbm4b:s10+s4], $0x80, $0x38;
	[tilespmem:$0x1E000] =	vst v63  }
0x47f: {  	s16 =	sadd.s32 $0x200, s8;
	s26 =	sadd.s32 $0x100, s26;
	s10 =	sadd.s32 s22, s0  }
0x480: {  	s18 =	sadd.s32 $0x180, s8;
	s17 =	sadd.s32 $0xFFFFFF80, s26;
	s10 =	sshrl.u32 s10, $0x3  }
0x481: {  	[tilespmem:s9], [sflag:$0x1] =	stream.linear.gather [hbm4b:s18+s4], $0x80, $0x38;
	[tilespmem:$0x1E000] =	vst v63  }
0x482: {  	s9 =	smul.u32 $0x1800, s10;
	s10 =	sand.u32 $0x300, s17;
	s17 =	sand.u32 $0x380, s26  }
0x483: {  	[tilespmem:s28], [sflag:$0x1] =	stream.linear.gather [hbm4b:s16+s4], $0x80, $0x38;
	[tilespmem:$0x1E000] =	vst v63  }
0x484: {  	s8 =	sadd.s32 $0x280, s8;
	s10 =	sor.u32 s10, s9;
	s9 =	sor.u32 s17, s9  }
0x485: {  	p1 =	slt.u32 s0, $0xE;
	s10 =	sshrl.u32 s10, $0x3;
	s16 =	sshrl.u32 s9, $0x3  }
0x486: {  	[tilespmem:s7], [sflag:$0x1] =	stream.linear.gather [hbm4b:s8+s4], $0x80, $0x38;
	[tilespmem:$0x1E000] =	vst v63  }
0x487: {  	s20 =	smov.u32 s15;
	s7 =	sadd.s32 $0xFFFFF400, s5;
	s8 =	sadd.s32 s1, s10  }
0x488: {  	[tilespmem:s7], [sflag:$0x1] =	stream.linear.gather [hbm4b:s8+s4], $0x80, $0x38;
	[tilespmem:$0x1E000] =	vst v63  }
0x489: {  	s9 =	smov.u32 s5;
	s10 =	sadd.s32 $0xFFFFF600, s5;
	s7 =	sadd.s32 $0x80, s8  }
0x48a: {  	[tilespmem:s10], [sflag:$0x1] =	stream.linear.gather [hbm4b:s7+s4], $0x80, $0x38;
	[tilespmem:$0x1E000] =	vst v63  }
0x48b: {  	s7 =	sadd.s32 $0x100, s8;
	s10 =	sadd.s32 $0xFFFFF800, s5  }
0x48c: {  	[tilespmem:s10], [sflag:$0x1] =	stream.linear.gather [hbm4b:s7+s4], $0x80, $0x38;
	[tilespmem:$0x1E000] =	vst v63  }
0x48d: {  	s7 =	sadd.s32 $0x180, s8;
	s10 =	sadd.s32 $0xFFFFFA00, s5  }
0x48e: {  	[tilespmem:s10], [sflag:$0x1] =	stream.linear.gather [hbm4b:s7+s4], $0x80, $0x38;
	[tilespmem:$0x1E000] =	vst v63  }
0x48f: {  	s7 =	sadd.s32 $0x200, s8;
	s10 =	sadd.s32 $0xFFFFFC00, s5  }
0x490: {  	[tilespmem:s10], [sflag:$0x1] =	stream.linear.gather [hbm4b:s7+s4], $0x80, $0x38;
	[tilespmem:$0x1E000] =	vst v63  }
0x491: {  	s8 =	sadd.s32 $0x280, s8;
	s10 =	sadd.s32 $0xFFFFFE00, s5;
	s7 =	sadd.s32 $0xA00, s5  }
0x492: {  	[tilespmem:s10], [sflag:$0x1] =	stream.linear.gather [hbm4b:s8+s4], $0x80, $0x38;
	[tilespmem:$0x1E000] =	vst v63  }
.Ltmp23:
0x493: {  	_ = 	snop;
	(pc) =	sbr.rel @p1 .LBB2_48-.Ltmp23, $4  }
0x494: {  	s28 =	sadd.s32 $0x800, s9;
	s5 =	sadd.s32 $0x1800, s5;
	s8 =	sadd.s32 s1, s16  }
0x495: {  	[tilespmem:s9], [sflag:$0x1] =	stream.linear.gather [hbm4b:s8+s4], $0x80, $0x38;
	[tilespmem:$0x1E000] =	vst v63  }
0x496: {  	s16 =	sadd.s32 $0x200, s9;
	s15 =	sadd.s32 $0x80, s8;
	s10 =	sadd.s32 $0x100, s8  }
0x497: {  	[tilespmem:s16], [sflag:$0x1] =	stream.linear.gather [hbm4b:s15+s4], $0x80, $0x38;
	[tilespmem:$0x1E000] =	vst v63  }
0x498: {  	[tilespmem:s20], [sflag:$0x1] =	stream.linear.gather [hbm4b:s10+s4], $0x80, $0x38;
	[tilespmem:$0x1E000] =	vst v63  }
0x499: {  	s0 =	sadd.s32 $0x600, s9;
	s5 =	sadd.s32 $0x180, s8  }
0x49a: {  	[tilespmem:s0], [sflag:$0x1] =	stream.linear.gather [hbm4b:s5+s4], $0x80, $0x38;
	[tilespmem:$0x1E000] =	vst v63  }
0x49b: {  	s30 =	sadd.s32 $0x200, s8  }
0x49c: {  	[tilespmem:s28], [sflag:$0x1] =	stream.linear.gather [hbm4b:s30+s4], $0x80, $0x38;
	[tilespmem:$0x1E000] =	vst v63  }
0x49d: {  	s31 =	sadd.s32 $0x280, s8  }
0x49e: {  	[tilespmem:s7], [sflag:$0x1] =	stream.linear.gather [hbm4b:s31+s4], $0x80, $0x38;
	[tilespmem:$0x1E000] =	vst v63  }
.LBB2_50:
0x49f: {  	_ =	swait.ge [sflag:s12], $0x3000  }
0x4a0: {  	[sflag:s12] =	ssyncset.done $0x0  }
0x4a1: {  	s0 =	simm.s32 $0x8;
	[sflag:s12] =	ssyncadd.s32 $0xFFFFD000  }
0x4a2: {  	_ =	swait.ge [sflag:s0], $0x3000  }
0x4a3: {  	[sflag:s0] =	ssyncset.done $0x0  }
0x4a4: {  	s8 =	simm.s32 $0xF0;
	[sflag:s0] =	ssyncadd.s32 $0xFFFFD000  }
0x4a5: {  	s5 =	simm.s32 $0xC0F0;
	v1 =	vld [tilespmem:s8+$0x0]  }
0x4a6: {  	v2 =	vld [tilespmem:s5+$0x0]  }
0x4a7: {  	v0 =	vld [tilespmem:s5+$0xFFFFFF90]  }
0x4a8: {  	v3 =	vld [tilespmem:s8+$0xFFFFFFA0]  }
0x4a9: {  	v4 =	vld [tilespmem:s5+$0xFFFFFFA0]  }
0x4aa: {  	v5 =	vld [tilespmem:s8+$0xFFFFFFB0]  }
0x4ab: {  	v6 =	vld [tilespmem:s5+$0xFFFFFFB0]  }
0x4ac: {  	v7 =	vld [tilespmem:s8+$0xFFFFFFC0]  }
0x4ad: {  	v8 =	vld [tilespmem:s5+$0xFFFFFFC0]  }
0x4ae: {  	v9 =	vld [tilespmem:s8+$0xFFFFFFD0]  }
0x4af: {  	v10 =	vld [tilespmem:s5+$0xFFFFFFD0];
	v2 =	vadd.f32 v2, v1  }
0x4b0: {  	s0 =	simm.s32 $0x120F0;
	v3 =	vadd.f32 v4, v3;
	v1 =	vld [tilespmem:s8+$0xFFFFFFE0]  }
0x4b1: {  	v5 =	vadd.f32 v6, v5;
	v4 =	vld [tilespmem:s5+$0xFFFFFFE0];
	[tilespmem:s0+$0x0] =	vst v2  }
0x4b2: {  	v6 =	vadd.f32 v8, v7;
	[tilespmem:s0+$0xFFFFFFA0] =	vst v3;
	v2 =	vld [tilespmem:s8+$0xFFFFFFF0]  }
0x4b3: {  	[tilespmem:s0+$0xFFFFFFB0] =	vst v5;
	v5 =	vld [tilespmem:s5+$0xFFFFFFF0]  }
0x4b4: {  	s7 =	simm.s32 $0x0;
	v3 =	vld [tilespmem:s8+$0xFFFFFF90];
	[tilespmem:s0+$0xFFFFFFC0] =	vst v6;
	v6 =	vadd.f32 v10, v9;
	s8 =	simm.s32 $0x2F0  }
.LBB2_51:
0x4b5: {  	v7 =	vld [tilespmem:s8+$0x0];
	s5 =	sadd.s32 $0x100, s5  }
0x4b6: {  	s7 =	sadd.s32 $0x80, s7;
	v8 =	vld [tilespmem:s5+$0x0];
	[tilespmem:s0+$0xFFFFFFD0] =	vst v6;
	v1 =	vadd.f32 v4, v1  }
0x4b7: {  	p1 =	slt.u32 s7, $0x2F80;
	v4 =	vld [tilespmem:s5+$0xFFFFFF90]  }
0x4b8: {  	v6 =	vld [tilespmem:s8+$0xFFFFFFA0];
	[tilespmem:s0+$0xFFFFFFE0] =	vst v1;
	v1 =	vadd.f32 v5, v2  }
0x4b9: {  	v2 =	vld [tilespmem:s5+$0xFFFFFFA0];
	v9 =	vadd.f32 v0, v3  }
0x4ba: {  	v3 =	vld [tilespmem:s8+$0xFFFFFFB0];
	[tilespmem:s0+$0xFFFFFFF0] =	vst v1  }
0x4bb: {  	v1 =	vld [tilespmem:s5+$0xFFFFFFB0];
	v5 =	vadd.f32 v8, v7;
	[tilespmem:s0+$0xFFFFFF90] =	vst v9  }
0x4bc: {  	s0 =	sadd.s32 $0x200, s0;
	v7 =	vld [tilespmem:s8+$0xFFFFFFC0];
	v0 =	vmov v4  }
0x4bd: {  	s26 =	simm.s32 $0x13680;
	s28 =	simm.s32 $0x80;
	v8 =	vld [tilespmem:s5+$0xFFFFFFC0];
	[tilespmem:s0+$0x0] =	vst v5  }
0x4be: {  	v2 =	vadd.f32 v2, v6;
	v6 =	vld [tilespmem:s8+$0xFFFFFFD0]  }
0x4bf: {  	v9 =	vld [tilespmem:s5+$0xFFFFFFD0]  }
.Ltmp24:
0x4c0: {  	[tilespmem:s0+$0xFFFFFFA0] =	vst v2;
	v2 =	vadd.f32 v1, v3;
	v1 =	vld [tilespmem:s8+$0xFFFFFFE0];
	(pc) =	sbr.rel @p1 .LBB2_51-.Ltmp24, $4  }
0x4c1: {  	v4 =	vld [tilespmem:s5+$0xFFFFFFE0]  }
0x4c2: {  	[tilespmem:s0+$0xFFFFFFB0] =	vst v2;
	v7 =	vadd.f32 v8, v7;
	v2 =	vld [tilespmem:s8+$0xFFFFFFF0]  }
0x4c3: {  	v5 =	vld [tilespmem:s5+$0xFFFFFFF0]  }
0x4c4: {  	v3 =	vld [tilespmem:s8+$0xFFFFFF90];
	[tilespmem:s0+$0xFFFFFFC0] =	vst v7;
	v6 =	vadd.f32 v9, v6;
	s8 =	sadd.s32 $0x200, s8  }
0x4c5: {  	s5 =	sadd.s32 $0x0, s23  }
0x4c6: {  	s5 =	sshrl.u32 s5, $0x3  }
0x4c7: {  	s5 =	smul.u32 $0x1800, s5  }
0x4c8: {  	s7 =	simm.s32 $0x0;
	v1 =	vadd.f32 v4, v1  }
0x4c9: {  	[tilespmem:s0+$0xFFFFFFD0] =	vst v6;
	s7 =	sand.u32 $0x300, s7;
	v2 =	vadd.f32 v5, v2;
	s5 =	sadd.s32 $0x600000, s5  }
0x4ca: {  	[tilespmem:s0+$0xFFFFFFE0] =	vst v1;
	v0 =	vadd.f32 v0, v3;
	s7 =	sor.u32 s7, s5  }
0x4cb: {  	[tilespmem:s0+$0xFFFFFFF0] =	vst v2;
	s7 =	sshrl.u32 s7, $0x3  }
0x4cc: {  	s9 =	simm.s32 $0x12080;
	s10 =	simm.s32 $0x12280;
	[tilespmem:s0+$0xFFFFFF90] =	vst v0;
	s0 =	sadd.s32 s3, s7  }
0x4cd: {  	[hbm4b:s0+s4] =	stream.linear.scatter [tilespmem:s9], [sflag:$0x8], $0x80, $0x38;
	[tilespmem:$0x1E000] =	vst v63  }
0x4ce: {  	s15 =	simm.s32 $0x12480;
	s17 =	sand.u32 $0x380, s28;
	s8 =	sadd.s32 $0x80, s0  }
0x4cf: {  	[hbm4b:s8+s4] =	stream.linear.scatter [tilespmem:s10], [sflag:$0x8], $0x80, $0x38;
	[tilespmem:$0x1E000] =	vst v63  }
0x4d0: {  	s18 =	simm.s32 $0x12680;
	s5 =	sor.u32 s17, s5;
	s16 =	sadd.s32 $0x100, s0  }
0x4d1: {  	[hbm4b:s16+s4] =	stream.linear.scatter [tilespmem:s15], [sflag:$0x8], $0x80, $0x38;
	[tilespmem:$0x1E000] =	vst v63  }
0x4d2: {  	s20 =	simm.s32 $0x12880;
	s5 =	sshrl.u32 s5, $0x3;
	s9 =	sadd.s32 $0x180, s0  }
0x4d3: {  	[hbm4b:s9+s4] =	stream.linear.scatter [tilespmem:s18], [sflag:$0x8], $0x80, $0x38;
	[tilespmem:$0x1E000] =	vst v63  }
0x4d4: {  	s31 =	simm.s32 $0x12A80;
	s29 =	sadd.s32 s3, s5;
	s30 =	sadd.s32 $0x200, s0  }
0x4d5: {  	[hbm4b:s30+s4] =	stream.linear.scatter [tilespmem:s20], [sflag:$0x8], $0x80, $0x38;
	[tilespmem:$0x1E000] =	vst v63  }
0x4d6: {  	s7 =	simm.s32 $0x13480;
	s5 =	simm.s32 $0x14E80;
	s0 =	sadd.s32 $0x280, s0  }
0x4d7: {  	[hbm4b:s0+s4] =	stream.linear.scatter [tilespmem:s31], [sflag:$0x8], $0x80, $0x38;
	[tilespmem:$0x1E000] =	vst v63  }
0x4d8: {  	s8 =	simm.s32 $0x13280;
	s9 =	simm.s32 $0x12C80;
	s0 =	simm.s32 $0x0  }
.LBB2_53:
0x4d9: {  	s0 =	sadd.s32 $0x2, s0;
	s10 =	sadd.s32 $0xFFFFF600, s5;
	s28 =	sadd.s32 $0x100, s28  }
0x4da: {  	[hbm4b:s29+s4] =	stream.linear.scatter [tilespmem:s9], [sflag:$0x8], $0x80, $0x38;
	[tilespmem:$0x1E000] =	vst v63  }
0x4db: {  	s15 =	sadd.s32 $0xFFFFF800, s26;
	s16 =	sadd.s32 $0x80, s29;
	s9 =	sadd.s32 s23, s0  }
0x4dc: {  	[hbm4b:s16+s4] =	stream.linear.scatter [tilespmem:s15], [sflag:$0x8], $0x80, $0x38;
	[tilespmem:$0x1E000] =	vst v63  }
0x4dd: {  	s9 =	sshrl.u32 s9, $0x3;
	s15 =	sadd.s32 $0xFFFFFA00, s26;
	s16 =	sadd.s32 $0x180, s29  }
0x4de: {  	s18 =	sadd.s32 $0x100, s29;
	s17 =	sadd.s32 $0xFFFFFF80, s28;
	s9 =	smul.u32 $0x1800, s9  }
0x4df: {  	[hbm4b:s18+s4] =	stream.linear.scatter [tilespmem:s15], [sflag:$0x8], $0x80, $0x38;
	[tilespmem:$0x1E000] =	vst v63  }
0x4e0: {  	s9 =	sadd.s32 $0x600000, s9;
	s15 =	sand.u32 $0x300, s17;
	s17 =	sand.u32 $0x380, s28  }
0x4e1: {  	s15 =	sor.u32 s15, s9;
	s9 =	sor.u32 s17, s9;
	s17 =	sadd.s32 $0x280, s29  }
0x4e2: {  	[hbm4b:s16+s4] =	stream.linear.scatter [tilespmem:s8], [sflag:$0x8], $0x80, $0x38;
	[tilespmem:$0x1E000] =	vst v63  }
0x4e3: {  	s9 =	sshrl.u32 s9, $0x3;
	s8 =	sshrl.u32 s15, $0x3;
	s15 =	sadd.s32 $0x200, s29  }
0x4e4: {  	[hbm4b:s15+s4] =	stream.linear.scatter [tilespmem:s7], [sflag:$0x8], $0x80, $0x38;
	[tilespmem:$0x1E000] =	vst v63  }
0x4e5: {  	p1 =	slt.u32 s0, $0xE;
	s29 =	sadd.s32 s3, s9;
	s9 =	smov.u32 s10  }
0x4e6: {  	[hbm4b:s17+s4] =	stream.linear.scatter [tilespmem:s26], [sflag:$0x8], $0x80, $0x38;
	[tilespmem:$0x1E000] =	vst v63  }
0x4e7: {  	s10 =	sadd.s32 s3, s8;
	s7 =	sadd.s32 $0xFFFFEA00, s5;
	s26 =	smov.u32 s5  }
0x4e8: {  	[hbm4b:s10+s4] =	stream.linear.scatter [tilespmem:s7], [sflag:$0x8], $0x80, $0x38;
	[tilespmem:$0x1E000] =	vst v63  }
0x4e9: {  	s8 =	sadd.s32 $0x80, s10;
	s7 =	sadd.s32 $0xFFFFEC00, s5  }
0x4ea: {  	[hbm4b:s8+s4] =	stream.linear.scatter [tilespmem:s7], [sflag:$0x8], $0x80, $0x38;
	[tilespmem:$0x1E000] =	vst v63  }
0x4eb: {  	s7 =	sadd.s32 $0xFFFFEE00, s5;
	s8 =	sadd.s32 $0x100, s10  }
0x4ec: {  	[hbm4b:s8+s4] =	stream.linear.scatter [tilespmem:s7], [sflag:$0x8], $0x80, $0x38;
	[tilespmem:$0x1E000] =	vst v63  }
0x4ed: {  	s15 =	sadd.s32 $0x180, s10;
	s8 =	sadd.s32 $0xFFFFF000, s5;
	s7 =	sadd.s32 $0xFFFFFE00, s5  }
0x4ee: {  	[hbm4b:s15+s4] =	stream.linear.scatter [tilespmem:s8], [sflag:$0x8], $0x80, $0x38;
	[tilespmem:$0x1E000] =	vst v63  }
.Ltmp25:
0x4ef: {  	_ = 	snop;
	(pc) =	sbr.rel @p1 .LBB2_53-.Ltmp25, $4  }
0x4f0: {  	s16 =	sadd.s32 $0x200, s10;
	s15 =	sadd.s32 $0xFFFFF200, s5;
	s8 =	sadd.s32 $0xFFFFFC00, s5  }
0x4f1: {  	[hbm4b:s16+s4] =	stream.linear.scatter [tilespmem:s15], [sflag:$0x8], $0x80, $0x38;
	[tilespmem:$0x1E000] =	vst v63  }
0x4f2: {  	s10 =	sadd.s32 $0x280, s10;
	s5 =	sadd.s32 $0x1800, s5;
	s15 =	sadd.s32 $0xFFFFF400, s26  }
0x4f3: {  	[hbm4b:s10+s4] =	stream.linear.scatter [tilespmem:s15], [sflag:$0x8], $0x80, $0x38;
	[tilespmem:$0x1E000] =	vst v63  }
0x4f4: {  	[hbm4b:s29+s4] =	stream.linear.scatter [tilespmem:s9], [sflag:$0x8], $0x80, $0x38;
	[tilespmem:$0x1E000] =	vst v63  }
0x4f5: {  	s0 =	sadd.s32 $0xFFFFF800, s26;
	s5 =	sadd.s32 $0x80, s29  }
0x4f6: {  	[hbm4b:s5+s4] =	stream.linear.scatter [tilespmem:s0], [sflag:$0x8], $0x80, $0x38;
	[tilespmem:$0x1E000] =	vst v63  }
0x4f7: {  	s18 =	sadd.s32 $0xFFFFFA00, s26;
	s20 =	sadd.s32 $0x100, s29  }
0x4f8: {  	[hbm4b:s20+s4] =	stream.linear.scatter [tilespmem:s18], [sflag:$0x8], $0x80, $0x38;
	[tilespmem:$0x1E000] =	vst v63  }
0x4f9: {  	s28 =	sadd.s32 $0x180, s29  }
0x4fa: {  	[hbm4b:s28+s4] =	stream.linear.scatter [tilespmem:s8], [sflag:$0x8], $0x80, $0x38;
	[tilespmem:$0x1E000] =	vst v63  }
.Ltmp26:
0x4fb: {  	_ = 	snop;
	(pc) =	sbr.rel @p0 .LBB2_58-.Ltmp26, $4  }
0x4fc: {  	s30 =	sadd.s32 $0x200, s29  }
0x4fd: {  	[hbm4b:s30+s4] =	stream.linear.scatter [tilespmem:s7], [sflag:$0x8], $0x80, $0x38;
	[tilespmem:$0x1E000] =	vst v63  }
0x4fe: {  	s31 =	sadd.s32 $0x280, s29  }
0x4ff: {  	[hbm4b:s31+s4] =	stream.linear.scatter [tilespmem:s26], [sflag:$0x8], $0x80, $0x38;
	[tilespmem:$0x1E000] =	vst v63  }
0x500: {  	s0 =	sadd.s32 $0x0, s22  }
0x501: {  	s0 =	sshrl.u32 s0, $0x3  }
0x502: {  	s0 =	smul.u32 $0x1800, s0  }
0x503: {  	s5 =	simm.s32 $0x0  }
0x504: {  	s7 =	simm.s32 $0x80;
	s5 =	sand.u32 $0x300, s5;
	s0 =	sadd.s32 $0x600000, s0  }
0x505: {  	s28 =	simm.s32 $0x80;
	s8 =	simm.s32 $0x280;
	s5 =	sor.u32 s5, s0  }
0x506: {  	s26 =	simm.s32 $0x1680;
	s15 =	sand.u32 $0x380, s28;
	s5 =	sshrl.u32 s5, $0x3  }
0x507: {  	s10 =	simm.s32 $0x480;
	s0 =	sor.u32 s15, s0;
	s5 =	sadd.s32 s1, s5  }
0x508: {  	[tilespmem:s7], [sflag:$0x2] =	stream.linear.gather [hbm4b:s5+s4], $0x80, $0x38;
	[tilespmem:$0x1E000] =	vst v63  }
0x509: {  	s18 =	simm.s32 $0x880;
	s20 =	sshrl.u32 s0, $0x3;
	s31 =	sadd.s32 $0x80, s5  }
0x50a: {  	[tilespmem:s8], [sflag:$0x2] =	stream.linear.gather [hbm4b:s31+s4], $0x80, $0x38;
	[tilespmem:$0x1E000] =	vst v63  }
0x50b: {  	s0 =	simm.s32 $0x0;
	s29 =	sadd.s32 s1, s20;
	s9 =	sadd.s32 $0x100, s5  }
0x50c: {  	[tilespmem:s10], [sflag:$0x2] =	stream.linear.gather [hbm4b:s9+s4], $0x80, $0x38;
	[tilespmem:$0x1E000] =	vst v63  }
0x50d: {  	s16 =	sadd.s32 $0x180, s5;
	s17 =	sadd.s32 $0x200, s5;
	s9 =	simm.s32 $0x680  }
0x50e: {  	[tilespmem:s9], [sflag:$0x2] =	stream.linear.gather [hbm4b:s16+s4], $0x80, $0x38;
	[tilespmem:$0x1E000] =	vst v63  }
0x50f: {  	s30 =	sadd.s32 $0x280, s5;
	s7 =	simm.s32 $0x1480;
	s5 =	simm.s32 $0x2E80  }
0x510: {  	[tilespmem:s18], [sflag:$0x2] =	stream.linear.gather [hbm4b:s17+s4], $0x80, $0x38;
	[tilespmem:$0x1E000] =	vst v63  }
0x511: {  	s31 =	simm.s32 $0xA80;
	s8 =	simm.s32 $0x1280;
	s9 =	simm.s32 $0xC80  }
0x512: {  	[tilespmem:s31], [sflag:$0x2] =	stream.linear.gather [hbm4b:s30+s4], $0x80, $0x38;
	[tilespmem:$0x1E000] =	vst v63  }
.LBB2_56:
0x513: {  	s0 =	sadd.s32 $0x2, s0;
	s10 =	sadd.s32 $0xFFFFF600, s5;
	s28 =	sadd.s32 $0x100, s28  }
0x514: {  	[tilespmem:s9], [sflag:$0x2] =	stream.linear.gather [hbm4b:s29+s4], $0x80, $0x38;
	[tilespmem:$0x1E000] =	vst v63  }
0x515: {  	s15 =	sadd.s32 $0x80, s29;
	s16 =	sadd.s32 $0xFFFFF800, s26;
	s9 =	sadd.s32 s22, s0  }
0x516: {  	[tilespmem:s16], [sflag:$0x2] =	stream.linear.gather [hbm4b:s15+s4], $0x80, $0x38;
	[tilespmem:$0x1E000] =	vst v63  }
0x517: {  	s9 =	sshrl.u32 s9, $0x3;
	s15 =	sadd.s32 $0xFFFFFA00, s26;
	s16 =	sadd.s32 $0x180, s29  }
0x518: {  	s18 =	sadd.s32 $0x100, s29;
	s17 =	sadd.s32 $0xFFFFFF80, s28;
	s9 =	smul.u32 $0x1800, s9  }
0x519: {  	[tilespmem:s15], [sflag:$0x2] =	stream.linear.gather [hbm4b:s18+s4], $0x80, $0x38;
	[tilespmem:$0x1E000] =	vst v63  }
0x51a: {  	s9 =	sadd.s32 $0x600000, s9;
	s15 =	sand.u32 $0x300, s17;
	s17 =	sand.u32 $0x380, s28  }
0x51b: {  	s15 =	sor.u32 s15, s9;
	s9 =	sor.u32 s17, s9;
	s17 =	sadd.s32 $0x280, s29  }
0x51c: {  	[tilespmem:s8], [sflag:$0x2] =	stream.linear.gather [hbm4b:s16+s4], $0x80, $0x38;
	[tilespmem:$0x1E000] =	vst v63  }
0x51d: {  	s9 =	sshrl.u32 s9, $0x3;
	s8 =	sshrl.u32 s15, $0x3;
	s15 =	sadd.s32 $0x200, s29  }
0x51e: {  	[tilespmem:s7], [sflag:$0x2] =	stream.linear.gather [hbm4b:s15+s4], $0x80, $0x38;
	[tilespmem:$0x1E000] =	vst v63  }
0x51f: {  	p1 =	slt.u32 s0, $0xE;
	s29 =	sadd.s32 s1, s9;
	s9 =	smov.u32 s10  }
0x520: {  	[tilespmem:s26], [sflag:$0x2] =	stream.linear.gather [hbm4b:s17+s4], $0x80, $0x38;
	[tilespmem:$0x1E000] =	vst v63  }
0x521: {  	s10 =	sadd.s32 s1, s8;
	s7 =	sadd.s32 $0xFFFFEA00, s5;
	s26 =	smov.u32 s5  }
0x522: {  	[tilespmem:s7], [sflag:$0x2] =	stream.linear.gather [hbm4b:s10+s4], $0x80, $0x38;
	[tilespmem:$0x1E000] =	vst v63  }
0x523: {  	s8 =	sadd.s32 $0xFFFFEC00, s5;
	s7 =	sadd.s32 $0x80, s10  }
0x524: {  	[tilespmem:s8], [sflag:$0x2] =	stream.linear.gather [hbm4b:s7+s4], $0x80, $0x38;
	[tilespmem:$0x1E000] =	vst v63  }
0x525: {  	s7 =	sadd.s32 $0x100, s10;
	s8 =	sadd.s32 $0xFFFFEE00, s5  }
0x526: {  	[tilespmem:s8], [sflag:$0x2] =	stream.linear.gather [hbm4b:s7+s4], $0x80, $0x38;
	[tilespmem:$0x1E000] =	vst v63  }
0x527: {  	s15 =	sadd.s32 $0xFFFFF000, s5;
	s8 =	sadd.s32 $0x180, s10;
	s7 =	sadd.s32 $0xFFFFFE00, s5  }
0x528: {  	[tilespmem:s15], [sflag:$0x2] =	stream.linear.gather [hbm4b:s8+s4], $0x80, $0x38;
	[tilespmem:$0x1E000] =	vst v63  }
.Ltmp27:
0x529: {  	_ = 	snop;
	(pc) =	sbr.rel @p1 .LBB2_56-.Ltmp27, $4  }
0x52a: {  	s16 =	sadd.s32 $0xFFFFF200, s5;
	s15 =	sadd.s32 $0x200, s10;
	s8 =	sadd.s32 $0xFFFFFC00, s5  }
0x52b: {  	[tilespmem:s16], [sflag:$0x2] =	stream.linear.gather [hbm4b:s15+s4], $0x80, $0x38;
	[tilespmem:$0x1E000] =	vst v63  }
0x52c: {  	s10 =	sadd.s32 $0x280, s10;
	s5 =	sadd.s32 $0x1800, s5;
	s15 =	sadd.s32 $0xFFFFF400, s26  }
0x52d: {  	[tilespmem:s15], [sflag:$0x2] =	stream.linear.gather [hbm4b:s10+s4], $0x80, $0x38;
	[tilespmem:$0x1E000] =	vst v63  }
0x52e: {  	[tilespmem:s9], [sflag:$0x2] =	stream.linear.gather [hbm4b:s29+s4], $0x80, $0x38;
	[tilespmem:$0x1E000] =	vst v63  }
0x52f: {  	s0 =	sadd.s32 $0x80, s29;
	s5 =	sadd.s32 $0xFFFFF800, s26  }
0x530: {  	[tilespmem:s5], [sflag:$0x2] =	stream.linear.gather [hbm4b:s0+s4], $0x80, $0x38;
	[tilespmem:$0x1E000] =	vst v63  }
0x531: {  	s18 =	sadd.s32 $0xFFFFFA00, s26;
	s20 =	sadd.s32 $0x100, s29  }
0x532: {  	[tilespmem:s18], [sflag:$0x2] =	stream.linear.gather [hbm4b:s20+s4], $0x80, $0x38;
	[tilespmem:$0x1E000] =	vst v63  }
0x533: {  	s28 =	sadd.s32 $0x180, s29  }
0x534: {  	[tilespmem:s8], [sflag:$0x2] =	stream.linear.gather [hbm4b:s28+s4], $0x80, $0x38;
	[tilespmem:$0x1E000] =	vst v63  }
0x535: {  	s30 =	sadd.s32 $0x200, s29  }
0x536: {  	[tilespmem:s7], [sflag:$0x2] =	stream.linear.gather [hbm4b:s30+s4], $0x80, $0x38;
	[tilespmem:$0x1E000] =	vst v63  }
0x537: {  	s31 =	sadd.s32 $0x280, s29  }
0x538: {  	[tilespmem:s26], [sflag:$0x2] =	stream.linear.gather [hbm4b:s31+s4], $0x80, $0x38;
	[tilespmem:$0x1E000] =	vst v63  }
.LBB2_58:
0x539: {  	_ =	swait.ge [sflag:s13], $0x3000  }
0x53a: {  	[sflag:s13] =	ssyncset.done $0x0  }
0x53b: {  	s0 =	simm.s32 $0x9;
	[sflag:s13] =	ssyncadd.s32 $0xFFFFD000  }
0x53c: {  	_ =	swait.ge [sflag:s0], $0x3000  }
0x53d: {  	[sflag:s0] =	ssyncset.done $0x0  }
0x53e: {  	s8 =	simm.s32 $0x170;
	[sflag:s0] =	ssyncadd.s32 $0xFFFFD000  }
0x53f: {  	s5 =	simm.s32 $0xC0F0;
	v1 =	vld [tilespmem:s8+$0x0]  }
0x540: {  	v2 =	vld [tilespmem:s5+$0x0]  }
0x541: {  	v0 =	vld [tilespmem:s5+$0xFFFFFF90]  }
0x542: {  	v3 =	vld [tilespmem:s8+$0xFFFFFFA0]  }
0x543: {  	v4 =	vld [tilespmem:s5+$0xFFFFFFA0]  }
0x544: {  	v5 =	vld [tilespmem:s8+$0xFFFFFFB0]  }
0x545: {  	v6 =	vld [tilespmem:s5+$0xFFFFFFB0]  }
0x546: {  	v7 =	vld [tilespmem:s8+$0xFFFFFFC0]  }
0x547: {  	v8 =	vld [tilespmem:s5+$0xFFFFFFC0]  }
0x548: {  	v9 =	vld [tilespmem:s8+$0xFFFFFFD0]  }
0x549: {  	v10 =	vld [tilespmem:s5+$0xFFFFFFD0];
	v2 =	vadd.f32 v2, v1  }
0x54a: {  	s0 =	simm.s32 $0x12170;
	v3 =	vadd.f32 v4, v3;
	v1 =	vld [tilespmem:s8+$0xFFFFFFE0]  }
0x54b: {  	v5 =	vadd.f32 v6, v5;
	v4 =	vld [tilespmem:s5+$0xFFFFFFE0];
	[tilespmem:s0+$0x0] =	vst v2  }
0x54c: {  	v6 =	vadd.f32 v8, v7;
	[tilespmem:s0+$0xFFFFFFA0] =	vst v3;
	v2 =	vld [tilespmem:s8+$0xFFFFFFF0]  }
0x54d: {  	[tilespmem:s0+$0xFFFFFFB0] =	vst v5;
	v5 =	vld [tilespmem:s5+$0xFFFFFFF0]  }
0x54e: {  	s7 =	simm.s32 $0x0;
	v3 =	vld [tilespmem:s8+$0xFFFFFF90];
	[tilespmem:s0+$0xFFFFFFC0] =	vst v6;
	v6 =	vadd.f32 v10, v9;
	s8 =	simm.s32 $0x370  }
.LBB2_59:
0x54f: {  	v7 =	vld [tilespmem:s8+$0x0];
	s5 =	sadd.s32 $0x100, s5  }
0x550: {  	s7 =	sadd.s32 $0x80, s7;
	v8 =	vld [tilespmem:s5+$0x0];
	[tilespmem:s0+$0xFFFFFFD0] =	vst v6;
	v1 =	vadd.f32 v4, v1  }
0x551: {  	p1 =	slt.u32 s7, $0x2F80;
	v4 =	vld [tilespmem:s5+$0xFFFFFF90]  }
0x552: {  	v6 =	vld [tilespmem:s8+$0xFFFFFFA0];
	[tilespmem:s0+$0xFFFFFFE0] =	vst v1;
	v1 =	vadd.f32 v5, v2  }
0x553: {  	v2 =	vld [tilespmem:s5+$0xFFFFFFA0];
	v9 =	vadd.f32 v0, v3  }
0x554: {  	v3 =	vld [tilespmem:s8+$0xFFFFFFB0];
	[tilespmem:s0+$0xFFFFFFF0] =	vst v1  }
0x555: {  	v1 =	vld [tilespmem:s5+$0xFFFFFFB0];
	v5 =	vadd.f32 v8, v7;
	[tilespmem:s0+$0xFFFFFF90] =	vst v9  }
0x556: {  	s0 =	sadd.s32 $0x200, s0;
	v7 =	vld [tilespmem:s8+$0xFFFFFFC0];
	v0 =	vmov v4  }
0x557: {  	s26 =	simm.s32 $0x13700;
	s28 =	simm.s32 $0x80;
	v8 =	vld [tilespmem:s5+$0xFFFFFFC0];
	[tilespmem:s0+$0x0] =	vst v5  }
0x558: {  	v2 =	vadd.f32 v2, v6;
	v6 =	vld [tilespmem:s8+$0xFFFFFFD0]  }
0x559: {  	v9 =	vld [tilespmem:s5+$0xFFFFFFD0]  }
.Ltmp28:
0x55a: {  	[tilespmem:s0+$0xFFFFFFA0] =	vst v2;
	v2 =	vadd.f32 v1, v3;
	v1 =	vld [tilespmem:s8+$0xFFFFFFE0];
	(pc) =	sbr.rel @p1 .LBB2_59-.Ltmp28, $4  }
0x55b: {  	v4 =	vld [tilespmem:s5+$0xFFFFFFE0]  }
0x55c: {  	[tilespmem:s0+$0xFFFFFFB0] =	vst v2;
	v7 =	vadd.f32 v8, v7;
	v2 =	vld [tilespmem:s8+$0xFFFFFFF0]  }
0x55d: {  	v5 =	vld [tilespmem:s5+$0xFFFFFFF0]  }
0x55e: {  	v3 =	vld [tilespmem:s8+$0xFFFFFF90];
	[tilespmem:s0+$0xFFFFFFC0] =	vst v7;
	v6 =	vadd.f32 v9, v6;
	s8 =	sadd.s32 $0x200, s8  }
0x55f: {  	s5 =	sadd.s32 $0x0, s23  }
0x560: {  	s5 =	sshrl.u32 s5, $0x3  }
0x561: {  	s5 =	smul.u32 $0x1800, s5  }
0x562: {  	s7 =	simm.s32 $0x0;
	v1 =	vadd.f32 v4, v1  }
0x563: {  	[tilespmem:s0+$0xFFFFFFD0] =	vst v6;
	s7 =	sand.u32 $0x300, s7;
	v2 =	vadd.f32 v5, v2;
	s5 =	sadd.s32 $0xC00000, s5  }
0x564: {  	[tilespmem:s0+$0xFFFFFFE0] =	vst v1;
	v0 =	vadd.f32 v0, v3;
	s7 =	sor.u32 s7, s5  }
0x565: {  	[tilespmem:s0+$0xFFFFFFF0] =	vst v2;
	s7 =	sshrl.u32 s7, $0x3  }
0x566: {  	s9 =	simm.s32 $0x12100;
	s10 =	simm.s32 $0x12300;
	[tilespmem:s0+$0xFFFFFF90] =	vst v0;
	s0 =	sadd.s32 s3, s7  }
0x567: {  	[hbm4b:s0+s4] =	stream.linear.scatter [tilespmem:s9], [sflag:$0x9], $0x80, $0x38;
	[tilespmem:$0x1E000] =	vst v63  }
0x568: {  	s15 =	simm.s32 $0x12500;
	s17 =	sand.u32 $0x380, s28;
	s8 =	sadd.s32 $0x80, s0  }
0x569: {  	[hbm4b:s8+s4] =	stream.linear.scatter [tilespmem:s10], [sflag:$0x9], $0x80, $0x38;
	[tilespmem:$0x1E000] =	vst v63  }
0x56a: {  	s18 =	simm.s32 $0x12700;
	s5 =	sor.u32 s17, s5;
	s16 =	sadd.s32 $0x100, s0  }
0x56b: {  	[hbm4b:s16+s4] =	stream.linear.scatter [tilespmem:s15], [sflag:$0x9], $0x80, $0x38;
	[tilespmem:$0x1E000] =	vst v63  }
0x56c: {  	s20 =	simm.s32 $0x12900;
	s5 =	sshrl.u32 s5, $0x3;
	s9 =	sadd.s32 $0x180, s0  }
0x56d: {  	[hbm4b:s9+s4] =	stream.linear.scatter [tilespmem:s18], [sflag:$0x9], $0x80, $0x38;
	[tilespmem:$0x1E000] =	vst v63  }
0x56e: {  	s31 =	simm.s32 $0x12B00;
	s29 =	sadd.s32 s3, s5;
	s30 =	sadd.s32 $0x200, s0  }
0x56f: {  	[hbm4b:s30+s4] =	stream.linear.scatter [tilespmem:s20], [sflag:$0x9], $0x80, $0x38;
	[tilespmem:$0x1E000] =	vst v63  }
0x570: {  	s7 =	simm.s32 $0x13500;
	s5 =	simm.s32 $0x14F00;
	s0 =	sadd.s32 $0x280, s0  }
0x571: {  	[hbm4b:s0+s4] =	stream.linear.scatter [tilespmem:s31], [sflag:$0x9], $0x80, $0x38;
	[tilespmem:$0x1E000] =	vst v63  }
0x572: {  	s8 =	simm.s32 $0x13300;
	s9 =	simm.s32 $0x12D00;
	s0 =	simm.s32 $0x0  }
.LBB2_61:
0x573: {  	s0 =	sadd.s32 $0x2, s0;
	s10 =	sadd.s32 $0xFFFFF600, s5;
	s28 =	sadd.s32 $0x100, s28  }
0x574: {  	[hbm4b:s29+s4] =	stream.linear.scatter [tilespmem:s9], [sflag:$0x9], $0x80, $0x38;
	[tilespmem:$0x1E000] =	vst v63  }
0x575: {  	s15 =	sadd.s32 $0xFFFFF800, s26;
	s16 =	sadd.s32 $0x80, s29;
	s9 =	sadd.s32 s23, s0  }
0x576: {  	[hbm4b:s16+s4] =	stream.linear.scatter [tilespmem:s15], [sflag:$0x9], $0x80, $0x38;
	[tilespmem:$0x1E000] =	vst v63  }
0x577: {  	s9 =	sshrl.u32 s9, $0x3;
	s15 =	sadd.s32 $0xFFFFFA00, s26;
	s16 =	sadd.s32 $0x180, s29  }
0x578: {  	s18 =	sadd.s32 $0x100, s29;
	s17 =	sadd.s32 $0xFFFFFF80, s28;
	s9 =	smul.u32 $0x1800, s9  }
0x579: {  	[hbm4b:s18+s4] =	stream.linear.scatter [tilespmem:s15], [sflag:$0x9], $0x80, $0x38;
	[tilespmem:$0x1E000] =	vst v63  }
0x57a: {  	s9 =	sadd.s32 $0xC00000, s9;
	s15 =	sand.u32 $0x300, s17;
	s17 =	sand.u32 $0x380, s28  }
0x57b: {  	s15 =	sor.u32 s15, s9;
	s9 =	sor.u32 s17, s9;
	s17 =	sadd.s32 $0x280, s29  }
0x57c: {  	[hbm4b:s16+s4] =	stream.linear.scatter [tilespmem:s8], [sflag:$0x9], $0x80, $0x38;
	[tilespmem:$0x1E000] =	vst v63  }
0x57d: {  	s9 =	sshrl.u32 s9, $0x3;
	s8 =	sshrl.u32 s15, $0x3;
	s15 =	sadd.s32 $0x200, s29  }
0x57e: {  	[hbm4b:s15+s4] =	stream.linear.scatter [tilespmem:s7], [sflag:$0x9], $0x80, $0x38;
	[tilespmem:$0x1E000] =	vst v63  }
0x57f: {  	p1 =	slt.u32 s0, $0xE;
	s29 =	sadd.s32 s3, s9;
	s9 =	smov.u32 s10  }
0x580: {  	[hbm4b:s17+s4] =	stream.linear.scatter [tilespmem:s26], [sflag:$0x9], $0x80, $0x38;
	[tilespmem:$0x1E000] =	vst v63  }
0x581: {  	s10 =	sadd.s32 s3, s8;
	s7 =	sadd.s32 $0xFFFFEA00, s5;
	s26 =	smov.u32 s5  }
0x582: {  	[hbm4b:s10+s4] =	stream.linear.scatter [tilespmem:s7], [sflag:$0x9], $0x80, $0x38;
	[tilespmem:$0x1E000] =	vst v63  }
0x583: {  	s8 =	sadd.s32 $0x80, s10;
	s7 =	sadd.s32 $0xFFFFEC00, s5  }
0x584: {  	[hbm4b:s8+s4] =	stream.linear.scatter [tilespmem:s7], [sflag:$0x9], $0x80, $0x38;
	[tilespmem:$0x1E000] =	vst v63  }
0x585: {  	s7 =	sadd.s32 $0xFFFFEE00, s5;
	s8 =	sadd.s32 $0x100, s10  }
0x586: {  	[hbm4b:s8+s4] =	stream.linear.scatter [tilespmem:s7], [sflag:$0x9], $0x80, $0x38;
	[tilespmem:$0x1E000] =	vst v63  }
0x587: {  	s15 =	sadd.s32 $0x180, s10;
	s8 =	sadd.s32 $0xFFFFF000, s5;
	s7 =	sadd.s32 $0xFFFFFE00, s5  }
0x588: {  	[hbm4b:s15+s4] =	stream.linear.scatter [tilespmem:s8], [sflag:$0x9], $0x80, $0x38;
	[tilespmem:$0x1E000] =	vst v63  }
.Ltmp29:
0x589: {  	_ = 	snop;
	(pc) =	sbr.rel @p1 .LBB2_61-.Ltmp29, $4  }
0x58a: {  	s16 =	sadd.s32 $0x200, s10;
	s15 =	sadd.s32 $0xFFFFF200, s5;
	s8 =	sadd.s32 $0xFFFFFC00, s5  }
0x58b: {  	[hbm4b:s16+s4] =	stream.linear.scatter [tilespmem:s15], [sflag:$0x9], $0x80, $0x38;
	[tilespmem:$0x1E000] =	vst v63  }
0x58c: {  	s10 =	sadd.s32 $0x280, s10;
	s5 =	sadd.s32 $0x1800, s5;
	s15 =	sadd.s32 $0xFFFFF400, s26  }
0x58d: {  	[hbm4b:s10+s4] =	stream.linear.scatter [tilespmem:s15], [sflag:$0x9], $0x80, $0x38;
	[tilespmem:$0x1E000] =	vst v63  }
0x58e: {  	[hbm4b:s29+s4] =	stream.linear.scatter [tilespmem:s9], [sflag:$0x9], $0x80, $0x38;
	[tilespmem:$0x1E000] =	vst v63  }
0x58f: {  	s0 =	sadd.s32 $0xFFFFF800, s26;
	s5 =	sadd.s32 $0x80, s29  }
0x590: {  	[hbm4b:s5+s4] =	stream.linear.scatter [tilespmem:s0], [sflag:$0x9], $0x80, $0x38;
	[tilespmem:$0x1E000] =	vst v63  }
0x591: {  	s18 =	sadd.s32 $0xFFFFFA00, s26;
	s20 =	sadd.s32 $0x100, s29  }
0x592: {  	[hbm4b:s20+s4] =	stream.linear.scatter [tilespmem:s18], [sflag:$0x9], $0x80, $0x38;
	[tilespmem:$0x1E000] =	vst v63  }
0x593: {  	s28 =	sadd.s32 $0x180, s29  }
0x594: {  	[hbm4b:s28+s4] =	stream.linear.scatter [tilespmem:s8], [sflag:$0x9], $0x80, $0x38;
	[tilespmem:$0x1E000] =	vst v63  }
.Ltmp30:
0x595: {  	_ = 	snop;
	(pc) =	sbr.rel @p0 .LBB2_66-.Ltmp30, $4  }
0x596: {  	s30 =	sadd.s32 $0x200, s29  }
0x597: {  	[hbm4b:s30+s4] =	stream.linear.scatter [tilespmem:s7], [sflag:$0x9], $0x80, $0x38;
	[tilespmem:$0x1E000] =	vst v63  }
0x598: {  	s31 =	sadd.s32 $0x280, s29  }
0x599: {  	[hbm4b:s31+s4] =	stream.linear.scatter [tilespmem:s26], [sflag:$0x9], $0x80, $0x38;
	[tilespmem:$0x1E000] =	vst v63  }
0x59a: {  	s0 =	sadd.s32 $0x0, s22  }
0x59b: {  	s0 =	sshrl.u32 s0, $0x3  }
0x59c: {  	s0 =	smul.u32 $0x1800, s0  }
0x59d: {  	s5 =	simm.s32 $0x0  }
0x59e: {  	s7 =	simm.s32 $0x100;
	s5 =	sand.u32 $0x300, s5;
	s0 =	sadd.s32 $0xC00000, s0  }
0x59f: {  	s28 =	simm.s32 $0x80;
	s8 =	simm.s32 $0x300;
	s5 =	sor.u32 s5, s0  }
0x5a0: {  	s26 =	simm.s32 $0x1700;
	s15 =	sand.u32 $0x380, s28;
	s5 =	sshrl.u32 s5, $0x3  }
0x5a1: {  	s10 =	simm.s32 $0x500;
	s0 =	sor.u32 s15, s0;
	s5 =	sadd.s32 s1, s5  }
0x5a2: {  	[tilespmem:s7], [sflag:$0x3] =	stream.linear.gather [hbm4b:s5+s4], $0x80, $0x38;
	[tilespmem:$0x1E000] =	vst v63  }
0x5a3: {  	s18 =	simm.s32 $0x900;
	s20 =	sshrl.u32 s0, $0x3;
	s31 =	sadd.s32 $0x80, s5  }
0x5a4: {  	[tilespmem:s8], [sflag:$0x3] =	stream.linear.gather [hbm4b:s31+s4], $0x80, $0x38;
	[tilespmem:$0x1E000] =	vst v63  }
0x5a5: {  	s0 =	simm.s32 $0x0;
	s29 =	sadd.s32 s1, s20;
	s9 =	sadd.s32 $0x100, s5  }
0x5a6: {  	[tilespmem:s10], [sflag:$0x3] =	stream.linear.gather [hbm4b:s9+s4], $0x80, $0x38;
	[tilespmem:$0x1E000] =	vst v63  }
0x5a7: {  	s16 =	sadd.s32 $0x180, s5;
	s17 =	sadd.s32 $0x200, s5;
	s9 =	simm.s32 $0x700  }
0x5a8: {  	[tilespmem:s9], [sflag:$0x3] =	stream.linear.gather [hbm4b:s16+s4], $0x80, $0x38;
	[tilespmem:$0x1E000] =	vst v63  }
0x5a9: {  	s30 =	sadd.s32 $0x280, s5;
	s7 =	simm.s32 $0x1500;
	s5 =	simm.s32 $0x2F00  }
0x5aa: {  	[tilespmem:s18], [sflag:$0x3] =	stream.linear.gather [hbm4b:s17+s4], $0x80, $0x38;
	[tilespmem:$0x1E000] =	vst v63  }
0x5ab: {  	s31 =	simm.s32 $0xB00;
	s8 =	simm.s32 $0x1300;
	s9 =	simm.s32 $0xD00  }
0x5ac: {  	[tilespmem:s31], [sflag:$0x3] =	stream.linear.gather [hbm4b:s30+s4], $0x80, $0x38;
	[tilespmem:$0x1E000] =	vst v63  }
.LBB2_64:
0x5ad: {  	s0 =	sadd.s32 $0x2, s0;
	s10 =	sadd.s32 $0xFFFFF600, s5;
	s28 =	sadd.s32 $0x100, s28  }
0x5ae: {  	[tilespmem:s9], [sflag:$0x3] =	stream.linear.gather [hbm4b:s29+s4], $0x80, $0x38;
	[tilespmem:$0x1E000] =	vst v63  }
0x5af: {  	s15 =	sadd.s32 $0x80, s29;
	s16 =	sadd.s32 $0xFFFFF800, s26;
	s9 =	sadd.s32 s22, s0  }
0x5b0: {  	[tilespmem:s16], [sflag:$0x3] =	stream.linear.gather [hbm4b:s15+s4], $0x80, $0x38;
	[tilespmem:$0x1E000] =	vst v63  }
0x5b1: {  	s9 =	sshrl.u32 s9, $0x3;
	s15 =	sadd.s32 $0xFFFFFA00, s26;
	s16 =	sadd.s32 $0x180, s29  }
0x5b2: {  	s18 =	sadd.s32 $0x100, s29;
	s17 =	sadd.s32 $0xFFFFFF80, s28;
	s9 =	smul.u32 $0x1800, s9  }
0x5b3: {  	[tilespmem:s15], [sflag:$0x3] =	stream.linear.gather [hbm4b:s18+s4], $0x80, $0x38;
	[tilespmem:$0x1E000] =	vst v63  }
0x5b4: {  	s9 =	sadd.s32 $0xC00000, s9;
	s15 =	sand.u32 $0x300, s17;
	s17 =	sand.u32 $0x380, s28  }
0x5b5: {  	s15 =	sor.u32 s15, s9;
	s9 =	sor.u32 s17, s9;
	s17 =	sadd.s32 $0x280, s29  }
0x5b6: {  	[tilespmem:s8], [sflag:$0x3] =	stream.linear.gather [hbm4b:s16+s4], $0x80, $0x38;
	[tilespmem:$0x1E000] =	vst v63  }
0x5b7: {  	s9 =	sshrl.u32 s9, $0x3;
	s8 =	sshrl.u32 s15, $0x3;
	s15 =	sadd.s32 $0x200, s29  }
0x5b8: {  	[tilespmem:s7], [sflag:$0x3] =	stream.linear.gather [hbm4b:s15+s4], $0x80, $0x38;
	[tilespmem:$0x1E000] =	vst v63  }
0x5b9: {  	p0 =	slt.u32 s0, $0xE;
	s29 =	sadd.s32 s1, s9;
	s9 =	smov.u32 s10  }
0x5ba: {  	[tilespmem:s26], [sflag:$0x3] =	stream.linear.gather [hbm4b:s17+s4], $0x80, $0x38;
	[tilespmem:$0x1E000] =	vst v63  }
0x5bb: {  	s10 =	sadd.s32 s1, s8;
	s7 =	sadd.s32 $0xFFFFEA00, s5;
	s26 =	smov.u32 s5  }
0x5bc: {  	[tilespmem:s7], [sflag:$0x3] =	stream.linear.gather [hbm4b:s10+s4], $0x80, $0x38;
	[tilespmem:$0x1E000] =	vst v63  }
0x5bd: {  	s8 =	sadd.s32 $0xFFFFEC00, s5;
	s7 =	sadd.s32 $0x80, s10  }
0x5be: {  	[tilespmem:s8], [sflag:$0x3] =	stream.linear.gather [hbm4b:s7+s4], $0x80, $0x38;
	[tilespmem:$0x1E000] =	vst v63  }
0x5bf: {  	s7 =	sadd.s32 $0x100, s10;
	s8 =	sadd.s32 $0xFFFFEE00, s5  }
0x5c0: {  	[tilespmem:s8], [sflag:$0x3] =	stream.linear.gather [hbm4b:s7+s4], $0x80, $0x38;
	[tilespmem:$0x1E000] =	vst v63  }
0x5c1: {  	s15 =	sadd.s32 $0xFFFFF000, s5;
	s8 =	sadd.s32 $0x180, s10;
	s7 =	sadd.s32 $0xFFFFFE00, s5  }
0x5c2: {  	[tilespmem:s15], [sflag:$0x3] =	stream.linear.gather [hbm4b:s8+s4], $0x80, $0x38;
	[tilespmem:$0x1E000] =	vst v63  }
.Ltmp31:
0x5c3: {  	_ = 	snop;
	(pc) =	sbr.rel @p0 .LBB2_64-.Ltmp31, $4  }
0x5c4: {  	s16 =	sadd.s32 $0xFFFFF200, s5;
	s15 =	sadd.s32 $0x200, s10;
	s8 =	sadd.s32 $0xFFFFFC00, s5  }
0x5c5: {  	[tilespmem:s16], [sflag:$0x3] =	stream.linear.gather [hbm4b:s15+s4], $0x80, $0x38;
	[tilespmem:$0x1E000] =	vst v63  }
0x5c6: {  	s10 =	sadd.s32 $0x280, s10;
	s5 =	sadd.s32 $0x1800, s5;
	s15 =	sadd.s32 $0xFFFFF400, s26  }
0x5c7: {  	[tilespmem:s15], [sflag:$0x3] =	stream.linear.gather [hbm4b:s10+s4], $0x80, $0x38;
	[tilespmem:$0x1E000] =	vst v63  }
0x5c8: {  	[tilespmem:s9], [sflag:$0x3] =	stream.linear.gather [hbm4b:s29+s4], $0x80, $0x38;
	[tilespmem:$0x1E000] =	vst v63  }
0x5c9: {  	s0 =	sadd.s32 $0x80, s29;
	s5 =	sadd.s32 $0xFFFFF800, s26  }
0x5ca: {  	[tilespmem:s5], [sflag:$0x3] =	stream.linear.gather [hbm4b:s0+s4], $0x80, $0x38;
	[tilespmem:$0x1E000] =	vst v63  }
0x5cb: {  	s18 =	sadd.s32 $0xFFFFFA00, s26;
	s20 =	sadd.s32 $0x100, s29  }
0x5cc: {  	[tilespmem:s18], [sflag:$0x3] =	stream.linear.gather [hbm4b:s20+s4], $0x80, $0x38;
	[tilespmem:$0x1E000] =	vst v63  }
0x5cd: {  	s28 =	sadd.s32 $0x180, s29  }
0x5ce: {  	[tilespmem:s8], [sflag:$0x3] =	stream.linear.gather [hbm4b:s28+s4], $0x80, $0x38;
	[tilespmem:$0x1E000] =	vst v63  }
0x5cf: {  	s30 =	sadd.s32 $0x200, s29  }
0x5d0: {  	[tilespmem:s7], [sflag:$0x3] =	stream.linear.gather [hbm4b:s30+s4], $0x80, $0x38;
	[tilespmem:$0x1E000] =	vst v63  }
0x5d1: {  	s31 =	sadd.s32 $0x280, s29  }
0x5d2: {  	[tilespmem:s26], [sflag:$0x3] =	stream.linear.gather [hbm4b:s31+s4], $0x80, $0x38;
	[tilespmem:$0x1E000] =	vst v63  }
.LBB2_66:
0x5d3: {  	_ =	swait.ge [sflag:s14], $0x3000  }
0x5d4: {  	[sflag:s14] =	ssyncset.done $0x0  }
0x5d5: {  	[sflag:s14] =	ssyncadd.s32 $0xFFFFD000  }
0x5d6: {  	_ =	swait.ge [sflag:s19], $0x3000  }
0x5d7: {  	[sflag:s19] =	ssyncset.done $0x0  }
0x5d8: {  	s8 =	simm.s32 $0x1F0;
	[sflag:s19] =	ssyncadd.s32 $0xFFFFD000  }
0x5d9: {  	s5 =	simm.s32 $0xC0F0;
	v1 =	vld [tilespmem:s8+$0x0]  }
0x5da: {  	v2 =	vld [tilespmem:s5+$0x0]  }
0x5db: {  	v0 =	vld [tilespmem:s5+$0xFFFFFF90]  }
0x5dc: {  	v3 =	vld [tilespmem:s8+$0xFFFFFFA0]  }
0x5dd: {  	v4 =	vld [tilespmem:s5+$0xFFFFFFA0]  }
0x5de: {  	v5 =	vld [tilespmem:s8+$0xFFFFFFB0]  }
0x5df: {  	v6 =	vld [tilespmem:s5+$0xFFFFFFB0]  }
0x5e0: {  	v7 =	vld [tilespmem:s8+$0xFFFFFFC0]  }
0x5e1: {  	v8 =	vld [tilespmem:s5+$0xFFFFFFC0]  }
0x5e2: {  	v9 =	vld [tilespmem:s8+$0xFFFFFFD0]  }
0x5e3: {  	v10 =	vld [tilespmem:s5+$0xFFFFFFD0];
	v2 =	vadd.f32 v2, v1  }
0x5e4: {  	s0 =	simm.s32 $0x121F0;
	v3 =	vadd.f32 v4, v3;
	v1 =	vld [tilespmem:s8+$0xFFFFFFE0]  }
0x5e5: {  	v5 =	vadd.f32 v6, v5;
	v4 =	vld [tilespmem:s5+$0xFFFFFFE0];
	[tilespmem:s0+$0x0] =	vst v2  }
0x5e6: {  	v6 =	vadd.f32 v8, v7;
	[tilespmem:s0+$0xFFFFFFA0] =	vst v3;
	v2 =	vld [tilespmem:s8+$0xFFFFFFF0]  }
0x5e7: {  	[tilespmem:s0+$0xFFFFFFB0] =	vst v5;
	v5 =	vld [tilespmem:s5+$0xFFFFFFF0]  }
0x5e8: {  	s7 =	simm.s32 $0x0;
	v3 =	vld [tilespmem:s8+$0xFFFFFF90];
	[tilespmem:s0+$0xFFFFFFC0] =	vst v6;
	v6 =	vadd.f32 v10, v9;
	s8 =	simm.s32 $0x3F0  }
.LBB2_67:
0x5e9: {  	v7 =	vld [tilespmem:s8+$0x0];
	s5 =	sadd.s32 $0x100, s5  }
0x5ea: {  	s7 =	sadd.s32 $0x80, s7;
	v8 =	vld [tilespmem:s5+$0x0];
	[tilespmem:s0+$0xFFFFFFD0] =	vst v6;
	v1 =	vadd.f32 v4, v1  }
0x5eb: {  	p0 =	slt.u32 s7, $0x2F80;
	v4 =	vld [tilespmem:s5+$0xFFFFFF90]  }
0x5ec: {  	v6 =	vld [tilespmem:s8+$0xFFFFFFA0];
	[tilespmem:s0+$0xFFFFFFE0] =	vst v1;
	v1 =	vadd.f32 v5, v2  }
0x5ed: {  	v2 =	vld [tilespmem:s5+$0xFFFFFFA0];
	v9 =	vadd.f32 v0, v3  }
0x5ee: {  	v3 =	vld [tilespmem:s8+$0xFFFFFFB0];
	[tilespmem:s0+$0xFFFFFFF0] =	vst v1  }
0x5ef: {  	v1 =	vld [tilespmem:s5+$0xFFFFFFB0];
	v5 =	vadd.f32 v8, v7;
	[tilespmem:s0+$0xFFFFFF90] =	vst v9  }
0x5f0: {  	s0 =	sadd.s32 $0x200, s0;
	v7 =	vld [tilespmem:s8+$0xFFFFFFC0];
	v0 =	vmov v4  }
0x5f1: {  	s26 =	simm.s32 $0x13780;
	s28 =	simm.s32 $0x80;
	v8 =	vld [tilespmem:s5+$0xFFFFFFC0];
	[tilespmem:s0+$0x0] =	vst v5  }
0x5f2: {  	v2 =	vadd.f32 v2, v6;
	v6 =	vld [tilespmem:s8+$0xFFFFFFD0]  }
0x5f3: {  	v9 =	vld [tilespmem:s5+$0xFFFFFFD0]  }
.Ltmp32:
0x5f4: {  	[tilespmem:s0+$0xFFFFFFA0] =	vst v2;
	v2 =	vadd.f32 v1, v3;
	v1 =	vld [tilespmem:s8+$0xFFFFFFE0];
	(pc) =	sbr.rel @p0 .LBB2_67-.Ltmp32, $4  }
0x5f5: {  	v4 =	vld [tilespmem:s5+$0xFFFFFFE0]  }
0x5f6: {  	[tilespmem:s0+$0xFFFFFFB0] =	vst v2;
	v7 =	vadd.f32 v8, v7;
	v2 =	vld [tilespmem:s8+$0xFFFFFFF0]  }
0x5f7: {  	v5 =	vld [tilespmem:s5+$0xFFFFFFF0]  }
0x5f8: {  	v3 =	vld [tilespmem:s8+$0xFFFFFF90];
	[tilespmem:s0+$0xFFFFFFC0] =	vst v7;
	v6 =	vadd.f32 v9, v6;
	s8 =	sadd.s32 $0x200, s8  }
0x5f9: {  	s5 =	sadd.s32 $0x0, s23  }
0x5fa: {  	s5 =	sshrl.u32 s5, $0x3  }
0x5fb: {  	s5 =	smul.u32 $0x1800, s5  }
0x5fc: {  	s7 =	simm.s32 $0x0;
	v1 =	vadd.f32 v4, v1  }
0x5fd: {  	[tilespmem:s0+$0xFFFFFFD0] =	vst v6;
	s7 =	sand.u32 $0x300, s7;
	v2 =	vadd.f32 v5, v2;
	s5 =	sadd.s32 $0x1200000, s5  }
0x5fe: {  	[tilespmem:s0+$0xFFFFFFE0] =	vst v1;
	v0 =	vadd.f32 v0, v3;
	s7 =	sor.u32 s7, s5  }
0x5ff: {  	[tilespmem:s0+$0xFFFFFFF0] =	vst v2;
	s7 =	sshrl.u32 s7, $0x3  }
0x600: {  	s9 =	simm.s32 $0x12180;
	s10 =	simm.s32 $0x12380;
	[tilespmem:s0+$0xFFFFFF90] =	vst v0;
	s0 =	sadd.s32 s3, s7  }
0x601: {  	[hbm4b:s0+s4] =	stream.linear.scatter [tilespmem:s9], [sflag:$0xA], $0x80, $0x38;
	[tilespmem:$0x1E000] =	vst v63  }
0x602: {  	s15 =	simm.s32 $0x12580;
	s17 =	sand.u32 $0x380, s28;
	s8 =	sadd.s32 $0x80, s0  }
0x603: {  	[hbm4b:s8+s4] =	stream.linear.scatter [tilespmem:s10], [sflag:$0xA], $0x80, $0x38;
	[tilespmem:$0x1E000] =	vst v63  }
0x604: {  	s18 =	simm.s32 $0x12780;
	s5 =	sor.u32 s17, s5;
	s16 =	sadd.s32 $0x100, s0  }
0x605: {  	[hbm4b:s16+s4] =	stream.linear.scatter [tilespmem:s15], [sflag:$0xA], $0x80, $0x38;
	[tilespmem:$0x1E000] =	vst v63  }
0x606: {  	s20 =	simm.s32 $0x12980;
	s5 =	sshrl.u32 s5, $0x3;
	s9 =	sadd.s32 $0x180, s0  }
0x607: {  	[hbm4b:s9+s4] =	stream.linear.scatter [tilespmem:s18], [sflag:$0xA], $0x80, $0x38;
	[tilespmem:$0x1E000] =	vst v63  }
0x608: {  	s31 =	simm.s32 $0x12B80;
	s29 =	sadd.s32 s3, s5;
	s30 =	sadd.s32 $0x200, s0  }
0x609: {  	[hbm4b:s30+s4] =	stream.linear.scatter [tilespmem:s20], [sflag:$0xA], $0x80, $0x38;
	[tilespmem:$0x1E000] =	vst v63  }
0x60a: {  	s7 =	simm.s32 $0x13580;
	s5 =	simm.s32 $0x14F80;
	s0 =	sadd.s32 $0x280, s0  }
0x60b: {  	[hbm4b:s0+s4] =	stream.linear.scatter [tilespmem:s31], [sflag:$0xA], $0x80, $0x38;
	[tilespmem:$0x1E000] =	vst v63  }
0x60c: {  	s8 =	simm.s32 $0x13380;
	s9 =	simm.s32 $0x12D80;
	s0 =	simm.s32 $0x0  }
.LBB2_69:
0x60d: {  	s0 =	sadd.s32 $0x2, s0;
	s10 =	sadd.s32 $0xFFFFF600, s5;
	s28 =	sadd.s32 $0x100, s28  }
0x60e: {  	[hbm4b:s29+s4] =	stream.linear.scatter [tilespmem:s9], [sflag:$0xA], $0x80, $0x38;
	[tilespmem:$0x1E000] =	vst v63  }
0x60f: {  	s15 =	sadd.s32 $0xFFFFF800, s26;
	s16 =	sadd.s32 $0x80, s29;
	s9 =	sadd.s32 s23, s0  }
0x610: {  	[hbm4b:s16+s4] =	stream.linear.scatter [tilespmem:s15], [sflag:$0xA], $0x80, $0x38;
	[tilespmem:$0x1E000] =	vst v63  }
0x611: {  	s9 =	sshrl.u32 s9, $0x3;
	s15 =	sadd.s32 $0xFFFFFA00, s26;
	s16 =	sadd.s32 $0x180, s29  }
0x612: {  	s18 =	sadd.s32 $0x100, s29;
	s17 =	sadd.s32 $0xFFFFFF80, s28;
	s9 =	smul.u32 $0x1800, s9  }
0x613: {  	[hbm4b:s18+s4] =	stream.linear.scatter [tilespmem:s15], [sflag:$0xA], $0x80, $0x38;
	[tilespmem:$0x1E000] =	vst v63  }
0x614: {  	s9 =	sadd.s32 $0x1200000, s9;
	s15 =	sand.u32 $0x300, s17;
	s17 =	sand.u32 $0x380, s28  }
0x615: {  	s15 =	sor.u32 s15, s9;
	s9 =	sor.u32 s17, s9;
	s17 =	sadd.s32 $0x280, s29  }
0x616: {  	[hbm4b:s16+s4] =	stream.linear.scatter [tilespmem:s8], [sflag:$0xA], $0x80, $0x38;
	[tilespmem:$0x1E000] =	vst v63  }
0x617: {  	s9 =	sshrl.u32 s9, $0x3;
	s8 =	sshrl.u32 s15, $0x3;
	s15 =	sadd.s32 $0x200, s29  }
0x618: {  	[hbm4b:s15+s4] =	stream.linear.scatter [tilespmem:s7], [sflag:$0xA], $0x80, $0x38;
	[tilespmem:$0x1E000] =	vst v63  }
0x619: {  	p0 =	slt.u32 s0, $0xE;
	s29 =	sadd.s32 s3, s9;
	s9 =	smov.u32 s10  }
0x61a: {  	[hbm4b:s17+s4] =	stream.linear.scatter [tilespmem:s26], [sflag:$0xA], $0x80, $0x38;
	[tilespmem:$0x1E000] =	vst v63  }
0x61b: {  	s10 =	sadd.s32 s3, s8;
	s7 =	sadd.s32 $0xFFFFEA00, s5;
	s26 =	smov.u32 s5  }
0x61c: {  	[hbm4b:s10+s4] =	stream.linear.scatter [tilespmem:s7], [sflag:$0xA], $0x80, $0x38;
	[tilespmem:$0x1E000] =	vst v63  }
0x61d: {  	s8 =	sadd.s32 $0x80, s10;
	s7 =	sadd.s32 $0xFFFFEC00, s5  }
0x61e: {  	[hbm4b:s8+s4] =	stream.linear.scatter [tilespmem:s7], [sflag:$0xA], $0x80, $0x38;
	[tilespmem:$0x1E000] =	vst v63  }
0x61f: {  	s7 =	sadd.s32 $0xFFFFEE00, s5;
	s8 =	sadd.s32 $0x100, s10  }
0x620: {  	[hbm4b:s8+s4] =	stream.linear.scatter [tilespmem:s7], [sflag:$0xA], $0x80, $0x38;
	[tilespmem:$0x1E000] =	vst v63  }
0x621: {  	s15 =	sadd.s32 $0x180, s10;
	s8 =	sadd.s32 $0xFFFFF000, s5;
	s7 =	sadd.s32 $0xFFFFFE00, s5  }
0x622: {  	[hbm4b:s15+s4] =	stream.linear.scatter [tilespmem:s8], [sflag:$0xA], $0x80, $0x38;
	[tilespmem:$0x1E000] =	vst v63  }
.Ltmp33:
0x623: {  	_ = 	snop;
	(pc) =	sbr.rel @p0 .LBB2_69-.Ltmp33, $4  }
0x624: {  	s16 =	sadd.s32 $0x200, s10;
	s15 =	sadd.s32 $0xFFFFF200, s5;
	s8 =	sadd.s32 $0xFFFFFC00, s5  }
0x625: {  	[hbm4b:s16+s4] =	stream.linear.scatter [tilespmem:s15], [sflag:$0xA], $0x80, $0x38;
	[tilespmem:$0x1E000] =	vst v63  }
0x626: {  	s10 =	sadd.s32 $0x280, s10;
	s5 =	sadd.s32 $0x1800, s5;
	s15 =	sadd.s32 $0xFFFFF400, s26  }
0x627: {  	[hbm4b:s10+s4] =	stream.linear.scatter [tilespmem:s15], [sflag:$0xA], $0x80, $0x38;
	[tilespmem:$0x1E000] =	vst v63  }
0x628: {  	[hbm4b:s29+s4] =	stream.linear.scatter [tilespmem:s9], [sflag:$0xA], $0x80, $0x38;
	[tilespmem:$0x1E000] =	vst v63  }
0x629: {  	s0 =	sadd.s32 $0xFFFFF800, s26;
	s5 =	sadd.s32 $0x80, s29  }
0x62a: {  	[hbm4b:s5+s4] =	stream.linear.scatter [tilespmem:s0], [sflag:$0xA], $0x80, $0x38;
	[tilespmem:$0x1E000] =	vst v63  }
0x62b: {  	s18 =	sadd.s32 $0xFFFFFA00, s26;
	s20 =	sadd.s32 $0x100, s29;
	s25 =	sadd.s32 $0x1, s25  }
0x62c: {  	[hbm4b:s20+s4] =	stream.linear.scatter [tilespmem:s18], [sflag:$0xA], $0x80, $0x38;
	[tilespmem:$0x1E000] =	vst v63  }
0x62d: {  	s28 =	sadd.s32 $0x180, s29;
	p0 =	sne.s32 s25, $0x8  }
0x62e: {  	[hbm4b:s28+s4] =	stream.linear.scatter [tilespmem:s8], [sflag:$0xA], $0x80, $0x38;
	[tilespmem:$0x1E000] =	vst v63  }
.Ltmp34:
0x62f: {  	_ = 	snop;
	(pc) =	sbr.rel @p0 .LBB2_10-.Ltmp34, $4  }
0x630: {  	s30 =	sadd.s32 $0x200, s29;
	s31 =	sadd.s32 $0x280, s29;
	s24 =	sadd.s32 $0x20, s24  }
0x631: {  	[hbm4b:s30+s4] =	stream.linear.scatter [tilespmem:s7], [sflag:$0xA], $0x80, $0x38;
	[tilespmem:$0x1E000] =	vst v63  }
0x632: {  	s23 =	sadd.s32 $0x20, s23;
	s21 =	sadd.s32 $0x1000, s21;
	s22 =	sadd.s32 $0x20, s22  }
0x633: {  	[hbm4b:s31+s4] =	stream.linear.scatter [tilespmem:s26], [sflag:$0xA], $0x80, $0x38;
	[tilespmem:$0x1E000] =	vst v63  }
0x634: {  	s0 =	simm.s32 $0x7  }
0x635: {  	_ =	swait.ge [sflag:s0], $0x3000  }
0x636: {  	[sflag:s0] =	ssyncset.done $0x0  }
0x637: {  	s29 =	simm.s32 $0x8;
	[sflag:s0] =	ssyncadd.s32 $0xFFFFD000  }
0x638: {  	_ =	swait.ge [sflag:s29], $0x3000  }
0x639: {  	[sflag:s29] =	ssyncset.done $0x0  }
0x63a: {  	s30 =	simm.s32 $0x9;
	[sflag:s29] =	ssyncadd.s32 $0xFFFFD000  }
0x63b: {  	_ =	swait.ge [sflag:s30], $0x3000  }
0x63c: {  	[sflag:s30] =	ssyncset.done $0x0  }
0x63d: {  	[sflag:s30] =	ssyncadd.s32 $0xFFFFD000  }
0x63e: {  	_ =	swait.ge [sflag:s19], $0x3000  }
0x63f: {  	s5 =	rddreg [dreg:$0x8]  }
0x640: {  	s31 =	rddreg [dreg:$0x5];
	s5 =	sadd.s32 $0x1, s5  }
0x641: {  	p0 =	sne.s32 s5, s31  }
.Ltmp35:
0x642: {  	_ = 	snop;
	(pc) =	sbr.rel @p0 .LBB2_1-.Ltmp35, $3  }
0x643: {  	_ =	sdelay $0x1  }
0x644: {  	[sflag:s19] =	ssyncset.done $0x0  }
0x645: {  	[sflag:s19] =	ssyncadd.s32 $0xFFFFD000  }
0x646: {  	_ =	sfence.sel $0x180000  }
0x647: {  	[bflag:$0x0] =	sbarrier.arrive $0xFFFF  }
0x648: {  	_ =	strace $0x90000047  }
0x649: {  	s0 =	stileid.u32;
	[bflag:$0x2] =	sbarrier.arrive $0xFFFF  }
0x64a: {  	p0 =	sne.s32 s0, $0x0;
	s0 =	rddreg [dreg:$0x3]  }
0x64b: {  	s0 =	sadd.s32 @!p0 $0x100000, s0  }
0x64c: {  	[sflag:s0] =	ssyncadd.tile.s32 @!p0 $0x1;
	_ =	shalt  }
.Lfunc_end2:
_tile_overlayer_lowered:
.L_overlay_start_2:
0x64d: {  	(tag) =	ssettag $0x2  }
0x64e: {  	s0 =	rddreg [dreg:$0x0];
	s2 =	stileid.u32  }
0x64f: {  	s1 =	rddreg [dreg:$0x1];
	p0 =	sne.s32 s2, $0x0  }
0x650: {  	s3 =	rddreg [dreg:$0x2];
	[bflag:$0x3] =	sbarrier.arrive $0xFFFF;
	s2 =	simm.s32 @!p0 $0x1C0B  }
0x651: {  	[timem:s3], [sflag:s2] =	dma.local @!p0 [hbm:s0], s1  }
0x652: {  	s0 =	simm.s32 @!p0 $0xB  }
0x653: {  	_ =	swait.ge @!p0 [sflag:s0], s1  }
0x654: {  	s1 =	ssub.s32 @!p0 $0x0, s1;
	[sflag:s0] =	ssyncset.done @!p0 $0x0  }
0x655: {  	[sflag:s0] =	ssyncadd.s32 @!p0 s1  }
0x656: {  	[bflag:$0x3] =	sbarrier.arrive $0xFFFF  }
0x657: {  	_ =	shalt  }

</sc_bundles>
